<compile_context>
chip_gen: v7x
topology: tpu7x:2x2x1
jax: 0.10.2.dev20260603
libtpu: 0.0.44.dev20260713+nightly
codegen_flags: <defaults>
</compile_context>

<pallas_src>
import functools

import jax
import jax.numpy as jnp
from jax import lax
from jax.experimental import pallas as pl
from jax.experimental.pallas import tpu as pltpu
from jax.experimental.pallas import tpu_sc as plsc

_NUM_EMB = 1000000
_DIM = 32
_BATCH = 16384
_HIST = 50

_NC = 2
_NS = 16
_NW = _NC * _NS
_BPW = _BATCH // _NW
_G = 128
_NG = _BPW // _G
_BT = _BATCH // _G
_DT = _DIM // 8

_mesh = plsc.VectorSubcoreMesh(core_axis_name="c", subcore_axis_name="s")


@functools.partial(
    pl.kernel,
    mesh=_mesh,
    out_type=jax.ShapeDtypeStruct((_HIST, _DT, _BT, 8, _G), jnp.float32),
    compiler_params=pltpu.CompilerParams(
        use_tc_tiling_on_sc=False, needs_layout_passes=False
    ),
    scratch_types=[
        pltpu.VMEM((_HIST, _NG, _G), jnp.int32),
        pltpu.VMEM((2, _BPW, _DIM), jnp.float32),
        pltpu.VMEM((2, _DT, _NG, 8, _G), jnp.float32),
        [pltpu.SemaphoreType.DMA] * 2,
        [pltpu.SemaphoreType.DMA] * 2,
    ],
)
def _embed_sc(idx_hbm, table_hbm, out_hbm, idx_v, rows_v, trows_v, gsems, osems):
    wid = lax.axis_index("s") * _NC + lax.axis_index("c")

    lanes = lax.iota(jnp.int32, 16)

    pltpu.sync_copy(idx_hbm.at[:, pl.ds(wid * _NG, _NG)], idx_v)

    def fire(h, b):
        for k in range(_NG):
            pltpu.async_copy(
                table_hbm.at[idx_v.at[h, k]],
                rows_v.at[b, pl.ds(k * _G, _G)],
                gsems[b],
            )

    def drain_g(b):
        pltpu.make_async_copy(table_hbm.at[pl.ds(0, _BPW)], rows_v.at[b], gsems[b]).wait()

    rowsel = [(lanes + s) & 15 for s in range(16)]
    dcol = [lanes, lanes + 16]
    dt_c = [d >> 3 for d in dcol]
    ds_c = [d & 7 for d in dcol]

    def transpose(b):
        @plsc.parallel_loop(0, _BPW // 16, unroll=2)
        def step(bblk):
            b0 = bblk * 16
            btl_vec = jnp.full((16,), b0 // _G, jnp.int32)
            bl0 = b0 % _G
            for s in range(16):
                bsel = b0 + rowsel[s]
                blsel = bl0 + rowsel[s]
                for c in range(2):
                    vals = plsc.load_gather(rows_v.at[b], [bsel, dcol[c]])
                    plsc.store_scatter(
                        trows_v.at[b],
                        [dt_c[c], btl_vec, ds_c[c], blsel],
                        vals,
                    )

    def fire_out(h, b):
        pltpu.async_copy(
            trows_v.at[b],
            out_hbm.at[h, :, pl.ds(wid * _NG, _NG)],
            osems[b],
        )

    def drain_o(b):
        pltpu.make_async_copy(trows_v.at[b], out_hbm.at[0, :, pl.ds(0, _NG)], osems[b]).wait()

    fire(0, 0)

    def pair(i, carry):
        h = 2 * i
        drain_g(0)
        fire(h + 1, 1)

        @pl.when(i > 0)
        def _():
            drain_o(0)

        transpose(0)
        fire_out(h, 0)

        drain_g(1)

        @pl.when(i < _HIST // 2 - 1)
        def _():
            fire(h + 2, 0)

        @pl.when(i > 0)
        def _():
            drain_o(1)

        transpose(1)
        fire_out(h + 1, 1)
        return carry

    lax.fori_loop(0, _HIST // 2, pair, 0)
    drain_o(0)
    drain_o(1)


def kernel(input_, weight):
    idx = input_.astype(jnp.int32).T.reshape(_HIST, _BT, _G)
    out5 = _embed_sc(idx, weight)
    return out5.transpose(2, 4, 0, 1, 3).reshape(_BATCH, _HIST, _DIM)

# --- scband reference (transcript-rebuilt; emitter-appended) ---
"""Pipeline reference for scband-hidden-parallel-embedding1-d-43774306681308 (READ-ONLY COPY).

The authoritative reference and input builder live on the scoring server;
editing this copy changes nothing except your own understanding.
"""

import jax, jax.numpy as jnp
import numpy as np

NUM_EMBEDDINGS = 1000000
EMBEDDING_DIM = 32
BATCH = 16384
HIST_LEN = 50

def setup_inputs(seed: int = 0) -> dict:
    key = jax.random.key(seed)
    k_idx, k_w = jax.random.split(key)
    input_ = jax.random.randint(k_idx, (BATCH, HIST_LEN), 0, NUM_EMBEDDINGS, dtype=jnp.int64 if jax.config.read('jax_enable_x64') else jnp.int32)
    # weight initialized with uniform(-1, 1) per init.uniform_(self.weight, -1, 1)
    weight = jax.random.uniform(k_w, (NUM_EMBEDDINGS, EMBEDDING_DIM), dtype=jnp.float32, minval=-1.0, maxval=1.0)
    return {"input_": input_, "weight": weight}

def reference(input_, weight):
    # F.embedding with padding_idx=None, max_norm=None, sparse=False -> pure gather.
    # gather_forward_split_backward with tensor_parallel_size=1 is identity on the full table.
    output = jnp.take(weight, input_, axis=0)
    return output

if __name__ == "__main__":
    import jax
    _d = setup_inputs()
    print(jax.jit(kernel)(*tuple(_d.values())))

</pallas_src>

<mosaic_0001>
#map = affine_map<(d0, d1) -> (0, 0, 0)>
#map1 = affine_map<(d0, d1) -> (0, 0)>
#map2 = affine_map<(d0, d1) -> (0, 0, 0, 0, 0)>
module attributes {stable_mosaic.version = 14 : i64} {
  func.func @_embed_sc(%arg0: i32, %arg1: i32, %arg2: memref<50x128x128xi32, #tpu.memory_space<hbm>>, %arg3: memref<1000000x32xf32, #tpu.memory_space<hbm>>, %arg4: memref<50x4x128x8x128xf32, #tpu.memory_space<hbm>>, %arg5: memref<50x4x128xi32, #tpu.memory_space<vmem>>, %arg6: memref<2x512x32xf32, #tpu.memory_space<vmem>>, %arg7: memref<2x4x4x8x128xf32, #tpu.memory_space<vmem>>, %arg8: memref<!tpu.dma_semaphore, #tpu.memory_space<semaphore_mem>>, %arg9: memref<!tpu.dma_semaphore, #tpu.memory_space<semaphore_mem>>, %arg10: memref<!tpu.dma_semaphore, #tpu.memory_space<semaphore_mem>>, %arg11: memref<!tpu.dma_semaphore, #tpu.memory_space<semaphore_mem>>) attributes {dimension_semantics = [#tpu.dimension_semantics<core_parallel>, #tpu.dimension_semantics<subcore_parallel>], iteration_bounds = array<i64: 2, 16>, scalar_prefetch = 0 : i64, scratch_operands = 7 : i64, tpu.core_type = #tpu.core_type<sc_vector_subcore>, window_params = [{transform_indices = #map}, {transform_indices = #map1}, {transform_indices = #map2}]} {
    %mul3A = arith.constant 2 : i32
    %mul3A_0 = arith.muli %arg1, %mul3A : i32
    %add3A = arith.addi %mul3A_0, %arg0 : i32
    %iota3A = tpu.iota {dimensions = array<i32: 0>} : vector<16xi32>
    %mul3A_1 = arith.constant 4 : i32
    %mul3A_2 = arith.muli %add3A, %mul3A_1 : i32
    "tpu.region"() ({
      %run_scoped3A = tpu.sem_alloc : memref<!tpu.dma_semaphore, #tpu.memory_space<semaphore_mem>>
      %dma_start3A_219 = arith.constant 0 : i32
      %dma_start3A_220 = arith.constant 0 : i32
      %dma_start3A_221 = tpu.memref_slice %arg2[%dma_start3A_219, %mul3A_2, %dma_start3A_220] : memref<50x128x128xi32, #tpu.memory_space<hbm>> -> memref<50x4x128xi32, #tpu.memory_space<hbm>>
      %dma_start3A_222 = arith.constant 0 : i32
      %dma_start3A_223 = arith.constant 0 : i32
      %dma_start3A_224 = tpu.memref_slice %arg2[%dma_start3A_222, %mul3A_2, %dma_start3A_223] : memref<50x128x128xi32, #tpu.memory_space<hbm>> -> memref<50x4x128xi32, #tpu.memory_space<hbm>>
      tpu.enqueue_dma source(%dma_start3A_224 : memref<50x4x128xi32, #tpu.memory_space<hbm>>) target(%arg5 : memref<50x4x128xi32, #tpu.memory_space<vmem>>) target_semaphore(%run_scoped3A : memref<!tpu.dma_semaphore, #tpu.memory_space<semaphore_mem>>)
      %dma_wait3A_225 = arith.constant 0 : i32
      %dma_wait3A_226 = arith.constant 0 : i32
      %dma_wait3A_227 = tpu.memref_slice %arg2[%dma_wait3A_225, %mul3A_2, %dma_wait3A_226] : memref<50x128x128xi32, #tpu.memory_space<hbm>> -> memref<50x4x128xi32, #tpu.memory_space<hbm>>
      %dma_wait3A_228 = arith.constant 0 : i32
      %dma_wait3A_229 = arith.constant 0 : i32
      %dma_wait3A_230 = tpu.memref_slice %arg2[%dma_wait3A_228, %mul3A_2, %dma_wait3A_229] : memref<50x128x128xi32, #tpu.memory_space<hbm>> -> memref<50x4x128xi32, #tpu.memory_space<hbm>>
      tpu.wait_dma2 semaphore(%run_scoped3A : memref<!tpu.dma_semaphore, #tpu.memory_space<semaphore_mem>>) src(%dma_wait3A_230 : memref<50x4x128xi32, #tpu.memory_space<hbm>>) dst(%arg5 : memref<50x4x128xi32, #tpu.memory_space<vmem>>)
      tpu.yield
    }) : () -> ()
    %add3A_3 = arith.constant 0 : i32
    %add3A_4 = vector.broadcast %add3A_3 : i32 to vector<16xi32>
    %add3A_5 = arith.addi %iota3A, %add3A_4 : vector<16xi32>
    %and3A = arith.constant 15 : i32
    %and3A_6 = vector.broadcast %and3A : i32 to vector<16xi32>
    %and3A_7 = arith.andi %add3A_5, %and3A_6 : vector<16xi32>
    %add3A_8 = arith.constant 1 : i32
    %add3A_9 = vector.broadcast %add3A_8 : i32 to vector<16xi32>
    %add3A_10 = arith.addi %iota3A, %add3A_9 : vector<16xi32>
    %and3A_11 = arith.constant 15 : i32
    %and3A_12 = vector.broadcast %and3A_11 : i32 to vector<16xi32>
    %and3A_13 = arith.andi %add3A_10, %and3A_12 : vector<16xi32>
    %add3A_14 = arith.constant 2 : i32
    %add3A_15 = vector.broadcast %add3A_14 : i32 to vector<16xi32>
    %add3A_16 = arith.addi %iota3A, %add3A_15 : vector<16xi32>
    %and3A_17 = arith.constant 15 : i32
    %and3A_18 = vector.broadcast %and3A_17 : i32 to vector<16xi32>
    %and3A_19 = arith.andi %add3A_16, %and3A_18 : vector<16xi32>
    %add3A_20 = arith.constant 3 : i32
    %add3A_21 = vector.broadcast %add3A_20 : i32 to vector<16xi32>
    %add3A_22 = arith.addi %iota3A, %add3A_21 : vector<16xi32>
    %and3A_23 = arith.constant 15 : i32
    %and3A_24 = vector.broadcast %and3A_23 : i32 to vector<16xi32>
    %and3A_25 = arith.andi %add3A_22, %and3A_24 : vector<16xi32>
    %add3A_26 = arith.constant 4 : i32
    %add3A_27 = vector.broadcast %add3A_26 : i32 to vector<16xi32>
    %add3A_28 = arith.addi %iota3A, %add3A_27 : vector<16xi32>
    %and3A_29 = arith.constant 15 : i32
    %and3A_30 = vector.broadcast %and3A_29 : i32 to vector<16xi32>
    %and3A_31 = arith.andi %add3A_28, %and3A_30 : vector<16xi32>
    %add3A_32 = arith.constant 5 : i32
    %add3A_33 = vector.broadcast %add3A_32 : i32 to vector<16xi32>
    %add3A_34 = arith.addi %iota3A, %add3A_33 : vector<16xi32>
    %and3A_35 = arith.constant 15 : i32
    %and3A_36 = vector.broadcast %and3A_35 : i32 to vector<16xi32>
    %and3A_37 = arith.andi %add3A_34, %and3A_36 : vector<16xi32>
    %add3A_38 = arith.constant 6 : i32
    %add3A_39 = vector.broadcast %add3A_38 : i32 to vector<16xi32>
    %add3A_40 = arith.addi %iota3A, %add3A_39 : vector<16xi32>
    %and3A_41 = arith.constant 15 : i32
    %and3A_42 = vector.broadcast %and3A_41 : i32 to vector<16xi32>
    %and3A_43 = arith.andi %add3A_40, %and3A_42 : vector<16xi32>
    %add3A_44 = arith.constant 7 : i32
    %add3A_45 = vector.broadcast %add3A_44 : i32 to vector<16xi32>
    %add3A_46 = arith.addi %iota3A, %add3A_45 : vector<16xi32>
    %and3A_47 = arith.constant 15 : i32
    %and3A_48 = vector.broadcast %and3A_47 : i32 to vector<16xi32>
    %and3A_49 = arith.andi %add3A_46, %and3A_48 : vector<16xi32>
    %add3A_50 = arith.constant 8 : i32
    %add3A_51 = vector.broadcast %add3A_50 : i32 to vector<16xi32>
    %add3A_52 = arith.addi %iota3A, %add3A_51 : vector<16xi32>
    %and3A_53 = arith.constant 15 : i32
    %and3A_54 = vector.broadcast %and3A_53 : i32 to vector<16xi32>
    %and3A_55 = arith.andi %add3A_52, %and3A_54 : vector<16xi32>
    %add3A_56 = arith.constant 9 : i32
    %add3A_57 = vector.broadcast %add3A_56 : i32 to vector<16xi32>
    %add3A_58 = arith.addi %iota3A, %add3A_57 : vector<16xi32>
    %and3A_59 = arith.constant 15 : i32
    %and3A_60 = vector.broadcast %and3A_59 : i32 to vector<16xi32>
    %and3A_61 = arith.andi %add3A_58, %and3A_60 : vector<16xi32>
    %add3A_62 = arith.constant 10 : i32
    %add3A_63 = vector.broadcast %add3A_62 : i32 to vector<16xi32>
    %add3A_64 = arith.addi %iota3A, %add3A_63 : vector<16xi32>
    %and3A_65 = arith.constant 15 : i32
    %and3A_66 = vector.broadcast %and3A_65 : i32 to vector<16xi32>
    %and3A_67 = arith.andi %add3A_64, %and3A_66 : vector<16xi32>
    %add3A_68 = arith.constant 11 : i32
    %add3A_69 = vector.broadcast %add3A_68 : i32 to vector<16xi32>
    %add3A_70 = arith.addi %iota3A, %add3A_69 : vector<16xi32>
    %and3A_71 = arith.constant 15 : i32
    %and3A_72 = vector.broadcast %and3A_71 : i32 to vector<16xi32>
    %and3A_73 = arith.andi %add3A_70, %and3A_72 : vector<16xi32>
    %add3A_74 = arith.constant 12 : i32
    %add3A_75 = vector.broadcast %add3A_74 : i32 to vector<16xi32>
    %add3A_76 = arith.addi %iota3A, %add3A_75 : vector<16xi32>
    %and3A_77 = arith.constant 15 : i32
    %and3A_78 = vector.broadcast %and3A_77 : i32 to vector<16xi32>
    %and3A_79 = arith.andi %add3A_76, %and3A_78 : vector<16xi32>
    %add3A_80 = arith.constant 13 : i32
    %add3A_81 = vector.broadcast %add3A_80 : i32 to vector<16xi32>
    %add3A_82 = arith.addi %iota3A, %add3A_81 : vector<16xi32>
    %and3A_83 = arith.constant 15 : i32
    %and3A_84 = vector.broadcast %and3A_83 : i32 to vector<16xi32>
    %and3A_85 = arith.andi %add3A_82, %and3A_84 : vector<16xi32>
    %add3A_86 = arith.constant 14 : i32
    %add3A_87 = vector.broadcast %add3A_86 : i32 to vector<16xi32>
    %add3A_88 = arith.addi %iota3A, %add3A_87 : vector<16xi32>
    %and3A_89 = arith.constant 15 : i32
    %and3A_90 = vector.broadcast %and3A_89 : i32 to vector<16xi32>
    %and3A_91 = arith.andi %add3A_88, %and3A_90 : vector<16xi32>
    %add3A_92 = arith.constant 15 : i32
    %add3A_93 = vector.broadcast %add3A_92 : i32 to vector<16xi32>
    %add3A_94 = arith.addi %iota3A, %add3A_93 : vector<16xi32>
    %and3A_95 = arith.constant 15 : i32
    %and3A_96 = vector.broadcast %and3A_95 : i32 to vector<16xi32>
    %and3A_97 = arith.andi %add3A_94, %and3A_96 : vector<16xi32>
    %add3A_98 = arith.constant 16 : i32
    %add3A_99 = vector.broadcast %add3A_98 : i32 to vector<16xi32>
    %add3A_100 = arith.addi %iota3A, %add3A_99 : vector<16xi32>
    %shift_right_arithmetic3A = arith.constant 3 : i32
    %shift_right_arithmetic3A_101 = vector.broadcast %shift_right_arithmetic3A : i32 to vector<16xi32>
    %shift_right_arithmetic3A_102 = arith.shrsi %iota3A, %shift_right_arithmetic3A_101 : vector<16xi32>
    %shift_right_arithmetic3A_103 = arith.constant 3 : i32
    %shift_right_arithmetic3A_104 = vector.broadcast %shift_right_arithmetic3A_103 : i32 to vector<16xi32>
    %shift_right_arithmetic3A_105 = arith.shrsi %add3A_100, %shift_right_arithmetic3A_104 : vector<16xi32>
    %and3A_106 = arith.constant 7 : i32
    %and3A_107 = vector.broadcast %and3A_106 : i32 to vector<16xi32>
    %and3A_108 = arith.andi %iota3A, %and3A_107 : vector<16xi32>
    %and3A_109 = arith.constant 7 : i32
    %and3A_110 = vector.broadcast %and3A_109 : i32 to vector<16xi32>
    %and3A_111 = arith.andi %add3A_100, %and3A_110 : vector<16xi32>
    %dma_start3A = arith.constant 0 : i32
    %dma_start3A_112 = arith.constant 0 : i32
    %dma_start3A_113 = arith.constant 0 : i32
    %dma_start3A_114 = arith.constant 0 : i32
    %dma_start3A_115 = arith.constant 0 : i32
    %dma_start3A_116 = tpu.memref_slice %arg6[%dma_start3A_113, %dma_start3A_114, %dma_start3A_115] : memref<2x512x32xf32, #tpu.memory_space<vmem>> -> memref<1x128x32xf32, #tpu.memory_space<vmem>>
    %dma_start3A_117 = tpu.memref_squeeze %dma_start3A_116 : memref<1x128x32xf32, #tpu.memory_space<vmem>> -> memref<128x32xf32, #tpu.memory_space<vmem>>
    %dma_start3A_118 = arith.constant 0 : i32
    %dma_start3A_119 = tpu.memref_slice %arg5[%dma_start3A, %dma_start3A_112, %dma_start3A_118] : memref<50x4x128xi32, #tpu.memory_space<vmem>> -> memref<1x1x128xi32, #tpu.memory_space<vmem>>
    %dma_start3A_120 = tpu.memref_squeeze %dma_start3A_119 : memref<1x1x128xi32, #tpu.memory_space<vmem>> -> memref<128xi32, #tpu.memory_space<vmem>>
    %dma_start3A_121 = arith.constant 0 : i32
    %dma_start3A_122 = arith.constant 0 : i32
    %dma_start3A_123 = tpu.memref_slice %arg3[%dma_start3A_121, %dma_start3A_122] : memref<1000000x32xf32, #tpu.memory_space<hbm>> -> memref<1000000x32xf32, #tpu.memory_space<hbm>>
    tpu.enqueue_indirect_dma source(%dma_start3A_123 : memref<1000000x32xf32, #tpu.memory_space<hbm>>) target(%dma_start3A_117 : memref<128x32xf32, #tpu.memory_space<vmem>>) offsets(%dma_start3A_120 : memref<128xi32, #tpu.memory_space<vmem>>) semaphore(%arg8 : memref<!tpu.dma_semaphore, #tpu.memory_space<semaphore_mem>>)
    %dma_start3A_124 = arith.constant 0 : i32
    %dma_start3A_125 = arith.constant 1 : i32
    %dma_start3A_126 = arith.constant 0 : i32
    %dma_start3A_127 = arith.constant 128 : i32
    %dma_start3A_128 = arith.constant 0 : i32
    %dma_start3A_129 = tpu.memref_slice %arg6[%dma_start3A_126, %dma_start3A_127, %dma_start3A_128] : memref<2x512x32xf32, #tpu.memory_space<vmem>> -> memref<1x128x32xf32, #tpu.memory_space<vmem>>
    %dma_start3A_130 = tpu.memref_squeeze %dma_start3A_129 : memref<1x128x32xf32, #tpu.memory_space<vmem>> -> memref<128x32xf32, #tpu.memory_space<vmem>>
    %dma_start3A_131 = arith.constant 0 : i32
    %dma_start3A_132 = tpu.memref_slice %arg5[%dma_start3A_124, %dma_start3A_125, %dma_start3A_131] : memref<50x4x128xi32, #tpu.memory_space<vmem>> -> memref<1x1x128xi32, #tpu.memory_space<vmem>>
    %dma_start3A_133 = tpu.memref_squeeze %dma_start3A_132 : memref<1x1x128xi32, #tpu.memory_space<vmem>> -> memref<128xi32, #tpu.memory_space<vmem>>
    %dma_start3A_134 = arith.constant 0 : i32
    %dma_start3A_135 = arith.constant 0 : i32
    %dma_start3A_136 = tpu.memref_slice %arg3[%dma_start3A_134, %dma_start3A_135] : memref<1000000x32xf32, #tpu.memory_space<hbm>> -> memref<1000000x32xf32, #tpu.memory_space<hbm>>
    tpu.enqueue_indirect_dma source(%dma_start3A_136 : memref<1000000x32xf32, #tpu.memory_space<hbm>>) target(%dma_start3A_130 : memref<128x32xf32, #tpu.memory_space<vmem>>) offsets(%dma_start3A_133 : memref<128xi32, #tpu.memory_space<vmem>>) semaphore(%arg8 : memref<!tpu.dma_semaphore, #tpu.memory_space<semaphore_mem>>)
    %dma_start3A_137 = arith.constant 0 : i32
    %dma_start3A_138 = arith.constant 2 : i32
    %dma_start3A_139 = arith.constant 0 : i32
    %dma_start3A_140 = arith.constant 256 : i32
    %dma_start3A_141 = arith.constant 0 : i32
    %dma_start3A_142 = tpu.memref_slice %arg6[%dma_start3A_139, %dma_start3A_140, %dma_start3A_141] : memref<2x512x32xf32, #tpu.memory_space<vmem>> -> memref<1x128x32xf32, #tpu.memory_space<vmem>>
    %dma_start3A_143 = tpu.memref_squeeze %dma_start3A_142 : memref<1x128x32xf32, #tpu.memory_space<vmem>> -> memref<128x32xf32, #tpu.memory_space<vmem>>
    %dma_start3A_144 = arith.constant 0 : i32
    %dma_start3A_145 = tpu.memref_slice %arg5[%dma_start3A_137, %dma_start3A_138, %dma_start3A_144] : memref<50x4x128xi32, #tpu.memory_space<vmem>> -> memref<1x1x128xi32, #tpu.memory_space<vmem>>
    %dma_start3A_146 = tpu.memref_squeeze %dma_start3A_145 : memref<1x1x128xi32, #tpu.memory_space<vmem>> -> memref<128xi32, #tpu.memory_space<vmem>>
    %dma_start3A_147 = arith.constant 0 : i32
    %dma_start3A_148 = arith.constant 0 : i32
    %dma_start3A_149 = tpu.memref_slice %arg3[%dma_start3A_147, %dma_start3A_148] : memref<1000000x32xf32, #tpu.memory_space<hbm>> -> memref<1000000x32xf32, #tpu.memory_space<hbm>>
    tpu.enqueue_indirect_dma source(%dma_start3A_149 : memref<1000000x32xf32, #tpu.memory_space<hbm>>) target(%dma_start3A_143 : memref<128x32xf32, #tpu.memory_space<vmem>>) offsets(%dma_start3A_146 : memref<128xi32, #tpu.memory_space<vmem>>) semaphore(%arg8 : memref<!tpu.dma_semaphore, #tpu.memory_space<semaphore_mem>>)
    %dma_start3A_150 = arith.constant 0 : i32
    %dma_start3A_151 = arith.constant 3 : i32
    %dma_start3A_152 = arith.constant 0 : i32
    %dma_start3A_153 = arith.constant 384 : i32
    %dma_start3A_154 = arith.constant 0 : i32
    %dma_start3A_155 = tpu.memref_slice %arg6[%dma_start3A_152, %dma_start3A_153, %dma_start3A_154] : memref<2x512x32xf32, #tpu.memory_space<vmem>> -> memref<1x128x32xf32, #tpu.memory_space<vmem>>
    %dma_start3A_156 = tpu.memref_squeeze %dma_start3A_155 : memref<1x128x32xf32, #tpu.memory_space<vmem>> -> memref<128x32xf32, #tpu.memory_space<vmem>>
    %dma_start3A_157 = arith.constant 0 : i32
    %dma_start3A_158 = tpu.memref_slice %arg5[%dma_start3A_150, %dma_start3A_151, %dma_start3A_157] : memref<50x4x128xi32, #tpu.memory_space<vmem>> -> memref<1x1x128xi32, #tpu.memory_space<vmem>>
    %dma_start3A_159 = tpu.memref_squeeze %dma_start3A_158 : memref<1x1x128xi32, #tpu.memory_space<vmem>> -> memref<128xi32, #tpu.memory_space<vmem>>
    %dma_start3A_160 = arith.constant 0 : i32
    %dma_start3A_161 = arith.constant 0 : i32
    %dma_start3A_162 = tpu.memref_slice %arg3[%dma_start3A_160, %dma_start3A_161] : memref<1000000x32xf32, #tpu.memory_space<hbm>> -> memref<1000000x32xf32, #tpu.memory_space<hbm>>
    tpu.enqueue_indirect_dma source(%dma_start3A_162 : memref<1000000x32xf32, #tpu.memory_space<hbm>>) target(%dma_start3A_156 : memref<128x32xf32, #tpu.memory_space<vmem>>) offsets(%dma_start3A_159 : memref<128xi32, #tpu.memory_space<vmem>>) semaphore(%arg8 : memref<!tpu.dma_semaphore, #tpu.memory_space<semaphore_mem>>)
    %scan3A = arith.constant 0 : i32
    %scan3A_163 = arith.constant 0 : i32
    %scan3A_164 = arith.constant 25 : i32
    %scan3A_165 = arith.addi %scan3A_163, %scan3A_164 : i32
    %scan3A_166 = arith.constant 1 : i32
    scf.for %scan3A_219 = %scan3A_163 to %scan3A_165 step %scan3A_166  : i32 {
      %mul3A_220 = arith.constant 2 : i32
      %mul3A_221 = arith.muli %mul3A_220, %scan3A_219 : i32
      %dma_wait3A_222 = arith.constant 0 : i32
      %dma_wait3A_223 = arith.constant 0 : i32
      %dma_wait3A_224 = arith.constant 0 : i32
      %dma_wait3A_225 = tpu.memref_slice %arg6[%dma_wait3A_222, %dma_wait3A_223, %dma_wait3A_224] : memref<2x512x32xf32, #tpu.memory_space<vmem>> -> memref<1x512x32xf32, #tpu.memory_space<vmem>>
      %dma_wait3A_226 = tpu.memref_squeeze %dma_wait3A_225 : memref<1x512x32xf32, #tpu.memory_space<vmem>> -> memref<512x32xf32, #tpu.memory_space<vmem>>
      %dma_wait3A_227 = arith.constant 0 : i32
      %dma_wait3A_228 = arith.constant 0 : i32
      %dma_wait3A_229 = tpu.memref_slice %arg3[%dma_wait3A_227, %dma_wait3A_228] : memref<1000000x32xf32, #tpu.memory_space<hbm>> -> memref<512x32xf32, #tpu.memory_space<hbm>>
      %dma_wait3A_230 = arith.constant 0 : i32
      %dma_wait3A_231 = arith.constant 0 : i32
      %dma_wait3A_232 = tpu.memref_slice %arg6[%dma_wait3A_222, %dma_wait3A_230, %dma_wait3A_231] : memref<2x512x32xf32, #tpu.memory_space<vmem>> -> memref<1x512x32xf32, #tpu.memory_space<vmem>>
      %dma_wait3A_233 = tpu.memref_squeeze %dma_wait3A_232 : memref<1x512x32xf32, #tpu.memory_space<vmem>> -> memref<512x32xf32, #tpu.memory_space<vmem>>
      %dma_wait3A_234 = arith.constant 0 : i32
      %dma_wait3A_235 = arith.constant 0 : i32
      %dma_wait3A_236 = tpu.memref_slice %arg3[%dma_wait3A_234, %dma_wait3A_235] : memref<1000000x32xf32, #tpu.memory_space<hbm>> -> memref<512x32xf32, #tpu.memory_space<hbm>>
      tpu.wait_dma2 semaphore(%arg8 : memref<!tpu.dma_semaphore, #tpu.memory_space<semaphore_mem>>) src(%dma_wait3A_236 : memref<512x32xf32, #tpu.memory_space<hbm>>) dst(%dma_wait3A_233 : memref<512x32xf32, #tpu.memory_space<vmem>>)
      %add3A_237 = arith.constant 1 : i32
      %add3A_238 = arith.addi %mul3A_221, %add3A_237 : i32
      %dma_start3A_239 = arith.constant 0 : i32
      %dma_start3A_240 = arith.constant 1 : i32
      %dma_start3A_241 = arith.constant 0 : i32
      %dma_start3A_242 = arith.constant 0 : i32
      %dma_start3A_243 = tpu.memref_slice %arg6[%dma_start3A_240, %dma_start3A_241, %dma_start3A_242] : memref<2x512x32xf32, #tpu.memory_space<vmem>> -> memref<1x128x32xf32, #tpu.memory_space<vmem>>
      %dma_start3A_244 = tpu.memref_squeeze %dma_start3A_243 : memref<1x128x32xf32, #tpu.memory_space<vmem>> -> memref<128x32xf32, #tpu.memory_space<vmem>>
      %dma_start3A_245 = arith.constant 0 : i32
      %dma_start3A_246 = tpu.memref_slice %arg5[%add3A_238, %dma_start3A_239, %dma_start3A_245] : memref<50x4x128xi32, #tpu.memory_space<vmem>> -> memref<1x1x128xi32, #tpu.memory_space<vmem>>
      %dma_start3A_247 = tpu.memref_squeeze %dma_start3A_246 : memref<1x1x128xi32, #tpu.memory_space<vmem>> -> memref<128xi32, #tpu.memory_space<vmem>>
      %dma_start3A_248 = arith.constant 0 : i32
      %dma_start3A_249 = arith.constant 0 : i32
      %dma_start3A_250 = tpu.memref_slice %arg3[%dma_start3A_248, %dma_start3A_249] : memref<1000000x32xf32, #tpu.memory_space<hbm>> -> memref<1000000x32xf32, #tpu.memory_space<hbm>>
      tpu.enqueue_indirect_dma source(%dma_start3A_250 : memref<1000000x32xf32, #tpu.memory_space<hbm>>) target(%dma_start3A_244 : memref<128x32xf32, #tpu.memory_space<vmem>>) offsets(%dma_start3A_247 : memref<128xi32, #tpu.memory_space<vmem>>) semaphore(%arg9 : memref<!tpu.dma_semaphore, #tpu.memory_space<semaphore_mem>>)
      %dma_start3A_251 = arith.constant 1 : i32
      %dma_start3A_252 = arith.constant 1 : i32
      %dma_start3A_253 = arith.constant 128 : i32
      %dma_start3A_254 = arith.constant 0 : i32
      %dma_start3A_255 = tpu.memref_slice %arg6[%dma_start3A_252, %dma_start3A_253, %dma_start3A_254] : memref<2x512x32xf32, #tpu.memory_space<vmem>> -> memref<1x128x32xf32, #tpu.memory_space<vmem>>
      %dma_start3A_256 = tpu.memref_squeeze %dma_start3A_255 : memref<1x128x32xf32, #tpu.memory_space<vmem>> -> memref<128x32xf32, #tpu.memory_space<vmem>>
      %dma_start3A_257 = arith.constant 0 : i32
      %dma_start3A_258 = tpu.memref_slice %arg5[%add3A_238, %dma_start3A_251, %dma_start3A_257] : memref<50x4x128xi32, #tpu.memory_space<vmem>> -> memref<1x1x128xi32, #tpu.memory_space<vmem>>
      %dma_start3A_259 = tpu.memref_squeeze %dma_start3A_258 : memref<1x1x128xi32, #tpu.memory_space<vmem>> -> memref<128xi32, #tpu.memory_space<vmem>>
      %dma_start3A_260 = arith.constant 0 : i32
      %dma_start3A_261 = arith.constant 0 : i32
      %dma_start3A_262 = tpu.memref_slice %arg3[%dma_start3A_260, %dma_start3A_261] : memref<1000000x32xf32, #tpu.memory_space<hbm>> -> memref<1000000x32xf32, #tpu.memory_space<hbm>>
      tpu.enqueue_indirect_dma source(%dma_start3A_262 : memref<1000000x32xf32, #tpu.memory_space<hbm>>) target(%dma_start3A_256 : memref<128x32xf32, #tpu.memory_space<vmem>>) offsets(%dma_start3A_259 : memref<128xi32, #tpu.memory_space<vmem>>) semaphore(%arg9 : memref<!tpu.dma_semaphore, #tpu.memory_space<semaphore_mem>>)
      %dma_start3A_263 = arith.constant 2 : i32
      %dma_start3A_264 = arith.constant 1 : i32
      %dma_start3A_265 = arith.constant 256 : i32
      %dma_start3A_266 = arith.constant 0 : i32
      %dma_start3A_267 = tpu.memref_slice %arg6[%dma_start3A_264, %dma_start3A_265, %dma_start3A_266] : memref<2x512x32xf32, #tpu.memory_space<vmem>> -> memref<1x128x32xf32, #tpu.memory_space<vmem>>
      %dma_start3A_268 = tpu.memref_squeeze %dma_start3A_267 : memref<1x128x32xf32, #tpu.memory_space<vmem>> -> memref<128x32xf32, #tpu.memory_space<vmem>>
      %dma_start3A_269 = arith.constant 0 : i32
      %dma_start3A_270 = tpu.memref_slice %arg5[%add3A_238, %dma_start3A_263, %dma_start3A_269] : memref<50x4x128xi32, #tpu.memory_space<vmem>> -> memref<1x1x128xi32, #tpu.memory_space<vmem>>
      %dma_start3A_271 = tpu.memref_squeeze %dma_start3A_270 : memref<1x1x128xi32, #tpu.memory_space<vmem>> -> memref<128xi32, #tpu.memory_space<vmem>>
      %dma_start3A_272 = arith.constant 0 : i32
      %dma_start3A_273 = arith.constant 0 : i32
      %dma_start3A_274 = tpu.memref_slice %arg3[%dma_start3A_272, %dma_start3A_273] : memref<1000000x32xf32, #tpu.memory_space<hbm>> -> memref<1000000x32xf32, #tpu.memory_space<hbm>>
      tpu.enqueue_indirect_dma source(%dma_start3A_274 : memref<1000000x32xf32, #tpu.memory_space<hbm>>) target(%dma_start3A_268 : memref<128x32xf32, #tpu.memory_space<vmem>>) offsets(%dma_start3A_271 : memref<128xi32, #tpu.memory_space<vmem>>) semaphore(%arg9 : memref<!tpu.dma_semaphore, #tpu.memory_space<semaphore_mem>>)
      %dma_start3A_275 = arith.constant 3 : i32
      %dma_start3A_276 = arith.constant 1 : i32
      %dma_start3A_277 = arith.constant 384 : i32
      %dma_start3A_278 = arith.constant 0 : i32
      %dma_start3A_279 = tpu.memref_slice %arg6[%dma_start3A_276, %dma_start3A_277, %dma_start3A_278] : memref<2x512x32xf32, #tpu.memory_space<vmem>> -> memref<1x128x32xf32, #tpu.memory_space<vmem>>
      %dma_start3A_280 = tpu.memref_squeeze %dma_start3A_279 : memref<1x128x32xf32, #tpu.memory_space<vmem>> -> memref<128x32xf32, #tpu.memory_space<vmem>>
      %dma_start3A_281 = arith.constant 0 : i32
      %dma_start3A_282 = tpu.memref_slice %arg5[%add3A_238, %dma_start3A_275, %dma_start3A_281] : memref<50x4x128xi32, #tpu.memory_space<vmem>> -> memref<1x1x128xi32, #tpu.memory_space<vmem>>
      %dma_start3A_283 = tpu.memref_squeeze %dma_start3A_282 : memref<1x1x128xi32, #tpu.memory_space<vmem>> -> memref<128xi32, #tpu.memory_space<vmem>>
      %dma_start3A_284 = arith.constant 0 : i32
      %dma_start3A_285 = arith.constant 0 : i32
      %dma_start3A_286 = tpu.memref_slice %arg3[%dma_start3A_284, %dma_start3A_285] : memref<1000000x32xf32, #tpu.memory_space<hbm>> -> memref<1000000x32xf32, #tpu.memory_space<hbm>>
      tpu.enqueue_indirect_dma source(%dma_start3A_286 : memref<1000000x32xf32, #tpu.memory_space<hbm>>) target(%dma_start3A_280 : memref<128x32xf32, #tpu.memory_space<vmem>>) offsets(%dma_start3A_283 : memref<128xi32, #tpu.memory_space<vmem>>) semaphore(%arg9 : memref<!tpu.dma_semaphore, #tpu.memory_space<semaphore_mem>>)
      %gt3A = arith.constant 0 : i32
      %gt3A_287 = arith.cmpi sgt, %scan3A_219, %gt3A : i32
      %convert_element_type3A = arith.extui %gt3A_287 : i1 to i32
      %cond3A = arith.constant 0 : i32
      %cond3A_288 = arith.cmpi ne, %convert_element_type3A, %cond3A : i32
      scf.if %cond3A_288 {
        %dma_wait3A_370 = arith.constant 0 : i32
        %dma_wait3A_371 = arith.constant 0 : i32
        %dma_wait3A_372 = arith.constant 0 : i32
        %dma_wait3A_373 = arith.constant 0 : i32
        %dma_wait3A_374 = arith.constant 0 : i32
        %dma_wait3A_375 = arith.constant 0 : i32
        %dma_wait3A_376 = tpu.memref_slice %arg7[%dma_wait3A_370, %dma_wait3A_372, %dma_wait3A_373, %dma_wait3A_374, %dma_wait3A_375] : memref<2x4x4x8x128xf32, #tpu.memory_space<vmem>> -> memref<1x4x4x8x128xf32, #tpu.memory_space<vmem>>
        %dma_wait3A_377 = tpu.memref_squeeze %dma_wait3A_376 : memref<1x4x4x8x128xf32, #tpu.memory_space<vmem>> -> memref<4x4x8x128xf32, #tpu.memory_space<vmem>>
        %dma_wait3A_378 = arith.constant 0 : i32
        %dma_wait3A_379 = arith.constant 0 : i32
        %dma_wait3A_380 = arith.constant 0 : i32
        %dma_wait3A_381 = arith.constant 0 : i32
        %dma_wait3A_382 = tpu.memref_slice %arg4[%dma_wait3A_371, %dma_wait3A_378, %dma_wait3A_379, %dma_wait3A_380, %dma_wait3A_381] : memref<50x4x128x8x128xf32, #tpu.memory_space<hbm>> -> memref<1x4x4x8x128xf32, #tpu.memory_space<hbm>>
        %dma_wait3A_383 = tpu.memref_squeeze %dma_wait3A_382 : memref<1x4x4x8x128xf32, #tpu.memory_space<hbm>> -> memref<4x4x8x128xf32, #tpu.memory_space<hbm>>
        %dma_wait3A_384 = arith.constant 0 : i32
        %dma_wait3A_385 = arith.constant 0 : i32
        %dma_wait3A_386 = arith.constant 0 : i32
        %dma_wait3A_387 = arith.constant 0 : i32
        %dma_wait3A_388 = tpu.memref_slice %arg4[%dma_wait3A_371, %dma_wait3A_384, %dma_wait3A_385, %dma_wait3A_386, %dma_wait3A_387] : memref<50x4x128x8x128xf32, #tpu.memory_space<hbm>> -> memref<1x4x4x8x128xf32, #tpu.memory_space<hbm>>
        %dma_wait3A_389 = tpu.memref_squeeze %dma_wait3A_388 : memref<1x4x4x8x128xf32, #tpu.memory_space<hbm>> -> memref<4x4x8x128xf32, #tpu.memory_space<hbm>>
        %dma_wait3A_390 = arith.constant 0 : i32
        %dma_wait3A_391 = arith.constant 0 : i32
        %dma_wait3A_392 = arith.constant 0 : i32
        %dma_wait3A_393 = arith.constant 0 : i32
        %dma_wait3A_394 = tpu.memref_slice %arg7[%dma_wait3A_370, %dma_wait3A_390, %dma_wait3A_391, %dma_wait3A_392, %dma_wait3A_393] : memref<2x4x4x8x128xf32, #tpu.memory_space<vmem>> -> memref<1x4x4x8x128xf32, #tpu.memory_space<vmem>>
        %dma_wait3A_395 = tpu.memref_squeeze %dma_wait3A_394 : memref<1x4x4x8x128xf32, #tpu.memory_space<vmem>> -> memref<4x4x8x128xf32, #tpu.memory_space<vmem>>
        tpu.wait_dma2 semaphore(%arg10 : memref<!tpu.dma_semaphore, #tpu.memory_space<semaphore_mem>>) src(%dma_wait3A_395 : memref<4x4x8x128xf32, #tpu.memory_space<vmem>>) dst(%dma_wait3A_389 : memref<4x4x8x128xf32, #tpu.memory_space<hbm>>)
      } else {
      }
      %parallel_loop3A = arith.constant 0 : i32
      %parallel_loop3A_289 = arith.constant 32 : i32
      %parallel_loop3A_290 = arith.constant 1 : i32
      scf.for %parallel_loop3A_370 = %parallel_loop3A to %parallel_loop3A_289 step %parallel_loop3A_290  : i32 {
        %parallel_loop3A_371 = arith.constant 16 : i32
        %parallel_loop3A_372 = arith.muli %parallel_loop3A_370, %parallel_loop3A_371 : i32
        %parallel_loop3A_373 = arith.constant 128 : i32
        %parallel_loop3A_374 = arith.divsi %parallel_loop3A_372, %parallel_loop3A_373 : i32
        %parallel_loop3A_375 = arith.constant 0 : i32
        %parallel_loop3A_376 = arith.cmpi sgt, %parallel_loop3A_372, %parallel_loop3A_375 : i32
        %parallel_loop3A_377 = arith.extui %parallel_loop3A_376 : i1 to i32
        %parallel_loop3A_378 = arith.constant 0 : i32
        %parallel_loop3A_379 = arith.cmpi slt, %parallel_loop3A_372, %parallel_loop3A_378 : i32
        %parallel_loop3A_380 = arith.extui %parallel_loop3A_379 : i1 to i32
        %parallel_loop3A_381 = arith.subi %parallel_loop3A_377, %parallel_loop3A_380 : i32
        %parallel_loop3A_382 = arith.constant 0 : i32
        %parallel_loop3A_383 = arith.cmpi sgt, %parallel_loop3A_373, %parallel_loop3A_382 : i32
        %parallel_loop3A_384 = arith.extui %parallel_loop3A_383 : i1 to i32
        %parallel_loop3A_385 = arith.constant 0 : i32
        %parallel_loop3A_386 = arith.cmpi slt, %parallel_loop3A_373, %parallel_loop3A_385 : i32
        %parallel_loop3A_387 = arith.extui %parallel_loop3A_386 : i1 to i32
        %parallel_loop3A_388 = arith.subi %parallel_loop3A_384, %parallel_loop3A_387 : i32
        %parallel_loop3A_389 = arith.cmpi ne, %parallel_loop3A_381, %parallel_loop3A_388 : i32
        %parallel_loop3A_390 = arith.remsi %parallel_loop3A_372, %parallel_loop3A_373 : i32
        %parallel_loop3A_391 = arith.constant 0 : i32
        %parallel_loop3A_392 = arith.cmpi ne, %parallel_loop3A_390, %parallel_loop3A_391 : i32
        %parallel_loop3A_393 = arith.andi %parallel_loop3A_389, %parallel_loop3A_392 : i1
        %parallel_loop3A_394 = arith.constant 1 : i32
        %parallel_loop3A_395 = arith.subi %parallel_loop3A_374, %parallel_loop3A_394 : i32
        %parallel_loop3A_396 = arith.select %parallel_loop3A_393, %parallel_loop3A_395, %parallel_loop3A_374 : i32
        %parallel_loop3A_397 = vector.broadcast %parallel_loop3A_396 : i32 to vector<16xi32>
        %parallel_loop3A_398 = arith.constant 128 : i32
        %parallel_loop3A_399 = arith.constant 0 : i32
        %parallel_loop3A_400 = arith.cmpi eq, %parallel_loop3A_398, %parallel_loop3A_399 : i32
        %parallel_loop3A_401 = arith.constant 1 : i32
        %parallel_loop3A_402 = arith.select %parallel_loop3A_400, %parallel_loop3A_401, %parallel_loop3A_398 : i32
        %parallel_loop3A_403 = arith.remsi %parallel_loop3A_372, %parallel_loop3A_402 : i32
        %parallel_loop3A_404 = arith.constant 0 : i32
        %parallel_loop3A_405 = arith.cmpi ne, %parallel_loop3A_403, %parallel_loop3A_404 : i32
        %parallel_loop3A_406 = arith.constant 0 : i32
        %parallel_loop3A_407 = arith.cmpi slt, %parallel_loop3A_403, %parallel_loop3A_406 : i32
        %parallel_loop3A_408 = arith.constant 0 : i32
        %parallel_loop3A_409 = arith.cmpi slt, %parallel_loop3A_402, %parallel_loop3A_408 : i32
        %parallel_loop3A_410 = arith.xori %parallel_loop3A_407, %parallel_loop3A_409 : i1
        %parallel_loop3A_411 = arith.andi %parallel_loop3A_410, %parallel_loop3A_405 : i1
        %parallel_loop3A_412 = arith.addi %parallel_loop3A_403, %parallel_loop3A_402 : i32
        %parallel_loop3A_413 = arith.select %parallel_loop3A_411, %parallel_loop3A_412, %parallel_loop3A_403 : i32
        %parallel_loop3A_414 = vector.broadcast %parallel_loop3A_372 : i32 to vector<16xi32>
        %parallel_loop3A_415 = arith.addi %parallel_loop3A_414, %and3A_7 : vector<16xi32>
        %parallel_loop3A_416 = vector.broadcast %parallel_loop3A_413 : i32 to vector<16xi32>
        %parallel_loop3A_417 = arith.addi %parallel_loop3A_416, %and3A_7 : vector<16xi32>
        %parallel_loop3A_418 = arith.constant 0 : i32
        %parallel_loop3A_419 = arith.constant 0 : i32
        %parallel_loop3A_420 = arith.constant 0 : i32
        %parallel_loop3A_421 = tpu.memref_slice %arg6[%parallel_loop3A_418, %parallel_loop3A_419, %parallel_loop3A_420] : memref<2x512x32xf32, #tpu.memory_space<vmem>> -> memref<1x512x32xf32, #tpu.memory_space<vmem>>
        %parallel_loop3A_422 = tpu.memref_squeeze %parallel_loop3A_421 : memref<1x512x32xf32, #tpu.memory_space<vmem>> -> memref<512x32xf32, #tpu.memory_space<vmem>>
        %parallel_loop3A_423 = tpu.vector_load_idx %parallel_loop3A_422[%parallel_loop3A_415, %iota3A] : memref<512x32xf32, #tpu.memory_space<vmem>>[vector<16xi32>, vector<16xi32>], vector<16xf32>,
        %parallel_loop3A_424 = arith.constant 0 : i32
        %parallel_loop3A_425 = arith.constant 0 : i32
        %parallel_loop3A_426 = arith.constant 0 : i32
        %parallel_loop3A_427 = arith.constant 0 : i32
        %parallel_loop3A_428 = arith.constant 0 : i32
        %parallel_loop3A_429 = tpu.memref_slice %arg7[%parallel_loop3A_424, %parallel_loop3A_425, %parallel_loop3A_426, %parallel_loop3A_427, %parallel_loop3A_428] : memref<2x4x4x8x128xf32, #tpu.memory_space<vmem>> -> memref<1x4x4x8x128xf32, #tpu.memory_space<vmem>>
        %parallel_loop3A_430 = tpu.memref_squeeze %parallel_loop3A_429 : memref<1x4x4x8x128xf32, #tpu.memory_space<vmem>> -> memref<4x4x8x128xf32, #tpu.memory_space<vmem>>
        tpu.vector_store_idx %parallel_loop3A_430[%shift_right_arithmetic3A_102, %parallel_loop3A_397, %and3A_108, %parallel_loop3A_417], %parallel_loop3A_423 : memref<4x4x8x128xf32, #tpu.memory_space<vmem>>[vector<16xi32>, vector<16xi32>, vector<16xi32>, vector<16xi32>], vector<16xf32>,
        %parallel_loop3A_431 = arith.constant 0 : i32
        %parallel_loop3A_432 = arith.constant 0 : i32
        %parallel_loop3A_433 = arith.constant 0 : i32
        %parallel_loop3A_434 = tpu.memref_slice %arg6[%parallel_loop3A_431, %parallel_loop3A_432, %parallel_loop3A_433] : memref<2x512x32xf32, #tpu.memory_space<vmem>> -> memref<1x512x32xf32, #tpu.memory_space<vmem>>
        %parallel_loop3A_435 = tpu.memref_squeeze %parallel_loop3A_434 : memref<1x512x32xf32, #tpu.memory_space<vmem>> -> memref<512x32xf32, #tpu.memory_space<vmem>>
        %parallel_loop3A_436 = tpu.vector_load_idx %parallel_loop3A_435[%parallel_loop3A_415, %add3A_100] : memref<512x32xf32, #tpu.memory_space<vmem>>[vector<16xi32>, vector<16xi32>], vector<16xf32>,
        %parallel_loop3A_437 = arith.constant 0 : i32
        %parallel_loop3A_438 = arith.constant 0 : i32
        %parallel_loop3A_439 = arith.constant 0 : i32
        %parallel_loop3A_440 = arith.constant 0 : i32
        %parallel_loop3A_441 = arith.constant 0 : i32
        %parallel_loop3A_442 = tpu.memref_slice %arg7[%parallel_loop3A_437, %parallel_loop3A_438, %parallel_loop3A_439, %parallel_loop3A_440, %parallel_loop3A_441] : memref<2x4x4x8x128xf32, #tpu.memory_space<vmem>> -> memref<1x4x4x8x128xf32, #tpu.memory_space<vmem>>
        %parallel_loop3A_443 = tpu.memref_squeeze %parallel_loop3A_442 : memref<1x4x4x8x128xf32, #tpu.memory_space<vmem>> -> memref<4x4x8x128xf32, #tpu.memory_space<vmem>>
        tpu.vector_store_idx %parallel_loop3A_443[%shift_right_arithmetic3A_105, %parallel_loop3A_397, %and3A_111, %parallel_loop3A_417], %parallel_loop3A_436 : memref<4x4x8x128xf32, #tpu.memory_space<vmem>>[vector<16xi32>, vector<16xi32>, vector<16xi32>, vector<16xi32>], vector<16xf32>,
        %parallel_loop3A_444 = vector.broadcast %parallel_loop3A_372 : i32 to vector<16xi32>
        %parallel_loop3A_445 = arith.addi %parallel_loop3A_444, %and3A_13 : vector<16xi32>
        %parallel_loop3A_446 = vector.broadcast %parallel_loop3A_413 : i32 to vector<16xi32>
        %parallel_loop3A_447 = arith.addi %parallel_loop3A_446, %and3A_13 : vector<16xi32>
        %parallel_loop3A_448 = arith.constant 0 : i32
        %parallel_loop3A_449 = arith.constant 0 : i32
        %parallel_loop3A_450 = arith.constant 0 : i32
        %parallel_loop3A_451 = tpu.memref_slice %arg6[%parallel_loop3A_448, %parallel_loop3A_449, %parallel_loop3A_450] : memref<2x512x32xf32, #tpu.memory_space<vmem>> -> memref<1x512x32xf32, #tpu.memory_space<vmem>>
        %parallel_loop3A_452 = tpu.memref_squeeze %parallel_loop3A_451 : memref<1x512x32xf32, #tpu.memory_space<vmem>> -> memref<512x32xf32, #tpu.memory_space<vmem>>
        %parallel_loop3A_453 = tpu.vector_load_idx %parallel_loop3A_452[%parallel_loop3A_445, %iota3A] : memref<512x32xf32, #tpu.memory_space<vmem>>[vector<16xi32>, vector<16xi32>], vector<16xf32>,
        %parallel_loop3A_454 = arith.constant 0 : i32
        %parallel_loop3A_455 = arith.constant 0 : i32
        %parallel_loop3A_456 = arith.constant 0 : i32
        %parallel_loop3A_457 = arith.constant 0 : i32
        %parallel_loop3A_458 = arith.constant 0 : i32
        %parallel_loop3A_459 = tpu.memref_slice %arg7[%parallel_loop3A_454, %parallel_loop3A_455, %parallel_loop3A_456, %parallel_loop3A_457, %parallel_loop3A_458] : memref<2x4x4x8x128xf32, #tpu.memory_space<vmem>> -> memref<1x4x4x8x128xf32, #tpu.memory_space<vmem>>
        %parallel_loop3A_460 = tpu.memref_squeeze %parallel_loop3A_459 : memref<1x4x4x8x128xf32, #tpu.memory_space<vmem>> -> memref<4x4x8x128xf32, #tpu.memory_space<vmem>>
        tpu.vector_store_idx %parallel_loop3A_460[%shift_right_arithmetic3A_102, %parallel_loop3A_397, %and3A_108, %parallel_loop3A_447], %parallel_loop3A_453 : memref<4x4x8x128xf32, #tpu.memory_space<vmem>>[vector<16xi32>, vector<16xi32>, vector<16xi32>, vector<16xi32>], vector<16xf32>,
        %parallel_loop3A_461 = arith.constant 0 : i32
        %parallel_loop3A_462 = arith.constant 0 : i32
        %parallel_loop3A_463 = arith.constant 0 : i32
        %parallel_loop3A_464 = tpu.memref_slice %arg6[%parallel_loop3A_461, %parallel_loop3A_462, %parallel_loop3A_463] : memref<2x512x32xf32, #tpu.memory_space<vmem>> -> memref<1x512x32xf32, #tpu.memory_space<vmem>>
        %parallel_loop3A_465 = tpu.memref_squeeze %parallel_loop3A_464 : memref<1x512x32xf32, #tpu.memory_space<vmem>> -> memref<512x32xf32, #tpu.memory_space<vmem>>
        %parallel_loop3A_466 = tpu.vector_load_idx %parallel_loop3A_465[%parallel_loop3A_445, %add3A_100] : memref<512x32xf32, #tpu.memory_space<vmem>>[vector<16xi32>, vector<16xi32>], vector<16xf32>,
        %parallel_loop3A_467 = arith.constant 0 : i32
        %parallel_loop3A_468 = arith.constant 0 : i32
        %parallel_loop3A_469 = arith.constant 0 : i32
        %parallel_loop3A_470 = arith.constant 0 : i32
        %parallel_loop3A_471 = arith.constant 0 : i32
        %parallel_loop3A_472 = tpu.memref_slice %arg7[%parallel_loop3A_467, %parallel_loop3A_468, %parallel_loop3A_469, %parallel_loop3A_470, %parallel_loop3A_471] : memref<2x4x4x8x128xf32, #tpu.memory_space<vmem>> -> memref<1x4x4x8x128xf32, #tpu.memory_space<vmem>>
        %parallel_loop3A_473 = tpu.memref_squeeze %parallel_loop3A_472 : memref<1x4x4x8x128xf32, #tpu.memory_space<vmem>> -> memref<4x4x8x128xf32, #tpu.memory_space<vmem>>
        tpu.vector_store_idx %parallel_loop3A_473[%shift_right_arithmetic3A_105, %parallel_loop3A_397, %and3A_111, %parallel_loop3A_447], %parallel_loop3A_466 : memref<4x4x8x128xf32, #tpu.memory_space<vmem>>[vector<16xi32>, vector<16xi32>, vector<16xi32>, vector<16xi32>], vector<16xf32>,
        %parallel_loop3A_474 = vector.broadcast %parallel_loop3A_372 : i32 to vector<16xi32>
        %parallel_loop3A_475 = arith.addi %parallel_loop3A_474, %and3A_19 : vector<16xi32>
        %parallel_loop3A_476 = vector.broadcast %parallel_loop3A_413 : i32 to vector<16xi32>
        %parallel_loop3A_477 = arith.addi %parallel_loop3A_476, %and3A_19 : vector<16xi32>
        %parallel_loop3A_478 = arith.constant 0 : i32
        %parallel_loop3A_479 = arith.constant 0 : i32
        %parallel_loop3A_480 = arith.constant 0 : i32
        %parallel_loop3A_481 = tpu.memref_slice %arg6[%parallel_loop3A_478, %parallel_loop3A_479, %parallel_loop3A_480] : memref<2x512x32xf32, #tpu.memory_space<vmem>> -> memref<1x512x32xf32, #tpu.memory_space<vmem>>
        %parallel_loop3A_482 = tpu.memref_squeeze %parallel_loop3A_481 : memref<1x512x32xf32, #tpu.memory_space<vmem>> -> memref<512x32xf32, #tpu.memory_space<vmem>>
        %parallel_loop3A_483 = tpu.vector_load_idx %parallel_loop3A_482[%parallel_loop3A_475, %iota3A] : memref<512x32xf32, #tpu.memory_space<vmem>>[vector<16xi32>, vector<16xi32>], vector<16xf32>,
        %parallel_loop3A_484 = arith.constant 0 : i32
        %parallel_loop3A_485 = arith.constant 0 : i32
        %parallel_loop3A_486 = arith.constant 0 : i32
        %parallel_loop3A_487 = arith.constant 0 : i32
        %parallel_loop3A_488 = arith.constant 0 : i32
        %parallel_loop3A_489 = tpu.memref_slice %arg7[%parallel_loop3A_484, %parallel_loop3A_485, %parallel_loop3A_486, %parallel_loop3A_487, %parallel_loop3A_488] : memref<2x4x4x8x128xf32, #tpu.memory_space<vmem>> -> memref<1x4x4x8x128xf32, #tpu.memory_space<vmem>>
        %parallel_loop3A_490 = tpu.memref_squeeze %parallel_loop3A_489 : memref<1x4x4x8x128xf32, #tpu.memory_space<vmem>> -> memref<4x4x8x128xf32, #tpu.memory_space<vmem>>
        tpu.vector_store_idx %parallel_loop3A_490[%shift_right_arithmetic3A_102, %parallel_loop3A_397, %and3A_108, %parallel_loop3A_477], %parallel_loop3A_483 : memref<4x4x8x128xf32, #tpu.memory_space<vmem>>[vector<16xi32>, vector<16xi32>, vector<16xi32>, vector<16xi32>], vector<16xf32>,
        %parallel_loop3A_491 = arith.constant 0 : i32
        %parallel_loop3A_492 = arith.constant 0 : i32
        %parallel_loop3A_493 = arith.constant 0 : i32
        %parallel_loop3A_494 = tpu.memref_slice %arg6[%parallel_loop3A_491, %parallel_loop3A_492, %parallel_loop3A_493] : memref<2x512x32xf32, #tpu.memory_space<vmem>> -> memref<1x512x32xf32, #tpu.memory_space<vmem>>
        %parallel_loop3A_495 = tpu.memref_squeeze %parallel_loop3A_494 : memref<1x512x32xf32, #tpu.memory_space<vmem>> -> memref<512x32xf32, #tpu.memory_space<vmem>>
        %parallel_loop3A_496 = tpu.vector_load_idx %parallel_loop3A_495[%parallel_loop3A_475, %add3A_100] : memref<512x32xf32, #tpu.memory_space<vmem>>[vector<16xi32>, vector<16xi32>], vector<16xf32>,
        %parallel_loop3A_497 = arith.constant 0 : i32
        %parallel_loop3A_498 = arith.constant 0 : i32
        %parallel_loop3A_499 = arith.constant 0 : i32
        %parallel_loop3A_500 = arith.constant 0 : i32
        %parallel_loop3A_501 = arith.constant 0 : i32
        %parallel_loop3A_502 = tpu.memref_slice %arg7[%parallel_loop3A_497, %parallel_loop3A_498, %parallel_loop3A_499, %parallel_loop3A_500, %parallel_loop3A_501] : memref<2x4x4x8x128xf32, #tpu.memory_space<vmem>> -> memref<1x4x4x8x128xf32, #tpu.memory_space<vmem>>
        %parallel_loop3A_503 = tpu.memref_squeeze %parallel_loop3A_502 : memref<1x4x4x8x128xf32, #tpu.memory_space<vmem>> -> memref<4x4x8x128xf32, #tpu.memory_space<vmem>>
        tpu.vector_store_idx %parallel_loop3A_503[%shift_right_arithmetic3A_105, %parallel_loop3A_397, %and3A_111, %parallel_loop3A_477], %parallel_loop3A_496 : memref<4x4x8x128xf32, #tpu.memory_space<vmem>>[vector<16xi32>, vector<16xi32>, vector<16xi32>, vector<16xi32>], vector<16xf32>,
        %parallel_loop3A_504 = vector.broadcast %parallel_loop3A_372 : i32 to vector<16xi32>
        %parallel_loop3A_505 = arith.addi %parallel_loop3A_504, %and3A_25 : vector<16xi32>
        %parallel_loop3A_506 = vector.broadcast %parallel_loop3A_413 : i32 to vector<16xi32>
        %parallel_loop3A_507 = arith.addi %parallel_loop3A_506, %and3A_25 : vector<16xi32>
        %parallel_loop3A_508 = arith.constant 0 : i32
        %parallel_loop3A_509 = arith.constant 0 : i32
        %parallel_loop3A_510 = arith.constant 0 : i32
        %parallel_loop3A_511 = tpu.memref_slice %arg6[%parallel_loop3A_508, %parallel_loop3A_509, %parallel_loop3A_510] : memref<2x512x32xf32, #tpu.memory_space<vmem>> -> memref<1x512x32xf32, #tpu.memory_space<vmem>>
        %parallel_loop3A_512 = tpu.memref_squeeze %parallel_loop3A_511 : memref<1x512x32xf32, #tpu.memory_space<vmem>> -> memref<512x32xf32, #tpu.memory_space<vmem>>
        %parallel_loop3A_513 = tpu.vector_load_idx %parallel_loop3A_512[%parallel_loop3A_505, %iota3A] : memref<512x32xf32, #tpu.memory_space<vmem>>[vector<16xi32>, vector<16xi32>], vector<16xf32>,
        %parallel_loop3A_514 = arith.constant 0 : i32
        %parallel_loop3A_515 = arith.constant 0 : i32
        %parallel_loop3A_516 = arith.constant 0 : i32
        %parallel_loop3A_517 = arith.constant 0 : i32
        %parallel_loop3A_518 = arith.constant 0 : i32
        %parallel_loop3A_519 = tpu.memref_slice %arg7[%parallel_loop3A_514, %parallel_loop3A_515, %parallel_loop3A_516, %parallel_loop3A_517, %parallel_loop3A_518] : memref<2x4x4x8x128xf32, #tpu.memory_space<vmem>> -> memref<1x4x4x8x128xf32, #tpu.memory_space<vmem>>
        %parallel_loop3A_520 = tpu.memref_squeeze %parallel_loop3A_519 : memref<1x4x4x8x128xf32, #tpu.memory_space<vmem>> -> memref<4x4x8x128xf32, #tpu.memory_space<vmem>>
        tpu.vector_store_idx %parallel_loop3A_520[%shift_right_arithmetic3A_102, %parallel_loop3A_397, %and3A_108, %parallel_loop3A_507], %parallel_loop3A_513 : memref<4x4x8x128xf32, #tpu.memory_space<vmem>>[vector<16xi32>, vector<16xi32>, vector<16xi32>, vector<16xi32>], vector<16xf32>,
        %parallel_loop3A_521 = arith.constant 0 : i32
        %parallel_loop3A_522 = arith.constant 0 : i32
        %parallel_loop3A_523 = arith.constant 0 : i32
        %parallel_loop3A_524 = tpu.memref_slice %arg6[%parallel_loop3A_521, %parallel_loop3A_522, %parallel_loop3A_523] : memref<2x512x32xf32, #tpu.memory_space<vmem>> -> memref<1x512x32xf32, #tpu.memory_space<vmem>>
        %parallel_loop3A_525 = tpu.memref_squeeze %parallel_loop3A_524 : memref<1x512x32xf32, #tpu.memory_space<vmem>> -> memref<512x32xf32, #tpu.memory_space<vmem>>
        %parallel_loop3A_526 = tpu.vector_load_idx %parallel_loop3A_525[%parallel_loop3A_505, %add3A_100] : memref<512x32xf32, #tpu.memory_space<vmem>>[vector<16xi32>, vector<16xi32>], vector<16xf32>,
        %parallel_loop3A_527 = arith.constant 0 : i32
        %parallel_loop3A_528 = arith.constant 0 : i32
        %parallel_loop3A_529 = arith.constant 0 : i32
        %parallel_loop3A_530 = arith.constant 0 : i32
        %parallel_loop3A_531 = arith.constant 0 : i32
        %parallel_loop3A_532 = tpu.memref_slice %arg7[%parallel_loop3A_527, %parallel_loop3A_528, %parallel_loop3A_529, %parallel_loop3A_530, %parallel_loop3A_531] : memref<2x4x4x8x128xf32, #tpu.memory_space<vmem>> -> memref<1x4x4x8x128xf32, #tpu.memory_space<vmem>>
        %parallel_loop3A_533 = tpu.memref_squeeze %parallel_loop3A_532 : memref<1x4x4x8x128xf32, #tpu.memory_space<vmem>> -> memref<4x4x8x128xf32, #tpu.memory_space<vmem>>
        tpu.vector_store_idx %parallel_loop3A_533[%shift_right_arithmetic3A_105, %parallel_loop3A_397, %and3A_111, %parallel_loop3A_507], %parallel_loop3A_526 : memref<4x4x8x128xf32, #tpu.memory_space<vmem>>[vector<16xi32>, vector<16xi32>, vector<16xi32>, vector<16xi32>], vector<16xf32>,
        %parallel_loop3A_534 = vector.broadcast %parallel_loop3A_372 : i32 to vector<16xi32>
        %parallel_loop3A_535 = arith.addi %parallel_loop3A_534, %and3A_31 : vector<16xi32>
        %parallel_loop3A_536 = vector.broadcast %parallel_loop3A_413 : i32 to vector<16xi32>
        %parallel_loop3A_537 = arith.addi %parallel_loop3A_536, %and3A_31 : vector<16xi32>
        %parallel_loop3A_538 = arith.constant 0 : i32
        %parallel_loop3A_539 = arith.constant 0 : i32
        %parallel_loop3A_540 = arith.constant 0 : i32
        %parallel_loop3A_541 = tpu.memref_slice %arg6[%parallel_loop3A_538, %parallel_loop3A_539, %parallel_loop3A_540] : memref<2x512x32xf32, #tpu.memory_space<vmem>> -> memref<1x512x32xf32, #tpu.memory_space<vmem>>
        %parallel_loop3A_542 = tpu.memref_squeeze %parallel_loop3A_541 : memref<1x512x32xf32, #tpu.memory_space<vmem>> -> memref<512x32xf32, #tpu.memory_space<vmem>>
        %parallel_loop3A_543 = tpu.vector_load_idx %parallel_loop3A_542[%parallel_loop3A_535, %iota3A] : memref<512x32xf32, #tpu.memory_space<vmem>>[vector<16xi32>, vector<16xi32>], vector<16xf32>,
        %parallel_loop3A_544 = arith.constant 0 : i32
        %parallel_loop3A_545 = arith.constant 0 : i32
        %parallel_loop3A_546 = arith.constant 0 : i32
        %parallel_loop3A_547 = arith.constant 0 : i32
        %parallel_loop3A_548 = arith.constant 0 : i32
        %parallel_loop3A_549 = tpu.memref_slice %arg7[%parallel_loop3A_544, %parallel_loop3A_545, %parallel_loop3A_546, %parallel_loop3A_547, %parallel_loop3A_548] : memref<2x4x4x8x128xf32, #tpu.memory_space<vmem>> -> memref<1x4x4x8x128xf32, #tpu.memory_space<vmem>>
        %parallel_loop3A_550 = tpu.memref_squeeze %parallel_loop3A_549 : memref<1x4x4x8x128xf32, #tpu.memory_space<vmem>> -> memref<4x4x8x128xf32, #tpu.memory_space<vmem>>
        tpu.vector_store_idx %parallel_loop3A_550[%shift_right_arithmetic3A_102, %parallel_loop3A_397, %and3A_108, %parallel_loop3A_537], %parallel_loop3A_543 : memref<4x4x8x128xf32, #tpu.memory_space<vmem>>[vector<16xi32>, vector<16xi32>, vector<16xi32>, vector<16xi32>], vector<16xf32>,
        %parallel_loop3A_551 = arith.constant 0 : i32
        %parallel_loop3A_552 = arith.constant 0 : i32
        %parallel_loop3A_553 = arith.constant 0 : i32
        %parallel_loop3A_554 = tpu.memref_slice %arg6[%parallel_loop3A_551, %parallel_loop3A_552, %parallel_loop3A_553] : memref<2x512x32xf32, #tpu.memory_space<vmem>> -> memref<1x512x32xf32, #tpu.memory_space<vmem>>
        %parallel_loop3A_555 = tpu.memref_squeeze %parallel_loop3A_554 : memref<1x512x32xf32, #tpu.memory_space<vmem>> -> memref<512x32xf32, #tpu.memory_space<vmem>>
        %parallel_loop3A_556 = tpu.vector_load_idx %parallel_loop3A_555[%parallel_loop3A_535, %add3A_100] : memref<512x32xf32, #tpu.memory_space<vmem>>[vector<16xi32>, vector<16xi32>], vector<16xf32>,
        %parallel_loop3A_557 = arith.constant 0 : i32
        %parallel_loop3A_558 = arith.constant 0 : i32
        %parallel_loop3A_559 = arith.constant 0 : i32
        %parallel_loop3A_560 = arith.constant 0 : i32
        %parallel_loop3A_561 = arith.constant 0 : i32
        %parallel_loop3A_562 = tpu.memref_slice %arg7[%parallel_loop3A_557, %parallel_loop3A_558, %parallel_loop3A_559, %parallel_loop3A_560, %parallel_loop3A_561] : memref<2x4x4x8x128xf32, #tpu.memory_space<vmem>> -> memref<1x4x4x8x128xf32, #tpu.memory_space<vmem>>
        %parallel_loop3A_563 = tpu.memref_squeeze %parallel_loop3A_562 : memref<1x4x4x8x128xf32, #tpu.memory_space<vmem>> -> memref<4x4x8x128xf32, #tpu.memory_space<vmem>>
        tpu.vector_store_idx %parallel_loop3A_563[%shift_right_arithmetic3A_105, %parallel_loop3A_397, %and3A_111, %parallel_loop3A_537], %parallel_loop3A_556 : memref<4x4x8x128xf32, #tpu.memory_space<vmem>>[vector<16xi32>, vector<16xi32>, vector<16xi32>, vector<16xi32>], vector<16xf32>,
        %parallel_loop3A_564 = vector.broadcast %parallel_loop3A_372 : i32 to vector<16xi32>
        %parallel_loop3A_565 = arith.addi %parallel_loop3A_564, %and3A_37 : vector<16xi32>
        %parallel_loop3A_566 = vector.broadcast %parallel_loop3A_413 : i32 to vector<16xi32>
        %parallel_loop3A_567 = arith.addi %parallel_loop3A_566, %and3A_37 : vector<16xi32>
        %parallel_loop3A_568 = arith.constant 0 : i32
        %parallel_loop3A_569 = arith.constant 0 : i32
        %parallel_loop3A_570 = arith.constant 0 : i32
        %parallel_loop3A_571 = tpu.memref_slice %arg6[%parallel_loop3A_568, %parallel_loop3A_569, %parallel_loop3A_570] : memref<2x512x32xf32, #tpu.memory_space<vmem>> -> memref<1x512x32xf32, #tpu.memory_space<vmem>>
        %parallel_loop3A_572 = tpu.memref_squeeze %parallel_loop3A_571 : memref<1x512x32xf32, #tpu.memory_space<vmem>> -> memref<512x32xf32, #tpu.memory_space<vmem>>
        %parallel_loop3A_573 = tpu.vector_load_idx %parallel_loop3A_572[%parallel_loop3A_565, %iota3A] : memref<512x32xf32, #tpu.memory_space<vmem>>[vector<16xi32>, vector<16xi32>], vector<16xf32>,
        %parallel_loop3A_574 = arith.constant 0 : i32
        %parallel_loop3A_575 = arith.constant 0 : i32
        %parallel_loop3A_576 = arith.constant 0 : i32
        %parallel_loop3A_577 = arith.constant 0 : i32
        %parallel_loop3A_578 = arith.constant 0 : i32
        %parallel_loop3A_579 = tpu.memref_slice %arg7[%parallel_loop3A_574, %parallel_loop3A_575, %parallel_loop3A_576, %parallel_loop3A_577, %parallel_loop3A_578] : memref<2x4x4x8x128xf32, #tpu.memory_space<vmem>> -> memref<1x4x4x8x128xf32, #tpu.memory_space<vmem>>
        %parallel_loop3A_580 = tpu.memref_squeeze %parallel_loop3A_579 : memref<1x4x4x8x128xf32, #tpu.memory_space<vmem>> -> memref<4x4x8x128xf32, #tpu.memory_space<vmem>>
        tpu.vector_store_idx %parallel_loop3A_580[%shift_right_arithmetic3A_102, %parallel_loop3A_397, %and3A_108, %parallel_loop3A_567], %parallel_loop3A_573 : memref<4x4x8x128xf32, #tpu.memory_space<vmem>>[vector<16xi32>, vector<16xi32>, vector<16xi32>, vector<16xi32>], vector<16xf32>,
        %parallel_loop3A_581 = arith.constant 0 : i32
        %parallel_loop3A_582 = arith.constant 0 : i32
        %parallel_loop3A_583 = arith.constant 0 : i32
        %parallel_loop3A_584 = tpu.memref_slice %arg6[%parallel_loop3A_581, %parallel_loop3A_582, %parallel_loop3A_583] : memref<2x512x32xf32, #tpu.memory_space<vmem>> -> memref<1x512x32xf32, #tpu.memory_space<vmem>>
        %parallel_loop3A_585 = tpu.memref_squeeze %parallel_loop3A_584 : memref<1x512x32xf32, #tpu.memory_space<vmem>> -> memref<512x32xf32, #tpu.memory_space<vmem>>
        %parallel_loop3A_586 = tpu.vector_load_idx %parallel_loop3A_585[%parallel_loop3A_565, %add3A_100] : memref<512x32xf32, #tpu.memory_space<vmem>>[vector<16xi32>, vector<16xi32>], vector<16xf32>,
        %parallel_loop3A_587 = arith.constant 0 : i32
        %parallel_loop3A_588 = arith.constant 0 : i32
        %parallel_loop3A_589 = arith.constant 0 : i32
        %parallel_loop3A_590 = arith.constant 0 : i32
        %parallel_loop3A_591 = arith.constant 0 : i32
        %parallel_loop3A_592 = tpu.memref_slice %arg7[%parallel_loop3A_587, %parallel_loop3A_588, %parallel_loop3A_589, %parallel_loop3A_590, %parallel_loop3A_591] : memref<2x4x4x8x128xf32, #tpu.memory_space<vmem>> -> memref<1x4x4x8x128xf32, #tpu.memory_space<vmem>>
        %parallel_loop3A_593 = tpu.memref_squeeze %parallel_loop3A_592 : memref<1x4x4x8x128xf32, #tpu.memory_space<vmem>> -> memref<4x4x8x128xf32, #tpu.memory_space<vmem>>
        tpu.vector_store_idx %parallel_loop3A_593[%shift_right_arithmetic3A_105, %parallel_loop3A_397, %and3A_111, %parallel_loop3A_567], %parallel_loop3A_586 : memref<4x4x8x128xf32, #tpu.memory_space<vmem>>[vector<16xi32>, vector<16xi32>, vector<16xi32>, vector<16xi32>], vector<16xf32>,
        %parallel_loop3A_594 = vector.broadcast %parallel_loop3A_372 : i32 to vector<16xi32>
        %parallel_loop3A_595 = arith.addi %parallel_loop3A_594, %and3A_43 : vector<16xi32>
        %parallel_loop3A_596 = vector.broadcast %parallel_loop3A_413 : i32 to vector<16xi32>
        %parallel_loop3A_597 = arith.addi %parallel_loop3A_596, %and3A_43 : vector<16xi32>
        %parallel_loop3A_598 = arith.constant 0 : i32
        %parallel_loop3A_599 = arith.constant 0 : i32
        %parallel_loop3A_600 = arith.constant 0 : i32
        %parallel_loop3A_601 = tpu.memref_slice %arg6[%parallel_loop3A_598, %parallel_loop3A_599, %parallel_loop3A_600] : memref<2x512x32xf32, #tpu.memory_space<vmem>> -> memref<1x512x32xf32, #tpu.memory_space<vmem>>
        %parallel_loop3A_602 = tpu.memref_squeeze %parallel_loop3A_601 : memref<1x512x32xf32, #tpu.memory_space<vmem>> -> memref<512x32xf32, #tpu.memory_space<vmem>>
        %parallel_loop3A_603 = tpu.vector_load_idx %parallel_loop3A_602[%parallel_loop3A_595, %iota3A] : memref<512x32xf32, #tpu.memory_space<vmem>>[vector<16xi32>, vector<16xi32>], vector<16xf32>,
        %parallel_loop3A_604 = arith.constant 0 : i32
        %parallel_loop3A_605 = arith.constant 0 : i32
        %parallel_loop3A_606 = arith.constant 0 : i32
        %parallel_loop3A_607 = arith.constant 0 : i32
        %parallel_loop3A_608 = arith.constant 0 : i32
        %parallel_loop3A_609 = tpu.memref_slice %arg7[%parallel_loop3A_604, %parallel_loop3A_605, %parallel_loop3A_606, %parallel_loop3A_607, %parallel_loop3A_608] : memref<2x4x4x8x128xf32, #tpu.memory_space<vmem>> -> memref<1x4x4x8x128xf32, #tpu.memory_space<vmem>>
        %parallel_loop3A_610 = tpu.memref_squeeze %parallel_loop3A_609 : memref<1x4x4x8x128xf32, #tpu.memory_space<vmem>> -> memref<4x4x8x128xf32, #tpu.memory_space<vmem>>
        tpu.vector_store_idx %parallel_loop3A_610[%shift_right_arithmetic3A_102, %parallel_loop3A_397, %and3A_108, %parallel_loop3A_597], %parallel_loop3A_603 : memref<4x4x8x128xf32, #tpu.memory_space<vmem>>[vector<16xi32>, vector<16xi32>, vector<16xi32>, vector<16xi32>], vector<16xf32>,
        %parallel_loop3A_611 = arith.constant 0 : i32
        %parallel_loop3A_612 = arith.constant 0 : i32
        %parallel_loop3A_613 = arith.constant 0 : i32
        %parallel_loop3A_614 = tpu.memref_slice %arg6[%parallel_loop3A_611, %parallel_loop3A_612, %parallel_loop3A_613] : memref<2x512x32xf32, #tpu.memory_space<vmem>> -> memref<1x512x32xf32, #tpu.memory_space<vmem>>
        %parallel_loop3A_615 = tpu.memref_squeeze %parallel_loop3A_614 : memref<1x512x32xf32, #tpu.memory_space<vmem>> -> memref<512x32xf32, #tpu.memory_space<vmem>>
        %parallel_loop3A_616 = tpu.vector_load_idx %parallel_loop3A_615[%parallel_loop3A_595, %add3A_100] : memref<512x32xf32, #tpu.memory_space<vmem>>[vector<16xi32>, vector<16xi32>], vector<16xf32>,
        %parallel_loop3A_617 = arith.constant 0 : i32
        %parallel_loop3A_618 = arith.constant 0 : i32
        %parallel_loop3A_619 = arith.constant 0 : i32
        %parallel_loop3A_620 = arith.constant 0 : i32
        %parallel_loop3A_621 = arith.constant 0 : i32
        %parallel_loop3A_622 = tpu.memref_slice %arg7[%parallel_loop3A_617, %parallel_loop3A_618, %parallel_loop3A_619, %parallel_loop3A_620, %parallel_loop3A_621] : memref<2x4x4x8x128xf32, #tpu.memory_space<vmem>> -> memref<1x4x4x8x128xf32, #tpu.memory_space<vmem>>
        %parallel_loop3A_623 = tpu.memref_squeeze %parallel_loop3A_622 : memref<1x4x4x8x128xf32, #tpu.memory_space<vmem>> -> memref<4x4x8x128xf32, #tpu.memory_space<vmem>>
        tpu.vector_store_idx %parallel_loop3A_623[%shift_right_arithmetic3A_105, %parallel_loop3A_397, %and3A_111, %parallel_loop3A_597], %parallel_loop3A_616 : memref<4x4x8x128xf32, #tpu.memory_space<vmem>>[vector<16xi32>, vector<16xi32>, vector<16xi32>, vector<16xi32>], vector<16xf32>,
        %parallel_loop3A_624 = vector.broadcast %parallel_loop3A_372 : i32 to vector<16xi32>
        %parallel_loop3A_625 = arith.addi %parallel_loop3A_624, %and3A_49 : vector<16xi32>
        %parallel_loop3A_626 = vector.broadcast %parallel_loop3A_413 : i32 to vector<16xi32>
        %parallel_loop3A_627 = arith.addi %parallel_loop3A_626, %and3A_49 : vector<16xi32>
        %parallel_loop3A_628 = arith.constant 0 : i32
        %parallel_loop3A_629 = arith.constant 0 : i32
        %parallel_loop3A_630 = arith.constant 0 : i32
        %parallel_loop3A_631 = tpu.memref_slice %arg6[%parallel_loop3A_628, %parallel_loop3A_629, %parallel_loop3A_630] : memref<2x512x32xf32, #tpu.memory_space<vmem>> -> memref<1x512x32xf32, #tpu.memory_space<vmem>>
        %parallel_loop3A_632 = tpu.memref_squeeze %parallel_loop3A_631 : memref<1x512x32xf32, #tpu.memory_space<vmem>> -> memref<512x32xf32, #tpu.memory_space<vmem>>
        %parallel_loop3A_633 = tpu.vector_load_idx %parallel_loop3A_632[%parallel_loop3A_625, %iota3A] : memref<512x32xf32, #tpu.memory_space<vmem>>[vector<16xi32>, vector<16xi32>], vector<16xf32>,
        %parallel_loop3A_634 = arith.constant 0 : i32
        %parallel_loop3A_635 = arith.constant 0 : i32
        %parallel_loop3A_636 = arith.constant 0 : i32
        %parallel_loop3A_637 = arith.constant 0 : i32
        %parallel_loop3A_638 = arith.constant 0 : i32
        %parallel_loop3A_639 = tpu.memref_slice %arg7[%parallel_loop3A_634, %parallel_loop3A_635, %parallel_loop3A_636, %parallel_loop3A_637, %parallel_loop3A_638] : memref<2x4x4x8x128xf32, #tpu.memory_space<vmem>> -> memref<1x4x4x8x128xf32, #tpu.memory_space<vmem>>
        %parallel_loop3A_640 = tpu.memref_squeeze %parallel_loop3A_639 : memref<1x4x4x8x128xf32, #tpu.memory_space<vmem>> -> memref<4x4x8x128xf32, #tpu.memory_space<vmem>>
        tpu.vector_store_idx %parallel_loop3A_640[%shift_right_arithmetic3A_102, %parallel_loop3A_397, %and3A_108, %parallel_loop3A_627], %parallel_loop3A_633 : memref<4x4x8x128xf32, #tpu.memory_space<vmem>>[vector<16xi32>, vector<16xi32>, vector<16xi32>, vector<16xi32>], vector<16xf32>,
        %parallel_loop3A_641 = arith.constant 0 : i32
        %parallel_loop3A_642 = arith.constant 0 : i32
        %parallel_loop3A_643 = arith.constant 0 : i32
        %parallel_loop3A_644 = tpu.memref_slice %arg6[%parallel_loop3A_641, %parallel_loop3A_642, %parallel_loop3A_643] : memref<2x512x32xf32, #tpu.memory_space<vmem>> -> memref<1x512x32xf32, #tpu.memory_space<vmem>>
        %parallel_loop3A_645 = tpu.memref_squeeze %parallel_loop3A_644 : memref<1x512x32xf32, #tpu.memory_space<vmem>> -> memref<512x32xf32, #tpu.memory_space<vmem>>
        %parallel_loop3A_646 = tpu.vector_load_idx %parallel_loop3A_645[%parallel_loop3A_625, %add3A_100] : memref<512x32xf32, #tpu.memory_space<vmem>>[vector<16xi32>, vector<16xi32>], vector<16xf32>,
        %parallel_loop3A_647 = arith.constant 0 : i32
        %parallel_loop3A_648 = arith.constant 0 : i32
        %parallel_loop3A_649 = arith.constant 0 : i32
        %parallel_loop3A_650 = arith.constant 0 : i32
        %parallel_loop3A_651 = arith.constant 0 : i32
        %parallel_loop3A_652 = tpu.memref_slice %arg7[%parallel_loop3A_647, %parallel_loop3A_648, %parallel_loop3A_649, %parallel_loop3A_650, %parallel_loop3A_651] : memref<2x4x4x8x128xf32, #tpu.memory_space<vmem>> -> memref<1x4x4x8x128xf32, #tpu.memory_space<vmem>>
        %parallel_loop3A_653 = tpu.memref_squeeze %parallel_loop3A_652 : memref<1x4x4x8x128xf32, #tpu.memory_space<vmem>> -> memref<4x4x8x128xf32, #tpu.memory_space<vmem>>
        tpu.vector_store_idx %parallel_loop3A_653[%shift_right_arithmetic3A_105, %parallel_loop3A_397, %and3A_111, %parallel_loop3A_627], %parallel_loop3A_646 : memref<4x4x8x128xf32, #tpu.memory_space<vmem>>[vector<16xi32>, vector<16xi32>, vector<16xi32>, vector<16xi32>], vector<16xf32>,
        %parallel_loop3A_654 = vector.broadcast %parallel_loop3A_372 : i32 to vector<16xi32>
        %parallel_loop3A_655 = arith.addi %parallel_loop3A_654, %and3A_55 : vector<16xi32>
        %parallel_loop3A_656 = vector.broadcast %parallel_loop3A_413 : i32 to vector<16xi32>
        %parallel_loop3A_657 = arith.addi %parallel_loop3A_656, %and3A_55 : vector<16xi32>
        %parallel_loop3A_658 = arith.constant 0 : i32
        %parallel_loop3A_659 = arith.constant 0 : i32
        %parallel_loop3A_660 = arith.constant 0 : i32
        %parallel_loop3A_661 = tpu.memref_slice %arg6[%parallel_loop3A_658, %parallel_loop3A_659, %parallel_loop3A_660] : memref<2x512x32xf32, #tpu.memory_space<vmem>> -> memref<1x512x32xf32, #tpu.memory_space<vmem>>
        %parallel_loop3A_662 = tpu.memref_squeeze %parallel_loop3A_661 : memref<1x512x32xf32, #tpu.memory_space<vmem>> -> memref<512x32xf32, #tpu.memory_space<vmem>>
        %parallel_loop3A_663 = tpu.vector_load_idx %parallel_loop3A_662[%parallel_loop3A_655, %iota3A] : memref<512x32xf32, #tpu.memory_space<vmem>>[vector<16xi32>, vector<16xi32>], vector<16xf32>,
        %parallel_loop3A_664 = arith.constant 0 : i32
        %parallel_loop3A_665 = arith.constant 0 : i32
        %parallel_loop3A_666 = arith.constant 0 : i32
        %parallel_loop3A_667 = arith.constant 0 : i32
        %parallel_loop3A_668 = arith.constant 0 : i32
        %parallel_loop3A_669 = tpu.memref_slice %arg7[%parallel_loop3A_664, %parallel_loop3A_665, %parallel_loop3A_666, %parallel_loop3A_667, %parallel_loop3A_668] : memref<2x4x4x8x128xf32, #tpu.memory_space<vmem>> -> memref<1x4x4x8x128xf32, #tpu.memory_space<vmem>>
        %parallel_loop3A_670 = tpu.memref_squeeze %parallel_loop3A_669 : memref<1x4x4x8x128xf32, #tpu.memory_space<vmem>> -> memref<4x4x8x128xf32, #tpu.memory_space<vmem>>
        tpu.vector_store_idx %parallel_loop3A_670[%shift_right_arithmetic3A_102, %parallel_loop3A_397, %and3A_108, %parallel_loop3A_657], %parallel_loop3A_663 : memref<4x4x8x128xf32, #tpu.memory_space<vmem>>[vector<16xi32>, vector<16xi32>, vector<16xi32>, vector<16xi32>], vector<16xf32>,
        %parallel_loop3A_671 = arith.constant 0 : i32
        %parallel_loop3A_672 = arith.constant 0 : i32
        %parallel_loop3A_673 = arith.constant 0 : i32
        %parallel_loop3A_674 = tpu.memref_slice %arg6[%parallel_loop3A_671, %parallel_loop3A_672, %parallel_loop3A_673] : memref<2x512x32xf32, #tpu.memory_space<vmem>> -> memref<1x512x32xf32, #tpu.memory_space<vmem>>
        %parallel_loop3A_675 = tpu.memref_squeeze %parallel_loop3A_674 : memref<1x512x32xf32, #tpu.memory_space<vmem>> -> memref<512x32xf32, #tpu.memory_space<vmem>>
        %parallel_loop3A_676 = tpu.vector_load_idx %parallel_loop3A_675[%parallel_loop3A_655, %add3A_100] : memref<512x32xf32, #tpu.memory_space<vmem>>[vector<16xi32>, vector<16xi32>], vector<16xf32>,
        %parallel_loop3A_677 = arith.constant 0 : i32
        %parallel_loop3A_678 = arith.constant 0 : i32
        %parallel_loop3A_679 = arith.constant 0 : i32
        %parallel_loop3A_680 = arith.constant 0 : i32
        %parallel_loop3A_681 = arith.constant 0 : i32
        %parallel_loop3A_682 = tpu.memref_slice %arg7[%parallel_loop3A_677, %parallel_loop3A_678, %parallel_loop3A_679, %parallel_loop3A_680, %parallel_loop3A_681] : memref<2x4x4x8x128xf32, #tpu.memory_space<vmem>> -> memref<1x4x4x8x128xf32, #tpu.memory_space<vmem>>
        %parallel_loop3A_683 = tpu.memref_squeeze %parallel_loop3A_682 : memref<1x4x4x8x128xf32, #tpu.memory_space<vmem>> -> memref<4x4x8x128xf32, #tpu.memory_space<vmem>>
        tpu.vector_store_idx %parallel_loop3A_683[%shift_right_arithmetic3A_105, %parallel_loop3A_397, %and3A_111, %parallel_loop3A_657], %parallel_loop3A_676 : memref<4x4x8x128xf32, #tpu.memory_space<vmem>>[vector<16xi32>, vector<16xi32>, vector<16xi32>, vector<16xi32>], vector<16xf32>,
        %parallel_loop3A_684 = vector.broadcast %parallel_loop3A_372 : i32 to vector<16xi32>
        %parallel_loop3A_685 = arith.addi %parallel_loop3A_684, %and3A_61 : vector<16xi32>
        %parallel_loop3A_686 = vector.broadcast %parallel_loop3A_413 : i32 to vector<16xi32>
        %parallel_loop3A_687 = arith.addi %parallel_loop3A_686, %and3A_61 : vector<16xi32>
        %parallel_loop3A_688 = arith.constant 0 : i32
        %parallel_loop3A_689 = arith.constant 0 : i32
        %parallel_loop3A_690 = arith.constant 0 : i32
        %parallel_loop3A_691 = tpu.memref_slice %arg6[%parallel_loop3A_688, %parallel_loop3A_689, %parallel_loop3A_690] : memref<2x512x32xf32, #tpu.memory_space<vmem>> -> memref<1x512x32xf32, #tpu.memory_space<vmem>>
        %parallel_loop3A_692 = tpu.memref_squeeze %parallel_loop3A_691 : memref<1x512x32xf32, #tpu.memory_space<vmem>> -> memref<512x32xf32, #tpu.memory_space<vmem>>
        %parallel_loop3A_693 = tpu.vector_load_idx %parallel_loop3A_692[%parallel_loop3A_685, %iota3A] : memref<512x32xf32, #tpu.memory_space<vmem>>[vector<16xi32>, vector<16xi32>], vector<16xf32>,
        %parallel_loop3A_694 = arith.constant 0 : i32
        %parallel_loop3A_695 = arith.constant 0 : i32
        %parallel_loop3A_696 = arith.constant 0 : i32
        %parallel_loop3A_697 = arith.constant 0 : i32
        %parallel_loop3A_698 = arith.constant 0 : i32
        %parallel_loop3A_699 = tpu.memref_slice %arg7[%parallel_loop3A_694, %parallel_loop3A_695, %parallel_loop3A_696, %parallel_loop3A_697, %parallel_loop3A_698] : memref<2x4x4x8x128xf32, #tpu.memory_space<vmem>> -> memref<1x4x4x8x128xf32, #tpu.memory_space<vmem>>
        %parallel_loop3A_700 = tpu.memref_squeeze %parallel_loop3A_699 : memref<1x4x4x8x128xf32, #tpu.memory_space<vmem>> -> memref<4x4x8x128xf32, #tpu.memory_space<vmem>>
        tpu.vector_store_idx %parallel_loop3A_700[%shift_right_arithmetic3A_102, %parallel_loop3A_397, %and3A_108, %parallel_loop3A_687], %parallel_loop3A_693 : memref<4x4x8x128xf32, #tpu.memory_space<vmem>>[vector<16xi32>, vector<16xi32>, vector<16xi32>, vector<16xi32>], vector<16xf32>,
        %parallel_loop3A_701 = arith.constant 0 : i32
        %parallel_loop3A_702 = arith.constant 0 : i32
        %parallel_loop3A_703 = arith.constant 0 : i32
        %parallel_loop3A_704 = tpu.memref_slice %arg6[%parallel_loop3A_701, %parallel_loop3A_702, %parallel_loop3A_703] : memref<2x512x32xf32, #tpu.memory_space<vmem>> -> memref<1x512x32xf32, #tpu.memory_space<vmem>>
        %parallel_loop3A_705 = tpu.memref_squeeze %parallel_loop3A_704 : memref<1x512x32xf32, #tpu.memory_space<vmem>> -> memref<512x32xf32, #tpu.memory_space<vmem>>
        %parallel_loop3A_706 = tpu.vector_load_idx %parallel_loop3A_705[%parallel_loop3A_685, %add3A_100] : memref<512x32xf32, #tpu.memory_space<vmem>>[vector<16xi32>, vector<16xi32>], vector<16xf32>,
        %parallel_loop3A_707 = arith.constant 0 : i32
        %parallel_loop3A_708 = arith.constant 0 : i32
        %parallel_loop3A_709 = arith.constant 0 : i32
        %parallel_loop3A_710 = arith.constant 0 : i32
        %parallel_loop3A_711 = arith.constant 0 : i32
        %parallel_loop3A_712 = tpu.memref_slice %arg7[%parallel_loop3A_707, %parallel_loop3A_708, %parallel_loop3A_709, %parallel_loop3A_710, %parallel_loop3A_711] : memref<2x4x4x8x128xf32, #tpu.memory_space<vmem>> -> memref<1x4x4x8x128xf32, #tpu.memory_space<vmem>>
        %parallel_loop3A_713 = tpu.memref_squeeze %parallel_loop3A_712 : memref<1x4x4x8x128xf32, #tpu.memory_space<vmem>> -> memref<4x4x8x128xf32, #tpu.memory_space<vmem>>
        tpu.vector_store_idx %parallel_loop3A_713[%shift_right_arithmetic3A_105, %parallel_loop3A_397, %and3A_111, %parallel_loop3A_687], %parallel_loop3A_706 : memref<4x4x8x128xf32, #tpu.memory_space<vmem>>[vector<16xi32>, vector<16xi32>, vector<16xi32>, vector<16xi32>], vector<16xf32>,
        %parallel_loop3A_714 = vector.broadcast %parallel_loop3A_372 : i32 to vector<16xi32>
        %parallel_loop3A_715 = arith.addi %parallel_loop3A_714, %and3A_67 : vector<16xi32>
        %parallel_loop3A_716 = vector.broadcast %parallel_loop3A_413 : i32 to vector<16xi32>
        %parallel_loop3A_717 = arith.addi %parallel_loop3A_716, %and3A_67 : vector<16xi32>
        %parallel_loop3A_718 = arith.constant 0 : i32
        %parallel_loop3A_719 = arith.constant 0 : i32
        %parallel_loop3A_720 = arith.constant 0 : i32
        %parallel_loop3A_721 = tpu.memref_slice %arg6[%parallel_loop3A_718, %parallel_loop3A_719, %parallel_loop3A_720] : memref<2x512x32xf32, #tpu.memory_space<vmem>> -> memref<1x512x32xf32, #tpu.memory_space<vmem>>
        %parallel_loop3A_722 = tpu.memref_squeeze %parallel_loop3A_721 : memref<1x512x32xf32, #tpu.memory_space<vmem>> -> memref<512x32xf32, #tpu.memory_space<vmem>>
        %parallel_loop3A_723 = tpu.vector_load_idx %parallel_loop3A_722[%parallel_loop3A_715, %iota3A] : memref<512x32xf32, #tpu.memory_space<vmem>>[vector<16xi32>, vector<16xi32>], vector<16xf32>,
        %parallel_loop3A_724 = arith.constant 0 : i32
        %parallel_loop3A_725 = arith.constant 0 : i32
        %parallel_loop3A_726 = arith.constant 0 : i32
        %parallel_loop3A_727 = arith.constant 0 : i32
        %parallel_loop3A_728 = arith.constant 0 : i32
        %parallel_loop3A_729 = tpu.memref_slice %arg7[%parallel_loop3A_724, %parallel_loop3A_725, %parallel_loop3A_726, %parallel_loop3A_727, %parallel_loop3A_728] : memref<2x4x4x8x128xf32, #tpu.memory_space<vmem>> -> memref<1x4x4x8x128xf32, #tpu.memory_space<vmem>>
        %parallel_loop3A_730 = tpu.memref_squeeze %parallel_loop3A_729 : memref<1x4x4x8x128xf32, #tpu.memory_space<vmem>> -> memref<4x4x8x128xf32, #tpu.memory_space<vmem>>
        tpu.vector_store_idx %parallel_loop3A_730[%shift_right_arithmetic3A_102, %parallel_loop3A_397, %and3A_108, %parallel_loop3A_717], %parallel_loop3A_723 : memref<4x4x8x128xf32, #tpu.memory_space<vmem>>[vector<16xi32>, vector<16xi32>, vector<16xi32>, vector<16xi32>], vector<16xf32>,
        %parallel_loop3A_731 = arith.constant 0 : i32
        %parallel_loop3A_732 = arith.constant 0 : i32
        %parallel_loop3A_733 = arith.constant 0 : i32
        %parallel_loop3A_734 = tpu.memref_slice %arg6[%parallel_loop3A_731, %parallel_loop3A_732, %parallel_loop3A_733] : memref<2x512x32xf32, #tpu.memory_space<vmem>> -> memref<1x512x32xf32, #tpu.memory_space<vmem>>
        %parallel_loop3A_735 = tpu.memref_squeeze %parallel_loop3A_734 : memref<1x512x32xf32, #tpu.memory_space<vmem>> -> memref<512x32xf32, #tpu.memory_space<vmem>>
        %parallel_loop3A_736 = tpu.vector_load_idx %parallel_loop3A_735[%parallel_loop3A_715, %add3A_100] : memref<512x32xf32, #tpu.memory_space<vmem>>[vector<16xi32>, vector<16xi32>], vector<16xf32>,
        %parallel_loop3A_737 = arith.constant 0 : i32
        %parallel_loop3A_738 = arith.constant 0 : i32
        %parallel_loop3A_739 = arith.constant 0 : i32
        %parallel_loop3A_740 = arith.constant 0 : i32
        %parallel_loop3A_741 = arith.constant 0 : i32
        %parallel_loop3A_742 = tpu.memref_slice %arg7[%parallel_loop3A_737, %parallel_loop3A_738, %parallel_loop3A_739, %parallel_loop3A_740, %parallel_loop3A_741] : memref<2x4x4x8x128xf32, #tpu.memory_space<vmem>> -> memref<1x4x4x8x128xf32, #tpu.memory_space<vmem>>
        %parallel_loop3A_743 = tpu.memref_squeeze %parallel_loop3A_742 : memref<1x4x4x8x128xf32, #tpu.memory_space<vmem>> -> memref<4x4x8x128xf32, #tpu.memory_space<vmem>>
        tpu.vector_store_idx %parallel_loop3A_743[%shift_right_arithmetic3A_105, %parallel_loop3A_397, %and3A_111, %parallel_loop3A_717], %parallel_loop3A_736 : memref<4x4x8x128xf32, #tpu.memory_space<vmem>>[vector<16xi32>, vector<16xi32>, vector<16xi32>, vector<16xi32>], vector<16xf32>,
        %parallel_loop3A_744 = vector.broadcast %parallel_loop3A_372 : i32 to vector<16xi32>
        %parallel_loop3A_745 = arith.addi %parallel_loop3A_744, %and3A_73 : vector<16xi32>
        %parallel_loop3A_746 = vector.broadcast %parallel_loop3A_413 : i32 to vector<16xi32>
        %parallel_loop3A_747 = arith.addi %parallel_loop3A_746, %and3A_73 : vector<16xi32>
        %parallel_loop3A_748 = arith.constant 0 : i32
        %parallel_loop3A_749 = arith.constant 0 : i32
        %parallel_loop3A_750 = arith.constant 0 : i32
        %parallel_loop3A_751 = tpu.memref_slice %arg6[%parallel_loop3A_748, %parallel_loop3A_749, %parallel_loop3A_750] : memref<2x512x32xf32, #tpu.memory_space<vmem>> -> memref<1x512x32xf32, #tpu.memory_space<vmem>>
        %parallel_loop3A_752 = tpu.memref_squeeze %parallel_loop3A_751 : memref<1x512x32xf32, #tpu.memory_space<vmem>> -> memref<512x32xf32, #tpu.memory_space<vmem>>
        %parallel_loop3A_753 = tpu.vector_load_idx %parallel_loop3A_752[%parallel_loop3A_745, %iota3A] : memref<512x32xf32, #tpu.memory_space<vmem>>[vector<16xi32>, vector<16xi32>], vector<16xf32>,
        %parallel_loop3A_754 = arith.constant 0 : i32
        %parallel_loop3A_755 = arith.constant 0 : i32
        %parallel_loop3A_756 = arith.constant 0 : i32
        %parallel_loop3A_757 = arith.constant 0 : i32
        %parallel_loop3A_758 = arith.constant 0 : i32
        %parallel_loop3A_759 = tpu.memref_slice %arg7[%parallel_loop3A_754, %parallel_loop3A_755, %parallel_loop3A_756, %parallel_loop3A_757, %parallel_loop3A_758] : memref<2x4x4x8x128xf32, #tpu.memory_space<vmem>> -> memref<1x4x4x8x128xf32, #tpu.memory_space<vmem>>
        %parallel_loop3A_760 = tpu.memref_squeeze %parallel_loop3A_759 : memref<1x4x4x8x128xf32, #tpu.memory_space<vmem>> -> memref<4x4x8x128xf32, #tpu.memory_space<vmem>>
        tpu.vector_store_idx %parallel_loop3A_760[%shift_right_arithmetic3A_102, %parallel_loop3A_397, %and3A_108, %parallel_loop3A_747], %parallel_loop3A_753 : memref<4x4x8x128xf32, #tpu.memory_space<vmem>>[vector<16xi32>, vector<16xi32>, vector<16xi32>, vector<16xi32>], vector<16xf32>,
        %parallel_loop3A_761 = arith.constant 0 : i32
        %parallel_loop3A_762 = arith.constant 0 : i32
        %parallel_loop3A_763 = arith.constant 0 : i32
        %parallel_loop3A_764 = tpu.memref_slice %arg6[%parallel_loop3A_761, %parallel_loop3A_762, %parallel_loop3A_763] : memref<2x512x32xf32, #tpu.memory_space<vmem>> -> memref<1x512x32xf32, #tpu.memory_space<vmem>>
        %parallel_loop3A_765 = tpu.memref_squeeze %parallel_loop3A_764 : memref<1x512x32xf32, #tpu.memory_space<vmem>> -> memref<512x32xf32, #tpu.memory_space<vmem>>
        %parallel_loop3A_766 = tpu.vector_load_idx %parallel_loop3A_765[%parallel_loop3A_745, %add3A_100] : memref<512x32xf32, #tpu.memory_space<vmem>>[vector<16xi32>, vector<16xi32>], vector<16xf32>,
        %parallel_loop3A_767 = arith.constant 0 : i32
        %parallel_loop3A_768 = arith.constant 0 : i32
        %parallel_loop3A_769 = arith.constant 0 : i32
        %parallel_loop3A_770 = arith.constant 0 : i32
        %parallel_loop3A_771 = arith.constant 0 : i32
        %parallel_loop3A_772 = tpu.memref_slice %arg7[%parallel_loop3A_767, %parallel_loop3A_768, %parallel_loop3A_769, %parallel_loop3A_770, %parallel_loop3A_771] : memref<2x4x4x8x128xf32, #tpu.memory_space<vmem>> -> memref<1x4x4x8x128xf32, #tpu.memory_space<vmem>>
        %parallel_loop3A_773 = tpu.memref_squeeze %parallel_loop3A_772 : memref<1x4x4x8x128xf32, #tpu.memory_space<vmem>> -> memref<4x4x8x128xf32, #tpu.memory_space<vmem>>
        tpu.vector_store_idx %parallel_loop3A_773[%shift_right_arithmetic3A_105, %parallel_loop3A_397, %and3A_111, %parallel_loop3A_747], %parallel_loop3A_766 : memref<4x4x8x128xf32, #tpu.memory_space<vmem>>[vector<16xi32>, vector<16xi32>, vector<16xi32>, vector<16xi32>], vector<16xf32>,
        %parallel_loop3A_774 = vector.broadcast %parallel_loop3A_372 : i32 to vector<16xi32>
        %parallel_loop3A_775 = arith.addi %parallel_loop3A_774, %and3A_79 : vector<16xi32>
        %parallel_loop3A_776 = vector.broadcast %parallel_loop3A_413 : i32 to vector<16xi32>
        %parallel_loop3A_777 = arith.addi %parallel_loop3A_776, %and3A_79 : vector<16xi32>
        %parallel_loop3A_778 = arith.constant 0 : i32
        %parallel_loop3A_779 = arith.constant 0 : i32
        %parallel_loop3A_780 = arith.constant 0 : i32
        %parallel_loop3A_781 = tpu.memref_slice %arg6[%parallel_loop3A_778, %parallel_loop3A_779, %parallel_loop3A_780] : memref<2x512x32xf32, #tpu.memory_space<vmem>> -> memref<1x512x32xf32, #tpu.memory_space<vmem>>
        %parallel_loop3A_782 = tpu.memref_squeeze %parallel_loop3A_781 : memref<1x512x32xf32, #tpu.memory_space<vmem>> -> memref<512x32xf32, #tpu.memory_space<vmem>>
        %parallel_loop3A_783 = tpu.vector_load_idx %parallel_loop3A_782[%parallel_loop3A_775, %iota3A] : memref<512x32xf32, #tpu.memory_space<vmem>>[vector<16xi32>, vector<16xi32>], vector<16xf32>,
        %parallel_loop3A_784 = arith.constant 0 : i32
        %parallel_loop3A_785 = arith.constant 0 : i32
        %parallel_loop3A_786 = arith.constant 0 : i32
        %parallel_loop3A_787 = arith.constant 0 : i32
        %parallel_loop3A_788 = arith.constant 0 : i32
        %parallel_loop3A_789 = tpu.memref_slice %arg7[%parallel_loop3A_784, %parallel_loop3A_785, %parallel_loop3A_786, %parallel_loop3A_787, %parallel_loop3A_788] : memref<2x4x4x8x128xf32, #tpu.memory_space<vmem>> -> memref<1x4x4x8x128xf32, #tpu.memory_space<vmem>>
        %parallel_loop3A_790 = tpu.memref_squeeze %parallel_loop3A_789 : memref<1x4x4x8x128xf32, #tpu.memory_space<vmem>> -> memref<4x4x8x128xf32, #tpu.memory_space<vmem>>
        tpu.vector_store_idx %parallel_loop3A_790[%shift_right_arithmetic3A_102, %parallel_loop3A_397, %and3A_108, %parallel_loop3A_777], %parallel_loop3A_783 : memref<4x4x8x128xf32, #tpu.memory_space<vmem>>[vector<16xi32>, vector<16xi32>, vector<16xi32>, vector<16xi32>], vector<16xf32>,
        %parallel_loop3A_791 = arith.constant 0 : i32
        %parallel_loop3A_792 = arith.constant 0 : i32
        %parallel_loop3A_793 = arith.constant 0 : i32
        %parallel_loop3A_794 = tpu.memref_slice %arg6[%parallel_loop3A_791, %parallel_loop3A_792, %parallel_loop3A_793] : memref<2x512x32xf32, #tpu.memory_space<vmem>> -> memref<1x512x32xf32, #tpu.memory_space<vmem>>
        %parallel_loop3A_795 = tpu.memref_squeeze %parallel_loop3A_794 : memref<1x512x32xf32, #tpu.memory_space<vmem>> -> memref<512x32xf32, #tpu.memory_space<vmem>>
        %parallel_loop3A_796 = tpu.vector_load_idx %parallel_loop3A_795[%parallel_loop3A_775, %add3A_100] : memref<512x32xf32, #tpu.memory_space<vmem>>[vector<16xi32>, vector<16xi32>], vector<16xf32>,
        %parallel_loop3A_797 = arith.constant 0 : i32
        %parallel_loop3A_798 = arith.constant 0 : i32
        %parallel_loop3A_799 = arith.constant 0 : i32
        %parallel_loop3A_800 = arith.constant 0 : i32
        %parallel_loop3A_801 = arith.constant 0 : i32
        %parallel_loop3A_802 = tpu.memref_slice %arg7[%parallel_loop3A_797, %parallel_loop3A_798, %parallel_loop3A_799, %parallel_loop3A_800, %parallel_loop3A_801] : memref<2x4x4x8x128xf32, #tpu.memory_space<vmem>> -> memref<1x4x4x8x128xf32, #tpu.memory_space<vmem>>
        %parallel_loop3A_803 = tpu.memref_squeeze %parallel_loop3A_802 : memref<1x4x4x8x128xf32, #tpu.memory_space<vmem>> -> memref<4x4x8x128xf32, #tpu.memory_space<vmem>>
        tpu.vector_store_idx %parallel_loop3A_803[%shift_right_arithmetic3A_105, %parallel_loop3A_397, %and3A_111, %parallel_loop3A_777], %parallel_loop3A_796 : memref<4x4x8x128xf32, #tpu.memory_space<vmem>>[vector<16xi32>, vector<16xi32>, vector<16xi32>, vector<16xi32>], vector<16xf32>,
        %parallel_loop3A_804 = vector.broadcast %parallel_loop3A_372 : i32 to vector<16xi32>
        %parallel_loop3A_805 = arith.addi %parallel_loop3A_804, %and3A_85 : vector<16xi32>
        %parallel_loop3A_806 = vector.broadcast %parallel_loop3A_413 : i32 to vector<16xi32>
        %parallel_loop3A_807 = arith.addi %parallel_loop3A_806, %and3A_85 : vector<16xi32>
        %parallel_loop3A_808 = arith.constant 0 : i32
        %parallel_loop3A_809 = arith.constant 0 : i32
        %parallel_loop3A_810 = arith.constant 0 : i32
        %parallel_loop3A_811 = tpu.memref_slice %arg6[%parallel_loop3A_808, %parallel_loop3A_809, %parallel_loop3A_810] : memref<2x512x32xf32, #tpu.memory_space<vmem>> -> memref<1x512x32xf32, #tpu.memory_space<vmem>>
        %parallel_loop3A_812 = tpu.memref_squeeze %parallel_loop3A_811 : memref<1x512x32xf32, #tpu.memory_space<vmem>> -> memref<512x32xf32, #tpu.memory_space<vmem>>
        %parallel_loop3A_813 = tpu.vector_load_idx %parallel_loop3A_812[%parallel_loop3A_805, %iota3A] : memref<512x32xf32, #tpu.memory_space<vmem>>[vector<16xi32>, vector<16xi32>], vector<16xf32>,
        %parallel_loop3A_814 = arith.constant 0 : i32
        %parallel_loop3A_815 = arith.constant 0 : i32
        %parallel_loop3A_816 = arith.constant 0 : i32
        %parallel_loop3A_817 = arith.constant 0 : i32
        %parallel_loop3A_818 = arith.constant 0 : i32
        %parallel_loop3A_819 = tpu.memref_slice %arg7[%parallel_loop3A_814, %parallel_loop3A_815, %parallel_loop3A_816, %parallel_loop3A_817, %parallel_loop3A_818] : memref<2x4x4x8x128xf32, #tpu.memory_space<vmem>> -> memref<1x4x4x8x128xf32, #tpu.memory_space<vmem>>
        %parallel_loop3A_820 = tpu.memref_squeeze %parallel_loop3A_819 : memref<1x4x4x8x128xf32, #tpu.memory_space<vmem>> -> memref<4x4x8x128xf32, #tpu.memory_space<vmem>>
        tpu.vector_store_idx %parallel_loop3A_820[%shift_right_arithmetic3A_102, %parallel_loop3A_397, %and3A_108, %parallel_loop3A_807], %parallel_loop3A_813 : memref<4x4x8x128xf32, #tpu.memory_space<vmem>>[vector<16xi32>, vector<16xi32>, vector<16xi32>, vector<16xi32>], vector<16xf32>,
        %parallel_loop3A_821 = arith.constant 0 : i32
        %parallel_loop3A_822 = arith.constant 0 : i32
        %parallel_loop3A_823 = arith.constant 0 : i32
        %parallel_loop3A_824 = tpu.memref_slice %arg6[%parallel_loop3A_821, %parallel_loop3A_822, %parallel_loop3A_823] : memref<2x512x32xf32, #tpu.memory_space<vmem>> -> memref<1x512x32xf32, #tpu.memory_space<vmem>>
        %parallel_loop3A_825 = tpu.memref_squeeze %parallel_loop3A_824 : memref<1x512x32xf32, #tpu.memory_space<vmem>> -> memref<512x32xf32, #tpu.memory_space<vmem>>
        %parallel_loop3A_826 = tpu.vector_load_idx %parallel_loop3A_825[%parallel_loop3A_805, %add3A_100] : memref<512x32xf32, #tpu.memory_space<vmem>>[vector<16xi32>, vector<16xi32>], vector<16xf32>,
        %parallel_loop3A_827 = arith.constant 0 : i32
        %parallel_loop3A_828 = arith.constant 0 : i32
        %parallel_loop3A_829 = arith.constant 0 : i32
        %parallel_loop3A_830 = arith.constant 0 : i32
        %parallel_loop3A_831 = arith.constant 0 : i32
        %parallel_loop3A_832 = tpu.memref_slice %arg7[%parallel_loop3A_827, %parallel_loop3A_828, %parallel_loop3A_829, %parallel_loop3A_830, %parallel_loop3A_831] : memref<2x4x4x8x128xf32, #tpu.memory_space<vmem>> -> memref<1x4x4x8x128xf32, #tpu.memory_space<vmem>>
        %parallel_loop3A_833 = tpu.memref_squeeze %parallel_loop3A_832 : memref<1x4x4x8x128xf32, #tpu.memory_space<vmem>> -> memref<4x4x8x128xf32, #tpu.memory_space<vmem>>
        tpu.vector_store_idx %parallel_loop3A_833[%shift_right_arithmetic3A_105, %parallel_loop3A_397, %and3A_111, %parallel_loop3A_807], %parallel_loop3A_826 : memref<4x4x8x128xf32, #tpu.memory_space<vmem>>[vector<16xi32>, vector<16xi32>, vector<16xi32>, vector<16xi32>], vector<16xf32>,
        %parallel_loop3A_834 = vector.broadcast %parallel_loop3A_372 : i32 to vector<16xi32>
        %parallel_loop3A_835 = arith.addi %parallel_loop3A_834, %and3A_91 : vector<16xi32>
        %parallel_loop3A_836 = vector.broadcast %parallel_loop3A_413 : i32 to vector<16xi32>
        %parallel_loop3A_837 = arith.addi %parallel_loop3A_836, %and3A_91 : vector<16xi32>
        %parallel_loop3A_838 = arith.constant 0 : i32
        %parallel_loop3A_839 = arith.constant 0 : i32
        %parallel_loop3A_840 = arith.constant 0 : i32
        %parallel_loop3A_841 = tpu.memref_slice %arg6[%parallel_loop3A_838, %parallel_loop3A_839, %parallel_loop3A_840] : memref<2x512x32xf32, #tpu.memory_space<vmem>> -> memref<1x512x32xf32, #tpu.memory_space<vmem>>
        %parallel_loop3A_842 = tpu.memref_squeeze %parallel_loop3A_841 : memref<1x512x32xf32, #tpu.memory_space<vmem>> -> memref<512x32xf32, #tpu.memory_space<vmem>>
        %parallel_loop3A_843 = tpu.vector_load_idx %parallel_loop3A_842[%parallel_loop3A_835, %iota3A] : memref<512x32xf32, #tpu.memory_space<vmem>>[vector<16xi32>, vector<16xi32>], vector<16xf32>,
        %parallel_loop3A_844 = arith.constant 0 : i32
        %parallel_loop3A_845 = arith.constant 0 : i32
        %parallel_loop3A_846 = arith.constant 0 : i32
        %parallel_loop3A_847 = arith.constant 0 : i32
        %parallel_loop3A_848 = arith.constant 0 : i32
        %parallel_loop3A_849 = tpu.memref_slice %arg7[%parallel_loop3A_844, %parallel_loop3A_845, %parallel_loop3A_846, %parallel_loop3A_847, %parallel_loop3A_848] : memref<2x4x4x8x128xf32, #tpu.memory_space<vmem>> -> memref<1x4x4x8x128xf32, #tpu.memory_space<vmem>>
        %parallel_loop3A_850 = tpu.memref_squeeze %parallel_loop3A_849 : memref<1x4x4x8x128xf32, #tpu.memory_space<vmem>> -> memref<4x4x8x128xf32, #tpu.memory_space<vmem>>
        tpu.vector_store_idx %parallel_loop3A_850[%shift_right_arithmetic3A_102, %parallel_loop3A_397, %and3A_108, %parallel_loop3A_837], %parallel_loop3A_843 : memref<4x4x8x128xf32, #tpu.memory_space<vmem>>[vector<16xi32>, vector<16xi32>, vector<16xi32>, vector<16xi32>], vector<16xf32>,
        %parallel_loop3A_851 = arith.constant 0 : i32
        %parallel_loop3A_852 = arith.constant 0 : i32
        %parallel_loop3A_853 = arith.constant 0 : i32
        %parallel_loop3A_854 = tpu.memref_slice %arg6[%parallel_loop3A_851, %parallel_loop3A_852, %parallel_loop3A_853] : memref<2x512x32xf32, #tpu.memory_space<vmem>> -> memref<1x512x32xf32, #tpu.memory_space<vmem>>
        %parallel_loop3A_855 = tpu.memref_squeeze %parallel_loop3A_854 : memref<1x512x32xf32, #tpu.memory_space<vmem>> -> memref<512x32xf32, #tpu.memory_space<vmem>>
        %parallel_loop3A_856 = tpu.vector_load_idx %parallel_loop3A_855[%parallel_loop3A_835, %add3A_100] : memref<512x32xf32, #tpu.memory_space<vmem>>[vector<16xi32>, vector<16xi32>], vector<16xf32>,
        %parallel_loop3A_857 = arith.constant 0 : i32
        %parallel_loop3A_858 = arith.constant 0 : i32
        %parallel_loop3A_859 = arith.constant 0 : i32
        %parallel_loop3A_860 = arith.constant 0 : i32
        %parallel_loop3A_861 = arith.constant 0 : i32
        %parallel_loop3A_862 = tpu.memref_slice %arg7[%parallel_loop3A_857, %parallel_loop3A_858, %parallel_loop3A_859, %parallel_loop3A_860, %parallel_loop3A_861] : memref<2x4x4x8x128xf32, #tpu.memory_space<vmem>> -> memref<1x4x4x8x128xf32, #tpu.memory_space<vmem>>
        %parallel_loop3A_863 = tpu.memref_squeeze %parallel_loop3A_862 : memref<1x4x4x8x128xf32, #tpu.memory_space<vmem>> -> memref<4x4x8x128xf32, #tpu.memory_space<vmem>>
        tpu.vector_store_idx %parallel_loop3A_863[%shift_right_arithmetic3A_105, %parallel_loop3A_397, %and3A_111, %parallel_loop3A_837], %parallel_loop3A_856 : memref<4x4x8x128xf32, #tpu.memory_space<vmem>>[vector<16xi32>, vector<16xi32>, vector<16xi32>, vector<16xi32>], vector<16xf32>,
        %parallel_loop3A_864 = vector.broadcast %parallel_loop3A_372 : i32 to vector<16xi32>
        %parallel_loop3A_865 = arith.addi %parallel_loop3A_864, %and3A_97 : vector<16xi32>
        %parallel_loop3A_866 = vector.broadcast %parallel_loop3A_413 : i32 to vector<16xi32>
        %parallel_loop3A_867 = arith.addi %parallel_loop3A_866, %and3A_97 : vector<16xi32>
        %parallel_loop3A_868 = arith.constant 0 : i32
        %parallel_loop3A_869 = arith.constant 0 : i32
        %parallel_loop3A_870 = arith.constant 0 : i32
        %parallel_loop3A_871 = tpu.memref_slice %arg6[%parallel_loop3A_868, %parallel_loop3A_869, %parallel_loop3A_870] : memref<2x512x32xf32, #tpu.memory_space<vmem>> -> memref<1x512x32xf32, #tpu.memory_space<vmem>>
        %parallel_loop3A_872 = tpu.memref_squeeze %parallel_loop3A_871 : memref<1x512x32xf32, #tpu.memory_space<vmem>> -> memref<512x32xf32, #tpu.memory_space<vmem>>
        %parallel_loop3A_873 = tpu.vector_load_idx %parallel_loop3A_872[%parallel_loop3A_865, %iota3A] : memref<512x32xf32, #tpu.memory_space<vmem>>[vector<16xi32>, vector<16xi32>], vector<16xf32>,
        %parallel_loop3A_874 = arith.constant 0 : i32
        %parallel_loop3A_875 = arith.constant 0 : i32
        %parallel_loop3A_876 = arith.constant 0 : i32
        %parallel_loop3A_877 = arith.constant 0 : i32
        %parallel_loop3A_878 = arith.constant 0 : i32
        %parallel_loop3A_879 = tpu.memref_slice %arg7[%parallel_loop3A_874, %parallel_loop3A_875, %parallel_loop3A_876, %parallel_loop3A_877, %parallel_loop3A_878] : memref<2x4x4x8x128xf32, #tpu.memory_space<vmem>> -> memref<1x4x4x8x128xf32, #tpu.memory_space<vmem>>
        %parallel_loop3A_880 = tpu.memref_squeeze %parallel_loop3A_879 : memref<1x4x4x8x128xf32, #tpu.memory_space<vmem>> -> memref<4x4x8x128xf32, #tpu.memory_space<vmem>>
        tpu.vector_store_idx %parallel_loop3A_880[%shift_right_arithmetic3A_102, %parallel_loop3A_397, %and3A_108, %parallel_loop3A_867], %parallel_loop3A_873 : memref<4x4x8x128xf32, #tpu.memory_space<vmem>>[vector<16xi32>, vector<16xi32>, vector<16xi32>, vector<16xi32>], vector<16xf32>,
        %parallel_loop3A_881 = arith.constant 0 : i32
        %parallel_loop3A_882 = arith.constant 0 : i32
        %parallel_loop3A_883 = arith.constant 0 : i32
        %parallel_loop3A_884 = tpu.memref_slice %arg6[%parallel_loop3A_881, %parallel_loop3A_882, %parallel_loop3A_883] : memref<2x512x32xf32, #tpu.memory_space<vmem>> -> memref<1x512x32xf32, #tpu.memory_space<vmem>>
        %parallel_loop3A_885 = tpu.memref_squeeze %parallel_loop3A_884 : memref<1x512x32xf32, #tpu.memory_space<vmem>> -> memref<512x32xf32, #tpu.memory_space<vmem>>
        %parallel_loop3A_886 = tpu.vector_load_idx %parallel_loop3A_885[%parallel_loop3A_865, %add3A_100] : memref<512x32xf32, #tpu.memory_space<vmem>>[vector<16xi32>, vector<16xi32>], vector<16xf32>,
        %parallel_loop3A_887 = arith.constant 0 : i32
        %parallel_loop3A_888 = arith.constant 0 : i32
        %parallel_loop3A_889 = arith.constant 0 : i32
        %parallel_loop3A_890 = arith.constant 0 : i32
        %parallel_loop3A_891 = arith.constant 0 : i32
        %parallel_loop3A_892 = tpu.memref_slice %arg7[%parallel_loop3A_887, %parallel_loop3A_888, %parallel_loop3A_889, %parallel_loop3A_890, %parallel_loop3A_891] : memref<2x4x4x8x128xf32, #tpu.memory_space<vmem>> -> memref<1x4x4x8x128xf32, #tpu.memory_space<vmem>>
        %parallel_loop3A_893 = tpu.memref_squeeze %parallel_loop3A_892 : memref<1x4x4x8x128xf32, #tpu.memory_space<vmem>> -> memref<4x4x8x128xf32, #tpu.memory_space<vmem>>
        tpu.vector_store_idx %parallel_loop3A_893[%shift_right_arithmetic3A_105, %parallel_loop3A_397, %and3A_111, %parallel_loop3A_867], %parallel_loop3A_886 : memref<4x4x8x128xf32, #tpu.memory_space<vmem>>[vector<16xi32>, vector<16xi32>, vector<16xi32>, vector<16xi32>], vector<16xf32>,
      } {sc.loop_unroll_factor = 2 : i64, sc.parallel_access}
      %mul3A_291 = arith.constant 4 : i32
      %mul3A_292 = arith.muli %add3A, %mul3A_291 : i32
      %dma_start3A_293 = arith.constant 0 : i32
      %dma_start3A_294 = arith.constant 0 : i32
      %dma_start3A_295 = arith.constant 0 : i32
      %dma_start3A_296 = arith.constant 0 : i32
      %dma_start3A_297 = arith.constant 0 : i32
      %dma_start3A_298 = tpu.memref_slice %arg7[%dma_start3A_293, %dma_start3A_294, %dma_start3A_295, %dma_start3A_296, %dma_start3A_297] : memref<2x4x4x8x128xf32, #tpu.memory_space<vmem>> -> memref<1x4x4x8x128xf32, #tpu.memory_space<vmem>>
      %dma_start3A_299 = tpu.memref_squeeze %dma_start3A_298 : memref<1x4x4x8x128xf32, #tpu.memory_space<vmem>> -> memref<4x4x8x128xf32, #tpu.memory_space<vmem>>
      %dma_start3A_300 = arith.constant 0 : i32
      %dma_start3A_301 = arith.constant 0 : i32
      %dma_start3A_302 = arith.constant 0 : i32
      %dma_start3A_303 = tpu.memref_slice %arg4[%mul3A_221, %dma_start3A_300, %mul3A_292, %dma_start3A_301, %dma_start3A_302] : memref<50x4x128x8x128xf32, #tpu.memory_space<hbm>> -> memref<1x4x4x8x128xf32, #tpu.memory_space<hbm>>
      %dma_start3A_304 = tpu.memref_squeeze %dma_start3A_303 : memref<1x4x4x8x128xf32, #tpu.memory_space<hbm>> -> memref<4x4x8x128xf32, #tpu.memory_space<hbm>>
      %dma_start3A_305 = arith.constant 0 : i32
      %dma_start3A_306 = arith.constant 0 : i32
      %dma_start3A_307 = arith.constant 0 : i32
      %dma_start3A_308 = tpu.memref_slice %arg4[%mul3A_221, %dma_start3A_305, %mul3A_292, %dma_start3A_306, %dma_start3A_307] : memref<50x4x128x8x128xf32, #tpu.memory_space<hbm>> -> memref<1x4x4x8x128xf32, #tpu.memory_space<hbm>>
      %dma_start3A_309 = tpu.memref_squeeze %dma_start3A_308 : memref<1x4x4x8x128xf32, #tpu.memory_space<hbm>> -> memref<4x4x8x128xf32, #tpu.memory_space<hbm>>
      %dma_start3A_310 = arith.constant 0 : i32
      %dma_start3A_311 = arith.constant 0 : i32
      %dma_start3A_312 = arith.constant 0 : i32
      %dma_start3A_313 = arith.constant 0 : i32
      %dma_start3A_314 = tpu.memref_slice %arg7[%dma_start3A_293, %dma_start3A_310, %dma_start3A_311, %dma_start3A_312, %dma_start3A_313] : memref<2x4x4x8x128xf32, #tpu.memory_space<vmem>> -> memref<1x4x4x8x128xf32, #tpu.memory_space<vmem>>
      %dma_start3A_315 = tpu.memref_squeeze %dma_start3A_314 : memref<1x4x4x8x128xf32, #tpu.memory_space<vmem>> -> memref<4x4x8x128xf32, #tpu.memory_space<vmem>>
      tpu.enqueue_dma source(%dma_start3A_315 : memref<4x4x8x128xf32, #tpu.memory_space<vmem>>) target(%dma_start3A_309 : memref<4x4x8x128xf32, #tpu.memory_space<hbm>>) target_semaphore(%arg10 : memref<!tpu.dma_semaphore, #tpu.memory_space<semaphore_mem>>)
      %dma_wait3A_316 = arith.constant 1 : i32
      %dma_wait3A_317 = arith.constant 0 : i32
      %dma_wait3A_318 = arith.constant 0 : i32
      %dma_wait3A_319 = tpu.memref_slice %arg6[%dma_wait3A_316, %dma_wait3A_317, %dma_wait3A_318] : memref<2x512x32xf32, #tpu.memory_space<vmem>> -> memref<1x512x32xf32, #tpu.memory_space<vmem>>
      %dma_wait3A_320 = tpu.memref_squeeze %dma_wait3A_319 : memref<1x512x32xf32, #tpu.memory_space<vmem>> -> memref<512x32xf32, #tpu.memory_space<vmem>>
      %dma_wait3A_321 = arith.constant 0 : i32
      %dma_wait3A_322 = arith.constant 0 : i32
      %dma_wait3A_323 = tpu.memref_slice %arg3[%dma_wait3A_321, %dma_wait3A_322] : memref<1000000x32xf32, #tpu.memory_space<hbm>> -> memref<512x32xf32, #tpu.memory_space<hbm>>
      %dma_wait3A_324 = arith.constant 0 : i32
      %dma_wait3A_325 = arith.constant 0 : i32
      %dma_wait3A_326 = tpu.memref_slice %arg6[%dma_wait3A_316, %dma_wait3A_324, %dma_wait3A_325] : memref<2x512x32xf32, #tpu.memory_space<vmem>> -> memref<1x512x32xf32, #tpu.memory_space<vmem>>
      %dma_wait3A_327 = tpu.memref_squeeze %dma_wait3A_326 : memref<1x512x32xf32, #tpu.memory_space<vmem>> -> memref<512x32xf32, #tpu.memory_space<vmem>>
      %dma_wait3A_328 = arith.constant 0 : i32
      %dma_wait3A_329 = arith.constant 0 : i32
      %dma_wait3A_330 = tpu.memref_slice %arg3[%dma_wait3A_328, %dma_wait3A_329] : memref<1000000x32xf32, #tpu.memory_space<hbm>> -> memref<512x32xf32, #tpu.memory_space<hbm>>
      tpu.wait_dma2 semaphore(%arg9 : memref<!tpu.dma_semaphore, #tpu.memory_space<semaphore_mem>>) src(%dma_wait3A_330 : memref<512x32xf32, #tpu.memory_space<hbm>>) dst(%dma_wait3A_327 : memref<512x32xf32, #tpu.memory_space<vmem>>)
      %lt3A = arith.constant 24 : i32
      %lt3A_331 = arith.cmpi slt, %scan3A_219, %lt3A : i32
      %convert_element_type3A_332 = arith.extui %lt3A_331 : i1 to i32
      %cond3A_333 = arith.constant 0 : i32
      %cond3A_334 = arith.cmpi ne, %convert_element_type3A_332, %cond3A_333 : i32
      scf.if %cond3A_334 {
        %add3A_370 = arith.constant 2 : i32
        %add3A_371 = arith.addi %mul3A_221, %add3A_370 : i32
        %dma_start3A_372 = arith.constant 0 : i32
        %dma_start3A_373 = arith.constant 0 : i32
        %dma_start3A_374 = arith.constant 0 : i32
        %dma_start3A_375 = arith.constant 0 : i32
        %dma_start3A_376 = tpu.memref_slice %arg6[%dma_start3A_373, %dma_start3A_374, %dma_start3A_375] : memref<2x512x32xf32, #tpu.memory_space<vmem>> -> memref<1x128x32xf32, #tpu.memory_space<vmem>>
        %dma_start3A_377 = tpu.memref_squeeze %dma_start3A_376 : memref<1x128x32xf32, #tpu.memory_space<vmem>> -> memref<128x32xf32, #tpu.memory_space<vmem>>
        %dma_start3A_378 = arith.constant 0 : i32
        %dma_start3A_379 = tpu.memref_slice %arg5[%add3A_371, %dma_start3A_372, %dma_start3A_378] : memref<50x4x128xi32, #tpu.memory_space<vmem>> -> memref<1x1x128xi32, #tpu.memory_space<vmem>>
        %dma_start3A_380 = tpu.memref_squeeze %dma_start3A_379 : memref<1x1x128xi32, #tpu.memory_space<vmem>> -> memref<128xi32, #tpu.memory_space<vmem>>
        %dma_start3A_381 = arith.constant 0 : i32
        %dma_start3A_382 = arith.constant 0 : i32
        %dma_start3A_383 = tpu.memref_slice %arg3[%dma_start3A_381, %dma_start3A_382] : memref<1000000x32xf32, #tpu.memory_space<hbm>> -> memref<1000000x32xf32, #tpu.memory_space<hbm>>
        tpu.enqueue_indirect_dma source(%dma_start3A_383 : memref<1000000x32xf32, #tpu.memory_space<hbm>>) target(%dma_start3A_377 : memref<128x32xf32, #tpu.memory_space<vmem>>) offsets(%dma_start3A_380 : memref<128xi32, #tpu.memory_space<vmem>>) semaphore(%arg8 : memref<!tpu.dma_semaphore, #tpu.memory_space<semaphore_mem>>)
        %dma_start3A_384 = arith.constant 1 : i32
        %dma_start3A_385 = arith.constant 0 : i32
        %dma_start3A_386 = arith.constant 128 : i32
        %dma_start3A_387 = arith.constant 0 : i32
        %dma_start3A_388 = tpu.memref_slice %arg6[%dma_start3A_385, %dma_start3A_386, %dma_start3A_387] : memref<2x512x32xf32, #tpu.memory_space<vmem>> -> memref<1x128x32xf32, #tpu.memory_space<vmem>>
        %dma_start3A_389 = tpu.memref_squeeze %dma_start3A_388 : memref<1x128x32xf32, #tpu.memory_space<vmem>> -> memref<128x32xf32, #tpu.memory_space<vmem>>
        %dma_start3A_390 = arith.constant 0 : i32
        %dma_start3A_391 = tpu.memref_slice %arg5[%add3A_371, %dma_start3A_384, %dma_start3A_390] : memref<50x4x128xi32, #tpu.memory_space<vmem>> -> memref<1x1x128xi32, #tpu.memory_space<vmem>>
        %dma_start3A_392 = tpu.memref_squeeze %dma_start3A_391 : memref<1x1x128xi32, #tpu.memory_space<vmem>> -> memref<128xi32, #tpu.memory_space<vmem>>
        %dma_start3A_393 = arith.constant 0 : i32
        %dma_start3A_394 = arith.constant 0 : i32
        %dma_start3A_395 = tpu.memref_slice %arg3[%dma_start3A_393, %dma_start3A_394] : memref<1000000x32xf32, #tpu.memory_space<hbm>> -> memref<1000000x32xf32, #tpu.memory_space<hbm>>
        tpu.enqueue_indirect_dma source(%dma_start3A_395 : memref<1000000x32xf32, #tpu.memory_space<hbm>>) target(%dma_start3A_389 : memref<128x32xf32, #tpu.memory_space<vmem>>) offsets(%dma_start3A_392 : memref<128xi32, #tpu.memory_space<vmem>>) semaphore(%arg8 : memref<!tpu.dma_semaphore, #tpu.memory_space<semaphore_mem>>)
        %dma_start3A_396 = arith.constant 2 : i32
        %dma_start3A_397 = arith.constant 0 : i32
        %dma_start3A_398 = arith.constant 256 : i32
        %dma_start3A_399 = arith.constant 0 : i32
        %dma_start3A_400 = tpu.memref_slice %arg6[%dma_start3A_397, %dma_start3A_398, %dma_start3A_399] : memref<2x512x32xf32, #tpu.memory_space<vmem>> -> memref<1x128x32xf32, #tpu.memory_space<vmem>>
        %dma_start3A_401 = tpu.memref_squeeze %dma_start3A_400 : memref<1x128x32xf32, #tpu.memory_space<vmem>> -> memref<128x32xf32, #tpu.memory_space<vmem>>
        %dma_start3A_402 = arith.constant 0 : i32
        %dma_start3A_403 = tpu.memref_slice %arg5[%add3A_371, %dma_start3A_396, %dma_start3A_402] : memref<50x4x128xi32, #tpu.memory_space<vmem>> -> memref<1x1x128xi32, #tpu.memory_space<vmem>>
        %dma_start3A_404 = tpu.memref_squeeze %dma_start3A_403 : memref<1x1x128xi32, #tpu.memory_space<vmem>> -> memref<128xi32, #tpu.memory_space<vmem>>
        %dma_start3A_405 = arith.constant 0 : i32
        %dma_start3A_406 = arith.constant 0 : i32
        %dma_start3A_407 = tpu.memref_slice %arg3[%dma_start3A_405, %dma_start3A_406] : memref<1000000x32xf32, #tpu.memory_space<hbm>> -> memref<1000000x32xf32, #tpu.memory_space<hbm>>
        tpu.enqueue_indirect_dma source(%dma_start3A_407 : memref<1000000x32xf32, #tpu.memory_space<hbm>>) target(%dma_start3A_401 : memref<128x32xf32, #tpu.memory_space<vmem>>) offsets(%dma_start3A_404 : memref<128xi32, #tpu.memory_space<vmem>>) semaphore(%arg8 : memref<!tpu.dma_semaphore, #tpu.memory_space<semaphore_mem>>)
        %dma_start3A_408 = arith.constant 3 : i32
        %dma_start3A_409 = arith.constant 0 : i32
        %dma_start3A_410 = arith.constant 384 : i32
        %dma_start3A_411 = arith.constant 0 : i32
        %dma_start3A_412 = tpu.memref_slice %arg6[%dma_start3A_409, %dma_start3A_410, %dma_start3A_411] : memref<2x512x32xf32, #tpu.memory_space<vmem>> -> memref<1x128x32xf32, #tpu.memory_space<vmem>>
        %dma_start3A_413 = tpu.memref_squeeze %dma_start3A_412 : memref<1x128x32xf32, #tpu.memory_space<vmem>> -> memref<128x32xf32, #tpu.memory_space<vmem>>
        %dma_start3A_414 = arith.constant 0 : i32
        %dma_start3A_415 = tpu.memref_slice %arg5[%add3A_371, %dma_start3A_408, %dma_start3A_414] : memref<50x4x128xi32, #tpu.memory_space<vmem>> -> memref<1x1x128xi32, #tpu.memory_space<vmem>>
        %dma_start3A_416 = tpu.memref_squeeze %dma_start3A_415 : memref<1x1x128xi32, #tpu.memory_space<vmem>> -> memref<128xi32, #tpu.memory_space<vmem>>
        %dma_start3A_417 = arith.constant 0 : i32
        %dma_start3A_418 = arith.constant 0 : i32
        %dma_start3A_419 = tpu.memref_slice %arg3[%dma_start3A_417, %dma_start3A_418] : memref<1000000x32xf32, #tpu.memory_space<hbm>> -> memref<1000000x32xf32, #tpu.memory_space<hbm>>
        tpu.enqueue_indirect_dma source(%dma_start3A_419 : memref<1000000x32xf32, #tpu.memory_space<hbm>>) target(%dma_start3A_413 : memref<128x32xf32, #tpu.memory_space<vmem>>) offsets(%dma_start3A_416 : memref<128xi32, #tpu.memory_space<vmem>>) semaphore(%arg8 : memref<!tpu.dma_semaphore, #tpu.memory_space<semaphore_mem>>)
      } else {
      }
      %gt3A_335 = arith.constant 0 : i32
      %gt3A_336 = arith.cmpi sgt, %scan3A_219, %gt3A_335 : i32
      %convert_element_type3A_337 = arith.extui %gt3A_336 : i1 to i32
      %cond3A_338 = arith.constant 0 : i32
      %cond3A_339 = arith.cmpi ne, %convert_element_type3A_337, %cond3A_338 : i32
      scf.if %cond3A_339 {
        %dma_wait3A_370 = arith.constant 1 : i32
        %dma_wait3A_371 = arith.constant 0 : i32
        %dma_wait3A_372 = arith.constant 0 : i32
        %dma_wait3A_373 = arith.constant 0 : i32
        %dma_wait3A_374 = arith.constant 0 : i32
        %dma_wait3A_375 = arith.constant 0 : i32
        %dma_wait3A_376 = tpu.memref_slice %arg7[%dma_wait3A_370, %dma_wait3A_372, %dma_wait3A_373, %dma_wait3A_374, %dma_wait3A_375] : memref<2x4x4x8x128xf32, #tpu.memory_space<vmem>> -> memref<1x4x4x8x128xf32, #tpu.memory_space<vmem>>
        %dma_wait3A_377 = tpu.memref_squeeze %dma_wait3A_376 : memref<1x4x4x8x128xf32, #tpu.memory_space<vmem>> -> memref<4x4x8x128xf32, #tpu.memory_space<vmem>>
        %dma_wait3A_378 = arith.constant 0 : i32
        %dma_wait3A_379 = arith.constant 0 : i32
        %dma_wait3A_380 = arith.constant 0 : i32
        %dma_wait3A_381 = arith.constant 0 : i32
        %dma_wait3A_382 = tpu.memref_slice %arg4[%dma_wait3A_371, %dma_wait3A_378, %dma_wait3A_379, %dma_wait3A_380, %dma_wait3A_381] : memref<50x4x128x8x128xf32, #tpu.memory_space<hbm>> -> memref<1x4x4x8x128xf32, #tpu.memory_space<hbm>>
        %dma_wait3A_383 = tpu.memref_squeeze %dma_wait3A_382 : memref<1x4x4x8x128xf32, #tpu.memory_space<hbm>> -> memref<4x4x8x128xf32, #tpu.memory_space<hbm>>
        %dma_wait3A_384 = arith.constant 0 : i32
        %dma_wait3A_385 = arith.constant 0 : i32
        %dma_wait3A_386 = arith.constant 0 : i32
        %dma_wait3A_387 = arith.constant 0 : i32
        %dma_wait3A_388 = tpu.memref_slice %arg4[%dma_wait3A_371, %dma_wait3A_384, %dma_wait3A_385, %dma_wait3A_386, %dma_wait3A_387] : memref<50x4x128x8x128xf32, #tpu.memory_space<hbm>> -> memref<1x4x4x8x128xf32, #tpu.memory_space<hbm>>
        %dma_wait3A_389 = tpu.memref_squeeze %dma_wait3A_388 : memref<1x4x4x8x128xf32, #tpu.memory_space<hbm>> -> memref<4x4x8x128xf32, #tpu.memory_space<hbm>>
        %dma_wait3A_390 = arith.constant 0 : i32
        %dma_wait3A_391 = arith.constant 0 : i32
        %dma_wait3A_392 = arith.constant 0 : i32
        %dma_wait3A_393 = arith.constant 0 : i32
        %dma_wait3A_394 = tpu.memref_slice %arg7[%dma_wait3A_370, %dma_wait3A_390, %dma_wait3A_391, %dma_wait3A_392, %dma_wait3A_393] : memref<2x4x4x8x128xf32, #tpu.memory_space<vmem>> -> memref<1x4x4x8x128xf32, #tpu.memory_space<vmem>>
        %dma_wait3A_395 = tpu.memref_squeeze %dma_wait3A_394 : memref<1x4x4x8x128xf32, #tpu.memory_space<vmem>> -> memref<4x4x8x128xf32, #tpu.memory_space<vmem>>
        tpu.wait_dma2 semaphore(%arg11 : memref<!tpu.dma_semaphore, #tpu.memory_space<semaphore_mem>>) src(%dma_wait3A_395 : memref<4x4x8x128xf32, #tpu.memory_space<vmem>>) dst(%dma_wait3A_389 : memref<4x4x8x128xf32, #tpu.memory_space<hbm>>)
      } else {
      }
      %parallel_loop3A_340 = arith.constant 0 : i32
      %parallel_loop3A_341 = arith.constant 32 : i32
      %parallel_loop3A_342 = arith.constant 1 : i32
      scf.for %parallel_loop3A_370 = %parallel_loop3A_340 to %parallel_loop3A_341 step %parallel_loop3A_342  : i32 {
        %parallel_loop3A_371 = arith.constant 16 : i32
        %parallel_loop3A_372 = arith.muli %parallel_loop3A_370, %parallel_loop3A_371 : i32
        %parallel_loop3A_373 = arith.constant 128 : i32
        %parallel_loop3A_374 = arith.divsi %parallel_loop3A_372, %parallel_loop3A_373 : i32
        %parallel_loop3A_375 = arith.constant 0 : i32
        %parallel_loop3A_376 = arith.cmpi sgt, %parallel_loop3A_372, %parallel_loop3A_375 : i32
        %parallel_loop3A_377 = arith.extui %parallel_loop3A_376 : i1 to i32
        %parallel_loop3A_378 = arith.constant 0 : i32
        %parallel_loop3A_379 = arith.cmpi slt, %parallel_loop3A_372, %parallel_loop3A_378 : i32
        %parallel_loop3A_380 = arith.extui %parallel_loop3A_379 : i1 to i32
        %parallel_loop3A_381 = arith.subi %parallel_loop3A_377, %parallel_loop3A_380 : i32
        %parallel_loop3A_382 = arith.constant 0 : i32
        %parallel_loop3A_383 = arith.cmpi sgt, %parallel_loop3A_373, %parallel_loop3A_382 : i32
        %parallel_loop3A_384 = arith.extui %parallel_loop3A_383 : i1 to i32
        %parallel_loop3A_385 = arith.constant 0 : i32
        %parallel_loop3A_386 = arith.cmpi slt, %parallel_loop3A_373, %parallel_loop3A_385 : i32
        %parallel_loop3A_387 = arith.extui %parallel_loop3A_386 : i1 to i32
        %parallel_loop3A_388 = arith.subi %parallel_loop3A_384, %parallel_loop3A_387 : i32
        %parallel_loop3A_389 = arith.cmpi ne, %parallel_loop3A_381, %parallel_loop3A_388 : i32
        %parallel_loop3A_390 = arith.remsi %parallel_loop3A_372, %parallel_loop3A_373 : i32
        %parallel_loop3A_391 = arith.constant 0 : i32
        %parallel_loop3A_392 = arith.cmpi ne, %parallel_loop3A_390, %parallel_loop3A_391 : i32
        %parallel_loop3A_393 = arith.andi %parallel_loop3A_389, %parallel_loop3A_392 : i1
        %parallel_loop3A_394 = arith.constant 1 : i32
        %parallel_loop3A_395 = arith.subi %parallel_loop3A_374, %parallel_loop3A_394 : i32
        %parallel_loop3A_396 = arith.select %parallel_loop3A_393, %parallel_loop3A_395, %parallel_loop3A_374 : i32
        %parallel_loop3A_397 = vector.broadcast %parallel_loop3A_396 : i32 to vector<16xi32>
        %parallel_loop3A_398 = arith.constant 128 : i32
        %parallel_loop3A_399 = arith.constant 0 : i32
        %parallel_loop3A_400 = arith.cmpi eq, %parallel_loop3A_398, %parallel_loop3A_399 : i32
        %parallel_loop3A_401 = arith.constant 1 : i32
        %parallel_loop3A_402 = arith.select %parallel_loop3A_400, %parallel_loop3A_401, %parallel_loop3A_398 : i32
        %parallel_loop3A_403 = arith.remsi %parallel_loop3A_372, %parallel_loop3A_402 : i32
        %parallel_loop3A_404 = arith.constant 0 : i32
        %parallel_loop3A_405 = arith.cmpi ne, %parallel_loop3A_403, %parallel_loop3A_404 : i32
        %parallel_loop3A_406 = arith.constant 0 : i32
        %parallel_loop3A_407 = arith.cmpi slt, %parallel_loop3A_403, %parallel_loop3A_406 : i32
        %parallel_loop3A_408 = arith.constant 0 : i32
        %parallel_loop3A_409 = arith.cmpi slt, %parallel_loop3A_402, %parallel_loop3A_408 : i32
        %parallel_loop3A_410 = arith.xori %parallel_loop3A_407, %parallel_loop3A_409 : i1
        %parallel_loop3A_411 = arith.andi %parallel_loop3A_410, %parallel_loop3A_405 : i1
        %parallel_loop3A_412 = arith.addi %parallel_loop3A_403, %parallel_loop3A_402 : i32
        %parallel_loop3A_413 = arith.select %parallel_loop3A_411, %parallel_loop3A_412, %parallel_loop3A_403 : i32
        %parallel_loop3A_414 = vector.broadcast %parallel_loop3A_372 : i32 to vector<16xi32>
        %parallel_loop3A_415 = arith.addi %parallel_loop3A_414, %and3A_7 : vector<16xi32>
        %parallel_loop3A_416 = vector.broadcast %parallel_loop3A_413 : i32 to vector<16xi32>
        %parallel_loop3A_417 = arith.addi %parallel_loop3A_416, %and3A_7 : vector<16xi32>
        %parallel_loop3A_418 = arith.constant 1 : i32
        %parallel_loop3A_419 = arith.constant 0 : i32
        %parallel_loop3A_420 = arith.constant 0 : i32
        %parallel_loop3A_421 = tpu.memref_slice %arg6[%parallel_loop3A_418, %parallel_loop3A_419, %parallel_loop3A_420] : memref<2x512x32xf32, #tpu.memory_space<vmem>> -> memref<1x512x32xf32, #tpu.memory_space<vmem>>
        %parallel_loop3A_422 = tpu.memref_squeeze %parallel_loop3A_421 : memref<1x512x32xf32, #tpu.memory_space<vmem>> -> memref<512x32xf32, #tpu.memory_space<vmem>>
        %parallel_loop3A_423 = tpu.vector_load_idx %parallel_loop3A_422[%parallel_loop3A_415, %iota3A] : memref<512x32xf32, #tpu.memory_space<vmem>>[vector<16xi32>, vector<16xi32>], vector<16xf32>,
        %parallel_loop3A_424 = arith.constant 1 : i32
        %parallel_loop3A_425 = arith.constant 0 : i32
        %parallel_loop3A_426 = arith.constant 0 : i32
        %parallel_loop3A_427 = arith.constant 0 : i32
        %parallel_loop3A_428 = arith.constant 0 : i32
        %parallel_loop3A_429 = tpu.memref_slice %arg7[%parallel_loop3A_424, %parallel_loop3A_425, %parallel_loop3A_426, %parallel_loop3A_427, %parallel_loop3A_428] : memref<2x4x4x8x128xf32, #tpu.memory_space<vmem>> -> memref<1x4x4x8x128xf32, #tpu.memory_space<vmem>>
        %parallel_loop3A_430 = tpu.memref_squeeze %parallel_loop3A_429 : memref<1x4x4x8x128xf32, #tpu.memory_space<vmem>> -> memref<4x4x8x128xf32, #tpu.memory_space<vmem>>
        tpu.vector_store_idx %parallel_loop3A_430[%shift_right_arithmetic3A_102, %parallel_loop3A_397, %and3A_108, %parallel_loop3A_417], %parallel_loop3A_423 : memref<4x4x8x128xf32, #tpu.memory_space<vmem>>[vector<16xi32>, vector<16xi32>, vector<16xi32>, vector<16xi32>], vector<16xf32>,
        %parallel_loop3A_431 = arith.constant 1 : i32
        %parallel_loop3A_432 = arith.constant 0 : i32
        %parallel_loop3A_433 = arith.constant 0 : i32
        %parallel_loop3A_434 = tpu.memref_slice %arg6[%parallel_loop3A_431, %parallel_loop3A_432, %parallel_loop3A_433] : memref<2x512x32xf32, #tpu.memory_space<vmem>> -> memref<1x512x32xf32, #tpu.memory_space<vmem>>
        %parallel_loop3A_435 = tpu.memref_squeeze %parallel_loop3A_434 : memref<1x512x32xf32, #tpu.memory_space<vmem>> -> memref<512x32xf32, #tpu.memory_space<vmem>>
        %parallel_loop3A_436 = tpu.vector_load_idx %parallel_loop3A_435[%parallel_loop3A_415, %add3A_100] : memref<512x32xf32, #tpu.memory_space<vmem>>[vector<16xi32>, vector<16xi32>], vector<16xf32>,
        %parallel_loop3A_437 = arith.constant 1 : i32
        %parallel_loop3A_438 = arith.constant 0 : i32
        %parallel_loop3A_439 = arith.constant 0 : i32
        %parallel_loop3A_440 = arith.constant 0 : i32
        %parallel_loop3A_441 = arith.constant 0 : i32
        %parallel_loop3A_442 = tpu.memref_slice %arg7[%parallel_loop3A_437, %parallel_loop3A_438, %parallel_loop3A_439, %parallel_loop3A_440, %parallel_loop3A_441] : memref<2x4x4x8x128xf32, #tpu.memory_space<vmem>> -> memref<1x4x4x8x128xf32, #tpu.memory_space<vmem>>
        %parallel_loop3A_443 = tpu.memref_squeeze %parallel_loop3A_442 : memref<1x4x4x8x128xf32, #tpu.memory_space<vmem>> -> memref<4x4x8x128xf32, #tpu.memory_space<vmem>>
        tpu.vector_store_idx %parallel_loop3A_443[%shift_right_arithmetic3A_105, %parallel_loop3A_397, %and3A_111, %parallel_loop3A_417], %parallel_loop3A_436 : memref<4x4x8x128xf32, #tpu.memory_space<vmem>>[vector<16xi32>, vector<16xi32>, vector<16xi32>, vector<16xi32>], vector<16xf32>,
        %parallel_loop3A_444 = vector.broadcast %parallel_loop3A_372 : i32 to vector<16xi32>
        %parallel_loop3A_445 = arith.addi %parallel_loop3A_444, %and3A_13 : vector<16xi32>
        %parallel_loop3A_446 = vector.broadcast %parallel_loop3A_413 : i32 to vector<16xi32>
        %parallel_loop3A_447 = arith.addi %parallel_loop3A_446, %and3A_13 : vector<16xi32>
        %parallel_loop3A_448 = arith.constant 1 : i32
        %parallel_loop3A_449 = arith.constant 0 : i32
        %parallel_loop3A_450 = arith.constant 0 : i32
        %parallel_loop3A_451 = tpu.memref_slice %arg6[%parallel_loop3A_448, %parallel_loop3A_449, %parallel_loop3A_450] : memref<2x512x32xf32, #tpu.memory_space<vmem>> -> memref<1x512x32xf32, #tpu.memory_space<vmem>>
        %parallel_loop3A_452 = tpu.memref_squeeze %parallel_loop3A_451 : memref<1x512x32xf32, #tpu.memory_space<vmem>> -> memref<512x32xf32, #tpu.memory_space<vmem>>
        %parallel_loop3A_453 = tpu.vector_load_idx %parallel_loop3A_452[%parallel_loop3A_445, %iota3A] : memref<512x32xf32, #tpu.memory_space<vmem>>[vector<16xi32>, vector<16xi32>], vector<16xf32>,
        %parallel_loop3A_454 = arith.constant 1 : i32
        %parallel_loop3A_455 = arith.constant 0 : i32
        %parallel_loop3A_456 = arith.constant 0 : i32
        %parallel_loop3A_457 = arith.constant 0 : i32
        %parallel_loop3A_458 = arith.constant 0 : i32
        %parallel_loop3A_459 = tpu.memref_slice %arg7[%parallel_loop3A_454, %parallel_loop3A_455, %parallel_loop3A_456, %parallel_loop3A_457, %parallel_loop3A_458] : memref<2x4x4x8x128xf32, #tpu.memory_space<vmem>> -> memref<1x4x4x8x128xf32, #tpu.memory_space<vmem>>
        %parallel_loop3A_460 = tpu.memref_squeeze %parallel_loop3A_459 : memref<1x4x4x8x128xf32, #tpu.memory_space<vmem>> -> memref<4x4x8x128xf32, #tpu.memory_space<vmem>>
        tpu.vector_store_idx %parallel_loop3A_460[%shift_right_arithmetic3A_102, %parallel_loop3A_397, %and3A_108, %parallel_loop3A_447], %parallel_loop3A_453 : memref<4x4x8x128xf32, #tpu.memory_space<vmem>>[vector<16xi32>, vector<16xi32>, vector<16xi32>, vector<16xi32>], vector<16xf32>,
        %parallel_loop3A_461 = arith.constant 1 : i32
        %parallel_loop3A_462 = arith.constant 0 : i32
        %parallel_loop3A_463 = arith.constant 0 : i32
        %parallel_loop3A_464 = tpu.memref_slice %arg6[%parallel_loop3A_461, %parallel_loop3A_462, %parallel_loop3A_463] : memref<2x512x32xf32, #tpu.memory_space<vmem>> -> memref<1x512x32xf32, #tpu.memory_space<vmem>>
        %parallel_loop3A_465 = tpu.memref_squeeze %parallel_loop3A_464 : memref<1x512x32xf32, #tpu.memory_space<vmem>> -> memref<512x32xf32, #tpu.memory_space<vmem>>
        %parallel_loop3A_466 = tpu.vector_load_idx %parallel_loop3A_465[%parallel_loop3A_445, %add3A_100] : memref<512x32xf32, #tpu.memory_space<vmem>>[vector<16xi32>, vector<16xi32>], vector<16xf32>,
        %parallel_loop3A_467 = arith.constant 1 : i32
        %parallel_loop3A_468 = arith.constant 0 : i32
        %parallel_loop3A_469 = arith.constant 0 : i32
        %parallel_loop3A_470 = arith.constant 0 : i32
        %parallel_loop3A_471 = arith.constant 0 : i32
        %parallel_loop3A_472 = tpu.memref_slice %arg7[%parallel_loop3A_467, %parallel_loop3A_468, %parallel_loop3A_469, %parallel_loop3A_470, %parallel_loop3A_471] : memref<2x4x4x8x128xf32, #tpu.memory_space<vmem>> -> memref<1x4x4x8x128xf32, #tpu.memory_space<vmem>>
        %parallel_loop3A_473 = tpu.memref_squeeze %parallel_loop3A_472 : memref<1x4x4x8x128xf32, #tpu.memory_space<vmem>> -> memref<4x4x8x128xf32, #tpu.memory_space<vmem>>
        tpu.vector_store_idx %parallel_loop3A_473[%shift_right_arithmetic3A_105, %parallel_loop3A_397, %and3A_111, %parallel_loop3A_447], %parallel_loop3A_466 : memref<4x4x8x128xf32, #tpu.memory_space<vmem>>[vector<16xi32>, vector<16xi32>, vector<16xi32>, vector<16xi32>], vector<16xf32>,
        %parallel_loop3A_474 = vector.broadcast %parallel_loop3A_372 : i32 to vector<16xi32>
        %parallel_loop3A_475 = arith.addi %parallel_loop3A_474, %and3A_19 : vector<16xi32>
        %parallel_loop3A_476 = vector.broadcast %parallel_loop3A_413 : i32 to vector<16xi32>
        %parallel_loop3A_477 = arith.addi %parallel_loop3A_476, %and3A_19 : vector<16xi32>
        %parallel_loop3A_478 = arith.constant 1 : i32
        %parallel_loop3A_479 = arith.constant 0 : i32
        %parallel_loop3A_480 = arith.constant 0 : i32
        %parallel_loop3A_481 = tpu.memref_slice %arg6[%parallel_loop3A_478, %parallel_loop3A_479, %parallel_loop3A_480] : memref<2x512x32xf32, #tpu.memory_space<vmem>> -> memref<1x512x32xf32, #tpu.memory_space<vmem>>
        %parallel_loop3A_482 = tpu.memref_squeeze %parallel_loop3A_481 : memref<1x512x32xf32, #tpu.memory_space<vmem>> -> memref<512x32xf32, #tpu.memory_space<vmem>>
        %parallel_loop3A_483 = tpu.vector_load_idx %parallel_loop3A_482[%parallel_loop3A_475, %iota3A] : memref<512x32xf32, #tpu.memory_space<vmem>>[vector<16xi32>, vector<16xi32>], vector<16xf32>,
        %parallel_loop3A_484 = arith.constant 1 : i32
        %parallel_loop3A_485 = arith.constant 0 : i32
        %parallel_loop3A_486 = arith.constant 0 : i32
        %parallel_loop3A_487 = arith.constant 0 : i32
        %parallel_loop3A_488 = arith.constant 0 : i32
        %parallel_loop3A_489 = tpu.memref_slice %arg7[%parallel_loop3A_484, %parallel_loop3A_485, %parallel_loop3A_486, %parallel_loop3A_487, %parallel_loop3A_488] : memref<2x4x4x8x128xf32, #tpu.memory_space<vmem>> -> memref<1x4x4x8x128xf32, #tpu.memory_space<vmem>>
        %parallel_loop3A_490 = tpu.memref_squeeze %parallel_loop3A_489 : memref<1x4x4x8x128xf32, #tpu.memory_space<vmem>> -> memref<4x4x8x128xf32, #tpu.memory_space<vmem>>
        tpu.vector_store_idx %parallel_loop3A_490[%shift_right_arithmetic3A_102, %parallel_loop3A_397, %and3A_108, %parallel_loop3A_477], %parallel_loop3A_483 : memref<4x4x8x128xf32, #tpu.memory_space<vmem>>[vector<16xi32>, vector<16xi32>, vector<16xi32>, vector<16xi32>], vector<16xf32>,
        %parallel_loop3A_491 = arith.constant 1 : i32
        %parallel_loop3A_492 = arith.constant 0 : i32
        %parallel_loop3A_493 = arith.constant 0 : i32
        %parallel_loop3A_494 = tpu.memref_slice %arg6[%parallel_loop3A_491, %parallel_loop3A_492, %parallel_loop3A_493] : memref<2x512x32xf32, #tpu.memory_space<vmem>> -> memref<1x512x32xf32, #tpu.memory_space<vmem>>
        %parallel_loop3A_495 = tpu.memref_squeeze %parallel_loop3A_494 : memref<1x512x32xf32, #tpu.memory_space<vmem>> -> memref<512x32xf32, #tpu.memory_space<vmem>>
        %parallel_loop3A_496 = tpu.vector_load_idx %parallel_loop3A_495[%parallel_loop3A_475, %add3A_100] : memref<512x32xf32, #tpu.memory_space<vmem>>[vector<16xi32>, vector<16xi32>], vector<16xf32>,
        %parallel_loop3A_497 = arith.constant 1 : i32
        %parallel_loop3A_498 = arith.constant 0 : i32
        %parallel_loop3A_499 = arith.constant 0 : i32
        %parallel_loop3A_500 = arith.constant 0 : i32
        %parallel_loop3A_501 = arith.constant 0 : i32
        %parallel_loop3A_502 = tpu.memref_slice %arg7[%parallel_loop3A_497, %parallel_loop3A_498, %parallel_loop3A_499, %parallel_loop3A_500, %parallel_loop3A_501] : memref<2x4x4x8x128xf32, #tpu.memory_space<vmem>> -> memref<1x4x4x8x128xf32, #tpu.memory_space<vmem>>
        %parallel_loop3A_503 = tpu.memref_squeeze %parallel_loop3A_502 : memref<1x4x4x8x128xf32, #tpu.memory_space<vmem>> -> memref<4x4x8x128xf32, #tpu.memory_space<vmem>>
        tpu.vector_store_idx %parallel_loop3A_503[%shift_right_arithmetic3A_105, %parallel_loop3A_397, %and3A_111, %parallel_loop3A_477], %parallel_loop3A_496 : memref<4x4x8x128xf32, #tpu.memory_space<vmem>>[vector<16xi32>, vector<16xi32>, vector<16xi32>, vector<16xi32>], vector<16xf32>,
        %parallel_loop3A_504 = vector.broadcast %parallel_loop3A_372 : i32 to vector<16xi32>
        %parallel_loop3A_505 = arith.addi %parallel_loop3A_504, %and3A_25 : vector<16xi32>
        %parallel_loop3A_506 = vector.broadcast %parallel_loop3A_413 : i32 to vector<16xi32>
        %parallel_loop3A_507 = arith.addi %parallel_loop3A_506, %and3A_25 : vector<16xi32>
        %parallel_loop3A_508 = arith.constant 1 : i32
        %parallel_loop3A_509 = arith.constant 0 : i32
        %parallel_loop3A_510 = arith.constant 0 : i32
        %parallel_loop3A_511 = tpu.memref_slice %arg6[%parallel_loop3A_508, %parallel_loop3A_509, %parallel_loop3A_510] : memref<2x512x32xf32, #tpu.memory_space<vmem>> -> memref<1x512x32xf32, #tpu.memory_space<vmem>>
        %parallel_loop3A_512 = tpu.memref_squeeze %parallel_loop3A_511 : memref<1x512x32xf32, #tpu.memory_space<vmem>> -> memref<512x32xf32, #tpu.memory_space<vmem>>
        %parallel_loop3A_513 = tpu.vector_load_idx %parallel_loop3A_512[%parallel_loop3A_505, %iota3A] : memref<512x32xf32, #tpu.memory_space<vmem>>[vector<16xi32>, vector<16xi32>], vector<16xf32>,
        %parallel_loop3A_514 = arith.constant 1 : i32
        %parallel_loop3A_515 = arith.constant 0 : i32
        %parallel_loop3A_516 = arith.constant 0 : i32
        %parallel_loop3A_517 = arith.constant 0 : i32
        %parallel_loop3A_518 = arith.constant 0 : i32
        %parallel_loop3A_519 = tpu.memref_slice %arg7[%parallel_loop3A_514, %parallel_loop3A_515, %parallel_loop3A_516, %parallel_loop3A_517, %parallel_loop3A_518] : memref<2x4x4x8x128xf32, #tpu.memory_space<vmem>> -> memref<1x4x4x8x128xf32, #tpu.memory_space<vmem>>
        %parallel_loop3A_520 = tpu.memref_squeeze %parallel_loop3A_519 : memref<1x4x4x8x128xf32, #tpu.memory_space<vmem>> -> memref<4x4x8x128xf32, #tpu.memory_space<vmem>>
        tpu.vector_store_idx %parallel_loop3A_520[%shift_right_arithmetic3A_102, %parallel_loop3A_397, %and3A_108, %parallel_loop3A_507], %parallel_loop3A_513 : memref<4x4x8x128xf32, #tpu.memory_space<vmem>>[vector<16xi32>, vector<16xi32>, vector<16xi32>, vector<16xi32>], vector<16xf32>,
        %parallel_loop3A_521 = arith.constant 1 : i32
        %parallel_loop3A_522 = arith.constant 0 : i32
        %parallel_loop3A_523 = arith.constant 0 : i32
        %parallel_loop3A_524 = tpu.memref_slice %arg6[%parallel_loop3A_521, %parallel_loop3A_522, %parallel_loop3A_523] : memref<2x512x32xf32, #tpu.memory_space<vmem>> -> memref<1x512x32xf32, #tpu.memory_space<vmem>>
        %parallel_loop3A_525 = tpu.memref_squeeze %parallel_loop3A_524 : memref<1x512x32xf32, #tpu.memory_space<vmem>> -> memref<512x32xf32, #tpu.memory_space<vmem>>
        %parallel_loop3A_526 = tpu.vector_load_idx %parallel_loop3A_525[%parallel_loop3A_505, %add3A_100] : memref<512x32xf32, #tpu.memory_space<vmem>>[vector<16xi32>, vector<16xi32>], vector<16xf32>,
        %parallel_loop3A_527 = arith.constant 1 : i32
        %parallel_loop3A_528 = arith.constant 0 : i32
        %parallel_loop3A_529 = arith.constant 0 : i32
        %parallel_loop3A_530 = arith.constant 0 : i32
        %parallel_loop3A_531 = arith.constant 0 : i32
        %parallel_loop3A_532 = tpu.memref_slice %arg7[%parallel_loop3A_527, %parallel_loop3A_528, %parallel_loop3A_529, %parallel_loop3A_530, %parallel_loop3A_531] : memref<2x4x4x8x128xf32, #tpu.memory_space<vmem>> -> memref<1x4x4x8x128xf32, #tpu.memory_space<vmem>>
        %parallel_loop3A_533 = tpu.memref_squeeze %parallel_loop3A_532 : memref<1x4x4x8x128xf32, #tpu.memory_space<vmem>> -> memref<4x4x8x128xf32, #tpu.memory_space<vmem>>
        tpu.vector_store_idx %parallel_loop3A_533[%shift_right_arithmetic3A_105, %parallel_loop3A_397, %and3A_111, %parallel_loop3A_507], %parallel_loop3A_526 : memref<4x4x8x128xf32, #tpu.memory_space<vmem>>[vector<16xi32>, vector<16xi32>, vector<16xi32>, vector<16xi32>], vector<16xf32>,
        %parallel_loop3A_534 = vector.broadcast %parallel_loop3A_372 : i32 to vector<16xi32>
        %parallel_loop3A_535 = arith.addi %parallel_loop3A_534, %and3A_31 : vector<16xi32>
        %parallel_loop3A_536 = vector.broadcast %parallel_loop3A_413 : i32 to vector<16xi32>
        %parallel_loop3A_537 = arith.addi %parallel_loop3A_536, %and3A_31 : vector<16xi32>
        %parallel_loop3A_538 = arith.constant 1 : i32
        %parallel_loop3A_539 = arith.constant 0 : i32
        %parallel_loop3A_540 = arith.constant 0 : i32
        %parallel_loop3A_541 = tpu.memref_slice %arg6[%parallel_loop3A_538, %parallel_loop3A_539, %parallel_loop3A_540] : memref<2x512x32xf32, #tpu.memory_space<vmem>> -> memref<1x512x32xf32, #tpu.memory_space<vmem>>
        %parallel_loop3A_542 = tpu.memref_squeeze %parallel_loop3A_541 : memref<1x512x32xf32, #tpu.memory_space<vmem>> -> memref<512x32xf32, #tpu.memory_space<vmem>>
        %parallel_loop3A_543 = tpu.vector_load_idx %parallel_loop3A_542[%parallel_loop3A_535, %iota3A] : memref<512x32xf32, #tpu.memory_space<vmem>>[vector<16xi32>, vector<16xi32>], vector<16xf32>,
        %parallel_loop3A_544 = arith.constant 1 : i32
        %parallel_loop3A_545 = arith.constant 0 : i32
        %parallel_loop3A_546 = arith.constant 0 : i32
        %parallel_loop3A_547 = arith.constant 0 : i32
        %parallel_loop3A_548 = arith.constant 0 : i32
        %parallel_loop3A_549 = tpu.memref_slice %arg7[%parallel_loop3A_544, %parallel_loop3A_545, %parallel_loop3A_546, %parallel_loop3A_547, %parallel_loop3A_548] : memref<2x4x4x8x128xf32, #tpu.memory_space<vmem>> -> memref<1x4x4x8x128xf32, #tpu.memory_space<vmem>>
        %parallel_loop3A_550 = tpu.memref_squeeze %parallel_loop3A_549 : memref<1x4x4x8x128xf32, #tpu.memory_space<vmem>> -> memref<4x4x8x128xf32, #tpu.memory_space<vmem>>
        tpu.vector_store_idx %parallel_loop3A_550[%shift_right_arithmetic3A_102, %parallel_loop3A_397, %and3A_108, %parallel_loop3A_537], %parallel_loop3A_543 : memref<4x4x8x128xf32, #tpu.memory_space<vmem>>[vector<16xi32>, vector<16xi32>, vector<16xi32>, vector<16xi32>], vector<16xf32>,
        %parallel_loop3A_551 = arith.constant 1 : i32
        %parallel_loop3A_552 = arith.constant 0 : i32
        %parallel_loop3A_553 = arith.constant 0 : i32
        %parallel_loop3A_554 = tpu.memref_slice %arg6[%parallel_loop3A_551, %parallel_loop3A_552, %parallel_loop3A_553] : memref<2x512x32xf32, #tpu.memory_space<vmem>> -> memref<1x512x32xf32, #tpu.memory_space<vmem>>
        %parallel_loop3A_555 = tpu.memref_squeeze %parallel_loop3A_554 : memref<1x512x32xf32, #tpu.memory_space<vmem>> -> memref<512x32xf32, #tpu.memory_space<vmem>>
        %parallel_loop3A_556 = tpu.vector_load_idx %parallel_loop3A_555[%parallel_loop3A_535, %add3A_100] : memref<512x32xf32, #tpu.memory_space<vmem>>[vector<16xi32>, vector<16xi32>], vector<16xf32>,
        %parallel_loop3A_557 = arith.constant 1 : i32
        %parallel_loop3A_558 = arith.constant 0 : i32
        %parallel_loop3A_559 = arith.constant 0 : i32
        %parallel_loop3A_560 = arith.constant 0 : i32
        %parallel_loop3A_561 = arith.constant 0 : i32
        %parallel_loop3A_562 = tpu.memref_slice %arg7[%parallel_loop3A_557, %parallel_loop3A_558, %parallel_loop3A_559, %parallel_loop3A_560, %parallel_loop3A_561] : memref<2x4x4x8x128xf32, #tpu.memory_space<vmem>> -> memref<1x4x4x8x128xf32, #tpu.memory_space<vmem>>
        %parallel_loop3A_563 = tpu.memref_squeeze %parallel_loop3A_562 : memref<1x4x4x8x128xf32, #tpu.memory_space<vmem>> -> memref<4x4x8x128xf32, #tpu.memory_space<vmem>>
        tpu.vector_store_idx %parallel_loop3A_563[%shift_right_arithmetic3A_105, %parallel_loop3A_397, %and3A_111, %parallel_loop3A_537], %parallel_loop3A_556 : memref<4x4x8x128xf32, #tpu.memory_space<vmem>>[vector<16xi32>, vector<16xi32>, vector<16xi32>, vector<16xi32>], vector<16xf32>,
        %parallel_loop3A_564 = vector.broadcast %parallel_loop3A_372 : i32 to vector<16xi32>
        %parallel_loop3A_565 = arith.addi %parallel_loop3A_564, %and3A_37 : vector<16xi32>
        %parallel_loop3A_566 = vector.broadcast %parallel_loop3A_413 : i32 to vector<16xi32>
        %parallel_loop3A_567 = arith.addi %parallel_loop3A_566, %and3A_37 : vector<16xi32>
        %parallel_loop3A_568 = arith.constant 1 : i32
        %parallel_loop3A_569 = arith.constant 0 : i32
        %parallel_loop3A_570 = arith.constant 0 : i32
        %parallel_loop3A_571 = tpu.memref_slice %arg6[%parallel_loop3A_568, %parallel_loop3A_569, %parallel_loop3A_570] : memref<2x512x32xf32, #tpu.memory_space<vmem>> -> memref<1x512x32xf32, #tpu.memory_space<vmem>>
        %parallel_loop3A_572 = tpu.memref_squeeze %parallel_loop3A_571 : memref<1x512x32xf32, #tpu.memory_space<vmem>> -> memref<512x32xf32, #tpu.memory_space<vmem>>
        %parallel_loop3A_573 = tpu.vector_load_idx %parallel_loop3A_572[%parallel_loop3A_565, %iota3A] : memref<512x32xf32, #tpu.memory_space<vmem>>[vector<16xi32>, vector<16xi32>], vector<16xf32>,
        %parallel_loop3A_574 = arith.constant 1 : i32
        %parallel_loop3A_575 = arith.constant 0 : i32
        %parallel_loop3A_576 = arith.constant 0 : i32
        %parallel_loop3A_577 = arith.constant 0 : i32
        %parallel_loop3A_578 = arith.constant 0 : i32
        %parallel_loop3A_579 = tpu.memref_slice %arg7[%parallel_loop3A_574, %parallel_loop3A_575, %parallel_loop3A_576, %parallel_loop3A_577, %parallel_loop3A_578] : memref<2x4x4x8x128xf32, #tpu.memory_space<vmem>> -> memref<1x4x4x8x128xf32, #tpu.memory_space<vmem>>
        %parallel_loop3A_580 = tpu.memref_squeeze %parallel_loop3A_579 : memref<1x4x4x8x128xf32, #tpu.memory_space<vmem>> -> memref<4x4x8x128xf32, #tpu.memory_space<vmem>>
        tpu.vector_store_idx %parallel_loop3A_580[%shift_right_arithmetic3A_102, %parallel_loop3A_397, %and3A_108, %parallel_loop3A_567], %parallel_loop3A_573 : memref<4x4x8x128xf32, #tpu.memory_space<vmem>>[vector<16xi32>, vector<16xi32>, vector<16xi32>, vector<16xi32>], vector<16xf32>,
        %parallel_loop3A_581 = arith.constant 1 : i32
        %parallel_loop3A_582 = arith.constant 0 : i32
        %parallel_loop3A_583 = arith.constant 0 : i32
        %parallel_loop3A_584 = tpu.memref_slice %arg6[%parallel_loop3A_581, %parallel_loop3A_582, %parallel_loop3A_583] : memref<2x512x32xf32, #tpu.memory_space<vmem>> -> memref<1x512x32xf32, #tpu.memory_space<vmem>>
        %parallel_loop3A_585 = tpu.memref_squeeze %parallel_loop3A_584 : memref<1x512x32xf32, #tpu.memory_space<vmem>> -> memref<512x32xf32, #tpu.memory_space<vmem>>
        %parallel_loop3A_586 = tpu.vector_load_idx %parallel_loop3A_585[%parallel_loop3A_565, %add3A_100] : memref<512x32xf32, #tpu.memory_space<vmem>>[vector<16xi32>, vector<16xi32>], vector<16xf32>,
        %parallel_loop3A_587 = arith.constant 1 : i32
        %parallel_loop3A_588 = arith.constant 0 : i32
        %parallel_loop3A_589 = arith.constant 0 : i32
        %parallel_loop3A_590 = arith.constant 0 : i32
        %parallel_loop3A_591 = arith.constant 0 : i32
        %parallel_loop3A_592 = tpu.memref_slice %arg7[%parallel_loop3A_587, %parallel_loop3A_588, %parallel_loop3A_589, %parallel_loop3A_590, %parallel_loop3A_591] : memref<2x4x4x8x128xf32, #tpu.memory_space<vmem>> -> memref<1x4x4x8x128xf32, #tpu.memory_space<vmem>>
        %parallel_loop3A_593 = tpu.memref_squeeze %parallel_loop3A_592 : memref<1x4x4x8x128xf32, #tpu.memory_space<vmem>> -> memref<4x4x8x128xf32, #tpu.memory_space<vmem>>
        tpu.vector_store_idx %parallel_loop3A_593[%shift_right_arithmetic3A_105, %parallel_loop3A_397, %and3A_111, %parallel_loop3A_567], %parallel_loop3A_586 : memref<4x4x8x128xf32, #tpu.memory_space<vmem>>[vector<16xi32>, vector<16xi32>, vector<16xi32>, vector<16xi32>], vector<16xf32>,
        %parallel_loop3A_594 = vector.broadcast %parallel_loop3A_372 : i32 to vector<16xi32>
        %parallel_loop3A_595 = arith.addi %parallel_loop3A_594, %and3A_43 : vector<16xi32>
        %parallel_loop3A_596 = vector.broadcast %parallel_loop3A_413 : i32 to vector<16xi32>
        %parallel_loop3A_597 = arith.addi %parallel_loop3A_596, %and3A_43 : vector<16xi32>
        %parallel_loop3A_598 = arith.constant 1 : i32
        %parallel_loop3A_599 = arith.constant 0 : i32
        %parallel_loop3A_600 = arith.constant 0 : i32
        %parallel_loop3A_601 = tpu.memref_slice %arg6[%parallel_loop3A_598, %parallel_loop3A_599, %parallel_loop3A_600] : memref<2x512x32xf32, #tpu.memory_space<vmem>> -> memref<1x512x32xf32, #tpu.memory_space<vmem>>
        %parallel_loop3A_602 = tpu.memref_squeeze %parallel_loop3A_601 : memref<1x512x32xf32, #tpu.memory_space<vmem>> -> memref<512x32xf32, #tpu.memory_space<vmem>>
        %parallel_loop3A_603 = tpu.vector_load_idx %parallel_loop3A_602[%parallel_loop3A_595, %iota3A] : memref<512x32xf32, #tpu.memory_space<vmem>>[vector<16xi32>, vector<16xi32>], vector<16xf32>,
        %parallel_loop3A_604 = arith.constant 1 : i32
        %parallel_loop3A_605 = arith.constant 0 : i32
        %parallel_loop3A_606 = arith.constant 0 : i32
        %parallel_loop3A_607 = arith.constant 0 : i32
        %parallel_loop3A_608 = arith.constant 0 : i32
        %parallel_loop3A_609 = tpu.memref_slice %arg7[%parallel_loop3A_604, %parallel_loop3A_605, %parallel_loop3A_606, %parallel_loop3A_607, %parallel_loop3A_608] : memref<2x4x4x8x128xf32, #tpu.memory_space<vmem>> -> memref<1x4x4x8x128xf32, #tpu.memory_space<vmem>>
        %parallel_loop3A_610 = tpu.memref_squeeze %parallel_loop3A_609 : memref<1x4x4x8x128xf32, #tpu.memory_space<vmem>> -> memref<4x4x8x128xf32, #tpu.memory_space<vmem>>
        tpu.vector_store_idx %parallel_loop3A_610[%shift_right_arithmetic3A_102, %parallel_loop3A_397, %and3A_108, %parallel_loop3A_597], %parallel_loop3A_603 : memref<4x4x8x128xf32, #tpu.memory_space<vmem>>[vector<16xi32>, vector<16xi32>, vector<16xi32>, vector<16xi32>], vector<16xf32>,
        %parallel_loop3A_611 = arith.constant 1 : i32
        %parallel_loop3A_612 = arith.constant 0 : i32
        %parallel_loop3A_613 = arith.constant 0 : i32
        %parallel_loop3A_614 = tpu.memref_slice %arg6[%parallel_loop3A_611, %parallel_loop3A_612, %parallel_loop3A_613] : memref<2x512x32xf32, #tpu.memory_space<vmem>> -> memref<1x512x32xf32, #tpu.memory_space<vmem>>
        %parallel_loop3A_615 = tpu.memref_squeeze %parallel_loop3A_614 : memref<1x512x32xf32, #tpu.memory_space<vmem>> -> memref<512x32xf32, #tpu.memory_space<vmem>>
        %parallel_loop3A_616 = tpu.vector_load_idx %parallel_loop3A_615[%parallel_loop3A_595, %add3A_100] : memref<512x32xf32, #tpu.memory_space<vmem>>[vector<16xi32>, vector<16xi32>], vector<16xf32>,
        %parallel_loop3A_617 = arith.constant 1 : i32
        %parallel_loop3A_618 = arith.constant 0 : i32
        %parallel_loop3A_619 = arith.constant 0 : i32
        %parallel_loop3A_620 = arith.constant 0 : i32
        %parallel_loop3A_621 = arith.constant 0 : i32
        %parallel_loop3A_622 = tpu.memref_slice %arg7[%parallel_loop3A_617, %parallel_loop3A_618, %parallel_loop3A_619, %parallel_loop3A_620, %parallel_loop3A_621] : memref<2x4x4x8x128xf32, #tpu.memory_space<vmem>> -> memref<1x4x4x8x128xf32, #tpu.memory_space<vmem>>
        %parallel_loop3A_623 = tpu.memref_squeeze %parallel_loop3A_622 : memref<1x4x4x8x128xf32, #tpu.memory_space<vmem>> -> memref<4x4x8x128xf32, #tpu.memory_space<vmem>>
        tpu.vector_store_idx %parallel_loop3A_623[%shift_right_arithmetic3A_105, %parallel_loop3A_397, %and3A_111, %parallel_loop3A_597], %parallel_loop3A_616 : memref<4x4x8x128xf32, #tpu.memory_space<vmem>>[vector<16xi32>, vector<16xi32>, vector<16xi32>, vector<16xi32>], vector<16xf32>,
        %parallel_loop3A_624 = vector.broadcast %parallel_loop3A_372 : i32 to vector<16xi32>
        %parallel_loop3A_625 = arith.addi %parallel_loop3A_624, %and3A_49 : vector<16xi32>
        %parallel_loop3A_626 = vector.broadcast %parallel_loop3A_413 : i32 to vector<16xi32>
        %parallel_loop3A_627 = arith.addi %parallel_loop3A_626, %and3A_49 : vector<16xi32>
        %parallel_loop3A_628 = arith.constant 1 : i32
        %parallel_loop3A_629 = arith.constant 0 : i32
        %parallel_loop3A_630 = arith.constant 0 : i32
        %parallel_loop3A_631 = tpu.memref_slice %arg6[%parallel_loop3A_628, %parallel_loop3A_629, %parallel_loop3A_630] : memref<2x512x32xf32, #tpu.memory_space<vmem>> -> memref<1x512x32xf32, #tpu.memory_space<vmem>>
        %parallel_loop3A_632 = tpu.memref_squeeze %parallel_loop3A_631 : memref<1x512x32xf32, #tpu.memory_space<vmem>> -> memref<512x32xf32, #tpu.memory_space<vmem>>
        %parallel_loop3A_633 = tpu.vector_load_idx %parallel_loop3A_632[%parallel_loop3A_625, %iota3A] : memref<512x32xf32, #tpu.memory_space<vmem>>[vector<16xi32>, vector<16xi32>], vector<16xf32>,
        %parallel_loop3A_634 = arith.constant 1 : i32
        %parallel_loop3A_635 = arith.constant 0 : i32
        %parallel_loop3A_636 = arith.constant 0 : i32
        %parallel_loop3A_637 = arith.constant 0 : i32
        %parallel_loop3A_638 = arith.constant 0 : i32
        %parallel_loop3A_639 = tpu.memref_slice %arg7[%parallel_loop3A_634, %parallel_loop3A_635, %parallel_loop3A_636, %parallel_loop3A_637, %parallel_loop3A_638] : memref<2x4x4x8x128xf32, #tpu.memory_space<vmem>> -> memref<1x4x4x8x128xf32, #tpu.memory_space<vmem>>
        %parallel_loop3A_640 = tpu.memref_squeeze %parallel_loop3A_639 : memref<1x4x4x8x128xf32, #tpu.memory_space<vmem>> -> memref<4x4x8x128xf32, #tpu.memory_space<vmem>>
        tpu.vector_store_idx %parallel_loop3A_640[%shift_right_arithmetic3A_102, %parallel_loop3A_397, %and3A_108, %parallel_loop3A_627], %parallel_loop3A_633 : memref<4x4x8x128xf32, #tpu.memory_space<vmem>>[vector<16xi32>, vector<16xi32>, vector<16xi32>, vector<16xi32>], vector<16xf32>,
        %parallel_loop3A_641 = arith.constant 1 : i32
        %parallel_loop3A_642 = arith.constant 0 : i32
        %parallel_loop3A_643 = arith.constant 0 : i32
        %parallel_loop3A_644 = tpu.memref_slice %arg6[%parallel_loop3A_641, %parallel_loop3A_642, %parallel_loop3A_643] : memref<2x512x32xf32, #tpu.memory_space<vmem>> -> memref<1x512x32xf32, #tpu.memory_space<vmem>>
        %parallel_loop3A_645 = tpu.memref_squeeze %parallel_loop3A_644 : memref<1x512x32xf32, #tpu.memory_space<vmem>> -> memref<512x32xf32, #tpu.memory_space<vmem>>
        %parallel_loop3A_646 = tpu.vector_load_idx %parallel_loop3A_645[%parallel_loop3A_625, %add3A_100] : memref<512x32xf32, #tpu.memory_space<vmem>>[vector<16xi32>, vector<16xi32>], vector<16xf32>,
        %parallel_loop3A_647 = arith.constant 1 : i32
        %parallel_loop3A_648 = arith.constant 0 : i32
        %parallel_loop3A_649 = arith.constant 0 : i32
        %parallel_loop3A_650 = arith.constant 0 : i32
        %parallel_loop3A_651 = arith.constant 0 : i32
        %parallel_loop3A_652 = tpu.memref_slice %arg7[%parallel_loop3A_647, %parallel_loop3A_648, %parallel_loop3A_649, %parallel_loop3A_650, %parallel_loop3A_651] : memref<2x4x4x8x128xf32, #tpu.memory_space<vmem>> -> memref<1x4x4x8x128xf32, #tpu.memory_space<vmem>>
        %parallel_loop3A_653 = tpu.memref_squeeze %parallel_loop3A_652 : memref<1x4x4x8x128xf32, #tpu.memory_space<vmem>> -> memref<4x4x8x128xf32, #tpu.memory_space<vmem>>
        tpu.vector_store_idx %parallel_loop3A_653[%shift_right_arithmetic3A_105, %parallel_loop3A_397, %and3A_111, %parallel_loop3A_627], %parallel_loop3A_646 : memref<4x4x8x128xf32, #tpu.memory_space<vmem>>[vector<16xi32>, vector<16xi32>, vector<16xi32>, vector<16xi32>], vector<16xf32>,
        %parallel_loop3A_654 = vector.broadcast %parallel_loop3A_372 : i32 to vector<16xi32>
        %parallel_loop3A_655 = arith.addi %parallel_loop3A_654, %and3A_55 : vector<16xi32>
        %parallel_loop3A_656 = vector.broadcast %parallel_loop3A_413 : i32 to vector<16xi32>
        %parallel_loop3A_657 = arith.addi %parallel_loop3A_656, %and3A_55 : vector<16xi32>
        %parallel_loop3A_658 = arith.constant 1 : i32
        %parallel_loop3A_659 = arith.constant 0 : i32
        %parallel_loop3A_660 = arith.constant 0 : i32
        %parallel_loop3A_661 = tpu.memref_slice %arg6[%parallel_loop3A_658, %parallel_loop3A_659, %parallel_loop3A_660] : memref<2x512x32xf32, #tpu.memory_space<vmem>> -> memref<1x512x32xf32, #tpu.memory_space<vmem>>
        %parallel_loop3A_662 = tpu.memref_squeeze %parallel_loop3A_661 : memref<1x512x32xf32, #tpu.memory_space<vmem>> -> memref<512x32xf32, #tpu.memory_space<vmem>>
        %parallel_loop3A_663 = tpu.vector_load_idx %parallel_loop3A_662[%parallel_loop3A_655, %iota3A] : memref<512x32xf32, #tpu.memory_space<vmem>>[vector<16xi32>, vector<16xi32>], vector<16xf32>,
        %parallel_loop3A_664 = arith.constant 1 : i32
        %parallel_loop3A_665 = arith.constant 0 : i32
        %parallel_loop3A_666 = arith.constant 0 : i32
        %parallel_loop3A_667 = arith.constant 0 : i32
        %parallel_loop3A_668 = arith.constant 0 : i32
        %parallel_loop3A_669 = tpu.memref_slice %arg7[%parallel_loop3A_664, %parallel_loop3A_665, %parallel_loop3A_666, %parallel_loop3A_667, %parallel_loop3A_668] : memref<2x4x4x8x128xf32, #tpu.memory_space<vmem>> -> memref<1x4x4x8x128xf32, #tpu.memory_space<vmem>>
        %parallel_loop3A_670 = tpu.memref_squeeze %parallel_loop3A_669 : memref<1x4x4x8x128xf32, #tpu.memory_space<vmem>> -> memref<4x4x8x128xf32, #tpu.memory_space<vmem>>
        tpu.vector_store_idx %parallel_loop3A_670[%shift_right_arithmetic3A_102, %parallel_loop3A_397, %and3A_108, %parallel_loop3A_657], %parallel_loop3A_663 : memref<4x4x8x128xf32, #tpu.memory_space<vmem>>[vector<16xi32>, vector<16xi32>, vector<16xi32>, vector<16xi32>], vector<16xf32>,
        %parallel_loop3A_671 = arith.constant 1 : i32
        %parallel_loop3A_672 = arith.constant 0 : i32
        %parallel_loop3A_673 = arith.constant 0 : i32
        %parallel_loop3A_674 = tpu.memref_slice %arg6[%parallel_loop3A_671, %parallel_loop3A_672, %parallel_loop3A_673] : memref<2x512x32xf32, #tpu.memory_space<vmem>> -> memref<1x512x32xf32, #tpu.memory_space<vmem>>
        %parallel_loop3A_675 = tpu.memref_squeeze %parallel_loop3A_674 : memref<1x512x32xf32, #tpu.memory_space<vmem>> -> memref<512x32xf32, #tpu.memory_space<vmem>>
        %parallel_loop3A_676 = tpu.vector_load_idx %parallel_loop3A_675[%parallel_loop3A_655, %add3A_100] : memref<512x32xf32, #tpu.memory_space<vmem>>[vector<16xi32>, vector<16xi32>], vector<16xf32>,
        %parallel_loop3A_677 = arith.constant 1 : i32
        %parallel_loop3A_678 = arith.constant 0 : i32
        %parallel_loop3A_679 = arith.constant 0 : i32
        %parallel_loop3A_680 = arith.constant 0 : i32
        %parallel_loop3A_681 = arith.constant 0 : i32
        %parallel_loop3A_682 = tpu.memref_slice %arg7[%parallel_loop3A_677, %parallel_loop3A_678, %parallel_loop3A_679, %parallel_loop3A_680, %parallel_loop3A_681] : memref<2x4x4x8x128xf32, #tpu.memory_space<vmem>> -> memref<1x4x4x8x128xf32, #tpu.memory_space<vmem>>
        %parallel_loop3A_683 = tpu.memref_squeeze %parallel_loop3A_682 : memref<1x4x4x8x128xf32, #tpu.memory_space<vmem>> -> memref<4x4x8x128xf32, #tpu.memory_space<vmem>>
        tpu.vector_store_idx %parallel_loop3A_683[%shift_right_arithmetic3A_105, %parallel_loop3A_397, %and3A_111, %parallel_loop3A_657], %parallel_loop3A_676 : memref<4x4x8x128xf32, #tpu.memory_space<vmem>>[vector<16xi32>, vector<16xi32>, vector<16xi32>, vector<16xi32>], vector<16xf32>,
        %parallel_loop3A_684 = vector.broadcast %parallel_loop3A_372 : i32 to vector<16xi32>
        %parallel_loop3A_685 = arith.addi %parallel_loop3A_684, %and3A_61 : vector<16xi32>
        %parallel_loop3A_686 = vector.broadcast %parallel_loop3A_413 : i32 to vector<16xi32>
        %parallel_loop3A_687 = arith.addi %parallel_loop3A_686, %and3A_61 : vector<16xi32>
        %parallel_loop3A_688 = arith.constant 1 : i32
        %parallel_loop3A_689 = arith.constant 0 : i32
        %parallel_loop3A_690 = arith.constant 0 : i32
        %parallel_loop3A_691 = tpu.memref_slice %arg6[%parallel_loop3A_688, %parallel_loop3A_689, %parallel_loop3A_690] : memref<2x512x32xf32, #tpu.memory_space<vmem>> -> memref<1x512x32xf32, #tpu.memory_space<vmem>>
        %parallel_loop3A_692 = tpu.memref_squeeze %parallel_loop3A_691 : memref<1x512x32xf32, #tpu.memory_space<vmem>> -> memref<512x32xf32, #tpu.memory_space<vmem>>
        %parallel_loop3A_693 = tpu.vector_load_idx %parallel_loop3A_692[%parallel_loop3A_685, %iota3A] : memref<512x32xf32, #tpu.memory_space<vmem>>[vector<16xi32>, vector<16xi32>], vector<16xf32>,
        %parallel_loop3A_694 = arith.constant 1 : i32
        %parallel_loop3A_695 = arith.constant 0 : i32
        %parallel_loop3A_696 = arith.constant 0 : i32
        %parallel_loop3A_697 = arith.constant 0 : i32
        %parallel_loop3A_698 = arith.constant 0 : i32
        %parallel_loop3A_699 = tpu.memref_slice %arg7[%parallel_loop3A_694, %parallel_loop3A_695, %parallel_loop3A_696, %parallel_loop3A_697, %parallel_loop3A_698] : memref<2x4x4x8x128xf32, #tpu.memory_space<vmem>> -> memref<1x4x4x8x128xf32, #tpu.memory_space<vmem>>
        %parallel_loop3A_700 = tpu.memref_squeeze %parallel_loop3A_699 : memref<1x4x4x8x128xf32, #tpu.memory_space<vmem>> -> memref<4x4x8x128xf32, #tpu.memory_space<vmem>>
        tpu.vector_store_idx %parallel_loop3A_700[%shift_right_arithmetic3A_102, %parallel_loop3A_397, %and3A_108, %parallel_loop3A_687], %parallel_loop3A_693 : memref<4x4x8x128xf32, #tpu.memory_space<vmem>>[vector<16xi32>, vector<16xi32>, vector<16xi32>, vector<16xi32>], vector<16xf32>,
        %parallel_loop3A_701 = arith.constant 1 : i32
        %parallel_loop3A_702 = arith.constant 0 : i32
        %parallel_loop3A_703 = arith.constant 0 : i32
        %parallel_loop3A_704 = tpu.memref_slice %arg6[%parallel_loop3A_701, %parallel_loop3A_702, %parallel_loop3A_703] : memref<2x512x32xf32, #tpu.memory_space<vmem>> -> memref<1x512x32xf32, #tpu.memory_space<vmem>>
        %parallel_loop3A_705 = tpu.memref_squeeze %parallel_loop3A_704 : memref<1x512x32xf32, #tpu.memory_space<vmem>> -> memref<512x32xf32, #tpu.memory_space<vmem>>
        %parallel_loop3A_706 = tpu.vector_load_idx %parallel_loop3A_705[%parallel_loop3A_685, %add3A_100] : memref<512x32xf32, #tpu.memory_space<vmem>>[vector<16xi32>, vector<16xi32>], vector<16xf32>,
        %parallel_loop3A_707 = arith.constant 1 : i32
        %parallel_loop3A_708 = arith.constant 0 : i32
        %parallel_loop3A_709 = arith.constant 0 : i32
        %parallel_loop3A_710 = arith.constant 0 : i32
        %parallel_loop3A_711 = arith.constant 0 : i32
        %parallel_loop3A_712 = tpu.memref_slice %arg7[%parallel_loop3A_707, %parallel_loop3A_708, %parallel_loop3A_709, %parallel_loop3A_710, %parallel_loop3A_711] : memref<2x4x4x8x128xf32, #tpu.memory_space<vmem>> -> memref<1x4x4x8x128xf32, #tpu.memory_space<vmem>>
        %parallel_loop3A_713 = tpu.memref_squeeze %parallel_loop3A_712 : memref<1x4x4x8x128xf32, #tpu.memory_space<vmem>> -> memref<4x4x8x128xf32, #tpu.memory_space<vmem>>
        tpu.vector_store_idx %parallel_loop3A_713[%shift_right_arithmetic3A_105, %parallel_loop3A_397, %and3A_111, %parallel_loop3A_687], %parallel_loop3A_706 : memref<4x4x8x128xf32, #tpu.memory_space<vmem>>[vector<16xi32>, vector<16xi32>, vector<16xi32>, vector<16xi32>], vector<16xf32>,
        %parallel_loop3A_714 = vector.broadcast %parallel_loop3A_372 : i32 to vector<16xi32>
        %parallel_loop3A_715 = arith.addi %parallel_loop3A_714, %and3A_67 : vector<16xi32>
        %parallel_loop3A_716 = vector.broadcast %parallel_loop3A_413 : i32 to vector<16xi32>
        %parallel_loop3A_717 = arith.addi %parallel_loop3A_716, %and3A_67 : vector<16xi32>
        %parallel_loop3A_718 = arith.constant 1 : i32
        %parallel_loop3A_719 = arith.constant 0 : i32
        %parallel_loop3A_720 = arith.constant 0 : i32
        %parallel_loop3A_721 = tpu.memref_slice %arg6[%parallel_loop3A_718, %parallel_loop3A_719, %parallel_loop3A_720] : memref<2x512x32xf32, #tpu.memory_space<vmem>> -> memref<1x512x32xf32, #tpu.memory_space<vmem>>
        %parallel_loop3A_722 = tpu.memref_squeeze %parallel_loop3A_721 : memref<1x512x32xf32, #tpu.memory_space<vmem>> -> memref<512x32xf32, #tpu.memory_space<vmem>>
        %parallel_loop3A_723 = tpu.vector_load_idx %parallel_loop3A_722[%parallel_loop3A_715, %iota3A] : memref<512x32xf32, #tpu.memory_space<vmem>>[vector<16xi32>, vector<16xi32>], vector<16xf32>,
        %parallel_loop3A_724 = arith.constant 1 : i32
        %parallel_loop3A_725 = arith.constant 0 : i32
        %parallel_loop3A_726 = arith.constant 0 : i32
        %parallel_loop3A_727 = arith.constant 0 : i32
        %parallel_loop3A_728 = arith.constant 0 : i32
        %parallel_loop3A_729 = tpu.memref_slice %arg7[%parallel_loop3A_724, %parallel_loop3A_725, %parallel_loop3A_726, %parallel_loop3A_727, %parallel_loop3A_728] : memref<2x4x4x8x128xf32, #tpu.memory_space<vmem>> -> memref<1x4x4x8x128xf32, #tpu.memory_space<vmem>>
        %parallel_loop3A_730 = tpu.memref_squeeze %parallel_loop3A_729 : memref<1x4x4x8x128xf32, #tpu.memory_space<vmem>> -> memref<4x4x8x128xf32, #tpu.memory_space<vmem>>
        tpu.vector_store_idx %parallel_loop3A_730[%shift_right_arithmetic3A_102, %parallel_loop3A_397, %and3A_108, %parallel_loop3A_717], %parallel_loop3A_723 : memref<4x4x8x128xf32, #tpu.memory_space<vmem>>[vector<16xi32>, vector<16xi32>, vector<16xi32>, vector<16xi32>], vector<16xf32>,
        %parallel_loop3A_731 = arith.constant 1 : i32
        %parallel_loop3A_732 = arith.constant 0 : i32
        %parallel_loop3A_733 = arith.constant 0 : i32
        %parallel_loop3A_734 = tpu.memref_slice %arg6[%parallel_loop3A_731, %parallel_loop3A_732, %parallel_loop3A_733] : memref<2x512x32xf32, #tpu.memory_space<vmem>> -> memref<1x512x32xf32, #tpu.memory_space<vmem>>
        %parallel_loop3A_735 = tpu.memref_squeeze %parallel_loop3A_734 : memref<1x512x32xf32, #tpu.memory_space<vmem>> -> memref<512x32xf32, #tpu.memory_space<vmem>>
        %parallel_loop3A_736 = tpu.vector_load_idx %parallel_loop3A_735[%parallel_loop3A_715, %add3A_100] : memref<512x32xf32, #tpu.memory_space<vmem>>[vector<16xi32>, vector<16xi32>], vector<16xf32>,
        %parallel_loop3A_737 = arith.constant 1 : i32
        %parallel_loop3A_738 = arith.constant 0 : i32
        %parallel_loop3A_739 = arith.constant 0 : i32
        %parallel_loop3A_740 = arith.constant 0 : i32
        %parallel_loop3A_741 = arith.constant 0 : i32
        %parallel_loop3A_742 = tpu.memref_slice %arg7[%parallel_loop3A_737, %parallel_loop3A_738, %parallel_loop3A_739, %parallel_loop3A_740, %parallel_loop3A_741] : memref<2x4x4x8x128xf32, #tpu.memory_space<vmem>> -> memref<1x4x4x8x128xf32, #tpu.memory_space<vmem>>
        %parallel_loop3A_743 = tpu.memref_squeeze %parallel_loop3A_742 : memref<1x4x4x8x128xf32, #tpu.memory_space<vmem>> -> memref<4x4x8x128xf32, #tpu.memory_space<vmem>>
        tpu.vector_store_idx %parallel_loop3A_743[%shift_right_arithmetic3A_105, %parallel_loop3A_397, %and3A_111, %parallel_loop3A_717], %parallel_loop3A_736 : memref<4x4x8x128xf32, #tpu.memory_space<vmem>>[vector<16xi32>, vector<16xi32>, vector<16xi32>, vector<16xi32>], vector<16xf32>,
        %parallel_loop3A_744 = vector.broadcast %parallel_loop3A_372 : i32 to vector<16xi32>
        %parallel_loop3A_745 = arith.addi %parallel_loop3A_744, %and3A_73 : vector<16xi32>
        %parallel_loop3A_746 = vector.broadcast %parallel_loop3A_413 : i32 to vector<16xi32>
        %parallel_loop3A_747 = arith.addi %parallel_loop3A_746, %and3A_73 : vector<16xi32>
        %parallel_loop3A_748 = arith.constant 1 : i32
        %parallel_loop3A_749 = arith.constant 0 : i32
        %parallel_loop3A_750 = arith.constant 0 : i32
        %parallel_loop3A_751 = tpu.memref_slice %arg6[%parallel_loop3A_748, %parallel_loop3A_749, %parallel_loop3A_750] : memref<2x512x32xf32, #tpu.memory_space<vmem>> -> memref<1x512x32xf32, #tpu.memory_space<vmem>>
        %parallel_loop3A_752 = tpu.memref_squeeze %parallel_loop3A_751 : memref<1x512x32xf32, #tpu.memory_space<vmem>> -> memref<512x32xf32, #tpu.memory_space<vmem>>
        %parallel_loop3A_753 = tpu.vector_load_idx %parallel_loop3A_752[%parallel_loop3A_745, %iota3A] : memref<512x32xf32, #tpu.memory_space<vmem>>[vector<16xi32>, vector<16xi32>], vector<16xf32>,
        %parallel_loop3A_754 = arith.constant 1 : i32
        %parallel_loop3A_755 = arith.constant 0 : i32
        %parallel_loop3A_756 = arith.constant 0 : i32
        %parallel_loop3A_757 = arith.constant 0 : i32
        %parallel_loop3A_758 = arith.constant 0 : i32
        %parallel_loop3A_759 = tpu.memref_slice %arg7[%parallel_loop3A_754, %parallel_loop3A_755, %parallel_loop3A_756, %parallel_loop3A_757, %parallel_loop3A_758] : memref<2x4x4x8x128xf32, #tpu.memory_space<vmem>> -> memref<1x4x4x8x128xf32, #tpu.memory_space<vmem>>
        %parallel_loop3A_760 = tpu.memref_squeeze %parallel_loop3A_759 : memref<1x4x4x8x128xf32, #tpu.memory_space<vmem>> -> memref<4x4x8x128xf32, #tpu.memory_space<vmem>>
        tpu.vector_store_idx %parallel_loop3A_760[%shift_right_arithmetic3A_102, %parallel_loop3A_397, %and3A_108, %parallel_loop3A_747], %parallel_loop3A_753 : memref<4x4x8x128xf32, #tpu.memory_space<vmem>>[vector<16xi32>, vector<16xi32>, vector<16xi32>, vector<16xi32>], vector<16xf32>,
        %parallel_loop3A_761 = arith.constant 1 : i32
        %parallel_loop3A_762 = arith.constant 0 : i32
        %parallel_loop3A_763 = arith.constant 0 : i32
        %parallel_loop3A_764 = tpu.memref_slice %arg6[%parallel_loop3A_761, %parallel_loop3A_762, %parallel_loop3A_763] : memref<2x512x32xf32, #tpu.memory_space<vmem>> -> memref<1x512x32xf32, #tpu.memory_space<vmem>>
        %parallel_loop3A_765 = tpu.memref_squeeze %parallel_loop3A_764 : memref<1x512x32xf32, #tpu.memory_space<vmem>> -> memref<512x32xf32, #tpu.memory_space<vmem>>
        %parallel_loop3A_766 = tpu.vector_load_idx %parallel_loop3A_765[%parallel_loop3A_745, %add3A_100] : memref<512x32xf32, #tpu.memory_space<vmem>>[vector<16xi32>, vector<16xi32>], vector<16xf32>,
        %parallel_loop3A_767 = arith.constant 1 : i32
        %parallel_loop3A_768 = arith.constant 0 : i32
        %parallel_loop3A_769 = arith.constant 0 : i32
        %parallel_loop3A_770 = arith.constant 0 : i32
        %parallel_loop3A_771 = arith.constant 0 : i32
        %parallel_loop3A_772 = tpu.memref_slice %arg7[%parallel_loop3A_767, %parallel_loop3A_768, %parallel_loop3A_769, %parallel_loop3A_770, %parallel_loop3A_771] : memref<2x4x4x8x128xf32, #tpu.memory_space<vmem>> -> memref<1x4x4x8x128xf32, #tpu.memory_space<vmem>>
        %parallel_loop3A_773 = tpu.memref_squeeze %parallel_loop3A_772 : memref<1x4x4x8x128xf32, #tpu.memory_space<vmem>> -> memref<4x4x8x128xf32, #tpu.memory_space<vmem>>
        tpu.vector_store_idx %parallel_loop3A_773[%shift_right_arithmetic3A_105, %parallel_loop3A_397, %and3A_111, %parallel_loop3A_747], %parallel_loop3A_766 : memref<4x4x8x128xf32, #tpu.memory_space<vmem>>[vector<16xi32>, vector<16xi32>, vector<16xi32>, vector<16xi32>], vector<16xf32>,
        %parallel_loop3A_774 = vector.broadcast %parallel_loop3A_372 : i32 to vector<16xi32>
        %parallel_loop3A_775 = arith.addi %parallel_loop3A_774, %and3A_79 : vector<16xi32>
        %parallel_loop3A_776 = vector.broadcast %parallel_loop3A_413 : i32 to vector<16xi32>
        %parallel_loop3A_777 = arith.addi %parallel_loop3A_776, %and3A_79 : vector<16xi32>
        %parallel_loop3A_778 = arith.constant 1 : i32
        %parallel_loop3A_779 = arith.constant 0 : i32
        %parallel_loop3A_780 = arith.constant 0 : i32
        %parallel_loop3A_781 = tpu.memref_slice %arg6[%parallel_loop3A_778, %parallel_loop3A_779, %parallel_loop3A_780] : memref<2x512x32xf32, #tpu.memory_space<vmem>> -> memref<1x512x32xf32, #tpu.memory_space<vmem>>
        %parallel_loop3A_782 = tpu.memref_squeeze %parallel_loop3A_781 : memref<1x512x32xf32, #tpu.memory_space<vmem>> -> memref<512x32xf32, #tpu.memory_space<vmem>>
        %parallel_loop3A_783 = tpu.vector_load_idx %parallel_loop3A_782[%parallel_loop3A_775, %iota3A] : memref<512x32xf32, #tpu.memory_space<vmem>>[vector<16xi32>, vector<16xi32>], vector<16xf32>,
        %parallel_loop3A_784 = arith.constant 1 : i32
        %parallel_loop3A_785 = arith.constant 0 : i32
        %parallel_loop3A_786 = arith.constant 0 : i32
        %parallel_loop3A_787 = arith.constant 0 : i32
        %parallel_loop3A_788 = arith.constant 0 : i32
        %parallel_loop3A_789 = tpu.memref_slice %arg7[%parallel_loop3A_784, %parallel_loop3A_785, %parallel_loop3A_786, %parallel_loop3A_787, %parallel_loop3A_788] : memref<2x4x4x8x128xf32, #tpu.memory_space<vmem>> -> memref<1x4x4x8x128xf32, #tpu.memory_space<vmem>>
        %parallel_loop3A_790 = tpu.memref_squeeze %parallel_loop3A_789 : memref<1x4x4x8x128xf32, #tpu.memory_space<vmem>> -> memref<4x4x8x128xf32, #tpu.memory_space<vmem>>
        tpu.vector_store_idx %parallel_loop3A_790[%shift_right_arithmetic3A_102, %parallel_loop3A_397, %and3A_108, %parallel_loop3A_777], %parallel_loop3A_783 : memref<4x4x8x128xf32, #tpu.memory_space<vmem>>[vector<16xi32>, vector<16xi32>, vector<16xi32>, vector<16xi32>], vector<16xf32>,
        %parallel_loop3A_791 = arith.constant 1 : i32
        %parallel_loop3A_792 = arith.constant 0 : i32
        %parallel_loop3A_793 = arith.constant 0 : i32
        %parallel_loop3A_794 = tpu.memref_slice %arg6[%parallel_loop3A_791, %parallel_loop3A_792, %parallel_loop3A_793] : memref<2x512x32xf32, #tpu.memory_space<vmem>> -> memref<1x512x32xf32, #tpu.memory_space<vmem>>
        %parallel_loop3A_795 = tpu.memref_squeeze %parallel_loop3A_794 : memref<1x512x32xf32, #tpu.memory_space<vmem>> -> memref<512x32xf32, #tpu.memory_space<vmem>>
        %parallel_loop3A_796 = tpu.vector_load_idx %parallel_loop3A_795[%parallel_loop3A_775, %add3A_100] : memref<512x32xf32, #tpu.memory_space<vmem>>[vector<16xi32>, vector<16xi32>], vector<16xf32>,
        %parallel_loop3A_797 = arith.constant 1 : i32
        %parallel_loop3A_798 = arith.constant 0 : i32
        %parallel_loop3A_799 = arith.constant 0 : i32
        %parallel_loop3A_800 = arith.constant 0 : i32
        %parallel_loop3A_801 = arith.constant 0 : i32
        %parallel_loop3A_802 = tpu.memref_slice %arg7[%parallel_loop3A_797, %parallel_loop3A_798, %parallel_loop3A_799, %parallel_loop3A_800, %parallel_loop3A_801] : memref<2x4x4x8x128xf32, #tpu.memory_space<vmem>> -> memref<1x4x4x8x128xf32, #tpu.memory_space<vmem>>
        %parallel_loop3A_803 = tpu.memref_squeeze %parallel_loop3A_802 : memref<1x4x4x8x128xf32, #tpu.memory_space<vmem>> -> memref<4x4x8x128xf32, #tpu.memory_space<vmem>>
        tpu.vector_store_idx %parallel_loop3A_803[%shift_right_arithmetic3A_105, %parallel_loop3A_397, %and3A_111, %parallel_loop3A_777], %parallel_loop3A_796 : memref<4x4x8x128xf32, #tpu.memory_space<vmem>>[vector<16xi32>, vector<16xi32>, vector<16xi32>, vector<16xi32>], vector<16xf32>,
        %parallel_loop3A_804 = vector.broadcast %parallel_loop3A_372 : i32 to vector<16xi32>
        %parallel_loop3A_805 = arith.addi %parallel_loop3A_804, %and3A_85 : vector<16xi32>
        %parallel_loop3A_806 = vector.broadcast %parallel_loop3A_413 : i32 to vector<16xi32>
        %parallel_loop3A_807 = arith.addi %parallel_loop3A_806, %and3A_85 : vector<16xi32>
        %parallel_loop3A_808 = arith.constant 1 : i32
        %parallel_loop3A_809 = arith.constant 0 : i32
        %parallel_loop3A_810 = arith.constant 0 : i32
        %parallel_loop3A_811 = tpu.memref_slice %arg6[%parallel_loop3A_808, %parallel_loop3A_809, %parallel_loop3A_810] : memref<2x512x32xf32, #tpu.memory_space<vmem>> -> memref<1x512x32xf32, #tpu.memory_space<vmem>>
        %parallel_loop3A_812 = tpu.memref_squeeze %parallel_loop3A_811 : memref<1x512x32xf32, #tpu.memory_space<vmem>> -> memref<512x32xf32, #tpu.memory_space<vmem>>
        %parallel_loop3A_813 = tpu.vector_load_idx %parallel_loop3A_812[%parallel_loop3A_805, %iota3A] : memref<512x32xf32, #tpu.memory_space<vmem>>[vector<16xi32>, vector<16xi32>], vector<16xf32>,
        %parallel_loop3A_814 = arith.constant 1 : i32
        %parallel_loop3A_815 = arith.constant 0 : i32
        %parallel_loop3A_816 = arith.constant 0 : i32
        %parallel_loop3A_817 = arith.constant 0 : i32
        %parallel_loop3A_818 = arith.constant 0 : i32
        %parallel_loop3A_819 = tpu.memref_slice %arg7[%parallel_loop3A_814, %parallel_loop3A_815, %parallel_loop3A_816, %parallel_loop3A_817, %parallel_loop3A_818] : memref<2x4x4x8x128xf32, #tpu.memory_space<vmem>> -> memref<1x4x4x8x128xf32, #tpu.memory_space<vmem>>
        %parallel_loop3A_820 = tpu.memref_squeeze %parallel_loop3A_819 : memref<1x4x4x8x128xf32, #tpu.memory_space<vmem>> -> memref<4x4x8x128xf32, #tpu.memory_space<vmem>>
        tpu.vector_store_idx %parallel_loop3A_820[%shift_right_arithmetic3A_102, %parallel_loop3A_397, %and3A_108, %parallel_loop3A_807], %parallel_loop3A_813 : memref<4x4x8x128xf32, #tpu.memory_space<vmem>>[vector<16xi32>, vector<16xi32>, vector<16xi32>, vector<16xi32>], vector<16xf32>,
        %parallel_loop3A_821 = arith.constant 1 : i32
        %parallel_loop3A_822 = arith.constant 0 : i32
        %parallel_loop3A_823 = arith.constant 0 : i32
        %parallel_loop3A_824 = tpu.memref_slice %arg6[%parallel_loop3A_821, %parallel_loop3A_822, %parallel_loop3A_823] : memref<2x512x32xf32, #tpu.memory_space<vmem>> -> memref<1x512x32xf32, #tpu.memory_space<vmem>>
        %parallel_loop3A_825 = tpu.memref_squeeze %parallel_loop3A_824 : memref<1x512x32xf32, #tpu.memory_space<vmem>> -> memref<512x32xf32, #tpu.memory_space<vmem>>
        %parallel_loop3A_826 = tpu.vector_load_idx %parallel_loop3A_825[%parallel_loop3A_805, %add3A_100] : memref<512x32xf32, #tpu.memory_space<vmem>>[vector<16xi32>, vector<16xi32>], vector<16xf32>,
        %parallel_loop3A_827 = arith.constant 1 : i32
        %parallel_loop3A_828 = arith.constant 0 : i32
        %parallel_loop3A_829 = arith.constant 0 : i32
        %parallel_loop3A_830 = arith.constant 0 : i32
        %parallel_loop3A_831 = arith.constant 0 : i32
        %parallel_loop3A_832 = tpu.memref_slice %arg7[%parallel_loop3A_827, %parallel_loop3A_828, %parallel_loop3A_829, %parallel_loop3A_830, %parallel_loop3A_831] : memref<2x4x4x8x128xf32, #tpu.memory_space<vmem>> -> memref<1x4x4x8x128xf32, #tpu.memory_space<vmem>>
        %parallel_loop3A_833 = tpu.memref_squeeze %parallel_loop3A_832 : memref<1x4x4x8x128xf32, #tpu.memory_space<vmem>> -> memref<4x4x8x128xf32, #tpu.memory_space<vmem>>
        tpu.vector_store_idx %parallel_loop3A_833[%shift_right_arithmetic3A_105, %parallel_loop3A_397, %and3A_111, %parallel_loop3A_807], %parallel_loop3A_826 : memref<4x4x8x128xf32, #tpu.memory_space<vmem>>[vector<16xi32>, vector<16xi32>, vector<16xi32>, vector<16xi32>], vector<16xf32>,
        %parallel_loop3A_834 = vector.broadcast %parallel_loop3A_372 : i32 to vector<16xi32>
        %parallel_loop3A_835 = arith.addi %parallel_loop3A_834, %and3A_91 : vector<16xi32>
        %parallel_loop3A_836 = vector.broadcast %parallel_loop3A_413 : i32 to vector<16xi32>
        %parallel_loop3A_837 = arith.addi %parallel_loop3A_836, %and3A_91 : vector<16xi32>
        %parallel_loop3A_838 = arith.constant 1 : i32
        %parallel_loop3A_839 = arith.constant 0 : i32
        %parallel_loop3A_840 = arith.constant 0 : i32
        %parallel_loop3A_841 = tpu.memref_slice %arg6[%parallel_loop3A_838, %parallel_loop3A_839, %parallel_loop3A_840] : memref<2x512x32xf32, #tpu.memory_space<vmem>> -> memref<1x512x32xf32, #tpu.memory_space<vmem>>
        %parallel_loop3A_842 = tpu.memref_squeeze %parallel_loop3A_841 : memref<1x512x32xf32, #tpu.memory_space<vmem>> -> memref<512x32xf32, #tpu.memory_space<vmem>>
        %parallel_loop3A_843 = tpu.vector_load_idx %parallel_loop3A_842[%parallel_loop3A_835, %iota3A] : memref<512x32xf32, #tpu.memory_space<vmem>>[vector<16xi32>, vector<16xi32>], vector<16xf32>,
        %parallel_loop3A_844 = arith.constant 1 : i32
        %parallel_loop3A_845 = arith.constant 0 : i32
        %parallel_loop3A_846 = arith.constant 0 : i32
        %parallel_loop3A_847 = arith.constant 0 : i32
        %parallel_loop3A_848 = arith.constant 0 : i32
        %parallel_loop3A_849 = tpu.memref_slice %arg7[%parallel_loop3A_844, %parallel_loop3A_845, %parallel_loop3A_846, %parallel_loop3A_847, %parallel_loop3A_848] : memref<2x4x4x8x128xf32, #tpu.memory_space<vmem>> -> memref<1x4x4x8x128xf32, #tpu.memory_space<vmem>>
        %parallel_loop3A_850 = tpu.memref_squeeze %parallel_loop3A_849 : memref<1x4x4x8x128xf32, #tpu.memory_space<vmem>> -> memref<4x4x8x128xf32, #tpu.memory_space<vmem>>
        tpu.vector_store_idx %parallel_loop3A_850[%shift_right_arithmetic3A_102, %parallel_loop3A_397, %and3A_108, %parallel_loop3A_837], %parallel_loop3A_843 : memref<4x4x8x128xf32, #tpu.memory_space<vmem>>[vector<16xi32>, vector<16xi32>, vector<16xi32>, vector<16xi32>], vector<16xf32>,
        %parallel_loop3A_851 = arith.constant 1 : i32
        %parallel_loop3A_852 = arith.constant 0 : i32
        %parallel_loop3A_853 = arith.constant 0 : i32
        %parallel_loop3A_854 = tpu.memref_slice %arg6[%parallel_loop3A_851, %parallel_loop3A_852, %parallel_loop3A_853] : memref<2x512x32xf32, #tpu.memory_space<vmem>> -> memref<1x512x32xf32, #tpu.memory_space<vmem>>
        %parallel_loop3A_855 = tpu.memref_squeeze %parallel_loop3A_854 : memref<1x512x32xf32, #tpu.memory_space<vmem>> -> memref<512x32xf32, #tpu.memory_space<vmem>>
        %parallel_loop3A_856 = tpu.vector_load_idx %parallel_loop3A_855[%parallel_loop3A_835, %add3A_100] : memref<512x32xf32, #tpu.memory_space<vmem>>[vector<16xi32>, vector<16xi32>], vector<16xf32>,
        %parallel_loop3A_857 = arith.constant 1 : i32
        %parallel_loop3A_858 = arith.constant 0 : i32
        %parallel_loop3A_859 = arith.constant 0 : i32
        %parallel_loop3A_860 = arith.constant 0 : i32
        %parallel_loop3A_861 = arith.constant 0 : i32
        %parallel_loop3A_862 = tpu.memref_slice %arg7[%parallel_loop3A_857, %parallel_loop3A_858, %parallel_loop3A_859, %parallel_loop3A_860, %parallel_loop3A_861] : memref<2x4x4x8x128xf32, #tpu.memory_space<vmem>> -> memref<1x4x4x8x128xf32, #tpu.memory_space<vmem>>
        %parallel_loop3A_863 = tpu.memref_squeeze %parallel_loop3A_862 : memref<1x4x4x8x128xf32, #tpu.memory_space<vmem>> -> memref<4x4x8x128xf32, #tpu.memory_space<vmem>>
        tpu.vector_store_idx %parallel_loop3A_863[%shift_right_arithmetic3A_105, %parallel_loop3A_397, %and3A_111, %parallel_loop3A_837], %parallel_loop3A_856 : memref<4x4x8x128xf32, #tpu.memory_space<vmem>>[vector<16xi32>, vector<16xi32>, vector<16xi32>, vector<16xi32>], vector<16xf32>,
        %parallel_loop3A_864 = vector.broadcast %parallel_loop3A_372 : i32 to vector<16xi32>
        %parallel_loop3A_865 = arith.addi %parallel_loop3A_864, %and3A_97 : vector<16xi32>
        %parallel_loop3A_866 = vector.broadcast %parallel_loop3A_413 : i32 to vector<16xi32>
        %parallel_loop3A_867 = arith.addi %parallel_loop3A_866, %and3A_97 : vector<16xi32>
        %parallel_loop3A_868 = arith.constant 1 : i32
        %parallel_loop3A_869 = arith.constant 0 : i32
        %parallel_loop3A_870 = arith.constant 0 : i32
        %parallel_loop3A_871 = tpu.memref_slice %arg6[%parallel_loop3A_868, %parallel_loop3A_869, %parallel_loop3A_870] : memref<2x512x32xf32, #tpu.memory_space<vmem>> -> memref<1x512x32xf32, #tpu.memory_space<vmem>>
        %parallel_loop3A_872 = tpu.memref_squeeze %parallel_loop3A_871 : memref<1x512x32xf32, #tpu.memory_space<vmem>> -> memref<512x32xf32, #tpu.memory_space<vmem>>
        %parallel_loop3A_873 = tpu.vector_load_idx %parallel_loop3A_872[%parallel_loop3A_865, %iota3A] : memref<512x32xf32, #tpu.memory_space<vmem>>[vector<16xi32>, vector<16xi32>], vector<16xf32>,
        %parallel_loop3A_874 = arith.constant 1 : i32
        %parallel_loop3A_875 = arith.constant 0 : i32
        %parallel_loop3A_876 = arith.constant 0 : i32
        %parallel_loop3A_877 = arith.constant 0 : i32
        %parallel_loop3A_878 = arith.constant 0 : i32
        %parallel_loop3A_879 = tpu.memref_slice %arg7[%parallel_loop3A_874, %parallel_loop3A_875, %parallel_loop3A_876, %parallel_loop3A_877, %parallel_loop3A_878] : memref<2x4x4x8x128xf32, #tpu.memory_space<vmem>> -> memref<1x4x4x8x128xf32, #tpu.memory_space<vmem>>
        %parallel_loop3A_880 = tpu.memref_squeeze %parallel_loop3A_879 : memref<1x4x4x8x128xf32, #tpu.memory_space<vmem>> -> memref<4x4x8x128xf32, #tpu.memory_space<vmem>>
        tpu.vector_store_idx %parallel_loop3A_880[%shift_right_arithmetic3A_102, %parallel_loop3A_397, %and3A_108, %parallel_loop3A_867], %parallel_loop3A_873 : memref<4x4x8x128xf32, #tpu.memory_space<vmem>>[vector<16xi32>, vector<16xi32>, vector<16xi32>, vector<16xi32>], vector<16xf32>,
        %parallel_loop3A_881 = arith.constant 1 : i32
        %parallel_loop3A_882 = arith.constant 0 : i32
        %parallel_loop3A_883 = arith.constant 0 : i32
        %parallel_loop3A_884 = tpu.memref_slice %arg6[%parallel_loop3A_881, %parallel_loop3A_882, %parallel_loop3A_883] : memref<2x512x32xf32, #tpu.memory_space<vmem>> -> memref<1x512x32xf32, #tpu.memory_space<vmem>>
        %parallel_loop3A_885 = tpu.memref_squeeze %parallel_loop3A_884 : memref<1x512x32xf32, #tpu.memory_space<vmem>> -> memref<512x32xf32, #tpu.memory_space<vmem>>
        %parallel_loop3A_886 = tpu.vector_load_idx %parallel_loop3A_885[%parallel_loop3A_865, %add3A_100] : memref<512x32xf32, #tpu.memory_space<vmem>>[vector<16xi32>, vector<16xi32>], vector<16xf32>,
        %parallel_loop3A_887 = arith.constant 1 : i32
        %parallel_loop3A_888 = arith.constant 0 : i32
        %parallel_loop3A_889 = arith.constant 0 : i32
        %parallel_loop3A_890 = arith.constant 0 : i32
        %parallel_loop3A_891 = arith.constant 0 : i32
        %parallel_loop3A_892 = tpu.memref_slice %arg7[%parallel_loop3A_887, %parallel_loop3A_888, %parallel_loop3A_889, %parallel_loop3A_890, %parallel_loop3A_891] : memref<2x4x4x8x128xf32, #tpu.memory_space<vmem>> -> memref<1x4x4x8x128xf32, #tpu.memory_space<vmem>>
        %parallel_loop3A_893 = tpu.memref_squeeze %parallel_loop3A_892 : memref<1x4x4x8x128xf32, #tpu.memory_space<vmem>> -> memref<4x4x8x128xf32, #tpu.memory_space<vmem>>
        tpu.vector_store_idx %parallel_loop3A_893[%shift_right_arithmetic3A_105, %parallel_loop3A_397, %and3A_111, %parallel_loop3A_867], %parallel_loop3A_886 : memref<4x4x8x128xf32, #tpu.memory_space<vmem>>[vector<16xi32>, vector<16xi32>, vector<16xi32>, vector<16xi32>], vector<16xf32>,
      } {sc.loop_unroll_factor = 2 : i64, sc.parallel_access}
      %add3A_343 = arith.constant 1 : i32
      %add3A_344 = arith.addi %mul3A_221, %add3A_343 : i32
      %mul3A_345 = arith.constant 4 : i32
      %mul3A_346 = arith.muli %add3A, %mul3A_345 : i32
      %dma_start3A_347 = arith.constant 1 : i32
      %dma_start3A_348 = arith.constant 0 : i32
      %dma_start3A_349 = arith.constant 0 : i32
      %dma_start3A_350 = arith.constant 0 : i32
      %dma_start3A_351 = arith.constant 0 : i32
      %dma_start3A_352 = tpu.memref_slice %arg7[%dma_start3A_347, %dma_start3A_348, %dma_start3A_349, %dma_start3A_350, %dma_start3A_351] : memref<2x4x4x8x128xf32, #tpu.memory_space<vmem>> -> memref<1x4x4x8x128xf32, #tpu.memory_space<vmem>>
      %dma_start3A_353 = tpu.memref_squeeze %dma_start3A_352 : memref<1x4x4x8x128xf32, #tpu.memory_space<vmem>> -> memref<4x4x8x128xf32, #tpu.memory_space<vmem>>
      %dma_start3A_354 = arith.constant 0 : i32
      %dma_start3A_355 = arith.constant 0 : i32
      %dma_start3A_356 = arith.constant 0 : i32
      %dma_start3A_357 = tpu.memref_slice %arg4[%add3A_344, %dma_start3A_354, %mul3A_346, %dma_start3A_355, %dma_start3A_356] : memref<50x4x128x8x128xf32, #tpu.memory_space<hbm>> -> memref<1x4x4x8x128xf32, #tpu.memory_space<hbm>>
      %dma_start3A_358 = tpu.memref_squeeze %dma_start3A_357 : memref<1x4x4x8x128xf32, #tpu.memory_space<hbm>> -> memref<4x4x8x128xf32, #tpu.memory_space<hbm>>
      %dma_start3A_359 = arith.constant 0 : i32
      %dma_start3A_360 = arith.constant 0 : i32
      %dma_start3A_361 = arith.constant 0 : i32
      %dma_start3A_362 = tpu.memref_slice %arg4[%add3A_344, %dma_start3A_359, %mul3A_346, %dma_start3A_360, %dma_start3A_361] : memref<50x4x128x8x128xf32, #tpu.memory_space<hbm>> -> memref<1x4x4x8x128xf32, #tpu.memory_space<hbm>>
      %dma_start3A_363 = tpu.memref_squeeze %dma_start3A_362 : memref<1x4x4x8x128xf32, #tpu.memory_space<hbm>> -> memref<4x4x8x128xf32, #tpu.memory_space<hbm>>
      %dma_start3A_364 = arith.constant 0 : i32
      %dma_start3A_365 = arith.constant 0 : i32
      %dma_start3A_366 = arith.constant 0 : i32
      %dma_start3A_367 = arith.constant 0 : i32
      %dma_start3A_368 = tpu.memref_slice %arg7[%dma_start3A_347, %dma_start3A_364, %dma_start3A_365, %dma_start3A_366, %dma_start3A_367] : memref<2x4x4x8x128xf32, #tpu.memory_space<vmem>> -> memref<1x4x4x8x128xf32, #tpu.memory_space<vmem>>
      %dma_start3A_369 = tpu.memref_squeeze %dma_start3A_368 : memref<1x4x4x8x128xf32, #tpu.memory_space<vmem>> -> memref<4x4x8x128xf32, #tpu.memory_space<vmem>>
      tpu.enqueue_dma source(%dma_start3A_369 : memref<4x4x8x128xf32, #tpu.memory_space<vmem>>) target(%dma_start3A_363 : memref<4x4x8x128xf32, #tpu.memory_space<hbm>>) target_semaphore(%arg11 : memref<!tpu.dma_semaphore, #tpu.memory_space<semaphore_mem>>)
    }
    %scan3A_167 = arith.constant 25 : i32
    %dma_wait3A = arith.constant 0 : i32
    %dma_wait3A_168 = arith.constant 0 : i32
    %dma_wait3A_169 = arith.constant 0 : i32
    %dma_wait3A_170 = arith.constant 0 : i32
    %dma_wait3A_171 = arith.constant 0 : i32
    %dma_wait3A_172 = arith.constant 0 : i32
    %dma_wait3A_173 = tpu.memref_slice %arg7[%dma_wait3A, %dma_wait3A_169, %dma_wait3A_170, %dma_wait3A_171, %dma_wait3A_172] : memref<2x4x4x8x128xf32, #tpu.memory_space<vmem>> -> memref<1x4x4x8x128xf32, #tpu.memory_space<vmem>>
    %dma_wait3A_174 = tpu.memref_squeeze %dma_wait3A_173 : memref<1x4x4x8x128xf32, #tpu.memory_space<vmem>> -> memref<4x4x8x128xf32, #tpu.memory_space<vmem>>
    %dma_wait3A_175 = arith.constant 0 : i32
    %dma_wait3A_176 = arith.constant 0 : i32
    %dma_wait3A_177 = arith.constant 0 : i32
    %dma_wait3A_178 = arith.constant 0 : i32
    %dma_wait3A_179 = tpu.memref_slice %arg4[%dma_wait3A_168, %dma_wait3A_175, %dma_wait3A_176, %dma_wait3A_177, %dma_wait3A_178] : memref<50x4x128x8x128xf32, #tpu.memory_space<hbm>> -> memref<1x4x4x8x128xf32, #tpu.memory_space<hbm>>
    %dma_wait3A_180 = tpu.memref_squeeze %dma_wait3A_179 : memref<1x4x4x8x128xf32, #tpu.memory_space<hbm>> -> memref<4x4x8x128xf32, #tpu.memory_space<hbm>>
    %dma_wait3A_181 = arith.constant 0 : i32
    %dma_wait3A_182 = arith.constant 0 : i32
    %dma_wait3A_183 = arith.constant 0 : i32
    %dma_wait3A_184 = arith.constant 0 : i32
    %dma_wait3A_185 = tpu.memref_slice %arg4[%dma_wait3A_168, %dma_wait3A_181, %dma_wait3A_182, %dma_wait3A_183, %dma_wait3A_184] : memref<50x4x128x8x128xf32, #tpu.memory_space<hbm>> -> memref<1x4x4x8x128xf32, #tpu.memory_space<hbm>>
    %dma_wait3A_186 = tpu.memref_squeeze %dma_wait3A_185 : memref<1x4x4x8x128xf32, #tpu.memory_space<hbm>> -> memref<4x4x8x128xf32, #tpu.memory_space<hbm>>
    %dma_wait3A_187 = arith.constant 0 : i32
    %dma_wait3A_188 = arith.constant 0 : i32
    %dma_wait3A_189 = arith.constant 0 : i32
    %dma_wait3A_190 = arith.constant 0 : i32
    %dma_wait3A_191 = tpu.memref_slice %arg7[%dma_wait3A, %dma_wait3A_187, %dma_wait3A_188, %dma_wait3A_189, %dma_wait3A_190] : memref<2x4x4x8x128xf32, #tpu.memory_space<vmem>> -> memref<1x4x4x8x128xf32, #tpu.memory_space<vmem>>
    %dma_wait3A_192 = tpu.memref_squeeze %dma_wait3A_191 : memref<1x4x4x8x128xf32, #tpu.memory_space<vmem>> -> memref<4x4x8x128xf32, #tpu.memory_space<vmem>>
    tpu.wait_dma2 semaphore(%arg10 : memref<!tpu.dma_semaphore, #tpu.memory_space<semaphore_mem>>) src(%dma_wait3A_192 : memref<4x4x8x128xf32, #tpu.memory_space<vmem>>) dst(%dma_wait3A_186 : memref<4x4x8x128xf32, #tpu.memory_space<hbm>>)
    %dma_wait3A_193 = arith.constant 1 : i32
    %dma_wait3A_194 = arith.constant 0 : i32
    %dma_wait3A_195 = arith.constant 0 : i32
    %dma_wait3A_196 = arith.constant 0 : i32
    %dma_wait3A_197 = arith.constant 0 : i32
    %dma_wait3A_198 = arith.constant 0 : i32
    %dma_wait3A_199 = tpu.memref_slice %arg7[%dma_wait3A_193, %dma_wait3A_195, %dma_wait3A_196, %dma_wait3A_197, %dma_wait3A_198] : memref<2x4x4x8x128xf32, #tpu.memory_space<vmem>> -> memref<1x4x4x8x128xf32, #tpu.memory_space<vmem>>
    %dma_wait3A_200 = tpu.memref_squeeze %dma_wait3A_199 : memref<1x4x4x8x128xf32, #tpu.memory_space<vmem>> -> memref<4x4x8x128xf32, #tpu.memory_space<vmem>>
    %dma_wait3A_201 = arith.constant 0 : i32
    %dma_wait3A_202 = arith.constant 0 : i32
    %dma_wait3A_203 = arith.constant 0 : i32
    %dma_wait3A_204 = arith.constant 0 : i32
    %dma_wait3A_205 = tpu.memref_slice %arg4[%dma_wait3A_194, %dma_wait3A_201, %dma_wait3A_202, %dma_wait3A_203, %dma_wait3A_204] : memref<50x4x128x8x128xf32, #tpu.memory_space<hbm>> -> memref<1x4x4x8x128xf32, #tpu.memory_space<hbm>>
    %dma_wait3A_206 = tpu.memref_squeeze %dma_wait3A_205 : memref<1x4x4x8x128xf32, #tpu.memory_space<hbm>> -> memref<4x4x8x128xf32, #tpu.memory_space<hbm>>
    %dma_wait3A_207 = arith.constant 0 : i32
    %dma_wait3A_208 = arith.constant 0 : i32
    %dma_wait3A_209 = arith.constant 0 : i32
    %dma_wait3A_210 = arith.constant 0 : i32
    %dma_wait3A_211 = tpu.memref_slice %arg4[%dma_wait3A_194, %dma_wait3A_207, %dma_wait3A_208, %dma_wait3A_209, %dma_wait3A_210] : memref<50x4x128x8x128xf32, #tpu.memory_space<hbm>> -> memref<1x4x4x8x128xf32, #tpu.memory_space<hbm>>
    %dma_wait3A_212 = tpu.memref_squeeze %dma_wait3A_211 : memref<1x4x4x8x128xf32, #tpu.memory_space<hbm>> -> memref<4x4x8x128xf32, #tpu.memory_space<hbm>>
    %dma_wait3A_213 = arith.constant 0 : i32
    %dma_wait3A_214 = arith.constant 0 : i32
    %dma_wait3A_215 = arith.constant 0 : i32
    %dma_wait3A_216 = arith.constant 0 : i32
    %dma_wait3A_217 = tpu.memref_slice %arg7[%dma_wait3A_193, %dma_wait3A_213, %dma_wait3A_214, %dma_wait3A_215, %dma_wait3A_216] : memref<2x4x4x8x128xf32, #tpu.memory_space<vmem>> -> memref<1x4x4x8x128xf32, #tpu.memory_space<vmem>>
    %dma_wait3A_218 = tpu.memref_squeeze %dma_wait3A_217 : memref<1x4x4x8x128xf32, #tpu.memory_space<vmem>> -> memref<4x4x8x128xf32, #tpu.memory_space<vmem>>
    tpu.wait_dma2 semaphore(%arg11 : memref<!tpu.dma_semaphore, #tpu.memory_space<semaphore_mem>>) src(%dma_wait3A_218 : memref<4x4x8x128xf32, #tpu.memory_space<vmem>>) dst(%dma_wait3A_212 : memref<4x4x8x128xf32, #tpu.memory_space<hbm>>)
    return
  }
}

</mosaic_0001>

<sc_bundles>
// kernel: kernel.3.cloned.1.call-start
scs
__scs_entry_jumppad:
0x0: {  	(pc) =	sbr.rel $0x88, $3  }
0x1: {  	(tag) =	ssettag $0x0;
	lr =	simm.s32 $0x1  }
0x2: {  	[smem:$0x3F9F] =	sst lr;
	_ =	strace $0xD0000000  }
0x3: {  	_ = 	snop  }
0x4: {  	_ = 	snop  }
0x5: {  	_ = 	snop  }
0x6: {  	_ = 	snop  }
0x7: {  	_ = 	snop  }
__scs_overlays_trampoline_lowered:
0x8: {  	[smem:$0x3FAE] =	sst s0  }
0x9: {  	[smem:$0x3FAF] =	sst s1  }
0xa: {  	[smem:$0x3FB0] =	sst s2  }
0xb: {  	[smem:$0x3FB1] =	sst s3  }
0xc: {  	[smem:$0x3FB2] =	sst s4  }
0xd: {  	[smem:$0x3FB3] =	sst s5  }
0xe: {  	[smem:$0x3FB4] =	sst s6  }
0xf: {  	[smem:$0x3FB5] =	sst s7  }
0x10: {  	[smem:$0x3FB6] =	sst s8  }
0x11: {  	[smem:$0x3FB7] =	sst s9;
	s0 =	simm.s32 @!p0 $0x0  }
0x12: {  	s1 =	sld [smem:$0x3F9D];
	s0 =	simm.s32 @p0 $0x1  }
0x13: {  	[smem:$0x3FB8] =	sst s0;
	s0 =	simm.s32 @!p1 $0x0  }
0x14: {  	s2 =	sld [smem:$0x3F9C];
	s0 =	simm.s32 @p1 $0x1  }
0x15: {  	[smem:$0x3FB9] =	sst s0;
	s0 =	simm.s32 @!p2 $0x0  }
0x16: {  	s3 =	sld [smem:$0x3FDB];
	s0 =	simm.s32 @p2 $0x1  }
0x17: {  	s4 =	simm.s32 $0x1BF5;
	[smem:$0x3FBB] =	sst s0  }
0x18: {  	s0 =	sld [smem:$0x3F9E];
	_ =	swait.ge [sflag:s4], $0x0  }
0x19: {  	s7 =	sld [smem:$0x3F9F]  }
0x1a: {  	s8 =	sadd.s32 $0xFFFFE003, lr  }
0x1b: {  	s9 =	sadd.s32 $0xFFFFFEF7, lr;
	s5 =	simm.s32 $0xFFFFFFFF;
	p2 =	slt.u32 s8, $0xFFFFF086  }
0x1c: {  	p1 =	slt.u32 s9, $0xF7A;
	s5 =	simm.s32 @!p2 $0x0  }
0x1d: {  	s5 =	simm.s32 @p1 $0x1;
	p0 =	seq.s32 s7, s2  }
0x1e: {  	s7 =	smul.u32 @!p0 $0xF7A, s2;
	p2 =	seq.s32 @!p0 s5, $0x0  }
0x1f: {  	s9 =	smul.u32 $0xF7A, s1;
	s8 =	simm.s32 @!p0 $0x1BF5;
	p2 =	por !p2, p0  }
0x20: {  	[sflag:s8] =	ssyncset.s32 @!p0 $0xFFFFF086;
	s6 =	sadd.s32 @!p0 s3, s7;
	s7 =	simm.s32 @!p0 $0x108  }
0x21: {  	s3 =	sadd.s32 s3, s9;
	s6 =	sadd.s32 @!p0 $0x88, s6;
	s7 =	simm.s32 @p2 $0x1082  }
0x22: {  	[simem:s7], [sflag:s8] =	dma.local @!p0 [hbm:s6], $0xF7A  }
0x23: {  	s9 =	sor.u32 $0xD0000000, s2;
	s6 =	simm.s32 $0x108;
	_ =	swait.ge @!p0 [sflag:s8], $0x0  }
0x24: {  	s3 =	sadd.s32 $0x88, s3;
	s6 =	simm.s32 @!p1 $0x1082;
	[sflag:s4] =	ssyncset.s32 $0xFFFFF086  }
0x25: {  	[simem:s6], [sflag:s4] =	dma.local [hbm:s3], $0xF7A  }
0x26: {  	[smem:$0x3F9F] =	sst s1;
	(tag) =	ssettag s2;
	_ =	strace s9  }
0x27: {  	s1 =	sld [smem:$0x3FAF]  }
0x28: {  	s2 =	sld [smem:$0x3FB0]  }
0x29: {  	s4 =	sld [smem:$0x3FB2]  }
0x2a: {  	p0 =	seq.s32 s5, $0x0;
	s5 =	sld [smem:$0x3FB3]  }
0x2b: {  	s6 =	sld [smem:$0x3FB4]  }
0x2c: {  	s7 =	sld [smem:$0x3FB5]  }
0x2d: {  	s3 =	simm.s32 $0x108;
	s8 =	sld [smem:$0x3FB6]  }
0x2e: {  	s3 =	simm.s32 @!p0 $0x1082;
	s9 =	sld [smem:$0x3FB7]  }
0x2f: {  	lr =	sadd.s32 s0, s3;
	s0 =	sld [smem:$0x3FAE]  }
0x30: {  	s3 =	sld [smem:$0x3FB1]  }
0x31: {  	[smem:$0x3FBA] =	sst s10  }
0x32: {  	s10 =	sld [smem:$0x3FB8];
	_ =	sdelay $0x3  }
0x33: {  	p0 =	seq.s32 s10, $0x1;
	s10 =	sld [smem:$0x3FBA];
	_ =	sdelay $0x3  }
0x34: {  	[smem:$0x3FBA] =	sst s10  }
0x35: {  	s10 =	sld [smem:$0x3FB9];
	_ =	sdelay $0x3  }
0x36: {  	p1 =	seq.s32 s10, $0x1;
	s10 =	sld [smem:$0x3FBA];
	_ =	sdelay $0x3  }
0x37: {  	[smem:$0x3FBA] =	sst s10  }
0x38: {  	s10 =	sld [smem:$0x3FBB]  }
0x39: {  	_ = 	snop;
	(pc) =	sbr.ind lr, $3  }
0x3a: {  	_ = 	snop  }
0x3b: {  	_ = 	snop  }
0x3c: {  	p2 =	seq.s32 s10, $0x1;
	s10 =	sld [smem:$0x3FBA]  }
0x3d: {  	_ =	shalt  }
0x3e: {  	_ =	shalt  }
0x3f: {  	_ =	shalt  }
0x40: {  	_ =	shalt  }
0x41: {  	_ =	shalt  }
0x42: {  	_ =	shalt  }
0x43: {  	_ =	shalt  }
0x44: {  	_ =	shalt  }
0x45: {  	_ =	shalt  }
0x46: {  	_ =	shalt  }
0x47: {  	_ =	shalt  }
0x48: {  	_ =	shalt  }
0x49: {  	_ =	shalt  }
0x4a: {  	_ =	shalt  }
0x4b: {  	_ =	shalt  }
0x4c: {  	_ =	shalt  }
0x4d: {  	_ =	shalt  }
0x4e: {  	_ =	shalt  }
0x4f: {  	_ =	shalt  }
0x50: {  	_ =	shalt  }
0x51: {  	_ =	shalt  }
0x52: {  	_ =	shalt  }
0x53: {  	_ =	shalt  }
0x54: {  	_ =	shalt  }
0x55: {  	_ =	shalt  }
0x56: {  	_ =	shalt  }
0x57: {  	_ =	shalt  }
0x58: {  	_ =	shalt  }
0x59: {  	_ =	shalt  }
0x5a: {  	_ =	shalt  }
0x5b: {  	_ =	shalt  }
0x5c: {  	_ =	shalt  }
0x5d: {  	_ =	shalt  }
0x5e: {  	_ =	shalt  }
0x5f: {  	_ =	shalt  }
0x60: {  	_ =	shalt  }
0x61: {  	_ =	shalt  }
0x62: {  	_ =	shalt  }
0x63: {  	_ =	shalt  }
0x64: {  	_ =	shalt  }
0x65: {  	_ =	shalt  }
0x66: {  	_ =	shalt  }
0x67: {  	_ =	shalt  }
0x68: {  	_ =	shalt  }
0x69: {  	_ =	shalt  }
0x6a: {  	_ =	shalt  }
0x6b: {  	_ =	shalt  }
0x6c: {  	_ =	shalt  }
0x6d: {  	_ =	shalt  }
0x6e: {  	_ =	shalt  }
0x6f: {  	_ =	shalt  }
0x70: {  	_ =	shalt  }
0x71: {  	_ =	shalt  }
0x72: {  	_ =	shalt  }
0x73: {  	_ =	shalt  }
0x74: {  	_ =	shalt  }
0x75: {  	_ =	shalt  }
0x76: {  	_ =	shalt  }
0x77: {  	_ =	shalt  }
0x78: {  	_ =	shalt  }
0x79: {  	_ =	shalt  }
0x7a: {  	_ =	shalt  }
0x7b: {  	_ =	shalt  }
0x7c: {  	_ =	shalt  }
0x7d: {  	_ =	shalt  }
0x7e: {  	_ =	shalt  }
0x7f: {  	_ =	shalt  }
0x80: {  	_ =	shalt  }
0x81: {  	_ =	shalt  }
0x82: {  	_ =	shalt  }
0x83: {  	_ =	shalt  }
0x84: {  	_ =	shalt  }
0x85: {  	_ =	shalt  }
0x86: {  	_ =	shalt  }
0x87: {  	_ =	shalt  }
.Lfunc_end0:
.L_simem_size_0:
called_computation_lowered:
.L_overlay_start_0:
0x88: {  	s2 =	sld [smem:$0x3FD9]  }
0x89: {  	s3 =	sld [smem:$0x3FFE];
	_ =	sdelay $0x1  }
0x8a: {  	s1 =	srdreg.scid  }
0x8b: {  	s0 =	sand.u32 $0x1, s1  }
0x8c: {  	s17 =	sshll.u32 s0, $0xA;
	s2 =	sadd.s32 s3, s2  }
0x8d: {  	s2 =	sadd.s32 s2, s17  }
0x8e: {  	[smem:$0x3FC6] =	sst s2  }
0x8f: {  	_ = 	snop  }
0x90: {  	s2 =	sld [smem:$0x3FD0];
	(tm) =	ssettm $0x1  }
0x91: {  	s18 =	sld [smem:$0x3FFB];
	_ =	sdelay $0x3  }
0x92: {  	_ =	strace s18  }
0x93: {  	s3 =	sld [smem:$0x3FFC];
	_ =	sdelay $0x3  }
0x94: {  	_ =	strace s3  }
0x95: {  	s3 =	sld [smem:$0x3FFD];
	_ =	sdelay $0x3  }
0x96: {  	_ =	strace s3  }
0x97: {  	_ =	strace $0x8FFFFFFF  }
0x98: {  	s19 =	sld [smem:$0x3FDB];
	_ =	sdelay $0x1  }
0x99: {  	s4 =	simm.s32 $_scs_section_size  }
0x9a: {  	s5 =	simm.s32 $_size__tile_overlayer_lowered;
	s6 =	simm.s32 $_tile_overlayer_lowered  }
0x9b: {  	s22 =	simm.s32 $0x1BFF;
	s21 =	sshll.u32 s6, $0x1;
	s3 =	sadd.s32 s4, s19  }
0x9c: {  	s7 =	simm.s32 $0x0;
	s20 =	sshll.u32 s5, $0x1;
	s5 =	sadd.s32 s21, s3  }
0x9d: {  	[timem:s7], [sflag:s22] =	dma.local [hbm:s5], s20  }
0x9e: {  	_ =	swait.ge [sflag:s22], s20  }
0x9f: {  	s4 =	ssub.s32 $0x0, s20;
	[sflag:s22] =	ssyncset.done $0x0  }
0xa0: {  	[sflag:s22] =	ssyncadd.s32 s4;
	_ =	sdelay $0x1  }
0xa1: {  	s23 =	simm.s32 $0x1B8B  }
0xa2: {  	_ =	swait.ge [sflag:s23], $0x1  }
0xa3: {  	[sflag:s23] =	ssyncset.done $0x0  }
0xa4: {  	s25 =	simm.s32 $0x1B8E;
	s24 =	sld [smem:$0x3FFE];
	[sflag:s23] =	ssyncadd.s32 $0xFFFFFFFF  }
0xa5: {  	s26 =	simm.s32 $execute0_lowered;
	[smem:$0x3FD2] =	sst s25  }
0xa6: {  	s5 =	sshll.u32 s26, $0x1;
	_ =	strace $0x80000046;
	[dreg:$0x1] =	wrdreg $0xFFFFFFFF  }
0xa7: {  	s28 =	simm.s32 $_size_execute0_lowered;
	s3 =	sadd.s32 s3, s5;
	[dreg:$0x0] =	wrdreg $0x0  }
0xa8: {  	s5 =	sshll.u32 s28, $0x1;
	[dreg:$0x2] =	wrdreg s3  }
0xa9: {  	[dreg:$0x3] =	wrdreg s5  }
0xaa: {  	[dreg:$0x4] =	wrdreg $0xC0  }
0xab: {  	_ =	task [dreg:s7], $0x5FFFF  }
0xac: {  	[dreg:$0x1] =	wrdreg $0xFFFFFFFF  }
0xad: {  	[dreg:$0x0] =	wrdreg $0x60  }
0xae: {  	[dreg:$0x2] =	wrdreg s24  }
0xaf: {  	[dreg:$0x3] =	wrdreg s2  }
0xb0: {  	[dreg:$0x4] =	wrdreg $0x9  }
0xb1: {  	_ =	task.clear_ibuf [dreg:s7], $0x5FFFF;
	_ =	strace $0x90000046  }
0xb2: {  	s29 =	simm.s32 $0x9;
	_ =	strace $0x80000048  }
0xb3: {  	_ =	swait.ge [sflag:s29], $0x1  }
0xb4: {  	[sflag:s29] =	ssyncadd.s32 $0xFFFFFFFF  }
0xb5: {  	_ =	strace $0x90000048  }
0xb6: {  	_ =	sfence  }
0xb7: {  	s30 =	sld [smem:$0x0];
	_ =	sdelay $0x2  }
0xb8: {  	s31 =	sshll.u32 s1, $0xD;
	s1 =	sshrl.u32 s1, $0x2  }
0xb9: {  	s3 =	sand.u32 $0x4000, s31;
	s1 =	sadd.s32 s1, s30  }
0xba: {  	s0 =	sor.u32 s3, s0;
	s1 =	sshll.u32 s1, $0x11  }
0xbb: {  	s0 =	sor.u32 s1, s0  }
0xbc: {  	s0 =	sadd.s32 $0x8F2B, s0  }
0xbd: {  	[sflag:s0] =	ssyncadd.remote.s32 $0x1  }
0xbe: {  	_ =	sfence.sel $0xFFFF  }
0xbf: {  	[dreg:$0x0] =	wrdreg $0xFFFFFFFF;
	(pc) =	sbr.abs _section_cstart, $3  }
0xc0: {  	[dreg:$0x1] =	wrdreg $0xFFFFFFFF  }
0xc1: {  	_ =	task.clear_ibuf [dreg:s7], $0x2FFFF;
	_ =	strace $0x9FFFFFFF  }
0xc2: {  	(tm) =	ssettm $0x7FFFFFFF  }
0xc3: {  	_ =	shalt  }
tec
execute0_lowered:
.L_overlay_start_1:
0x0: {  	(tag) =	ssettag $0x1  }
0x1: {  	v0 =	vimm.s32 $0x60402000;
	v1 =	vimm.s32 $0xE0C0A080  }
0x2: {  	vm7 =	vcmask $0x1F10;
	v12 =	vimm.s32 $0x100;
	vm9 =	vcmask $0x704  }
0x3: {  	vm8 =	vcmask $0xB08;
	vm6 =	vcmask $0xF0C;
	vm5 =	vcmask $0x1310  }
0x4: {  	vm4 =	vcmask $0x1714;
	v5 =	vimm.s32 $0x180;
	v6 =	vimm.s32 $0x160  }
0x5: {  	vm3 =	vcmask $0x1B18;
	vm2 =	vcmask $0x1F1C;
	v8 =	vimm.s32 $0x40200000  }
0x6: {  	v9 =	vimm.s32 $0x40200060;
	v10 =	vimm.s32 $0x1C0;
	vm10 =	vcmask $0x300  }
0x7: {  	vm0 =	vcmask $0x1F14;
	v11 =	vimm.s32 $0xC0A080E0;
	vm1 =	vcmask $0x1304  }
0x8: {  	vm11 =	vcmask $0x2314;
	vm12 =	vcmask $0x1B0C;
	v17 =	vimm.s32 $0x140  }
0x9: {  	vm13 =	vcmask $0x2F20;
	v48 =	vimm.s32 $0x120;
	v51 =	vimm.s32 $0xC0  }
0xa: {  	v18 =	vimm.s32 $0xE0C0A0;
	vm14 =	vcmask $0xB00;
	vm15 =	vcmask $0x3B2C  }
0xb: {  	v58 =	vimm.s32 $0x1387;
	v20 =	vimm.s32 $0x3381;
	v21 =	vimm.s32 $0x1382  }
0xc: {  	v22 =	vimm.s32 $0x3382;
	v23 =	vimm.s32 $0x1383;
	v24 =	vimm.s32 $0x3383  }
0xd: {  	v25 =	vimm.s32 $0x1384;
	v26 =	vimm.s32 $0x3384;
	v27 =	vimm.s32 $0x1385  }
0xe: {  	v28 =	vimm.s32 $0x3385;
	v29 =	vimm.s32 $0x1386;
	v30 =	vimm.s32 $0x3386  }
0xf: {  	v31 =	vimm.s32 $0xC0A08060;
	v0 =	vunpack.c.0.s8.s32 v0;
	v1 =	vunpack.c.0.s8.s32 v1  }
0x10: {  	v7 =	vsel vm9, $0x180, v6;
	v8 =	vunpack.c.0.s8.s32 v8;
	v9 =	vunpack.c.0.s8.s32 v9  }
0x11: {  	v10 =	vsel vm10, $0x1E0, v10;
	v11 =	vunpack.c.0.s8.s32 v11;
	v6 =	vsel vm10, $0x180, v6  }
0x12: {  	v47 =	vsel vm10, $0x160, v17;
	v50 =	vsel vm10, $0x120, v12;
	v18 =	vunpack.c.0.s8.s32 v18  }
0x13: {  	v20 =	vsel vm10, $0x2002, v20;
	v21 =	vsel vm10, $0x3, v21;
	v22 =	vsel vm10, $0x2003, v22  }
0x14: {  	v23 =	vsel vm10, $0x4, v23;
	v24 =	vsel vm10, $0x2004, v24;
	v25 =	vsel vm10, $0x5, v25  }
0x15: {  	v26 =	vsel vm10, $0x2005, v26;
	v27 =	vsel vm10, $0x6, v27;
	v28 =	vsel vm10, $0x2006, v28  }
0x16: {  	v29 =	vsel vm10, $0x7, v29;
	v30 =	vsel vm10, $0x2007, v30;
	v12 =	vsel vm9, $0x120, v12  }
0x17: {  	v31 =	vunpack.c.0.s8.s32 v31;
	v7 =	vsel vm8, $0x1A0, v7;
	v6 =	vsel vm9, $0x1A0, v6  }
0x18: {  	v20 =	vsel vm9, $0x2083, v20;
	v21 =	vsel vm9, $0x84, v21;
	v22 =	vsel vm9, $0x2084, v22  }
0x19: {  	v23 =	vsel vm9, $0x85, v23;
	v24 =	vsel vm9, $0x2085, v24;
	v25 =	vsel vm9, $0x86, v25  }
0x1a: {  	v26 =	vsel vm9, $0x2086, v26;
	v27 =	vsel vm9, $0x87, v27;
	v28 =	vsel vm9, $0x2087, v28  }
0x1b: {  	v29 =	vsel vm9, $0x80, v29;
	v30 =	vsel vm9, $0x2080, v30;
	v12 =	vsel vm8, $0x140, v12  }
0x1c: {  	v3 =	vand.u32 $0xFF, v0;
	v2 =	vand.u32 $0xFF, v1;
	v1 =	vsel vm9, $0x1A0, v5  }
0x1d: {  	v7 =	vsel vm6, $0x1C0, v7;
	v9 =	vand.u32 $0xFF, v9;
	v13 =	vand.u32 $0xFF, v11  }
0x1e: {  	v5 =	vsel vm10, $0x1A0, v5;
	v6 =	vsel vm8, $0x1C0, v6;
	v20 =	vsel vm8, $0x2104, v20  }
0x1f: {  	v21 =	vsel vm8, $0x105, v21;
	v22 =	vsel vm8, $0x2105, v22;
	v23 =	vsel vm8, $0x106, v23  }
0x20: {  	v24 =	vsel vm8, $0x2106, v24;
	v25 =	vsel vm8, $0x107, v25;
	v26 =	vsel vm8, $0x2107, v26  }
0x21: {  	v27 =	vsel vm8, $0x100, v27;
	v28 =	vsel vm8, $0x2100, v28;
	v29 =	vsel vm8, $0x101, v29  }
0x22: {  	v30 =	vsel vm8, $0x2101, v30;
	v12 =	vsel vm6, $0x160, v12;
	v31 =	vand.u32 $0xFF, v31  }
0x23: {  	v4 =	vsel vm7, v2, v3;
	v1 =	vsel vm8, $0x1C0, v1;
	v7 =	vsel vm5, $0x1E0, v7  }
0x24: {  	v45 =	vsel vm1, v9, v10;
	v10 =	vimm.s32 $0x20006040;
	vm1 =	vcmask $0x2724  }
0x25: {  	v5 =	vsel vm9, $0x1C0, v5;
	v6 =	vsel vm6, $0x1E0, v6;
	v20 =	vsel vm6, $0x2185, v20  }
0x26: {  	v21 =	vsel vm6, $0x186, v21;
	v22 =	vsel vm6, $0x2186, v22;
	v23 =	vsel vm6, $0x187, v23  }
0x27: {  	v24 =	vsel vm6, $0x2187, v24;
	v25 =	vsel vm6, $0x180, v25;
	v26 =	vsel vm6, $0x2180, v26  }
0x28: {  	v27 =	vsel vm6, $0x181, v27;
	v28 =	vsel vm6, $0x2181, v28;
	v29 =	vsel vm6, $0x182, v29  }
0x29: {  	v30 =	vsel vm6, $0x2182, v30;
	v12 =	vsel vm5, $0x180, v12;
	v31 =	vsel vm5, $0xE0, v31  }
0x2a: {  	v1 =	vsel vm6, $0x1E0, v1;
	v11 =	vunpack.c.0.s8.s32 v10;
	v10 =	vsel vm11, v13, v45  }
0x2b: {  	v5 =	vsel vm8, $0x1E0, v5;
	v3 =	vsel vm7, v3, v6;
	v20 =	vsel vm5, $0x2206, v20  }
0x2c: {  	v21 =	vsel vm5, $0x207, v21;
	v22 =	vsel vm5, $0x2207, v22;
	v23 =	vsel vm5, $0x200, v23  }
0x2d: {  	v24 =	vsel vm5, $0x2200, v24;
	v25 =	vsel vm5, $0x201, v25;
	v26 =	vsel vm5, $0x2201, v26  }
0x2e: {  	v27 =	vsel vm5, $0x202, v27;
	v28 =	vsel vm5, $0x2202, v28;
	v29 =	vsel vm5, $0x203, v29  }
0x2f: {  	v30 =	vsel vm5, $0x2203, v30;
	v12 =	vsel vm4, $0x1A0, v12;
	v31 =	vsel vm4, $0x100, v31  }
0x30: {  	v0 =	vsel vm7, v0, v1;
	v1 =	vsel vm0, v8, v7;
	v8 =	vimm.s32 $0x1A0  }
0x31: {  	vm0 =	vcmask $0x1708;
	v6 =	vsel vm13, v2, v3;
	vm7 =	vcmask $0x2B1C  }
0x32: {  	v2 =	vsel vm5, $0x100, v2;
	v20 =	vsel vm4, $0x2287, v20;
	v21 =	vsel vm4, $0x280, v21  }
0x33: {  	v22 =	vsel vm4, $0x2280, v22;
	v23 =	vsel vm4, $0x281, v23;
	v24 =	vsel vm4, $0x2281, v24  }
0x34: {  	v25 =	vsel vm4, $0x282, v25;
	v26 =	vsel vm4, $0x2282, v26;
	v27 =	vsel vm4, $0x283, v27  }
0x35: {  	v28 =	vsel vm4, $0x2283, v28;
	v29 =	vsel vm4, $0x284, v29;
	v30 =	vsel vm4, $0x2284, v30  }
0x36: {  	v12 =	vsel vm3, $0x1C0, v12;
	v31 =	vsel vm3, $0x120, v31;
	v10 =	vsel vm1, $0x100, v10  }
0x37: {  	v8 =	vsel vm10, $0x1C0, v8;
	v14 =	vand.u32 $0xFF, v11;
	v11 =	vimm.s32 $0xA080E0C0  }
0x38: {  	v2 =	vsel vm4, $0x120, v2;
	v20 =	vsel vm3, $0x2300, v20;
	v21 =	vsel vm3, $0x301, v21  }
0x39: {  	v22 =	vsel vm3, $0x2301, v22;
	v23 =	vsel vm3, $0x302, v23;
	v24 =	vsel vm3, $0x2302, v24  }
0x3a: {  	v25 =	vsel vm3, $0x303, v25;
	v26 =	vsel vm3, $0x2303, v26;
	v27 =	vsel vm3, $0x304, v27  }
0x3b: {  	v28 =	vsel vm3, $0x2304, v28;
	v29 =	vsel vm3, $0x305, v29;
	v30 =	vsel vm3, $0x2305, v30  }
0x3c: {  	v12 =	vsel vm2, $0x1E0, v12;
	v31 =	vsel vm2, $0x140, v31;
	v46 =	vsel vm9, $0x1E0, v8  }
0x3d: {  	v8 =	vimm.s32 $0x604020;
	v11 =	vunpack.c.0.s8.s32 v11;
	v2 =	vsel vm3, $0x140, v2  }
0x3e: {  	v4 =	vcombine.low v12, v4;
	v8 =	vunpack.c.0.s8.s32 v8;
	v7 =	vsel vm0, v14, v46  }
0x3f: {  	vm0 =	vcmask $0x2B28;
	v32 =	vsel vm2, $0x160, v2;
	v16 =	vand.u32 $0xFF, v11  }
0x40: {  	v61 =	vsel vm0, $0x120, v10;
	v15 =	vand.u32 $0xFF, v8;
	v8 =	vimm.s32 $0x80E0C0A0  }
0x41: {  	v5 =	vsel vm12, v15, v5;
	vm12 =	vcmask $0x2718;
	v8 =	vunpack.c.0.s8.s32 v8  }
0x42: {  	v32 =	vcombine.low v32, v0;
	v11 =	vsel vm12, v16, v7;
	v7 =	vsel vm9, $0x180, v47  }
0x43: {  	v17 =	vand.u32 $0xFF, v8;
	v7 =	vsel vm8, $0x1A0, v7;
	v11 =	vsel vm0, $0x100, v11  }
0x44: {  	v3 =	vsel vm6, $0x1C0, v7;
	v7 =	vsel vm10, $0x140, v48;
	v8 =	vsel vm7, v17, v5  }
0x45: {  	v3 =	vsel vm5, $0x1E0, v3;
	v49 =	vsel vm9, $0x160, v7;
	v7 =	vsel vm9, $0x140, v50  }
0x46: {  	v3 =	vsel vm11, v9, v3;
	vm11 =	vcmask $0x3324;
	v5 =	vsel vm8, $0x180, v49  }
0x47: {  	v7 =	vsel vm8, $0x160, v7;
	v3 =	vsel vm11, v13, v3;
	v5 =	vsel vm6, $0x1A0, v5  }
0x48: {  	v7 =	vsel vm6, $0x180, v7;
	v13 =	vsel vm10, $0xE0, v51;
	v5 =	vsel vm5, $0x1C0, v5  }
0x49: {  	v7 =	vsel vm5, $0x1A0, v7;
	v13 =	vsel vm9, $0x100, v13;
	v5 =	vsel vm4, $0x1E0, v5  }
0x4a: {  	v7 =	vsel vm4, $0x1C0, v7;
	v13 =	vsel vm8, $0x120, v13;
	v5 =	vsel vm12, v14, v5  }
0x4b: {  	vm12 =	vcmask $0x3728;
	v7 =	vsel vm3, $0x1E0, v7;
	v13 =	vsel vm6, $0x140, v13  }
0x4c: {  	v5 =	vsel vm12, v16, v5;
	v13 =	vsel vm5, $0x160, v13;
	v16 =	vimm.s32 $0xA0  }
0x4d: {  	v19 =	vsel vm7, v15, v7;
	v13 =	vsel vm4, $0x180, v13;
	v16 =	vsel vm10, $0xC0, v16  }
0x4e: {  	vm7 =	vcmask $0x2320;
	v52 =	vsel vm3, $0x1A0, v13;
	v53 =	vsel vm9, $0xE0, v16  }
0x4f: {  	v16 =	vand.u32 $0xFF, v18;
	v13 =	vsel vm8, $0x100, v53;
	v7 =	vsel vm2, $0x1C0, v52  }
0x50: {  	v18 =	vnsel vm14, $0x80, v16;
	v52 =	vsel vm15, v17, v19;
	v17 =	vimm.s32 $0x80604020  }
0x51: {  	v19 =	vimm.s32 $0x1381;
	v13 =	vsel vm6, $0x120, v13;
	v18 =	vsel vm6, $0x100, v18  }
0x52: {  	v7 =	vsel vm7, $0x1E0, v7;
	v17 =	vunpack.c.0.s8.s32 v17;
	v19 =	vsel vm10, $0x2, v19  }
0x53: {  	v13 =	vsel vm5, $0x140, v13;
	v18 =	vsel vm5, $0x120, v18;
	v7 =	vsel vm11, v9, v7  }
0x54: {  	vm11 =	vcmask $0xF00;
	v19 =	vsel vm9, $0x83, v19;
	v13 =	vsel vm4, $0x160, v13  }
0x55: {  	v54 =	vsel vm4, $0x140, v18;
	v18 =	vimm.s32 $0xA0806040;
	v56 =	vand.u32 $0xFF, v17  }
0x56: {  	v17 =	vimm.s32 $0x1380;
	v19 =	vsel vm8, $0x104, v19;
	v9 =	vsel vm3, $0x180, v13  }
0x57: {  	v13 =	vsel vm3, $0x160, v54;
	v55 =	vunpack.c.0.s8.s32 v18;
	v17 =	vsel vm10, $0x1, v17  }
0x58: {  	v18 =	vimm.s32 $0x3380;
	v19 =	vsel vm6, $0x185, v19;
	v9 =	vsel vm2, $0x1A0, v9  }
0x59: {  	v13 =	vsel vm2, $0x180, v13;
	v18 =	vsel vm10, $0x2001, v18;
	v17 =	vsel vm9, $0x82, v17  }
0x5a: {  	v19 =	vsel vm5, $0x206, v19;
	v9 =	vsel vm7, $0x1C0, v9;
	v13 =	vsel vm7, $0x1A0, v13  }
0x5b: {  	v18 =	vsel vm9, $0x2082, v18;
	v17 =	vsel vm8, $0x103, v17;
	v19 =	vsel vm4, $0x287, v19  }
0x5c: {  	v9 =	vsel vm1, $0x1E0, v9;
	v13 =	vsel vm1, $0x1C0, v13;
	v18 =	vsel vm8, $0x2103, v18  }
0x5d: {  	v17 =	vsel vm6, $0x184, v17;
	v19 =	vsel vm3, $0x300, v19;
	v9 =	vsel vm12, v14, v9  }
0x5e: {  	v13 =	vsel vm0, $0x1E0, v13;
	v14 =	vand.u32 $0xFF, v55;
	vm12 =	vcmask $0x1B10  }
0x5f: {  	v18 =	vsel vm6, $0x2184, v18;
	v17 =	vsel vm5, $0x205, v17;
	v57 =	vsel vm15, v15, v13  }
0x60: {  	v13 =	vnsel vm11, $0x0, v56;
	v14 =	vnsel vm11, $0x20, v14;
	v15 =	vsel vm10, $0x0, v58  }
0x61: {  	v18 =	vsel vm5, $0x2205, v18;
	v17 =	vsel vm4, $0x286, v17;
	v13 =	vsel vm12, v16, v13  }
0x62: {  	v16 =	vimm.s32 $0x3387;
	v15 =	vsel vm9, $0x81, v15;
	v14 =	vsel vm5, $0xC0, v14  }
0x63: {  	v18 =	vsel vm4, $0x2286, v18;
	v17 =	vsel vm3, $0x307, v17;
	v16 =	vsel vm10, $0x2000, v16  }
0x64: {  	v15 =	vsel vm8, $0x102, v15;
	v14 =	vsel vm4, $0xE0, v14;
	v18 =	vsel vm3, $0x2307, v18  }
0x65: {  	v13 =	vsel vm2, $0x100, v13;
	v16 =	vsel vm9, $0x2081, v16;
	v15 =	vsel vm6, $0x183, v15  }
0x66: {  	v14 =	vsel vm3, $0x100, v14;
	v16 =	vsel vm8, $0x2102, v16;
	v15 =	vsel vm5, $0x204, v15  }
0x67: {  	v13 =	vsel vm7, $0x120, v13;
	v16 =	vsel vm6, $0x2183, v16;
	v15 =	vsel vm4, $0x285, v15  }
0x68: {  	v2 =	vsel vm2, $0x120, v14;
	v16 =	vsel vm5, $0x2204, v16;
	v15 =	vsel vm3, $0x306, v15  }
0x69: {  	v62 =	vsel vm1, $0x140, v13;
	v16 =	vsel vm4, $0x2285, v16;
	v59 =	vsel vm2, $0x387, v15  }
0x6a: {  	v12 =	vsel vm0, $0x160, v62;
	v16 =	vsel vm3, $0x2306, v16;
	v14 =	vsel vm7, $0x1000, v59  }
0x6b: {  	v60 =	vsel vm2, $0x2387, v16;
	v16 =	vsel vm2, $0x380, v17;
	v17 =	vsel vm2, $0x2380, v18  }
0x6c: {  	v18 =	vsel vm2, $0x381, v19;
	v19 =	vsel vm2, $0x2381, v20;
	v20 =	vsel vm2, $0x382, v21  }
0x6d: {  	v21 =	vsel vm2, $0x2382, v22;
	v22 =	vsel vm2, $0x383, v23;
	v23 =	vsel vm2, $0x2383, v24  }
0x6e: {  	v24 =	vsel vm2, $0x384, v25;
	v25 =	vsel vm2, $0x2384, v26;
	v26 =	vsel vm2, $0x385, v27  }
0x6f: {  	v27 =	vsel vm2, $0x2385, v28;
	v28 =	vsel vm2, $0x386, v29;
	v29 =	vsel vm2, $0x2386, v30  }
0x70: {  	v30 =	vsel vm7, $0x140, v2;
	v63 =	vsel vm1, $0x1081, v14;
	v15 =	vsel vm7, $0x3000, v60  }
0x71: {  	v16 =	vsel vm7, $0x1001, v16;
	v17 =	vsel vm7, $0x3001, v17;
	v18 =	vsel vm7, $0x1002, v18  }
0x72: {  	v19 =	vsel vm7, $0x3002, v19;
	v20 =	vsel vm7, $0x1003, v20;
	v21 =	vsel vm7, $0x3003, v21  }
0x73: {  	v22 =	vsel vm7, $0x1004, v22;
	v23 =	vsel vm7, $0x3004, v23;
	v24 =	vsel vm7, $0x1005, v24  }
0x74: {  	v25 =	vsel vm7, $0x3005, v25;
	v26 =	vsel vm7, $0x1006, v26;
	v27 =	vsel vm7, $0x3006, v27  }
0x75: {  	v28 =	vsel vm7, $0x1007, v28;
	v29 =	vsel vm7, $0x3007, v29;
	v10 =	vsel vm1, $0x160, v30  }
0x76: {  	v13 =	vsel vm0, $0x1102, v63;
	v33 =	vsel vm1, $0x3081, v15;
	v34 =	vsel vm1, $0x1082, v16  }
0x77: {  	v16 =	vsel vm1, $0x3082, v17;
	v17 =	vsel vm1, $0x1083, v18;
	v18 =	vsel vm1, $0x3083, v19  }
0x78: {  	v19 =	vsel vm1, $0x1084, v20;
	v20 =	vsel vm1, $0x3084, v21;
	v21 =	vsel vm1, $0x1085, v22  }
0x79: {  	v22 =	vsel vm1, $0x3085, v23;
	v23 =	vsel vm1, $0x1086, v24;
	v24 =	vsel vm1, $0x3086, v25  }
0x7a: {  	v25 =	vsel vm1, $0x1087, v26;
	v26 =	vsel vm1, $0x3087, v27;
	v27 =	vsel vm1, $0x1080, v28  }
0x7b: {  	v28 =	vsel vm1, $0x3080, v29;
	vm1 =	vcmask $0x2F2C;
	v10 =	vsel vm0, $0x180, v10  }
0x7c: {  	[tilespmem:$0x1FD20] =	vst v4;
	v29 =	vcombine.low v31, v1;
	v4 =	vsel vm1, $0x140, v61;
	v14 =	vsel vm0, $0x3102, v33  }
0x7d: {  	v15 =	vsel vm0, $0x1103, v34;
	v16 =	vsel vm0, $0x3103, v16;
	v17 =	vsel vm0, $0x1104, v17  }
0x7e: {  	v18 =	vsel vm0, $0x3104, v18;
	v19 =	vsel vm0, $0x1105, v19;
	v20 =	vsel vm0, $0x3105, v20  }
0x7f: {  	v21 =	vsel vm0, $0x1106, v21;
	v22 =	vsel vm0, $0x3106, v22;
	v23 =	vsel vm0, $0x1107, v23  }
0x80: {  	v24 =	vsel vm0, $0x3107, v24;
	v25 =	vsel vm0, $0x1100, v25;
	v26 =	vsel vm0, $0x3100, v26  }
0x81: {  	v27 =	vsel vm0, $0x1101, v27;
	v28 =	vsel vm0, $0x3101, v28;
	vm0 =	vcmask $0x3330  }
0x82: {  	v1 =	vsel vm1, $0x120, v11;
	v35 =	vsel vm1, $0x100, v8;
	v8 =	vsel vm1, $0x1A0, v10  }
0x83: {  	v10 =	vsel vm1, $0x180, v12;
	v11 =	vsel vm1, $0x1183, v13;
	v0 =	vsel vm0, $0x160, v4  }
0x84: {  	v36 =	vsel vm1, $0x3183, v14;
	v37 =	vsel vm1, $0x1184, v15;
	v38 =	vsel vm1, $0x3184, v16  }
0x85: {  	v39 =	vsel vm1, $0x1185, v17;
	v16 =	vsel vm1, $0x3185, v18;
	v17 =	vsel vm1, $0x1186, v19  }
0x86: {  	v18 =	vsel vm1, $0x3186, v20;
	v19 =	vsel vm1, $0x1187, v21;
	v20 =	vsel vm1, $0x3187, v22  }
0x87: {  	v21 =	vsel vm1, $0x1180, v23;
	v22 =	vsel vm1, $0x3180, v24;
	v23 =	vsel vm1, $0x1181, v25  }
0x88: {  	v24 =	vsel vm1, $0x3181, v26;
	v25 =	vsel vm1, $0x1182, v27;
	v26 =	vsel vm1, $0x3182, v28  }
0x89: {  	vm1 =	vcmask $0x3734;
	v1 =	vsel vm0, $0x140, v1;
	v4 =	vsel vm0, $0x120, v35  }
0x8a: {  	v6 =	vsel vm0, $0x100, v6;
	v8 =	vsel vm0, $0x1C0, v8;
	v10 =	vsel vm0, $0x1A0, v10  }
0x8b: {  	v11 =	vsel vm0, $0x1204, v11;
	v12 =	vsel vm0, $0x3204, v36;
	v28 =	vsel vm0, $0x1205, v37  }
0x8c: {  	v14 =	vsel vm0, $0x3205, v38;
	v15 =	vsel vm0, $0x1206, v39;
	v16 =	vsel vm0, $0x3206, v16  }
0x8d: {  	v17 =	vsel vm0, $0x1207, v17;
	v18 =	vsel vm0, $0x3207, v18;
	v27 =	vsel vm0, $0x1200, v19  }
0x8e: {  	v20 =	vsel vm0, $0x3200, v20;
	v21 =	vsel vm0, $0x1201, v21;
	v22 =	vsel vm0, $0x3201, v22  }
0x8f: {  	v23 =	vsel vm0, $0x1202, v23;
	v24 =	vsel vm0, $0x3202, v24;
	v25 =	vsel vm0, $0x1203, v25  }
0x90: {  	v26 =	vsel vm0, $0x3203, v26;
	vm0 =	vcmask $0x3B38;
	v1 =	vsel vm1, $0x160, v1  }
0x91: {  	v46 =	vsel vm0, $0x180, v1;
	v1 =	vsel vm1, $0x100, v3  }
0x92: {  	s0 =	rddreg [dreg:$0x0];
	s5 =	simm.s32 $0x0;
	v50 =	vsel vm0, $0x120, v1;
	v1 =	vsel vm0, $0x100, v5  }
0x93: {  	[smem:$0x7FF] =	sst s5;
	v0 =	vsel vm1, $0x180, v0;
	[tilespmem:$0x1FD30] =	vst v1  }
0x94: {  	s1 =	rddreg [dreg:$0x1];
	v51 =	vsel vm0, $0x1A0, v0;
	v0 =	vsel vm1, $0x140, v4;
	_ =	strace $0x80000047;
	[tilespmem:$0x1FDC0] =	vst v32  }
0x95: {  	v47 =	vsel vm0, $0x160, v0;
	v0 =	vsel vm1, $0x120, v6;
	[tilespmem:$0x1FDD0] =	vst v46  }
0x96: {  	v54 =	vsel vm0, $0x140, v0;
	[tilespmem:$0x1FDE0] =	vst v47  }
0x97: {  	[tilespmem:$0x1FDF0] =	vst v54  }
0x98: {  	[tilespmem:$0x1FE00] =	vst v50  }
0x99: {  	v48 =	vsel vm0, $0x80, v9;
	[tilespmem:$0x1FE10] =	vst v52  }
0x9a: {  	v9 =	vsel vm1, $0x3280, v18;
	[tilespmem:$0x1FE30] =	vst v48  }
0x9b: {  	v43 =	vsel vm1, $0x3287, v16;
	v16 =	vsel vm1, $0x1284, v25;
	v49 =	vsel vm0, $0x3301, v9;
	[tilespmem:$0x1FE40] =	vst v57  }
0x9c: {  	v2 =	vlaneseq.u32;
	v40 =	vsel vm1, $0x1286, v28;
	v28 =	vsel vm0, $0x1305, v16;
	[tilespmem:$0x1FE50] =	vst v49  }
0x9d: {  	v33 =	vmul.u32 $0x20, v2;
	[tilespmem:$0x1FEE0] =	vst v28  }
0x9e: {  	v3 =	vsel vm1, $0x1285, v11;
	v42 =	vsel vm1, $0x1287, v15;
	[tilespmem:$0x1FEF0] =	vst v29  }
0x9f: {  	v11 =	vsel vm1, $0x3281, v20;
	v20 =	vsel vm0, $0x1307, v40;
	v40 =	vsel vm0, $0x3300, v43;
	[tilespmem:$0x1FF00] =	vst v33  }
0xa0: {  	v62 =	vsel vm0, $0x1300, v42;
	[tilespmem:$0x1FF10] =	vst v40  }
0xa1: {  	v36 =	vsel vm0, $0x1306, v3;
	v3 =	vsel vm1, $0x3285, v12;
	[tilespmem:$0x1FF30] =	vst v62  }
0xa2: {  	v37 =	vsel vm0, $0x3306, v3;
	[tilespmem:$0x1FF40] =	vst v36  }
0xa3: {  	v41 =	vsel vm1, $0x3286, v14;
	[tilespmem:$0x1FF50] =	vst v37  }
0xa4: {  	v45 =	vsel vm1, $0x1283, v23;
	v56 =	vsel vm0, $0x3307, v41;
	[tilespmem:$0x1FF80] =	vst v20  }
0xa5: {  	v38 =	vsel vm0, $0x1304, v45;
	[tilespmem:$0x1FF90] =	vst v56  }
0xa6: {  	v0 =	vsel vm1, $0x80, v7;
	[tilespmem:$0x1FFD0] =	vst v38  }
0xa7: {  	v60 =	vsel vm0, $0xA0, v0;
	v0 =	vsel vm1, $0x1E0, v8;
	v8 =	vsel vm1, $0x1280, v17;
	[tilespmem:$0x1FFF0] =	vst v51  }
0xa8: {  	v17 =	vsel vm1, $0x3284, v26;
	v26 =	vsel vm0, $0x1301, v8;
	[tilespmem:$0x1FE20] =	vst v60  }
0xa9: {  	v44 =	vsel vm1, $0x1282, v21;
	v30 =	vsel vm0, $0x3305, v17;
	[tilespmem:$0x1FE60] =	vst v26  }
0xaa: {  	v55 =	vsel vm0, $0x0, v0;
	v0 =	vsel vm1, $0x1C0, v10;
	v10 =	vsel vm1, $0x1281, v27;
	[tilespmem:$0x1FE90] =	vst v30  }
0xab: {  	v22 =	vsel vm1, $0x3282, v22;
	v53 =	vsel vm1, $0x3283, v24;
	v3 =	vsel vm0, $0x1302, v10;
	[tilespmem:$0x1FFA0] =	vst v55  }
0xac: {  	v1 =	vimm.s32 $0x0;
	vm1 =	vcmask $0x3B1C;
	v34 =	vsel vm0, $0x1E0, v0;
	[tilespmem:$0x1FD40] =	vst v3  }
0xad: {  	v18 =	vsel vm1, $0x8, v1;
	[tilespmem:$0x1FF60] =	vst v34  }
0xae: {  	v0 =	vshrl.u32 v2, $0x3;
	v3 =	vsel vm0, $0x3302, v11;
	[tilespmem:$0x1FF70] =	vst v18  }
0xaf: {  	v35 =	vmul.u32 $0x8, v0;
	[tilespmem:$0x1FD50] =	vst v3;
	v3 =	vsel vm0, $0x1303, v44  }
0xb0: {  	v0 =	vmul.u32 $0xFFFFFFF8, v0;
	[tilespmem:$0x1FD60] =	vst v3  }
0xb1: {  	v3 =	vsel vm0, $0x3303, v22;
	[tilespmem:$0x1FF20] =	vst v35  }
0xb2: {  	v44 =	vadd.s32 $0x8, v0;
	[tilespmem:$0x1FD70] =	vst v3  }
0xb3: {  	v3 =	vsel vm0, $0x3304, v53;
	vm0 =	vcmask $0x3718;
	[tilespmem:$0x1FFE0] =	vst v44  }
0xb4: {  	[tilespmem:$0x1FD80] =	vst v3;
	v3 =	vimm.s32 $0x8;
	v42 =	vsel vm0, $0x8, v1  }
0xb5: {  	s2 =	srdreg.scid;
	s3 =	stileid.u32;
	s10 =	simm.s32 $0x5;
	v59 =	vsel vm0, $0x0, v3;
	[tilespmem:$0x1FFB0] =	vst v42  }
0xb6: {  	s11 =	simm.s32 $0x80;
	s12 =	simm.s32 $0x6400;
	s18 =	simm.s32 $0x1;
	v41 =	vsel vm1, $0x0, v3;
	vm1 =	vcmask $0x3314;
	[tilespmem:$0x1FD90] =	vst v59  }
0xb7: {  	s19 =	simm.s32 $0xA400;
	s20 =	simm.s32 $0xB400;
	s21 =	simm.s32 $0xC400;
	v61 =	vsel vm1, $0x0, v3;
	[tilespmem:$0x1FED0] =	vst v41  }
0xb8: {  	s22 =	simm.s32 $0xD400;
	s23 =	simm.s32 $0xE400;
	s2 =	sand.u32 $0x1, s2;
	vm0 =	vcmask $0x2F10;
	v45 =	vsel vm1, $0x8, v1;
	[tilespmem:$0x1FDA0] =	vst v61  }
0xb9: {  	s28 =	simm.s32 $0x12400;
	s3 =	sshll.u32 s3, $0x3;
	s4 =	sshll.u32 s2, $0x2;
	v10 =	vsel vm0, $0x8, v1;
	[tilespmem:$0x1FE70] =	vst v45  }
0xba: {  	s29 =	simm.s32 $0x3;
	s30 =	simm.s32 $0x4;
	s3 =	sor.u32 s4, s3;
	vm1 =	vcmask $0x2B0C;
	v63 =	vsel vm0, $0x0, v3;
	[tilespmem:$0x1FE80] =	vst v10  }
0xbb: {  	s31 =	simm.s32 $0x0;
	s2 =	ssub.s32 $0x2, s2;
	s4 =	sshll.u32 s3, $0x4;
	vm0 =	vcmask $0x2708;
	v3 =	vsel vm1, $0x0, v3;
	[tilespmem:$0x1FEA0] =	vst v63  }
0xbc: {  	s25 =	sshrl.u32 s2, $0x1;
	s6 =	sshll.u32 s3, $0xA;
	s24 =	sadd.s32 s4, s0;
	v31 =	vsel vm0, $0x8, v1;
	[tilespmem:$0x1FDB0] =	vst v3  }
0xbd: {  	s4 =	sadd.s32 $0xF42A00, s0;
	s0 =	ssub.s32 s2, s25;
	s26 =	sadd.s32 $0x600, s24;
	v61 =	vsel vm1, $0x8, v1;
	vm1 =	vcmask $0x2304;
	[tilespmem:$0x1FEB0] =	vst v31  }
0xbe: {  	s25 =	simm.s32 $0x20000;
	s0 =	smax.u32 s0, $0x1;
	[dreg:$0x3] =	wrdreg s26;
	v43 =	vsel vm1, $0x8, v1;
	[tilespmem:$0x1FFC0] =	vst v61  }
0xbf: {  	s24 =	simm.s32 $0x1000;
	v19 =	vor.u32 $0x10, v2;
	[dreg:$0x4] =	wrdreg s0;
	s26 =	simm.s32 $0x2;
	[tilespmem:$0x1FEC0] =	vst v43  }
.LBB2_1:
0xc0: {  	s0 =	simm.s32 $0x0  }
0xc1: {  	s2 =	rddreg [dreg:$0x3];
	s3 =	simm.s32 $0x200;
	s5 =	simm.s32 $0x4000  }
0xc2: {  	[tilespmem:s0], [sflag:$0x5] =	stream.strided.gather [hbm4b:s2+s3], $0x6400, s5, s3, $0x38;
	[tilespmem:$0x16400] =	vst v63  }
0xc3: {  	_ =	swait.ge [sflag:s10], $0x6400  }
0xc4: {  	[sflag:s10] =	ssyncset.done $0x0  }
0xc5: {  	[sflag:s10] =	ssyncadd.s32 $0xFFFF9C00  }
0xc6: {  	[tilespmem:s12], [sflag:$0x1] =	stream.indirect.gather [hbm4b:s4+s11], $0x20, s0, s11, $0xb8;
	[tilespmem:$0x16400] =	vst v63  }
0xc7: {  	s13 =	simm.s32 $0x7400  }
0xc8: {  	[tilespmem:s13], [sflag:$0x1] =	stream.indirect.gather [hbm4b:s4+s11], $0x20, s11, s11, $0xb8;
	[tilespmem:$0x16400] =	vst v63  }
0xc9: {  	s14 =	simm.s32 $0x100;
	s15 =	simm.s32 $0x8400  }
0xca: {  	[tilespmem:s15], [sflag:$0x1] =	stream.indirect.gather [hbm4b:s4+s11], $0x20, s14, s11, $0xb8;
	[tilespmem:$0x16400] =	vst v63  }
0xcb: {  	s16 =	simm.s32 $0x180;
	s17 =	simm.s32 $0x9400;
	s0 =	simm.s32 $0x0  }
0xcc: {  	[tilespmem:s17], [sflag:$0x1] =	stream.indirect.gather [hbm4b:s4+s11], $0x20, s16, s11, $0xb8;
	[tilespmem:$0x16400] =	vst v63  }
.LBB2_2:
0xcd: {  	_ =	swait.ge [sflag:s18], $0x4000;
	s2 =	sshllo.u32 s0, $0x1  }
0xce: {  	[sflag:s18] =	ssyncset.done $0x0;
	s3 =	sshll.u32 s2, $0x9  }
0xcf: {  	[sflag:s18] =	ssyncadd.s32 $0xFFFFC000;
	s3 =	sand.u32 $0x3FFFFE00, s3  }
0xd0: {  	[tilespmem:s19], [sflag:$0x2] =	stream.indirect.gather [hbm4b:s4+s11], $0x20, s3, s11, $0xb8;
	[tilespmem:$0x16400] =	vst v63  }
0xd1: {  	s14 =	simm.s32 $0x0;
	s5 =	sor.u32 $0x80, s3  }
0xd2: {  	v0 =	vmov s14;
	[tilespmem:s20], [sflag:$0x2] =	stream.indirect.gather [hbm4b:s4+s11], $0x20, s5, s11, $0xb8;
	[tilespmem:$0x16400] =	vst v63  }
0xd3: {  	s7 =	simm.s32 $0x10;
	p0 =	seq.s32 s0, $0x0;
	v17 =	vshll.u32 v0, $0x5;
	s13 =	sor.u32 $0x100, s3  }
0xd4: {  	v1 =	vmov s7;
	v0 =	vor.u32 v33, v17;
	[tilespmem:s21], [sflag:$0x2] =	stream.indirect.gather [hbm4b:s4+s11], $0x20, s13, s11, $0xb8;
	[tilespmem:$0x16400] =	vst v63  }
0xd5: {  	s8 =	simm.s32 @!p0 $0x3;
	v14 =	vshll.u32 v1, $0x5;
	s3 =	sor.u32 $0x180, s3;
	v3 =	vor.u32 v2, v0  }
0xd6: {  	v1 =	vor.u32 v33, v14;
	[tilespmem:s22], [sflag:$0x2] =	stream.indirect.gather [hbm4b:s4+s11], $0x20, s3, s11, $0xb8;
	[tilespmem:$0x16400] =	vst v63  }
0xd7: {  	s15 =	simm.s32 $0x0;
	v4 =	vor.u32 v2, v1;
	_ =	swait.ge @!p0 [sflag:s8], $0x4000  }
0xd8: {  	s13 =	sand.u32 $0xFFFFFC00, s15;
	s3 =	sand.u32 $0x60, s14;
	[sflag:s8] =	ssyncset.done @!p0 $0x0  }
0xd9: {  	v25 =	vor.u32 s13, v36;
	v5 =	vor.u32 s3, v35;
	[sflag:s8] =	ssyncadd.s32 @!p0 $0xFFFFC000  }
0xda: {  	s17 =	sand.u32 $0x70, s7;
	v6 =	vor.u32 v5, v25;
	v3 =	vld.idx.msk [tilespmem:v3+s12+$0x0], $0xffff  }
0xdb: {  	v7 =	vor.u32 s17, v35;
	v0 =	vor.u32 v19, v0  }
0xdc: {  	v8 =	vor.u32 v7, v25;
	v4 =	vld.idx.msk [tilespmem:v4+s12+$0x0], $0xffff  }
0xdd: {  	v1 =	vor.u32 v19, v1;
	_ =	sdelay $0x1  }
0xde: {  	v22 =	vor.u32 s13, v37;
	[tilespmem:v6+s23+$0x0] =	vst.idx.msk $0xffff, v3  }
0xdf: {  	v3 =	vor.u32 v5, v22;
	v5 =	vor.u32 v34, v17;
	v0 =	vld.idx.msk [tilespmem:v0+s12+$0x0], $0xffff  }
0xe0: {  	[tilespmem:v8+s23+$0x0] =	vst.idx.msk $0xffff, v4;
	v6 =	vor.u32 v2, v5  }
0xe1: {  	v7 =	vor.u32 v7, v22;
	v4 =	vor.u32 v34, v14;
	v1 =	vld.idx.msk [tilespmem:v1+s12+$0x0], $0xffff  }
0xe2: {  	v8 =	vor.u32 v2, v4;
	_ =	sdelay $0x1  }
0xe3: {  	v24 =	vor.u32 s13, v20;
	v9 =	vor.u32 s3, v18;
	[tilespmem:v3+s23+$0x0] =	vst.idx.msk $0xffff, v0  }
0xe4: {  	v3 =	vor.u32 v9, v24;
	v0 =	vld.idx.msk [tilespmem:v6+s12+$0x0], $0xffff  }
0xe5: {  	v5 =	vor.u32 v19, v5;
	[tilespmem:v7+s23+$0x0] =	vst.idx.msk $0xffff, v1;
	v1 =	vor.u32 s17, v18  }
0xe6: {  	v6 =	vld.idx.msk [tilespmem:v8+s12+$0x0], $0xffff;
	v7 =	vor.u32 v1, v24  }
0xe7: {  	v4 =	vor.u32 v19, v4;
	_ =	sdelay $0x1  }
0xe8: {  	v58 =	vmov v55;
	v23 =	vor.u32 s13, v56;
	[tilespmem:v3+s23+$0x0] =	vst.idx.msk $0xffff, v0  }
0xe9: {  	v0 =	vor.u32 v58, v17;
	v3 =	vld.idx.msk [tilespmem:v5+s12+$0x0], $0xffff;
	v5 =	vor.u32 v9, v23  }
0xea: {  	[tilespmem:v7+s23+$0x0] =	vst.idx.msk $0xffff, v6;
	v7 =	vor.u32 v2, v0  }
0xeb: {  	v1 =	vor.u32 v1, v23;
	v6 =	vor.u32 v58, v14;
	v4 =	vld.idx.msk [tilespmem:v4+s12+$0x0], $0xffff  }
0xec: {  	v8 =	vor.u32 v2, v6;
	_ =	sdelay $0x1  }
0xed: {  	v21 =	vor.u32 s13, v62;
	v9 =	vor.u32 s3, v42;
	[tilespmem:v5+s23+$0x0] =	vst.idx.msk $0xffff, v3  }
0xee: {  	v5 =	vor.u32 v9, v21;
	v3 =	vld.idx.msk [tilespmem:v7+s12+$0x0], $0xffff  }
0xef: {  	v0 =	vor.u32 v19, v0;
	[tilespmem:v1+s23+$0x0] =	vst.idx.msk $0xffff, v4;
	v1 =	vor.u32 s17, v42  }
0xf0: {  	v4 =	vld.idx.msk [tilespmem:v8+s12+$0x0], $0xffff;
	v7 =	vor.u32 v1, v21  }
0xf1: {  	v6 =	vor.u32 v19, v6;
	_ =	sdelay $0x1  }
0xf2: {  	v53 =	vmov v20;
	v20 =	vor.u32 s13, v40;
	[tilespmem:v5+s23+$0x0] =	vst.idx.msk $0xffff, v3  }
0xf3: {  	v3 =	vor.u32 v29, v17;
	v5 =	vor.u32 v9, v20;
	v0 =	vld.idx.msk [tilespmem:v0+s12+$0x0], $0xffff  }
0xf4: {  	[tilespmem:v7+s23+$0x0] =	vst.idx.msk $0xffff, v4;
	v7 =	vor.u32 v2, v3  }
0xf5: {  	v1 =	vor.u32 v1, v20;
	v6 =	vld.idx.msk [tilespmem:v6+s12+$0x0], $0xffff;
	_ =	sdelay $0x2  }
0xf6: {  	v55 =	vmovc v18;
	v18 =	vor.u32 s13, v26;
	v4 =	vor.u32 v29, v14;
	v9 =	vor.u32 s3, v45;
	[tilespmem:v5+s23+$0x0] =	vst.idx.msk $0xffff, v0  }
0xf7: {  	v8 =	vor.u32 v2, v4;
	v5 =	vld.idx.msk [tilespmem:v7+s12+$0x0], $0xffff;
	v7 =	vor.u32 v9, v18  }
0xf8: {  	[tilespmem:v1+s23+$0x0] =	vst.idx.msk $0xffff, v6;
	v1 =	vor.u32 v19, v3;
	_ =	sdelay $0x2  }
0xf9: {  	v0 =	vor.u32 s17, v45  }
0xfa: {  	v16 =	vor.u32 s13, v49;
	v3 =	vld.idx.msk [tilespmem:v8+s12+$0x0], $0xffff;
	v6 =	vor.u32 v0, v18;
	[tilespmem:v7+s23+$0x0] =	vst.idx.msk $0xffff, v5  }
0xfb: {  	v7 =	vor.u32 v9, v16;
	v1 =	vld.idx.msk [tilespmem:v1+s12+$0x0], $0xffff;
	_ =	sdelay $0x3  }
0xfc: {  	[tilespmem:v6+s23+$0x0] =	vst.idx.msk $0xffff, v3  }
0xfd: {  	[tilespmem:v7+s23+$0x0] =	vst.idx.msk $0xffff, v1  }
0xfe: {  	v4 =	vor.u32 v19, v4;
	v5 =	vor.u32 v32, v17;
	v47 =	vld [tilespmem:$0x1FD40]  }
0xff: {  	v6 =	vor.u32 v2, v5;
	_ =	sdelay $0x3  }
0x100: {  	v0 =	vor.u32 v0, v16;
	v9 =	vor.u32 s3, v10;
	v4 =	vld.idx.msk [tilespmem:v4+s12+$0x0], $0xffff;
	v15 =	vor.u32 s13, v47  }
0x101: {  	v6 =	vld.idx.msk [tilespmem:v6+s12+$0x0], $0xffff;
	v7 =	vor.u32 v9, v15;
	_ =	sdelay $0x3  }
0x102: {  	[tilespmem:v0+s23+$0x0] =	vst.idx.msk $0xffff, v4  }
0x103: {  	v3 =	vor.u32 v32, v14;
	[tilespmem:v7+s23+$0x0] =	vst.idx.msk $0xffff, v6  }
0x104: {  	v8 =	vor.u32 v2, v3;
	v50 =	vld [tilespmem:$0x1FD50]  }
0x105: {  	v0 =	vor.u32 v19, v5;
	_ =	sdelay $0x2  }
0x106: {  	v1 =	vor.u32 s17, v10  }
0x107: {  	v4 =	vld.idx.msk [tilespmem:v8+s12+$0x0], $0xffff;
	v5 =	vor.u32 v1, v15;
	v10 =	vor.u32 s13, v50  }
0x108: {  	v0 =	vld.idx.msk [tilespmem:v0+s12+$0x0], $0xffff;
	v7 =	vor.u32 v9, v10;
	_ =	sdelay $0x2  }
0x109: {  	v3 =	vor.u32 v19, v3  }
0x10a: {  	[tilespmem:v5+s23+$0x0] =	vst.idx.msk $0xffff, v4  }
0x10b: {  	[tilespmem:v7+s23+$0x0] =	vst.idx.msk $0xffff, v0  }
0x10c: {  	v0 =	vld [tilespmem:$0x1FD60];
	_ =	sdelay $0x1  }
0x10d: {  	v3 =	vld.idx.msk [tilespmem:v3+s12+$0x0], $0xffff;
	v1 =	vor.u32 v1, v10;
	_ =	sdelay $0x1  }
0x10e: {  	v6 =	vor.u32 v57, v17  }
0x10f: {  	v5 =	vor.u32 v2, v6;
	v7 =	vor.u32 s13, v0  }
0x110: {  	v4 =	vor.u32 v57, v14;
	[tilespmem:$0x1FAA0] =	vst v7  }
0x111: {  	v8 =	vor.u32 v2, v4;
	[tilespmem:v1+s23+$0x0] =	vst.idx.msk $0xffff, v3  }
0x112: {  	v9 =	vld [tilespmem:$0x1FD70]  }
0x113: {  	v11 =	vor.u32 s3, v61  }
0x114: {  	v0 =	vld.idx.msk [tilespmem:v5+s12+$0x0], $0xffff;
	v5 =	vor.u32 v11, v7  }
0x115: {  	v1 =	vor.u32 s17, v61;
	v3 =	vor.u32 v19, v6  }
0x116: {  	v6 =	vld.idx.msk [tilespmem:v8+s12+$0x0], $0xffff;
	v7 =	vor.u32 v1, v7  }
0x117: {  	v4 =	vor.u32 v19, v4;
	v9 =	vor.u32 s13, v9  }
0x118: {  	[tilespmem:$0x1FB00] =	vst v9  }
0x119: {  	[tilespmem:v5+s23+$0x0] =	vst.idx.msk $0xffff, v0  }
0x11a: {  	v5 =	vor.u32 v11, v9;
	v3 =	vld.idx.msk [tilespmem:v3+s12+$0x0], $0xffff  }
0x11b: {  	v46 =	vmov v57;
	v8 =	vor.u32 v48, v17;
	[tilespmem:v7+s23+$0x0] =	vst.idx.msk $0xffff, v6  }
0x11c: {  	s16 =	simm.s32 $0x20;
	v1 =	vor.u32 v1, v9;
	v0 =	vor.u32 v48, v14;
	v7 =	vor.u32 v2, v8;
	v4 =	vld.idx.msk [tilespmem:v4+s12+$0x0], $0xffff  }
0x11d: {  	s9 =	simm.s32 $0x30;
	v13 =	vmovc v28;
	v51 =	vmovc v29;
	v6 =	vmov s16;
	v9 =	vmov v26;
	v26 =	vor.u32 v2, v0  }
0x11e: {  	v41 =	vmovc v30;
	v39 =	vmovc v31;
	v30 =	vor.u32 s3, v31;
	v11 =	vmov s9;
	v12 =	vshll.u32 v6, $0x5  }
0x11f: {  	v59 =	vmovc v32;
	s8 =	simm.s32 $0x100;
	v11 =	vshll.u32 v11, $0x5;
	v6 =	vor.u32 s13, v38;
	v27 =	vor.u32 v33, v12;
	[tilespmem:v5+s23+$0x0] =	vst.idx.msk $0xffff, v3  }
0x120: {  	s5 =	sand.u32 $0xFFFFFC00, s8;
	v32 =	vor.u32 v19, v0;
	v28 =	vor.u32 v33, v11;
	v29 =	vor.u32 v2, v27;
	[tilespmem:$0x1FB30] =	vst v6  }
0x121: {  	s8 =	sand.u32 $0x60, s16;
	s9 =	sand.u32 $0x70, s9;
	v0 =	vor.u32 s5, v36;
	v3 =	vor.u32 s17, v39;
	v5 =	vor.u32 v30, v6;
	v7 =	vld.idx.msk [tilespmem:v7+s12+$0x0], $0xffff;
	[tilespmem:v1+s23+$0x0] =	vst.idx.msk $0xffff, v4  }
0x122: {  	v57 =	vmovc v35;
	v4 =	vor.u32 v3, v6;
	v6 =	vmovc v33;
	v33 =	vor.u32 s8, v35;
	v35 =	vor.u32 s9, v35;
	v26 =	vld.idx.msk [tilespmem:v26+s12+$0x0], $0xffff  }
0x123: {  	v63 =	vmov v34;
	[tilespmem:$0x1FB40] =	vst v0;
	v34 =	vor.u32 v33, v0;
	v36 =	vor.u32 v35, v0;
	v0 =	vld [tilespmem:$0x1FD80]  }
0x124: {  	v31 =	vor.u32 v2, v28;
	_ =	sdelay $0x1  }
0x125: {  	v1 =	vor.u32 v19, v8  }
0x126: {  	v29 =	vld.idx.msk [tilespmem:v29+s12+$0x0], $0xffff  }
0x127: {  	v0 =	vor.u32 s13, v0  }
0x128: {  	v27 =	vor.u32 v19, v27;
	v28 =	vor.u32 v19, v28;
	v31 =	vld.idx.msk [tilespmem:v31+s12+$0x0], $0xffff;
	[tilespmem:$0x1FB50] =	vst v0  }
0x129: {  	v30 =	vor.u32 v30, v0;
	[tilespmem:v5+s23+$0x0] =	vst.idx.msk $0xffff, v7;
	v7 =	vor.u32 v60, v17;
	v5 =	vmov v37  }
0x12a: {  	[tilespmem:v4+s23+$0x0] =	vst.idx.msk $0xffff, v26;
	v37 =	vor.u32 v3, v0;
	v1 =	vld.idx.msk [tilespmem:v1+s12+$0x0], $0xffff;
	v0 =	vor.u32 s5, v5  }
0x12b: {  	[tilespmem:v34+s23+$0x0] =	vst.idx.msk $0xffff, v29;
	v26 =	vor.u32 v2, v7  }
0x12c: {  	v4 =	vor.u32 v60, v14;
	v32 =	vld.idx.msk [tilespmem:v32+s12+$0x0], $0xffff;
	[tilespmem:$0x1FBA0] =	vst v0;
	v33 =	vor.u32 v33, v0  }
0x12d: {  	v35 =	vor.u32 v35, v0;
	v27 =	vld.idx.msk [tilespmem:v27+s12+$0x0], $0xffff;
	[tilespmem:v36+s23+$0x0] =	vst.idx.msk $0xffff, v31;
	v0 =	vmov v46;
	v46 =	vor.u32 s13, v13  }
0x12e: {  	v29 =	vor.u32 v2, v4;
	v28 =	vld.idx.msk [tilespmem:v28+s12+$0x0], $0xffff;
	[tilespmem:$0x1FBC0] =	vst v46  }
0x12f: {  	v3 =	vmov v38;
	v38 =	vor.u32 s3, v43;
	[tilespmem:v30+s23+$0x0] =	vst.idx.msk $0xffff, v1  }
0x130: {  	v13 =	vmov v40;
	v40 =	vor.u32 v38, v46;
	v26 =	vld.idx.msk [tilespmem:v26+s12+$0x0], $0xffff  }
0x131: {  	v34 =	vor.u32 v63, v12;
	[tilespmem:v37+s23+$0x0] =	vst.idx.msk $0xffff, v32  }
0x132: {  	v36 =	vor.u32 v2, v34;
	v1 =	vor.u32 s5, v53;
	[tilespmem:v33+s23+$0x0] =	vst.idx.msk $0xffff, v27  }
0x133: {  	v31 =	vor.u32 v63, v11;
	v29 =	vld.idx.msk [tilespmem:v29+s12+$0x0], $0xffff;
	[tilespmem:$0x1FC50] =	vst v1  }
0x134: {  	v7 =	vor.u32 v19, v7;
	v39 =	vor.u32 v2, v31;
	[tilespmem:v35+s23+$0x0] =	vst.idx.msk $0xffff, v28  }
0x135: {  	v30 =	vor.u32 s17, v43;
	v37 =	vor.u32 s8, v55;
	v28 =	vor.u32 s9, v55;
	[tilespmem:v40+s23+$0x0] =	vst.idx.msk $0xffff, v26  }
0x136: {  	v32 =	vor.u32 v30, v46;
	v46 =	vor.u32 v37, v1;
	v53 =	vor.u32 v28, v1;
	v1 =	vld [tilespmem:$0x1FD20]  }
0x137: {  	v33 =	vld.idx.msk [tilespmem:v36+s12+$0x0], $0xffff  }
0x138: {  	v27 =	vor.u32 v19, v4  }
0x139: {  	v34 =	vor.u32 v19, v34;
	v4 =	vor.u32 s13, v41;
	v35 =	vld.idx.msk [tilespmem:v39+s12+$0x0], $0xffff  }
0x13a: {  	v31 =	vor.u32 v19, v31;
	[tilespmem:$0x1FC40] =	vst v4  }
0x13b: {  	v38 =	vor.u32 v38, v4;
	v40 =	vld.idx.msk [tilespmem:v7+s12+$0x0], $0xffff;
	[tilespmem:v32+s23+$0x0] =	vst.idx.msk $0xffff, v29;
	v26 =	vor.u32 v1, v17  }
0x13c: {  	v30 =	vor.u32 v30, v4;
	v4 =	vor.u32 s5, v56;
	[tilespmem:v46+s23+$0x0] =	vst.idx.msk $0xffff, v33;
	v32 =	vor.u32 v2, v26  }
0x13d: {  	v36 =	vor.u32 v58, v12;
	v27 =	vld.idx.msk [tilespmem:v27+s12+$0x0], $0xffff;
	[tilespmem:$0x1FC60] =	vst v4;
	v29 =	vor.u32 v1, v14  }
0x13e: {  	v37 =	vor.u32 v37, v4;
	v34 =	vld.idx.msk [tilespmem:v34+s12+$0x0], $0xffff;
	[tilespmem:v53+s23+$0x0] =	vst.idx.msk $0xffff, v35;
	v46 =	vor.u32 v2, v29  }
0x13f: {  	v39 =	vor.u32 v2, v36;
	v28 =	vor.u32 v28, v4;
	v35 =	vor.u32 v58, v11;
	v31 =	vld.idx.msk [tilespmem:v31+s12+$0x0], $0xffff  }
0x140: {  	v56 =	vld [tilespmem:$0x1FED0];
	v53 =	vor.u32 v2, v35;
	[tilespmem:v38+s23+$0x0] =	vst.idx.msk $0xffff, v40;
	v38 =	vor.u32 s3, v44  }
0x141: {  	v40 =	vor.u32 v38, v25;
	v32 =	vld.idx.msk [tilespmem:v32+s12+$0x0], $0xffff  }
0x142: {  	[tilespmem:v30+s23+$0x0] =	vst.idx.msk $0xffff, v27;
	v27 =	vor.u32 s17, v44  }
0x143: {  	v26 =	vor.u32 v19, v26;
	v25 =	vor.u32 v27, v25;
	[tilespmem:v37+s23+$0x0] =	vst.idx.msk $0xffff, v34;
	v30 =	vld.idx.msk [tilespmem:v46+s12+$0x0], $0xffff  }
0x144: {  	v43 =	vor.u32 s5, v62;
	v33 =	vor.u32 s8, v42;
	v29 =	vor.u32 v19, v29;
	v34 =	vld.idx.msk [tilespmem:v39+s12+$0x0], $0xffff;
	[tilespmem:v28+s23+$0x0] =	vst.idx.msk $0xffff, v31  }
0x145: {  	v37 =	vor.u32 v33, v43;
	v28 =	vor.u32 s9, v42;
	v53 =	vld.idx.msk [tilespmem:v53+s12+$0x0], $0xffff;
	[tilespmem:$0x1F990] =	vst v43  }
0x146: {  	v36 =	vor.u32 v19, v36;
	v62 =	vor.u32 v28, v43;
	[tilespmem:v40+s23+$0x0] =	vst.idx.msk $0xffff, v32  }
0x147: {  	v58 =	vmovc v60;
	v60 =	vmov v1;
	v35 =	vor.u32 v19, v35;
	v1 =	vor.u32 s5, v13;
	v4 =	vld [tilespmem:$0x1FD30]  }
0x148: {  	v31 =	vor.u32 v52, v17;
	v46 =	vor.u32 v38, v22;
	v26 =	vld.idx.msk [tilespmem:v26+s12+$0x0], $0xffff;
	[tilespmem:v25+s23+$0x0] =	vst.idx.msk $0xffff, v30  }
0x149: {  	v42 =	vor.u32 v52, v14;
	v22 =	vor.u32 v27, v22;
	v25 =	vor.u32 v2, v31;
	v27 =	vld.idx.msk [tilespmem:v29+s12+$0x0], $0xffff  }
0x14a: {  	v33 =	vor.u32 v33, v1;
	[tilespmem:v37+s23+$0x0] =	vst.idx.msk $0xffff, v34;
	v34 =	vor.u32 v2, v42  }
0x14b: {  	v38 =	vor.u32 v51, v11;
	v37 =	vor.u32 v51, v12;
	[tilespmem:v62+s23+$0x0] =	vst.idx.msk $0xffff, v53;
	v36 =	vld.idx.msk [tilespmem:v36+s12+$0x0], $0xffff  }
0x14c: {  	v28 =	vor.u32 v28, v1;
	v39 =	vor.u32 v2, v37;
	v35 =	vld.idx.msk [tilespmem:v35+s12+$0x0], $0xffff;
	[tilespmem:$0x1F9A0] =	vst v1  }
0x14d: {  	v43 =	vor.u32 v2, v38;
	v62 =	vld [tilespmem:$0x1FE00];
	[tilespmem:v46+s23+$0x0] =	vst.idx.msk $0xffff, v26;
	v26 =	vor.u32 s3, v56  }
0x14e: {  	v8 =	vmov v44;
	v32 =	vld.idx.msk [tilespmem:v25+s12+$0x0], $0xffff;
	v44 =	vor.u32 v26, v24;
	[tilespmem:v22+s23+$0x0] =	vst.idx.msk $0xffff, v27;
	v22 =	vor.u32 s17, v56  }
0x14f: {  	v31 =	vor.u32 v19, v31;
	v34 =	vld.idx.msk [tilespmem:v34+s12+$0x0], $0xffff;
	v24 =	vor.u32 v22, v24  }
0x150: {  	v51 =	vmov v45;
	v53 =	vor.u32 v19, v42;
	[tilespmem:v33+s23+$0x0] =	vst.idx.msk $0xffff, v36  }
0x151: {  	v46 =	vor.u32 s8, v51;
	v25 =	vor.u32 s5, v9;
	[tilespmem:v28+s23+$0x0] =	vst.idx.msk $0xffff, v35;
	v39 =	vld.idx.msk [tilespmem:v39+s12+$0x0], $0xffff  }
0x152: {  	v36 =	vor.u32 s9, v51;
	v35 =	vor.u32 v19, v37;
	v42 =	vor.u32 v46, v25;
	v37 =	vld.idx.msk [tilespmem:v43+s12+$0x0], $0xffff;
	[tilespmem:$0x1F9B0] =	vst v25  }
0x153: {  	v43 =	vor.u32 v36, v25;
	v1 =	vld [tilespmem:$0x1FDE0];
	[tilespmem:v44+s23+$0x0] =	vst.idx.msk $0xffff, v32  }
0x154: {  	v38 =	vor.u32 v19, v38;
	v31 =	vld.idx.msk [tilespmem:v31+s12+$0x0], $0xffff;
	[tilespmem:v24+s23+$0x0] =	vst.idx.msk $0xffff, v34  }
0x155: {  	v26 =	vor.u32 v26, v23;
	v33 =	vld.idx.msk [tilespmem:v53+s12+$0x0], $0xffff  }
0x156: {  	v7 =	vld [tilespmem:$0x1FDD0]  }
0x157: {  	v9 =	vld [tilespmem:$0x1FFF0];
	[tilespmem:v42+s23+$0x0] =	vst.idx.msk $0xffff, v39  }
0x158: {  	v23 =	vor.u32 v22, v23;
	v53 =	vor.u32 s5, v49;
	[tilespmem:v43+s23+$0x0] =	vst.idx.msk $0xffff, v37;
	v35 =	vld.idx.msk [tilespmem:v35+s12+$0x0], $0xffff  }
0x159: {  	v38 =	vld.idx.msk [tilespmem:v38+s12+$0x0], $0xffff;
	[tilespmem:$0x1F9C0] =	vst v53  }
0x15a: {  	v30 =	vor.u32 v4, v14;
	[tilespmem:v26+s23+$0x0] =	vst.idx.msk $0xffff, v31  }
0x15b: {  	v40 =	vor.u32 v4, v17;
	v29 =	vor.u32 v2, v30;
	v41 =	vor.u32 v62, v17;
	v49 =	vld [tilespmem:$0x1FD90]  }
0x15c: {  	v28 =	vor.u32 v54, v17;
	v44 =	vor.u32 v2, v40;
	v25 =	vor.u32 v1, v17  }
0x15d: {  	v39 =	vor.u32 v46, v53;
	v36 =	vor.u32 v36, v53;
	[tilespmem:v23+s23+$0x0] =	vst.idx.msk $0xffff, v33  }
0x15e: {  	v32 =	vor.u32 v7, v17;
	v22 =	vor.u32 v9, v17;
	v17 =	vor.u32 v59, v12;
	v53 =	vld [tilespmem:$0x1FE80]  }
0x15f: {  	v37 =	vor.u32 v59, v11;
	v42 =	vor.u32 v2, v17  }
0x160: {  	v43 =	vor.u32 v2, v37;
	v26 =	vor.u32 s3, v49  }
0x161: {  	v31 =	vld.idx.msk [tilespmem:v44+s12+$0x0], $0xffff;
	v44 =	vor.u32 v26, v21  }
0x162: {  	v30 =	vor.u32 v19, v30;
	v33 =	vor.u32 v19, v40;
	v23 =	vor.u32 s17, v49  }
0x163: {  	v46 =	vor.u32 s5, v47;
	v29 =	vld.idx.msk [tilespmem:v29+s12+$0x0], $0xffff;
	[tilespmem:v39+s23+$0x0] =	vst.idx.msk $0xffff, v35;
	v21 =	vor.u32 v23, v21;
	v40 =	vor.u32 s8, v53  }
0x164: {  	[tilespmem:v36+s23+$0x0] =	vst.idx.msk $0xffff, v38;
	v35 =	vor.u32 s9, v53;
	v39 =	vld.idx.msk [tilespmem:v42+s12+$0x0], $0xffff;
	v49 =	vor.u32 v40, v46  }
0x165: {  	v17 =	vor.u32 v19, v17;
	v38 =	vld.idx.msk [tilespmem:v43+s12+$0x0], $0xffff;
	[tilespmem:$0x1F9D0] =	vst v46;
	v43 =	vor.u32 v35, v46  }
0x166: {  	v37 =	vor.u32 v19, v37;
	[tilespmem:v44+s23+$0x0] =	vst.idx.msk $0xffff, v31  }
0x167: {  	v44 =	vor.u32 v26, v20;
	v33 =	vld.idx.msk [tilespmem:v33+s12+$0x0], $0xffff  }
0x168: {  	[tilespmem:v21+s23+$0x0] =	vst.idx.msk $0xffff, v29  }
0x169: {  	v50 =	vor.u32 s5, v50;
	v21 =	vor.u32 v23, v20;
	v30 =	vld.idx.msk [tilespmem:v30+s12+$0x0], $0xffff;
	[tilespmem:v49+s23+$0x0] =	vst.idx.msk $0xffff, v39  }
0x16a: {  	v13 =	vmov v4;
	v4 =	vmov v48;
	v47 =	vor.u32 v2, v41;
	[tilespmem:v43+s23+$0x0] =	vst.idx.msk $0xffff, v38;
	v48 =	vld.idx.msk [tilespmem:v17+s12+$0x0], $0xffff  }
0x16b: {  	v40 =	vor.u32 v40, v50;
	v37 =	vld.idx.msk [tilespmem:v37+s12+$0x0], $0xffff;
	[tilespmem:$0x1F9E0] =	vst v50  }
0x16c: {  	[tilespmem:v44+s23+$0x0] =	vst.idx.msk $0xffff, v33  }
0x16d: {  	v36 =	vor.u32 v0, v12;
	v53 =	vmovc v0;
	v46 =	vor.u32 v0, v11;
	v0 =	vor.u32 v52, v12;
	v17 =	vld [tilespmem:$0x1FDA0]  }
0x16e: {  	v26 =	vor.u32 v58, v12;
	v23 =	vor.u32 v58, v11;
	v58 =	vld [tilespmem:$0x1FEB0];
	[tilespmem:v21+s23+$0x0] =	vst.idx.msk $0xffff, v30  }
0x16f: {  	v47 =	vld.idx.msk [tilespmem:v47+s12+$0x0], $0xffff;
	[tilespmem:$0x1FC20] =	vst v0  }
0x170: {  	[tilespmem:v40+s23+$0x0] =	vst.idx.msk $0xffff, v48  }
0x171: {  	v45 =	vor.u32 v62, v14;
	v0 =	vld [tilespmem:$0x1FD60]  }
0x172: {  	v39 =	vor.u32 v2, v45;
	_ =	sdelay $0x1  }
0x173: {  	v38 =	vor.u32 v2, v36  }
0x174: {  	v35 =	vor.u32 v35, v50  }
0x175: {  	v48 =	vor.u32 s5, v0;
	v0 =	vor.u32 v52, v11  }
0x176: {  	v43 =	vor.u32 v2, v46;
	v39 =	vld.idx.msk [tilespmem:v39+s12+$0x0], $0xffff;
	v33 =	vor.u32 s3, v17;
	[tilespmem:$0x1FC30] =	vst v0;
	v0 =	vor.u32 v13, v12  }
0x177: {  	v30 =	vor.u32 s17, v17;
	v49 =	vor.u32 v33, v18;
	[tilespmem:$0x1FD00] =	vst v0;
	v0 =	vor.u32 v13, v11  }
0x178: {  	v50 =	vor.u32 v30, v18;
	v38 =	vld.idx.msk [tilespmem:v38+s12+$0x0], $0xffff;
	[tilespmem:$0x1FB60] =	vst v0  }
0x179: {  	v31 =	vor.u32 s8, v61;
	[tilespmem:v35+s23+$0x0] =	vst.idx.msk $0xffff, v37;
	v35 =	vor.u32 s9, v61;
	v61 =	vor.u32 v62, v12  }
0x17a: {  	[tilespmem:$0x1F9F0] =	vst v61  }
0x17b: {  	v41 =	vor.u32 v19, v41;
	v37 =	vld.idx.msk [tilespmem:v43+s12+$0x0], $0xffff;
	[tilespmem:$0x1FA00] =	vst v48  }
0x17c: {  	v40 =	vor.u32 v19, v45;
	[tilespmem:v49+s23+$0x0] =	vst.idx.msk $0xffff, v47  }
0x17d: {  	v45 =	vor.u32 v31, v48;
	[tilespmem:v50+s23+$0x0] =	vst.idx.msk $0xffff, v39  }
0x17e: {  	v0 =	vld [tilespmem:$0x1FD70]  }
0x17f: {  	v36 =	vor.u32 v19, v36;
	v33 =	vor.u32 v33, v16;
	v49 =	vor.u32 v62, v11  }
0x180: {  	v30 =	vor.u32 v30, v16;
	v16 =	vor.u32 v54, v12;
	v41 =	vld.idx.msk [tilespmem:v41+s12+$0x0], $0xffff;
	[tilespmem:$0x1FA10] =	vst v49  }
0x181: {  	v43 =	vor.u32 v35, v48;
	v40 =	vld.idx.msk [tilespmem:v40+s12+$0x0], $0xffff;
	[tilespmem:$0x1FA20] =	vst v16  }
0x182: {  	v46 =	vor.u32 v19, v46;
	v16 =	vor.u32 v1, v12;
	[tilespmem:v45+s23+$0x0] =	vst.idx.msk $0xffff, v38  }
0x183: {  	[tilespmem:$0x1FA30] =	vst v16;
	v16 =	vor.u32 v54, v11;
	v48 =	vor.u32 s5, v0;
	v0 =	vld [tilespmem:$0x1FEA0]  }
0x184: {  	v27 =	vor.u32 v54, v14;
	v39 =	vor.u32 v2, v28;
	[tilespmem:$0x1FA40] =	vst v16;
	v16 =	vor.u32 v1, v11  }
0x185: {  	v47 =	vor.u32 v2, v27;
	v36 =	vld.idx.msk [tilespmem:v36+s12+$0x0], $0xffff;
	[tilespmem:$0x1FA50] =	vst v16  }
0x186: {  	v31 =	vor.u32 v31, v48;
	[tilespmem:v43+s23+$0x0] =	vst.idx.msk $0xffff, v37  }
0x187: {  	v29 =	vor.u32 v4, v12;
	v35 =	vor.u32 v35, v48;
	v43 =	vld.idx.msk [tilespmem:v46+s12+$0x0], $0xffff;
	[tilespmem:$0x1FA60] =	vst v48  }
0x188: {  	v50 =	vor.u32 v2, v29;
	[tilespmem:v33+s23+$0x0] =	vst.idx.msk $0xffff, v41;
	v38 =	vor.u32 s3, v0  }
0x189: {  	v61 =	vmov v62;
	[tilespmem:v30+s23+$0x0] =	vst.idx.msk $0xffff, v40;
	v39 =	vld.idx.msk [tilespmem:v39+s12+$0x0], $0xffff;
	v33 =	vor.u32 s17, v0;
	v62 =	vor.u32 v38, v15  }
0x18a: {  	v46 =	vld.idx.msk [tilespmem:v47+s12+$0x0], $0xffff;
	v30 =	vor.u32 v33, v15  }
0x18b: {  	s14 =	simm.s32 $0x40;
	[tilespmem:v31+s23+$0x0] =	vst.idx.msk $0xffff, v36  }
0x18c: {  	v42 =	vor.u32 v4, v11;
	v16 =	vmov s14;
	v0 =	vor.u32 v7, v12;
	[tilespmem:v35+s23+$0x0] =	vst.idx.msk $0xffff, v43  }
0x18d: {  	s16 =	simm.s32 $0x50;
	v16 =	vshll.u32 v16, $0x5;
	v41 =	vor.u32 v2, v42;
	v45 =	vld.idx.msk [tilespmem:v50+s12+$0x0], $0xffff;
	[tilespmem:$0x1FA70] =	vst v0  }
0x18e: {  	v3 =	vor.u32 s5, v3;
	v40 =	vor.u32 v6, v16;
	v15 =	vmov s16;
	[tilespmem:v62+s23+$0x0] =	vst.idx.msk $0xffff, v39  }
0x18f: {  	v44 =	vor.u32 s8, v58;
	v47 =	vor.u32 v2, v40;
	v15 =	vshll.u32 v15, $0x5;
	[tilespmem:v30+s23+$0x0] =	vst.idx.msk $0xffff, v46  }
0x190: {  	v28 =	vor.u32 v19, v28;
	v31 =	vor.u32 v44, v3;
	v36 =	vor.u32 v6, v15;
	v0 =	vld [tilespmem:$0x1FF40]  }
0x191: {  	v48 =	vor.u32 s9, v58;
	v50 =	vor.u32 v2, v36  }
0x192: {  	v37 =	vor.u32 v48, v3;
	v58 =	vld.idx.msk [tilespmem:v41+s12+$0x0], $0xffff  }
0x193: {  	s15 =	simm.s32 $0x200  }
0x194: {  	s15 =	sand.u32 $0xFFFFFC00, s15;
	v30 =	vor.u32 v38, v10;
	v38 =	vor.u32 v19, v42;
	v42 =	vld.idx.msk [tilespmem:v47+s12+$0x0], $0xffff  }
0x195: {  	v43 =	vmov v3;
	[tilespmem:v31+s23+$0x0] =	vst.idx.msk $0xffff, v45;
	v28 =	vld.idx.msk [tilespmem:v28+s12+$0x0], $0xffff;
	v3 =	vor.u32 s15, v0  }
0x196: {  	s13 =	sand.u32 $0x60, s14;
	v50 =	vld.idx.msk [tilespmem:v50+s12+$0x0], $0xffff;
	[tilespmem:$0x1FA80] =	vst v3  }
0x197: {  	v27 =	vor.u32 v19, v27;
	v41 =	vor.u32 s13, v57;
	[tilespmem:v37+s23+$0x0] =	vst.idx.msk $0xffff, v58  }
0x198: {  	v24 =	vor.u32 v1, v14;
	v17 =	vmovc v1;
	v29 =	vor.u32 v19, v29;
	v0 =	vor.u32 v41, v3;
	v1 =	vld [tilespmem:$0x1FD80]  }
0x199: {  	s14 =	sand.u32 $0x70, s16  }
0x19a: {  	v45 =	vor.u32 s14, v57  }
0x19b: {  	v57 =	vor.u32 v45, v3  }
0x19c: {  	v27 =	vld.idx.msk [tilespmem:v27+s12+$0x0], $0xffff  }
0x19d: {  	v29 =	vld.idx.msk [tilespmem:v29+s12+$0x0], $0xffff;
	[tilespmem:v0+s23+$0x0] =	vst.idx.msk $0xffff, v42;
	v3 =	vor.u32 s5, v1  }
0x19e: {  	v40 =	vor.u32 v19, v40;
	v38 =	vld.idx.msk [tilespmem:v38+s12+$0x0], $0xffff;
	[tilespmem:$0x1FA90] =	vst v3  }
0x19f: {  	v21 =	vmov v13;
	v49 =	vor.u32 v2, v25;
	v13 =	vor.u32 v33, v10;
	v31 =	vld [tilespmem:$0x1FDB0];
	[tilespmem:v30+s23+$0x0] =	vst.idx.msk $0xffff, v28  }
0x1a0: {  	v36 =	vor.u32 v19, v36;
	[tilespmem:v57+s23+$0x0] =	vst.idx.msk $0xffff, v50  }
0x1a1: {  	v58 =	vor.u32 v44, v3;
	v0 =	vor.u32 v48, v3;
	v3 =	vor.u32 s15, v5;
	v5 =	vld [tilespmem:$0x1FAA0];
	_ =	sdelay $0x1  }
0x1a2: {  	v30 =	vld.idx.msk [tilespmem:v40+s12+$0x0], $0xffff  }
0x1a3: {  	v37 =	vor.u32 v2, v24;
	v40 =	vor.u32 v41, v3;
	v48 =	vld.idx.msk [tilespmem:v49+s12+$0x0], $0xffff;
	[tilespmem:v13+s23+$0x0] =	vst.idx.msk $0xffff, v27  }
0x1a4: {  	v28 =	vor.u32 v2, v26;
	v27 =	vld.idx.msk [tilespmem:v36+s12+$0x0], $0xffff;
	v42 =	vor.u32 s3, v31;
	[tilespmem:$0x1FAB0] =	vst v3  }
0x1a5: {  	[tilespmem:v58+s23+$0x0] =	vst.idx.msk $0xffff, v29;
	v33 =	vor.u32 v42, v5  }
0x1a6: {  	v46 =	vld [tilespmem:$0x1FEC0]  }
0x1a7: {  	v50 =	vor.u32 v45, v3;
	v49 =	vor.u32 v2, v23;
	v41 =	vor.u32 s17, v31;
	v3 =	vld [tilespmem:$0x1FEE0];
	[tilespmem:v0+s23+$0x0] =	vst.idx.msk $0xffff, v38  }
0x1a8: {  	v37 =	vld.idx.msk [tilespmem:v37+s12+$0x0], $0xffff;
	[tilespmem:v40+s23+$0x0] =	vst.idx.msk $0xffff, v30;
	v10 =	vor.u32 v41, v5;
	v5 =	vor.u32 v9, v12  }
0x1a9: {  	v28 =	vld.idx.msk [tilespmem:v28+s12+$0x0], $0xffff;
	[tilespmem:$0x1FAC0] =	vst v5  }
0x1aa: {  	v5 =	vor.u32 v7, v11;
	[tilespmem:v33+s23+$0x0] =	vst.idx.msk $0xffff, v48  }
0x1ab: {  	[tilespmem:$0x1FAD0] =	vst v5;
	v5 =	vor.u32 v9, v11  }
0x1ac: {  	v18 =	vor.u32 v60, v11;
	v3 =	vor.u32 s5, v3;
	[tilespmem:$0x1FAE0] =	vst v5  }
0x1ad: {  	v25 =	vor.u32 v19, v25;
	v13 =	vor.u32 v63, v16;
	v11 =	vld.idx.msk [tilespmem:v49+s12+$0x0], $0xffff;
	[tilespmem:$0x1FAF0] =	vst v3  }
0x1ae: {  	v57 =	vor.u32 v2, v13;
	v29 =	vor.u32 s8, v46;
	v30 =	vor.u32 s9, v46;
	[tilespmem:v50+s23+$0x0] =	vst.idx.msk $0xffff, v27  }
0x1af: {  	v58 =	vor.u32 v63, v15;
	v0 =	vor.u32 v29, v3;
	v63 =	vor.u32 v30, v3;
	v3 =	vld [tilespmem:$0x1FF80]  }
0x1b0: {  	v20 =	vor.u32 v60, v12;
	v12 =	vor.u32 v2, v58  }
0x1b1: {  	[tilespmem:v10+s23+$0x0] =	vst.idx.msk $0xffff, v37  }
0x1b2: {  	v5 =	vld [tilespmem:$0x1FB00]  }
0x1b3: {  	v45 =	vld.idx.msk [tilespmem:v57+s12+$0x0], $0xffff  }
0x1b4: {  	v25 =	vld.idx.msk [tilespmem:v25+s12+$0x0], $0xffff;
	[tilespmem:v0+s23+$0x0] =	vst.idx.msk $0xffff, v28;
	v3 =	vor.u32 s15, v3  }
0x1b5: {  	v44 =	vor.u32 v19, v24;
	v27 =	vor.u32 s13, v55;
	v12 =	vld.idx.msk [tilespmem:v12+s12+$0x0], $0xffff;
	[tilespmem:$0x1FB10] =	vst v3  }
0x1b6: {  	v26 =	vor.u32 v19, v26;
	v10 =	vor.u32 v27, v3;
	[tilespmem:v63+s23+$0x0] =	vst.idx.msk $0xffff, v11  }
0x1b7: {  	v28 =	vor.u32 v19, v23;
	v47 =	vor.u32 v42, v5;
	v0 =	vld [tilespmem:$0x1FE90];
	_ =	sdelay $0x2  }
0x1b8: {  	v34 =	vor.u32 v7, v14;
	v55 =	vor.u32 s14, v55;
	v35 =	vld.idx.msk [tilespmem:v44+s12+$0x0], $0xffff  }
0x1b9: {  	v14 =	vor.u32 v9, v14;
	v57 =	vor.u32 v55, v3;
	v26 =	vld.idx.msk [tilespmem:v26+s12+$0x0], $0xffff;
	[tilespmem:v10+s23+$0x0] =	vst.idx.msk $0xffff, v45  }
0x1ba: {  	v62 =	vmov v9;
	v9 =	vor.u32 v41, v5;
	v28 =	vld.idx.msk [tilespmem:v28+s12+$0x0], $0xffff;
	[tilespmem:v47+s23+$0x0] =	vst.idx.msk $0xffff, v25;
	v0 =	vor.u32 s5, v0  }
0x1bb: {  	v29 =	vor.u32 v29, v0;
	[tilespmem:$0x1FB20] =	vst v0;
	v30 =	vor.u32 v30, v0;
	v0 =	vld [tilespmem:$0x1FF90]  }
0x1bc: {  	v11 =	vor.u32 v19, v13;
	_ =	sdelay $0x1  }
0x1bd: {  	[tilespmem:v57+s23+$0x0] =	vst.idx.msk $0xffff, v12  }
0x1be: {  	v13 =	vor.u32 v2, v32;
	[tilespmem:v9+s23+$0x0] =	vst.idx.msk $0xffff, v35  }
0x1bf: {  	v50 =	vor.u32 s15, v0;
	v0 =	vld [tilespmem:$0x1FB30]  }
0x1c0: {  	v38 =	vor.u32 v19, v58;
	v11 =	vld.idx.msk [tilespmem:v11+s12+$0x0], $0xffff;
	v27 =	vor.u32 v27, v50  }
0x1c1: {  	v33 =	vimm.s32 $0x8  }
0x1c2: {  	v49 =	vsel vm0, $0x0, v33  }
0x1c3: {  	v58 =	vor.u32 s3, v49;
	v13 =	vld.idx.msk [tilespmem:v13+s12+$0x0], $0xffff;
	[tilespmem:v29+s23+$0x0] =	vst.idx.msk $0xffff, v26  }
0x1c4: {  	v3 =	vld [tilespmem:$0x1FFA0];
	[tilespmem:v30+s23+$0x0] =	vst.idx.msk $0xffff, v28;
	v47 =	vor.u32 v58, v0  }
0x1c5: {  	v25 =	vor.u32 s17, v49;
	v29 =	vld.idx.msk [tilespmem:v38+s12+$0x0], $0xffff;
	v48 =	vor.u32 v55, v50;
	[tilespmem:v27+s23+$0x0] =	vst.idx.msk $0xffff, v11  }
0x1c6: {  	v6 =	vor.u32 v25, v0;
	v0 =	vld [tilespmem:$0x1FB40];
	_ =	sdelay $0x2  }
0x1c7: {  	[tilespmem:v47+s23+$0x0] =	vst.idx.msk $0xffff, v13  }
0x1c8: {  	v10 =	vor.u32 v2, v34;
	v30 =	vor.u32 s8, v8;
	v27 =	vor.u32 s9, v8;
	v1 =	vld [tilespmem:$0x1FFB0];
	[tilespmem:v48+s23+$0x0] =	vst.idx.msk $0xffff, v29  }
0x1c9: {  	v11 =	vor.u32 v30, v0;
	v8 =	vor.u32 v27, v0;
	v0 =	vld [tilespmem:$0x1FF30];
	_ =	sdelay $0x2  }
0x1ca: {  	v12 =	vor.u32 v2, v20  }
0x1cb: {  	v9 =	vor.u32 v2, v18;
	v10 =	vld.idx.msk [tilespmem:v10+s12+$0x0], $0xffff  }
0x1cc: {  	v44 =	vor.u32 s15, v0;
	v0 =	vld [tilespmem:$0x1FEF0]  }
0x1cd: {  	v26 =	vor.u32 v3, v16  }
0x1ce: {  	v24 =	vor.u32 v19, v14;
	v55 =	vor.u32 v2, v14;
	v14 =	vor.u32 v2, v26  }
0x1cf: {  	v12 =	vld.idx.msk [tilespmem:v12+s12+$0x0], $0xffff  }
0x1d0: {  	v32 =	vor.u32 v19, v32;
	v9 =	vld.idx.msk [tilespmem:v9+s12+$0x0], $0xffff;
	v28 =	vor.u32 v3, v15;
	[tilespmem:v6+s23+$0x0] =	vst.idx.msk $0xffff, v10  }
0x1d1: {  	v13 =	vor.u32 v2, v28;
	v29 =	vor.u32 v0, v16;
	v39 =	vor.u32 v0, v15;
	v0 =	vld [tilespmem:$0x1FB50]  }
0x1d2: {  	v34 =	vor.u32 v19, v34;
	v63 =	vor.u32 s13, v1  }
0x1d3: {  	v14 =	vld.idx.msk [tilespmem:v14+s12+$0x0], $0xffff;
	v6 =	vor.u32 v63, v44  }
0x1d4: {  	[tilespmem:v11+s23+$0x0] =	vst.idx.msk $0xffff, v12  }
0x1d5: {  	v32 =	vld.idx.msk [tilespmem:v32+s12+$0x0], $0xffff;
	v12 =	vor.u32 s14, v1;
	[tilespmem:v8+s23+$0x0] =	vst.idx.msk $0xffff, v9  }
0x1d6: {  	v41 =	vld.idx.msk [tilespmem:v13+s12+$0x0], $0xffff;
	v10 =	vor.u32 v58, v0;
	v9 =	vor.u32 v25, v0;
	v0 =	vor.u32 v53, v16  }
0x1d7: {  	v45 =	vor.u32 v59, v16;
	v8 =	vld.idx.msk [tilespmem:v34+s12+$0x0], $0xffff;
	v42 =	vor.u32 v12, v44;
	[tilespmem:$0x1FB70] =	vst v0  }
0x1d8: {  	v13 =	vor.u32 v59, v15;
	v59 =	vld [tilespmem:$0x1FB60];
	v0 =	vor.u32 v53, v15;
	[tilespmem:v6+s23+$0x0] =	vst.idx.msk $0xffff, v14  }
0x1d9: {  	[tilespmem:$0x1FB80] =	vst v0;
	v0 =	vor.u32 v4, v16  }
0x1da: {  	[tilespmem:$0x1FB90] =	vst v0  }
0x1db: {  	v20 =	vor.u32 v19, v20;
	v0 =	vld [tilespmem:$0x1FBA0];
	[tilespmem:v10+s23+$0x0] =	vst.idx.msk $0xffff, v32  }
0x1dc: {  	v18 =	vor.u32 v19, v18;
	v1 =	vld [tilespmem:$0x1FF10];
	[tilespmem:v42+s23+$0x0] =	vst.idx.msk $0xffff, v41  }
0x1dd: {  	v26 =	vor.u32 v19, v26;
	v6 =	vld [tilespmem:$0x1FE20];
	_ =	sdelay $0x2  }
0x1de: {  	v23 =	vor.u32 v19, v22;
	v22 =	vor.u32 v2, v22;
	v20 =	vld.idx.msk [tilespmem:v20+s12+$0x0], $0xffff  }
0x1df: {  	v25 =	vor.u32 v19, v28;
	v18 =	vld.idx.msk [tilespmem:v18+s12+$0x0], $0xffff  }
0x1e0: {  	v26 =	vld.idx.msk [tilespmem:v26+s12+$0x0], $0xffff;
	v28 =	vor.u32 v30, v0;
	v10 =	vor.u32 s15, v1;
	v1 =	vor.u32 v6, v16  }
0x1e1: {  	v3 =	vld [tilespmem:$0x1FBC0];
	[tilespmem:$0x1FBB0] =	vst v1  }
0x1e2: {  	v1 =	vor.u32 v4, v15;
	[tilespmem:v9+s23+$0x0] =	vst.idx.msk $0xffff, v8  }
0x1e3: {  	v5 =	vor.u32 v27, v0;
	v0 =	vsel vm1, $0x0, v33;
	v22 =	vld.idx.msk [tilespmem:v22+s12+$0x0], $0xffff;
	[tilespmem:$0x1FBD0] =	vst v1  }
0x1e4: {  	v27 =	vor.u32 s3, v0;
	[tilespmem:$0x1FBE0] =	vst v0  }
0x1e5: {  	v30 =	vor.u32 v63, v10;
	v8 =	vor.u32 s17, v0;
	v0 =	vor.u32 v60, v16;
	[tilespmem:v28+s23+$0x0] =	vst.idx.msk $0xffff, v20  }
0x1e6: {  	v47 =	vor.u32 v27, v3;
	v25 =	vld.idx.msk [tilespmem:v25+s12+$0x0], $0xffff;
	[tilespmem:$0x1FBF0] =	vst v0;
	v0 =	vor.u32 v52, v16  }
0x1e7: {  	v48 =	vor.u32 v12, v10;
	v20 =	vld.idx.msk [tilespmem:v55+s12+$0x0], $0xffff;
	[tilespmem:$0x1FC00] =	vst v0  }
0x1e8: {  	v3 =	vor.u32 v8, v3;
	v0 =	vor.u32 v61, v16;
	[tilespmem:v5+s23+$0x0] =	vst.idx.msk $0xffff, v18  }
0x1e9: {  	[tilespmem:$0x1FC10] =	vst v0  }
0x1ea: {  	[tilespmem:v30+s23+$0x0] =	vst.idx.msk $0xffff, v26  }
0x1eb: {  	[tilespmem:v47+s23+$0x0] =	vst.idx.msk $0xffff, v22  }
0x1ec: {  	v14 =	vld [tilespmem:$0x1FC20];
	[tilespmem:v48+s23+$0x0] =	vst.idx.msk $0xffff, v25  }
0x1ed: {  	v11 =	vld [tilespmem:$0x1FC30];
	[tilespmem:v3+s23+$0x0] =	vst.idx.msk $0xffff, v20  }
0x1ee: {  	v0 =	vld [tilespmem:$0x1FC40];
	_ =	sdelay $0x4  }
0x1ef: {  	v18 =	vor.u32 v27, v0;
	v12 =	vor.u32 v8, v0;
	v0 =	vld [tilespmem:$0x1FC50];
	_ =	sdelay $0x3  }
0x1f0: {  	v3 =	vor.u32 s8, v56;
	v20 =	vor.u32 s9, v56  }
0x1f1: {  	v30 =	vor.u32 v3, v0;
	v1 =	vor.u32 v20, v0;
	v0 =	vld [tilespmem:$0x1FC60];
	_ =	sdelay $0x2  }
0x1f2: {  	v5 =	vor.u32 v2, v14  }
0x1f3: {  	v22 =	vor.u32 v2, v11  }
0x1f4: {  	v27 =	vor.u32 v3, v0;
	v25 =	vor.u32 v20, v0;
	v0 =	vor.u32 v7, v16  }
0x1f5: {  	[tilespmem:$0x1FC70] =	vst v0;
	v0 =	vor.u32 v6, v15  }
0x1f6: {  	[tilespmem:$0x1FC80] =	vst v0;
	v0 =	vor.u32 v60, v15  }
0x1f7: {  	v5 =	vld.idx.msk [tilespmem:v5+s12+$0x0], $0xffff;
	[tilespmem:$0x1FC90] =	vst v0;
	v0 =	vor.u32 v52, v15  }
0x1f8: {  	[tilespmem:$0x1FCA0] =	vst v0  }
0x1f9: {  	v0 =	vor.u32 v61, v15;
	v63 =	vld.idx.msk [tilespmem:v22+s12+$0x0], $0xffff  }
0x1fa: {  	[tilespmem:$0x1FCB0] =	vst v0;
	v0 =	vld [tilespmem:$0x1FE60]  }
0x1fb: {  	v26 =	vor.u32 v2, v29;
	_ =	sdelay $0x3  }
0x1fc: {  	v20 =	vor.u32 s15, v0;
	v0 =	vor.u32 v7, v15  }
0x1fd: {  	v26 =	vld.idx.msk [tilespmem:v26+s12+$0x0], $0xffff;
	[tilespmem:$0x1FCC0] =	vst v0;
	v0 =	vor.u32 v62, v15  }
0x1fe: {  	[tilespmem:$0x1FCD0] =	vst v0;
	v0 =	vor.u32 v2, v59  }
0x1ff: {  	v42 =	vld.idx.msk [tilespmem:v23+s12+$0x0], $0xffff;
	[tilespmem:$0x1FCE0] =	vst v0  }
0x200: {  	[tilespmem:v30+s23+$0x0] =	vst.idx.msk $0xffff, v5  }
0x201: {  	v0 =	vld [tilespmem:$0x1FE50];
	_ =	sdelay $0x4  }
0x202: {  	v3 =	vor.u32 v19, v14;
	v14 =	vor.u32 s15, v0;
	v0 =	vld [tilespmem:$0x1FE80];
	_ =	sdelay $0x3  }
0x203: {  	v55 =	vor.u32 v54, v16;
	v47 =	vor.u32 v54, v15;
	v5 =	vld [tilespmem:$0x1FFC0];
	[tilespmem:v1+s23+$0x0] =	vst.idx.msk $0xffff, v63  }
0x204: {  	v60 =	vor.u32 v2, v39;
	v52 =	vor.u32 s13, v0;
	v54 =	vor.u32 s14, v0;
	v0 =	vld [tilespmem:$0x1FEB0]  }
0x205: {  	v58 =	vor.u32 s13, v51  }
0x206: {  	v35 =	vor.u32 v58, v20;
	_ =	sdelay $0x2  }
0x207: {  	v23 =	vld.idx.msk [tilespmem:v60+s12+$0x0], $0xffff;
	v1 =	vor.u32 s14, v0  }
0x208: {  	v56 =	vld.idx.msk [tilespmem:v24+s12+$0x0], $0xffff;
	[tilespmem:$0x1FCF0] =	vst v1  }
0x209: {  	[tilespmem:v35+s23+$0x0] =	vst.idx.msk $0xffff, v26  }
0x20a: {  	v53 =	vor.u32 v21, v15;
	v38 =	vor.u32 v19, v11;
	v61 =	vld [tilespmem:$0x1FD00]  }
0x20b: {  	v31 =	vor.u32 v21, v16;
	v57 =	vor.u32 v2, v53  }
0x20c: {  	v4 =	vor.u32 v62, v16;
	v9 =	vor.u32 v17, v16;
	v28 =	vor.u32 v19, v29  }
0x20d: {  	v48 =	vor.u32 s14, v46;
	v8 =	vor.u32 v17, v15;
	v60 =	vor.u32 s14, v51  }
0x20e: {  	v22 =	vor.u32 v19, v39;
	v51 =	vor.u32 s13, v46;
	v29 =	vor.u32 v60, v20;
	v3 =	vld.idx.msk [tilespmem:v3+s12+$0x0], $0xffff  }
0x20f: {  	s3 =	simm.s32 $0x4;
	v41 =	vor.u32 s13, v5;
	v21 =	vor.u32 s13, v0;
	v1 =	vld.idx.msk [tilespmem:v38+s12+$0x0], $0xffff;
	[tilespmem:$0x1FD10] =	vst v49;
	v5 =	vor.u32 v2, v61  }
.LBB2_3:
0x210: {  	v0 =	vld [tilespmem:$0x1FB20];
	_ =	sdelay $0x4  }
0x211: {  	v6 =	vmov v0;
	v0 =	vmov v50  }
0x212: {  	[tilespmem:$0x1F980] =	vst v0;
	v0 =	vld [tilespmem:$0x1F9B0]  }
0x213: {  	v7 =	vld [tilespmem:$0x1FAE0];
	_ =	sdelay $0x3  }
0x214: {  	[tilespmem:$0x1F940] =	vst v6;
	v26 =	vmov v0;
	v0 =	vmov v20  }
0x215: {  	v6 =	vld [tilespmem:$0x1FAC0];
	[tilespmem:$0x1F9B0] =	vst v0;
	v0 =	vor.u32 v19, v7  }
0x216: {  	[tilespmem:$0x1F950] =	vst v0;
	v0 =	vld [tilespmem:$0x1FE50];
	_ =	sdelay $0x1  }
0x217: {  	s3 =	sadd.s32 $0x2, s3  }
0x218: {  	s5 =	sshll.u32 s3, $0x7  }
0x219: {  	s5 =	sand.u32 $0xFFFFFC00, s5  }
0x21a: {  	[tilespmem:v29+s23+$0x0] =	vst.idx.msk $0xffff, v23;
	v29 =	vor.u32 s5, v0;
	v0 =	vor.u32 v19, v6  }
0x21b: {  	v11 =	vor.u32 v2, v6;
	v6 =	vmov v4;
	[tilespmem:$0x1F930] =	vst v0;
	v0 =	vld [tilespmem:$0x1FD90]  }
0x21c: {  	[tilespmem:$0x1FAC0] =	vst v6;
	v6 =	vld [tilespmem:$0x1FAD0];
	_ =	sdelay $0x1  }
0x21d: {  	v24 =	vld.idx.msk [tilespmem:v28+s12+$0x0], $0xffff;
	[tilespmem:v18+s23+$0x0] =	vst.idx.msk $0xffff, v42  }
0x21e: {  	v22 =	vld.idx.msk [tilespmem:v22+s12+$0x0], $0xffff;
	[tilespmem:v12+s23+$0x0] =	vst.idx.msk $0xffff, v56  }
0x21f: {  	[tilespmem:v27+s23+$0x0] =	vst.idx.msk $0xffff, v3  }
0x220: {  	v3 =	vld.idx.msk [tilespmem:v5+s12+$0x0], $0xffff;
	[tilespmem:v25+s23+$0x0] =	vst.idx.msk $0xffff, v1;
	v5 =	vor.u32 s8, v0;
	v1 =	vor.u32 s9, v0;
	v0 =	vor.u32 v19, v6  }
0x221: {  	[tilespmem:$0x1F900] =	vst v0;
	v0 =	vld [tilespmem:$0x1FCE0];
	_ =	sdelay $0x2  }
0x222: {  	v20 =	vor.u32 v58, v14;
	_ =	sdelay $0x3  }
0x223: {  	v4 =	vld [tilespmem:$0x1F990]  }
0x224: {  	[tilespmem:v20+s23+$0x0] =	vst.idx.msk $0xffff, v24;
	v24 =	vld.idx.msk [tilespmem:v0+s12+$0x0], $0xffff  }
0x225: {  	v0 =	vld [tilespmem:$0x1FD40];
	_ =	sdelay $0x4  }
0x226: {  	v27 =	vor.u32 v5, v4;
	v25 =	vor.u32 v1, v4;
	v4 =	vld [tilespmem:$0x1F9A0];
	v34 =	vor.u32 s15, v0;
	v0 =	vmovc v53  }
0x227: {  	[tilespmem:$0x1FB60] =	vst v0;
	v0 =	vld [tilespmem:$0x1FA70];
	_ =	sdelay $0x3  }
0x228: {  	v39 =	vor.u32 v1, v4;
	v1 =	vor.u32 v2, v6  }
0x229: {  	[tilespmem:$0x1F8D0] =	vst v1;
	v1 =	vor.u32 v19, v0  }
0x22a: {  	[tilespmem:$0x1F8E0] =	vst v1;
	v1 =	vor.u32 v2, v0;
	v0 =	vmov v57  }
0x22b: {  	[tilespmem:$0x1FCE0] =	vst v0;
	v0 =	vld [tilespmem:$0x1FA30];
	_ =	sdelay $0x4  }
0x22c: {  	[tilespmem:$0x1F8C0] =	vst v1;
	v1 =	vor.u32 v19, v0  }
0x22d: {  	v23 =	vor.u32 v2, v45;
	[tilespmem:$0x1F8A0] =	vst v1;
	v1 =	vld [tilespmem:$0x1FA50];
	_ =	sdelay $0x2  }
0x22e: {  	v28 =	vor.u32 v60, v14;
	v20 =	vor.u32 v19, v61  }
0x22f: {  	v30 =	vor.u32 v2, v13;
	v18 =	vor.u32 v2, v0;
	v0 =	vld [tilespmem:$0x1FD50]  }
0x230: {  	v23 =	vld.idx.msk [tilespmem:v23+s12+$0x0], $0xffff;
	v50 =	vor.u32 v2, v1;
	v1 =	vor.u32 v19, v1  }
0x231: {  	v40 =	vor.u32 v52, v34;
	[tilespmem:$0x1F8B0] =	vst v1;
	v1 =	vld [tilespmem:$0x1FA40]  }
0x232: {  	[tilespmem:v27+s23+$0x0] =	vst.idx.msk $0xffff, v3  }
0x233: {  	v3 =	vld.idx.msk [tilespmem:v20+s12+$0x0], $0xffff;
	[tilespmem:v28+s23+$0x0] =	vst.idx.msk $0xffff, v22  }
0x234: {  	v28 =	vld.idx.msk [tilespmem:v30+s12+$0x0], $0xffff;
	[tilespmem:v25+s23+$0x0] =	vst.idx.msk $0xffff, v24;
	v27 =	vor.u32 s15, v0;
	v0 =	vmov v44  }
0x235: {  	[tilespmem:$0x1F990] =	vst v0;
	v0 =	vld [tilespmem:$0x1FDB0]  }
0x236: {  	[tilespmem:v40+s23+$0x0] =	vst.idx.msk $0xffff, v23;
	v24 =	vor.u32 v19, v1;
	v40 =	vor.u32 v2, v1;
	v1 =	vld [tilespmem:$0x1FA20];
	_ =	sdelay $0x2  }
0x237: {  	v5 =	vor.u32 v5, v4;
	v22 =	vor.u32 v19, v45  }
0x238: {  	v63 =	vor.u32 v52, v27;
	v53 =	vor.u32 s8, v0;
	v44 =	vor.u32 s9, v0;
	v0 =	vmovc v55  }
0x239: {  	[tilespmem:$0x1FA20] =	vst v0;
	v0 =	vld [tilespmem:$0x1FDA0];
	v25 =	vor.u32 v19, v1;
	v52 =	vor.u32 v2, v1;
	v1 =	vmov v47  }
0x23a: {  	[tilespmem:$0x1FA40] =	vst v1;
	v1 =	vld [tilespmem:$0x1F9C0];
	_ =	sdelay $0x3  }
0x23b: {  	v36 =	vor.u32 v19, v59;
	v22 =	vld.idx.msk [tilespmem:v22+s12+$0x0], $0xffff;
	[tilespmem:v5+s23+$0x0] =	vst.idx.msk $0xffff, v3;
	v3 =	vor.u32 s8, v0  }
0x23c: {  	v35 =	vor.u32 v3, v26;
	v58 =	vor.u32 v3, v1;
	v3 =	vor.u32 s9, v0;
	v0 =	vld [tilespmem:$0x1FD60]  }
0x23d: {  	[tilespmem:$0x1F910] =	vst v11;
	v11 =	vld [tilespmem:$0x1F9F0];
	_ =	sdelay $0x3  }
0x23e: {  	v56 =	vor.u32 s9, v49;
	v60 =	vor.u32 v19, v13;
	v23 =	vld.idx.msk [tilespmem:v36+s12+$0x0], $0xffff;
	v36 =	vor.u32 s15, v0;
	v0 =	vmovc v14  }
0x23f: {  	v13 =	vld [tilespmem:$0x1FB70];
	v20 =	vor.u32 v2, v11;
	v30 =	vor.u32 v54, v34;
	[tilespmem:$0x1F9C0] =	vst v0;
	v0 =	vor.u32 v56, v43  }
0x240: {  	[tilespmem:$0x1F8F0] =	vst v0;
	v0 =	vld [tilespmem:$0x1FEE0];
	_ =	sdelay $0x2  }
0x241: {  	v7 =	vor.u32 v2, v7;
	v4 =	vld [tilespmem:$0x1FEA0]  }
0x242: {  	[tilespmem:v30+s23+$0x0] =	vst.idx.msk $0xffff, v28;
	v28 =	vor.u32 v2, v13;
	v20 =	vld.idx.msk [tilespmem:v20+s12+$0x0], $0xffff  }
0x243: {  	v59 =	vor.u32 s15, v0;
	v0 =	vld [tilespmem:$0x1F9D0]  }
0x244: {  	[tilespmem:$0x1F920] =	vst v7;
	v7 =	vmov v31  }
0x245: {  	[tilespmem:$0x1FD00] =	vst v7  }
0x246: {  	v7 =	vld [tilespmem:$0x1FA10];
	[tilespmem:v63+s23+$0x0] =	vst.idx.msk $0xffff, v22  }
0x247: {  	v9 =	vmov v9;
	v5 =	vor.u32 s8, v4;
	v28 =	vld.idx.msk [tilespmem:v28+s12+$0x0], $0xffff;
	[tilespmem:v35+s23+$0x0] =	vst.idx.msk $0xffff, v20;
	v20 =	vor.u32 s9, v4  }
0x248: {  	v12 =	vld [tilespmem:$0x1FB80];
	v49 =	vmovc v62;
	[tilespmem:$0x1FA30] =	vst v9;
	v62 =	vor.u32 v5, v0;
	v9 =	vor.u32 v20, v0;
	v0 =	vmov v29  }
0x249: {  	[tilespmem:$0x1F970] =	vst v0;
	v0 =	vld [tilespmem:$0x1FD70];
	_ =	sdelay $0x1  }
0x24a: {  	v61 =	vor.u32 v2, v7  }
0x24b: {  	v46 =	vld [tilespmem:$0x1FFC0]  }
0x24c: {  	v30 =	vld.idx.msk [tilespmem:v60+s12+$0x0], $0xffff;
	v32 =	vor.u32 v54, v27  }
0x24d: {  	v33 =	vor.u32 v2, v12;
	v29 =	vor.u32 s15, v0;
	v0 =	vld [tilespmem:$0x1FFD0]  }
0x24e: {  	v6 =	vld [tilespmem:$0x1FA00];
	[tilespmem:v39+s23+$0x0] =	vst.idx.msk $0xffff, v23  }
0x24f: {  	v23 =	vld.idx.msk [tilespmem:v61+s12+$0x0], $0xffff;
	v22 =	vor.u32 v19, v11  }
0x250: {  	v4 =	vld [tilespmem:$0x1FC10]  }
0x251: {  	[tilespmem:v32+s23+$0x0] =	vst.idx.msk $0xffff, v30;
	v26 =	vor.u32 v3, v26;
	v45 =	vor.u32 v3, v1;
	v1 =	vld [tilespmem:$0x1F9E0]  }
0x252: {  	v39 =	vor.u32 v19, v7;
	v42 =	vld.idx.msk [tilespmem:v33+s12+$0x0], $0xffff;
	v38 =	vor.u32 v41, v36;
	v47 =	vor.u32 s15, v0;
	v0 =	vmovc v34  }
0x253: {  	[tilespmem:$0x1F9D0] =	vst v0;
	v0 =	vld [tilespmem:$0x1FB90]  }
0x254: {  	v30 =	vor.u32 s14, v46;
	v63 =	vld.idx.msk [tilespmem:v22+s12+$0x0], $0xffff  }
0x255: {  	v13 =	vor.u32 v19, v13;
	v11 =	vor.u32 v19, v12;
	v7 =	vmovc v4;
	v4 =	vld [tilespmem:$0x1FCB0];
	v54 =	vor.u32 v30, v36  }
0x256: {  	v31 =	vor.u32 v5, v1;
	[tilespmem:v26+s23+$0x0] =	vst.idx.msk $0xffff, v23;
	v16 =	vor.u32 v20, v1;
	v1 =	vld [tilespmem:$0x1FBD0]  }
0x257: {  	v57 =	vor.u32 v53, v6;
	[tilespmem:v38+s23+$0x0] =	vst.idx.msk $0xffff, v28;
	v28 =	vld.idx.msk [tilespmem:v39+s12+$0x0], $0xffff  }
0x258: {  	v3 =	vor.u32 v44, v6;
	v39 =	vor.u32 v19, v0;
	v6 =	vor.u32 v2, v0;
	v0 =	vld [tilespmem:$0x1FD80];
	_ =	sdelay $0x1  }
0x259: {  	v12 =	vmov v36;
	[tilespmem:v54+s23+$0x0] =	vst.idx.msk $0xffff, v42;
	v13 =	vld.idx.msk [tilespmem:v13+s12+$0x0], $0xffff;
	v38 =	vor.u32 v41, v29  }
0x25a: {  	[tilespmem:$0x1FA00] =	vst v12;
	v11 =	vld.idx.msk [tilespmem:v11+s12+$0x0], $0xffff;
	v30 =	vor.u32 v30, v29  }
0x25b: {  	v12 =	vld [tilespmem:$0x1FFA0];
	v14 =	vor.u32 v2, v1;
	[tilespmem:v58+s23+$0x0] =	vst.idx.msk $0xffff, v63  }
0x25c: {  	v54 =	vld.idx.msk [tilespmem:v52+s12+$0x0], $0xffff;
	[tilespmem:v45+s23+$0x0] =	vst.idx.msk $0xffff, v28;
	v61 =	vor.u32 s15, v0;
	v0 =	vmov v4  }
0x25d: {  	[tilespmem:$0x1FA10] =	vst v0;
	v0 =	vld [tilespmem:$0x1FF00]  }
0x25e: {  	s16 =	sadd.s32 $0x20, s16;
	v40 =	vld.idx.msk [tilespmem:v40+s12+$0x0], $0xffff;
	[tilespmem:v38+s23+$0x0] =	vst.idx.msk $0xffff, v13  }
0x25f: {  	s7 =	sadd.s32 $0xFFFFFFF0, s16;
	v20 =	vmov s16;
	v13 =	vld [tilespmem:$0x1FEF0];
	[tilespmem:v30+s23+$0x0] =	vst.idx.msk $0xffff, v11  }
0x260: {  	v5 =	vmov s7;
	v20 =	vshll.u32 v20, $0x5;
	v32 =	vld.idx.msk [tilespmem:v14+s12+$0x0], $0xffff  }
0x261: {  	v15 =	vmov v27;
	v22 =	vshll.u32 v5, $0x5;
	v28 =	vor.u32 v12, v20;
	v14 =	vld [tilespmem:$0x1FC70]  }
0x262: {  	v27 =	vor.u32 v0, v22;
	v60 =	vor.u32 v0, v20;
	v0 =	vmovc v8;
	v8 =	vor.u32 v12, v22;
	v12 =	vld [tilespmem:$0x1FDC0];
	_ =	sdelay $0x3  }
0x263: {  	v33 =	vld [tilespmem:$0x1FF20];
	v36 =	vor.u32 v13, v22;
	v63 =	vor.u32 v13, v20  }
0x264: {  	v30 =	vld [tilespmem:$0x1FE40];
	[tilespmem:$0x1FA50] =	vst v0;
	v45 =	vor.u32 v12, v22;
	v13 =	vor.u32 v12, v20;
	v12 =	vmov v14  }
0x265: {  	v0 =	vor.u32 v2, v27;
	[tilespmem:$0x1FA70] =	vst v12;
	v12 =	vld [tilespmem:$0x1FF40]  }
0x266: {  	[tilespmem:$0x1F9E0] =	vst v15;
	v15 =	vld [tilespmem:$0x1FE70]  }
0x267: {  	v11 =	vld [tilespmem:$0x1FE80];
	v4 =	vor.u32 v2, v60  }
0x268: {  	v6 =	vld.idx.msk [tilespmem:v6+s12+$0x0], $0xffff  }
0x269: {  	v26 =	vor.u32 v21, v47;
	v41 =	vor.u32 v30, v22;
	v30 =	vor.u32 v30, v20;
	v14 =	vld [tilespmem:$0x1FE30]  }
0x26a: {  	[tilespmem:$0x1FB80] =	vst v30;
	v0 =	vld.idx.msk [tilespmem:v0+s12+$0x0], $0xffff;
	v30 =	vor.u32 s5, v12;
	v12 =	vmov v10  }
0x26b: {  	[tilespmem:$0x1F9A0] =	vst v12;
	v12 =	vld [tilespmem:$0x1FCC0]  }
0x26c: {  	s17 =	sand.u32 $0x60, s7;
	s7 =	sand.u32 $0x70, s16;
	[tilespmem:v62+s23+$0x0] =	vst.idx.msk $0xffff, v54;
	v4 =	vld.idx.msk [tilespmem:v4+s12+$0x0], $0xffff  }
0x26d: {  	v52 =	vor.u32 s17, v11;
	v54 =	vor.u32 s7, v11;
	[tilespmem:v9+s23+$0x0] =	vst.idx.msk $0xffff, v40;
	v11 =	vld.idx.msk [tilespmem:v25+s12+$0x0], $0xffff  }
0x26e: {  	[tilespmem:v26+s23+$0x0] =	vst.idx.msk $0xffff, v6;
	v6 =	vld.idx.msk [tilespmem:v24+s12+$0x0], $0xffff  }
0x26f: {  	[tilespmem:$0x1FB70] =	vst v41;
	v41 =	vor.u32 s17, v46;
	v46 =	vor.u32 v14, v22;
	v24 =	vor.u32 v14, v20;
	v14 =	vld [tilespmem:$0x1FCD0]  }
0x270: {  	v10 =	vmov v12;
	v12 =	vld [tilespmem:$0x1FEB0];
	_ =	sdelay $0x1  }
0x271: {  	v37 =	vor.u32 s17, v33  }
0x272: {  	v55 =	vld [tilespmem:$0x1FCF0];
	v62 =	vor.u32 v37, v30  }
0x273: {  	v58 =	vor.u32 s17, v15;
	v9 =	vor.u32 v19, v60;
	v60 =	vor.u32 s7, v15;
	v15 =	vld [tilespmem:$0x1FE20]  }
0x274: {  	v40 =	vor.u32 s7, v12;
	v26 =	vor.u32 s17, v12;
	v12 =	vmov v14;
	v14 =	vld [tilespmem:$0x1FEC0];
	_ =	sdelay $0x1  }
0x275: {  	[tilespmem:$0x1FB90] =	vst v46  }
0x276: {  	v35 =	vor.u32 v55, v47;
	v39 =	vld.idx.msk [tilespmem:v39+s12+$0x0], $0xffff;
	[tilespmem:v62+s23+$0x0] =	vst.idx.msk $0xffff, v0  }
0x277: {  	v34 =	vor.u32 v19, v1;
	v38 =	vld [tilespmem:$0x1FBB0];
	v46 =	vor.u32 s7, v33;
	v33 =	vor.u32 v15, v22;
	[tilespmem:$0x1FAD0] =	vst v10  }
0x278: {  	v0 =	vld [tilespmem:$0x1FF50];
	v10 =	vor.u32 v19, v27;
	[tilespmem:$0x1FAE0] =	vst v12;
	v12 =	vor.u32 v15, v20;
	v15 =	vor.u32 s7, v14  }
0x279: {  	v27 =	vor.u32 v46, v30;
	[tilespmem:$0x1F960] =	vst v15;
	v15 =	vor.u32 v55, v61;
	v55 =	vld [tilespmem:$0x1FC80];
	_ =	sdelay $0x1  }
0x27a: {  	v17 =	vld [tilespmem:$0x1FF60];
	[tilespmem:v35+s23+$0x0] =	vst.idx.msk $0xffff, v32  }
0x27b: {  	v21 =	vor.u32 v21, v61;
	v35 =	vld.idx.msk [tilespmem:v34+s12+$0x0], $0xffff  }
0x27c: {  	v32 =	vor.u32 v2, v38;
	v25 =	vor.u32 s5, v0;
	v10 =	vld.idx.msk [tilespmem:v10+s12+$0x0], $0xffff;
	[tilespmem:v31+s23+$0x0] =	vst.idx.msk $0xffff, v11  }
0x27d: {  	v1 =	vld [tilespmem:$0x1FF70];
	v11 =	vor.u32 v37, v25;
	[tilespmem:v27+s23+$0x0] =	vst.idx.msk $0xffff, v4;
	v62 =	vor.u32 v2, v55  }
0x27e: {  	v46 =	vor.u32 v46, v25;
	v9 =	vld.idx.msk [tilespmem:v9+s12+$0x0], $0xffff  }
0x27f: {  	v4 =	vld.idx.msk [tilespmem:v18+s12+$0x0], $0xffff;
	[tilespmem:v16+s23+$0x0] =	vst.idx.msk $0xffff, v6  }
0x280: {  	[tilespmem:v21+s23+$0x0] =	vst.idx.msk $0xffff, v39;
	v16 =	vld.idx.msk [tilespmem:v50+s12+$0x0], $0xffff  }
0x281: {  	v32 =	vld.idx.msk [tilespmem:v32+s12+$0x0], $0xffff;
	[tilespmem:v15+s23+$0x0] =	vst.idx.msk $0xffff, v35  }
0x282: {  	[tilespmem:v11+s23+$0x0] =	vst.idx.msk $0xffff, v10;
	v11 =	vld.idx.msk [tilespmem:v62+s12+$0x0], $0xffff  }
0x283: {  	v5 =	vor.u32 s17, v1;
	[tilespmem:v46+s23+$0x0] =	vst.idx.msk $0xffff, v9;
	v9 =	vor.u32 s7, v1;
	v1 =	vld [tilespmem:$0x1F8A0]  }
0x284: {  	v31 =	vor.u32 v17, v22  }
0x285: {  	v37 =	vor.u32 v2, v31;
	_ =	sdelay $0x4  }
0x286: {  	v37 =	vld.idx.msk [tilespmem:v37+s12+$0x0], $0xffff;
	[tilespmem:v57+s23+$0x0] =	vst.idx.msk $0xffff, v4  }
0x287: {  	v21 =	vmov v26;
	v26 =	vld.idx.msk [tilespmem:v1+s12+$0x0], $0xffff;
	v1 =	vmov v33  }
0x288: {  	[tilespmem:$0x1FBB0] =	vst v1;
	v1 =	vld [tilespmem:$0x1F8B0]  }
0x289: {  	[tilespmem:$0x1F9F0] =	vst v7;
	v7 =	vor.u32 v17, v20;
	v17 =	vld [tilespmem:$0x1FD20]  }
0x28a: {  	v6 =	vor.u32 v2, v7;
	_ =	sdelay $0x3  }
0x28b: {  	v27 =	vor.u32 v17, v22;
	v39 =	vor.u32 v17, v20;
	v17 =	vld [tilespmem:$0x1FA60]  }
0x28c: {  	v6 =	vld.idx.msk [tilespmem:v6+s12+$0x0], $0xffff;
	[tilespmem:v3+s23+$0x0] =	vst.idx.msk $0xffff, v16  }
0x28d: {  	v3 =	vor.u32 v19, v7;
	v7 =	vld.idx.msk [tilespmem:v1+s12+$0x0], $0xffff  }
0x28e: {  	v1 =	vld [tilespmem:$0x1FD30];
	_ =	sdelay $0x3  }
0x28f: {  	v0 =	vld [tilespmem:$0x1FE10];
	v10 =	vor.u32 v19, v38;
	v38 =	vor.u32 v19, v31  }
0x290: {  	v35 =	vor.u32 v53, v17;
	v31 =	vor.u32 v1, v22;
	v53 =	vor.u32 v1, v20;
	v1 =	vld [tilespmem:$0x1FE90];
	_ =	sdelay $0x3  }
0x291: {  	[tilespmem:$0x1FBD0] =	vst v24;
	v24 =	vor.u32 s17, v14;
	v14 =	vor.u32 v0, v22;
	v34 =	vor.u32 v0, v20;
	v0 =	vmovc v40  }
0x292: {  	[tilespmem:$0x1FCF0] =	vst v0;
	v0 =	vld [tilespmem:$0x1FF80];
	v15 =	vor.u32 s15, v1;
	v1 =	vmov v12  }
0x293: {  	v50 =	vor.u32 v51, v59;
	[tilespmem:$0x1FC80] =	vst v1;
	v1 =	vld [tilespmem:$0x1FF90];
	_ =	sdelay $0x1  }
0x294: {  	v62 =	vor.u32 v48, v59;
	_ =	sdelay $0x1  }
0x295: {  	s15 =	smov.u32 s5  }
0x296: {  	v40 =	vor.u32 s5, v0;
	[tilespmem:v50+s23+$0x0] =	vst.idx.msk $0xffff, v32;
	v50 =	vor.u32 s15, v1;
	v1 =	vld [tilespmem:$0x1F8C0]  }
0x297: {  	v0 =	vor.u32 v19, v55;
	v4 =	vor.u32 v5, v40  }
0x298: {  	[tilespmem:v62+s23+$0x0] =	vst.idx.msk $0xffff, v11  }
0x299: {  	v46 =	vor.u32 v9, v40;
	v18 =	vor.u32 v51, v15;
	[tilespmem:$0x1FB20] =	vst v15;
	v11 =	vor.u32 v48, v15;
	v15 =	vld [tilespmem:$0x1FE00];
	_ =	sdelay $0x1  }
0x29a: {  	v10 =	vld.idx.msk [tilespmem:v10+s12+$0x0], $0xffff  }
0x29b: {  	[tilespmem:v4+s23+$0x0] =	vst.idx.msk $0xffff, v37;
	v0 =	vld.idx.msk [tilespmem:v0+s12+$0x0], $0xffff  }
0x29c: {  	v12 =	vld.idx.msk [tilespmem:v38+s12+$0x0], $0xffff;
	[tilespmem:v35+s23+$0x0] =	vst.idx.msk $0xffff, v26  }
0x29d: {  	[tilespmem:v46+s23+$0x0] =	vst.idx.msk $0xffff, v6;
	v6 =	vld.idx.msk [tilespmem:v1+s12+$0x0], $0xffff;
	v1 =	vor.u32 v15, v22  }
0x29e: {  	[tilespmem:$0x1FC10] =	vst v1;
	v1 =	vld [tilespmem:$0x1F8D0];
	_ =	sdelay $0x1  }
0x29f: {  	v16 =	vor.u32 v44, v17;
	_ =	sdelay $0x4  }
0x2a0: {  	v3 =	vld.idx.msk [tilespmem:v3+s12+$0x0], $0xffff;
	[tilespmem:v16+s23+$0x0] =	vst.idx.msk $0xffff, v7  }
0x2a1: {  	[tilespmem:v18+s23+$0x0] =	vst.idx.msk $0xffff, v10;
	v10 =	vld.idx.msk [tilespmem:v1+s12+$0x0], $0xffff;
	v1 =	vor.u32 v15, v20  }
0x2a2: {  	[tilespmem:$0x1FCB0] =	vst v1;
	v1 =	vld [tilespmem:$0x1FFE0];
	_ =	sdelay $0x4  }
0x2a3: {  	v17 =	vmov v29;
	[tilespmem:v11+s23+$0x0] =	vst.idx.msk $0xffff, v0;
	v16 =	vor.u32 s13, v1;
	v0 =	vor.u32 s14, v1;
	v1 =	vld [tilespmem:$0x1FF30]  }
0x2a4: {  	[tilespmem:$0x1FA60] =	vst v17;
	v17 =	vld [tilespmem:$0x1FBF0]  }
0x2a5: {  	v62 =	vmov v49;
	v49 =	vld [tilespmem:$0x1FD10]  }
0x2a6: {  	v38 =	vld [tilespmem:$0x1FC90];
	_ =	sdelay $0x1  }
0x2a7: {  	v15 =	vld [tilespmem:$0x1FA80];
	v44 =	vor.u32 s15, v1;
	v1 =	vmov v30  }
0x2a8: {  	v4 =	vor.u32 v2, v17;
	v5 =	vor.u32 v5, v50;
	[tilespmem:$0x1FA80] =	vst v1;
	v1 =	vld [tilespmem:$0x1F8E0]  }
0x2a9: {  	v46 =	vor.u32 v2, v8;
	v26 =	vor.u32 s8, v49  }
0x2aa: {  	v55 =	vor.u32 v26, v43;
	v29 =	vor.u32 v2, v38;
	_ =	sdelay $0x2  }
0x2ab: {  	v4 =	vld.idx.msk [tilespmem:v4+s12+$0x0], $0xffff;
	[tilespmem:v5+s23+$0x0] =	vst.idx.msk $0xffff, v12  }
0x2ac: {  	v12 =	vld.idx.msk [tilespmem:v46+s12+$0x0], $0xffff  }
0x2ad: {  	[tilespmem:v55+s23+$0x0] =	vst.idx.msk $0xffff, v6;
	v5 =	vld.idx.msk [tilespmem:v29+s12+$0x0], $0xffff  }
0x2ae: {  	v29 =	vld.idx.msk [tilespmem:v1+s12+$0x0], $0xffff  }
0x2af: {  	v1 =	vld [tilespmem:$0x1F8F0]  }
0x2b0: {  	v9 =	vor.u32 v9, v50  }
0x2b1: {  	v7 =	vor.u32 v2, v28  }
0x2b2: {  	v48 =	vld [tilespmem:$0x1FA90];
	_ =	sdelay $0x2  }
0x2b3: {  	[tilespmem:v9+s23+$0x0] =	vst.idx.msk $0xffff, v3  }
0x2b4: {  	v7 =	vld.idx.msk [tilespmem:v7+s12+$0x0], $0xffff  }
0x2b5: {  	v18 =	vor.u32 v26, v48;
	v26 =	vor.u32 v16, v15;
	[tilespmem:v1+s23+$0x0] =	vst.idx.msk $0xffff, v10;
	v1 =	vld [tilespmem:$0x1F900]  }
0x2b6: {  	v51 =	vor.u32 v19, v17;
	_ =	sdelay $0x3  }
0x2b7: {  	[tilespmem:v26+s23+$0x0] =	vst.idx.msk $0xffff, v4  }
0x2b8: {  	v26 =	vor.u32 v56, v48;
	v48 =	vld.idx.msk [tilespmem:v51+s12+$0x0], $0xffff  }
0x2b9: {  	v51 =	vld [tilespmem:$0x1FDD0]  }
0x2ba: {  	v4 =	vld.idx.msk [tilespmem:v1+s12+$0x0], $0xffff  }
0x2bb: {  	v1 =	vld [tilespmem:$0x1FDF0];
	_ =	sdelay $0x4  }
0x2bc: {  	v42 =	vld [tilespmem:$0x1FFB0];
	v43 =	vmovc v47;
	v55 =	vor.u32 v1, v22;
	v47 =	vor.u32 v1, v20;
	v1 =	vor.u32 v51, v22  }
0x2bd: {  	[tilespmem:$0x1FC70] =	vst v1;
	v1 =	vld [tilespmem:$0x1FF10];
	_ =	sdelay $0x3  }
0x2be: {  	v23 =	vor.u32 s17, v42;
	v11 =	vor.u32 v0, v15;
	v15 =	vld [tilespmem:$0x1FAB0]  }
0x2bf: {  	v6 =	vor.u32 v23, v44;
	v10 =	vor.u32 s15, v1;
	v1 =	vld [tilespmem:$0x1F910]  }
0x2c0: {  	v30 =	vor.u32 v19, v8  }
0x2c1: {  	v17 =	vor.u32 v19, v38;
	v3 =	vor.u32 s7, v42  }
0x2c2: {  	v32 =	vor.u32 v3, v44  }
0x2c3: {  	v28 =	vor.u32 v19, v28  }
0x2c4: {  	v0 =	vor.u32 v0, v15;
	v16 =	vor.u32 v16, v15;
	v15 =	vld [tilespmem:$0x1FBE0];
	[tilespmem:v6+s23+$0x0] =	vst.idx.msk $0xffff, v12  }
0x2c5: {  	v12 =	vld.idx.msk [tilespmem:v30+s12+$0x0], $0xffff;
	[tilespmem:v11+s23+$0x0] =	vst.idx.msk $0xffff, v5  }
0x2c6: {  	[tilespmem:v18+s23+$0x0] =	vst.idx.msk $0xffff, v29;
	v11 =	vld.idx.msk [tilespmem:v17+s12+$0x0], $0xffff  }
0x2c7: {  	[tilespmem:v32+s23+$0x0] =	vst.idx.msk $0xffff, v7;
	v7 =	vld.idx.msk [tilespmem:v1+s12+$0x0], $0xffff  }
0x2c8: {  	v1 =	vld [tilespmem:$0x1FAF0]  }
0x2c9: {  	v28 =	vld.idx.msk [tilespmem:v28+s12+$0x0], $0xffff  }
0x2ca: {  	[tilespmem:v26+s23+$0x0] =	vst.idx.msk $0xffff, v4;
	v4 =	vld [tilespmem:$0x1F920];
	_ =	sdelay $0x1  }
0x2cb: {  	v30 =	vor.u32 s9, v15;
	v5 =	vor.u32 s8, v15;
	v18 =	vor.u32 v23, v10;
	[tilespmem:v16+s23+$0x0] =	vst.idx.msk $0xffff, v48  }
0x2cc: {  	v23 =	vor.u32 v5, v1;
	v48 =	vor.u32 v30, v1;
	v1 =	vor.u32 v51, v20  }
0x2cd: {  	[tilespmem:$0x1FCC0] =	vst v1;
	v1 =	vld [tilespmem:$0x1FED0];
	_ =	sdelay $0x1  }
0x2ce: {  	v8 =	vld [tilespmem:$0x1FDE0]  }
0x2cf: {  	v56 =	vld [tilespmem:$0x1FC00]  }
0x2d0: {  	s9 =	smov.u32 s14;
	s8 =	smov.u32 s13;
	v16 =	vld.idx.msk [tilespmem:v4+s12+$0x0], $0xffff  }
0x2d1: {  	[tilespmem:v0+s23+$0x0] =	vst.idx.msk $0xffff, v11;
	v33 =	vor.u32 s8, v1;
	v0 =	vor.u32 s9, v1;
	v1 =	vld [tilespmem:$0x1FE60]  }
0x2d2: {  	v42 =	vld [tilespmem:$0x1FCA0];
	_ =	sdelay $0x2  }
0x2d3: {  	v9 =	vor.u32 v8, v22;
	v8 =	vor.u32 v8, v20  }
0x2d4: {  	v6 =	vor.u32 v2, v56;
	v15 =	vor.u32 v62, v20;
	v20 =	vor.u32 s15, v1;
	v1 =	vmovc v61  }
0x2d5: {  	v17 =	vor.u32 v2, v42;
	[tilespmem:$0x1FA90] =	vst v1;
	v1 =	vld [tilespmem:$0x1F930]  }
0x2d6: {  	v3 =	vor.u32 v3, v10  }
0x2d7: {  	v29 =	vor.u32 v2, v36  }
0x2d8: {  	[tilespmem:$0x1FCD0] =	vst v15;
	v15 =	vld [tilespmem:$0x1FB10]  }
0x2d9: {  	v6 =	vld.idx.msk [tilespmem:v6+s12+$0x0], $0xffff  }
0x2da: {  	[tilespmem:v18+s23+$0x0] =	vst.idx.msk $0xffff, v12;
	v17 =	vld.idx.msk [tilespmem:v17+s12+$0x0], $0xffff  }
0x2db: {  	[tilespmem:v3+s23+$0x0] =	vst.idx.msk $0xffff, v28;
	v3 =	vld [tilespmem:$0x1F950]  }
0x2dc: {  	v26 =	vor.u32 v2, v63;
	v46 =	vld.idx.msk [tilespmem:v29+s12+$0x0], $0xffff;
	[tilespmem:v23+s23+$0x0] =	vst.idx.msk $0xffff, v7  }
0x2dd: {  	v38 =	vor.u32 v19, v42;
	v51 =	vor.u32 v33, v15;
	v42 =	vld.idx.msk [tilespmem:v1+s12+$0x0], $0xffff  }
0x2de: {  	v25 =	vmov v25;
	v1 =	vld [tilespmem:$0x1F940]  }
0x2df: {  	[tilespmem:$0x1FAB0] =	vst v25;
	v4 =	vor.u32 v62, v22;
	v22 =	vmov v59  }
0x2e0: {  	[tilespmem:$0x1FAF0] =	vst v22;
	v37 =	vor.u32 v0, v15  }
0x2e1: {  	v11 =	vor.u32 v19, v56;
	v23 =	vld.idx.msk [tilespmem:v26+s12+$0x0], $0xffff;
	[tilespmem:v48+s23+$0x0] =	vst.idx.msk $0xffff, v16;
	v7 =	vor.u32 v58, v20  }
0x2e2: {  	v16 =	vmov v27;
	[tilespmem:v51+s23+$0x0] =	vst.idx.msk $0xffff, v6;
	v6 =	vld [tilespmem:$0x1F980]  }
0x2e3: {  	[tilespmem:$0x1FBF0] =	vst v16;
	v15 =	vmov v14;
	v18 =	vor.u32 v5, v1;
	v12 =	vor.u32 v30, v1;
	v1 =	vld [tilespmem:$0x1F960]  }
0x2e4: {  	p0 =	slt.u32 s3, $0x1E;
	[tilespmem:$0x1FC00] =	vst v15;
	v61 =	vld [tilespmem:$0x1FD00]  }
.Ltmp0:
0x2e5: {  	v56 =	vld.idx.msk [tilespmem:v3+s12+$0x0], $0xffff;
	[tilespmem:v37+s23+$0x0] =	vst.idx.msk $0xffff, v17;
	(pc) =	sbr.rel @p0 .LBB2_3-.Ltmp0, $4  }
0x2e6: {  	v57 =	vor.u32 v2, v53;
	v3 =	vld.idx.msk [tilespmem:v11+s12+$0x0], $0xffff;
	v11 =	vmov v39;
	[tilespmem:v7+s23+$0x0] =	vst.idx.msk $0xffff, v46  }
0x2e7: {  	v59 =	vld [tilespmem:$0x1FB60];
	v28 =	vor.u32 v19, v36;
	v22 =	vor.u32 v19, v63;
	[tilespmem:$0x1FC90] =	vst v11;
	v5 =	vmov v34  }
0x2e8: {  	v14 =	vld [tilespmem:$0x1F970];
	v29 =	vor.u32 v60, v20;
	v27 =	vor.u32 v33, v6;
	[tilespmem:$0x1FCA0] =	vst v5;
	v48 =	vmovc v1;
	v1 =	vmov v40  }
0x2e9: {  	s14 =	smov.u32 s7;
	s13 =	smov.u32 s17;
	v51 =	vmov v24;
	v25 =	vor.u32 v0, v6;
	v5 =	vor.u32 v2, v61;
	[tilespmem:$0x1FB10] =	vst v1;
	v1 =	vld.idx.msk [tilespmem:v38+s12+$0x0], $0xffff  }
0x2ea: {  	v32 =	vld [tilespmem:$0x1FFB0]  }
0x2eb: {  	v34 =	vld [tilespmem:$0x1FF90]  }
0x2ec: {  	v46 =	vld [tilespmem:$0x1FF80]  }
0x2ed: {  	v36 =	vld [tilespmem:$0x1FF70]  }
0x2ee: {  	v33 =	vld [tilespmem:$0x1FF50]  }
0x2ef: {  	v63 =	vld [tilespmem:$0x1FF40]  }
0x2f0: {  	v0 =	vld.idx.msk [tilespmem:v28+s12+$0x0], $0xffff;
	v6 =	vor.u32 v58, v14  }
0x2f1: {  	v40 =	vld [tilespmem:$0x1FF20]  }
0x2f2: {  	v39 =	vld [tilespmem:$0x1FF00]  }
0x2f3: {  	v37 =	vld [tilespmem:$0x1FF60]  }
0x2f4: {  	v35 =	vld [tilespmem:$0x1FFA0];
	[tilespmem:v29+s23+$0x0] =	vst.idx.msk $0xffff, v23  }
0x2f5: {  	[tilespmem:v6+s23+$0x0] =	vst.idx.msk $0xffff, v0  }
0x2f6: {  	v58 =	vld [tilespmem:$0x1FD40]  }
0x2f7: {  	v7 =	vor.u32 v2, v45;
	_ =	sdelay $0x3  }
0x2f8: {  	v11 =	vld.idx.msk [tilespmem:v22+s12+$0x0], $0xffff;
	v16 =	vor.u32 v60, v14;
	v26 =	vor.u32 s15, v58  }
0x2f9: {  	v0 =	vld.idx.msk [tilespmem:v7+s12+$0x0], $0xffff;
	v38 =	vor.u32 v52, v26;
	_ =	sdelay $0x2  }
0x2fa: {  	v22 =	vor.u32 v2, v13  }
0x2fb: {  	[tilespmem:v16+s23+$0x0] =	vst.idx.msk $0xffff, v11  }
0x2fc: {  	[tilespmem:v38+s23+$0x0] =	vst.idx.msk $0xffff, v0  }
0x2fd: {  	v60 =	vld [tilespmem:$0x1FD50]  }
0x2fe: {  	v45 =	vor.u32 v19, v45  }
0x2ff: {  	v11 =	vld.idx.msk [tilespmem:v22+s12+$0x0], $0xffff;
	v16 =	vor.u32 v54, v26;
	_ =	sdelay $0x2  }
0x300: {  	v24 =	vor.u32 s15, v60  }
0x301: {  	v0 =	vld.idx.msk [tilespmem:v45+s12+$0x0], $0xffff;
	v38 =	vor.u32 v52, v24  }
0x302: {  	[tilespmem:v16+s23+$0x0] =	vst.idx.msk $0xffff, v11  }
0x303: {  	v22 =	vor.u32 v19, v13;
	v13 =	vld [tilespmem:$0x1FB70];
	_ =	sdelay $0x2  }
0x304: {  	v15 =	vld [tilespmem:$0x1FB80];
	[tilespmem:v38+s23+$0x0] =	vst.idx.msk $0xffff, v0  }
0x305: {  	v52 =	vld [tilespmem:$0x1FD60]  }
0x306: {  	v45 =	vor.u32 v2, v13  }
0x307: {  	v11 =	vld.idx.msk [tilespmem:v22+s12+$0x0], $0xffff;
	v16 =	vor.u32 v54, v24;
	_ =	sdelay $0x2  }
0x308: {  	v23 =	vor.u32 s15, v52  }
0x309: {  	v0 =	vld.idx.msk [tilespmem:v45+s12+$0x0], $0xffff;
	v54 =	vor.u32 v41, v23  }
0x30a: {  	[tilespmem:v16+s23+$0x0] =	vst.idx.msk $0xffff, v11  }
0x30b: {  	v11 =	vld [tilespmem:$0x1FFC0]  }
0x30c: {  	v22 =	vor.u32 v2, v15;
	_ =	sdelay $0x1  }
0x30d: {  	[tilespmem:v54+s23+$0x0] =	vst.idx.msk $0xffff, v0  }
0x30e: {  	v45 =	vld [tilespmem:$0x1FD70]  }
0x30f: {  	v62 =	vor.u32 v19, v13;
	v11 =	vor.u32 s14, v11  }
0x310: {  	v13 =	vld.idx.msk [tilespmem:v22+s12+$0x0], $0xffff;
	v16 =	vor.u32 v11, v23;
	_ =	sdelay $0x2  }
0x311: {  	v22 =	vor.u32 s15, v45  }
0x312: {  	v0 =	vld.idx.msk [tilespmem:v62+s12+$0x0], $0xffff;
	v38 =	vor.u32 v41, v22  }
0x313: {  	[tilespmem:v16+s23+$0x0] =	vst.idx.msk $0xffff, v13  }
0x314: {  	v28 =	vor.u32 v19, v15;
	v15 =	vld [tilespmem:$0x1FB90];
	_ =	sdelay $0x2  }
0x315: {  	v17 =	vld [tilespmem:$0x1FBD0];
	[tilespmem:v38+s23+$0x0] =	vst.idx.msk $0xffff, v0  }
0x316: {  	v38 =	vld [tilespmem:$0x1FFD0]  }
0x317: {  	v41 =	vor.u32 v2, v15;
	_ =	sdelay $0x1  }
0x318: {  	v16 =	vld.idx.msk [tilespmem:v28+s12+$0x0], $0xffff;
	v11 =	vor.u32 v11, v22;
	_ =	sdelay $0x1  }
0x319: {  	v13 =	vor.u32 s15, v38  }
0x31a: {  	v0 =	vld.idx.msk [tilespmem:v41+s12+$0x0], $0xffff;
	v54 =	vor.u32 v21, v13;
	_ =	sdelay $0x1  }
0x31b: {  	[tilespmem:v11+s23+$0x0] =	vst.idx.msk $0xffff, v16  }
0x31c: {  	v28 =	vor.u32 v2, v17;
	v41 =	vor.u32 v19, v15;
	v15 =	vld [tilespmem:$0x1FCF0];
	_ =	sdelay $0x1  }
0x31d: {  	[tilespmem:v54+s23+$0x0] =	vst.idx.msk $0xffff, v0  }
0x31e: {  	v54 =	vld [tilespmem:$0x1FD80];
	_ =	sdelay $0x1  }
0x31f: {  	v16 =	vld.idx.msk [tilespmem:v28+s12+$0x0], $0xffff;
	v28 =	vor.u32 v15, v13;
	_ =	sdelay $0x2  }
0x320: {  	v11 =	vor.u32 s15, v54  }
0x321: {  	v0 =	vld.idx.msk [tilespmem:v41+s12+$0x0], $0xffff;
	v6 =	vor.u32 v21, v11  }
0x322: {  	[tilespmem:v28+s23+$0x0] =	vst.idx.msk $0xffff, v16  }
0x323: {  	v62 =	vmov v14;
	v14 =	vor.u32 v19, v17;
	v17 =	vld [tilespmem:$0x1FBB0];
	_ =	sdelay $0x2  }
0x324: {  	v21 =	vld [tilespmem:$0x1FC80];
	[tilespmem:v6+s23+$0x0] =	vst.idx.msk $0xffff, v0  }
0x325: {  	v0 =	vld [tilespmem:$0x1FEE0]  }
0x326: {  	v41 =	vor.u32 v2, v17;
	_ =	sdelay $0x3  }
0x327: {  	v14 =	vld.idx.msk [tilespmem:v14+s12+$0x0], $0xffff;
	v15 =	vor.u32 v15, v11;
	v6 =	vor.u32 s15, v0  }
0x328: {  	v0 =	vld.idx.msk [tilespmem:v41+s12+$0x0], $0xffff;
	v41 =	vor.u32 v51, v6;
	_ =	sdelay $0x2  }
0x329: {  	v16 =	vor.u32 v2, v21  }
0x32a: {  	[tilespmem:v15+s23+$0x0] =	vst.idx.msk $0xffff, v14  }
0x32b: {  	[tilespmem:v41+s23+$0x0] =	vst.idx.msk $0xffff, v0  }
0x32c: {  	v0 =	vld [tilespmem:$0x1FE90]  }
0x32d: {  	v14 =	vor.u32 v19, v17  }
0x32e: {  	v15 =	vld.idx.msk [tilespmem:v16+s12+$0x0], $0xffff;
	v16 =	vor.u32 v48, v6;
	_ =	sdelay $0x2  }
0x32f: {  	v21 =	vor.u32 v19, v21;
	v0 =	vor.u32 s15, v0  }
0x330: {  	v7 =	vld.idx.msk [tilespmem:v14+s12+$0x0], $0xffff;
	v14 =	vor.u32 v51, v0  }
0x331: {  	[tilespmem:v16+s23+$0x0] =	vst.idx.msk $0xffff, v15  }
0x332: {  	v30 =	vld [tilespmem:$0x1FBF0];
	_ =	sdelay $0x1  }
0x333: {  	v16 =	vld.idx.msk [tilespmem:v21+s12+$0x0], $0xffff  }
0x334: {  	v21 =	vor.u32 v48, v0;
	v48 =	vld [tilespmem:$0x1FC90];
	[tilespmem:v14+s23+$0x0] =	vst.idx.msk $0xffff, v7  }
0x335: {  	v17 =	vld [tilespmem:$0x1FFE0]  }
0x336: {  	v15 =	vor.u32 v2, v30;
	v29 =	vld [tilespmem:$0x1FA80];
	_ =	sdelay $0x3  }
0x337: {  	v51 =	vor.u32 s13, v17  }
0x338: {  	v14 =	vld.idx.msk [tilespmem:v15+s12+$0x0], $0xffff;
	v15 =	vor.u32 v51, v29  }
0x339: {  	[tilespmem:v21+s23+$0x0] =	vst.idx.msk $0xffff, v16;
	v16 =	vor.u32 v19, v30;
	_ =	sdelay $0x1  }
0x33a: {  	v28 =	vor.u32 v2, v48;
	_ =	sdelay $0x1  }
0x33b: {  	[tilespmem:v15+s23+$0x0] =	vst.idx.msk $0xffff, v14  }
0x33c: {  	v14 =	vld.idx.msk [tilespmem:v16+s12+$0x0], $0xffff  }
0x33d: {  	v21 =	vor.u32 s14, v17;
	v16 =	vld [tilespmem:$0x1FAB0]  }
0x33e: {  	v28 =	vld.idx.msk [tilespmem:v28+s12+$0x0], $0xffff;
	v29 =	vor.u32 v21, v29;
	_ =	sdelay $0x3  }
0x33f: {  	v41 =	vmov v17;
	v17 =	vor.u32 v19, v48;
	v7 =	vor.u32 v51, v16  }
0x340: {  	[tilespmem:v29+s23+$0x0] =	vst.idx.msk $0xffff, v28  }
0x341: {  	v30 =	vld [tilespmem:$0x1FC00]  }
0x342: {  	v51 =	vld [tilespmem:$0x1FCA0];
	_ =	sdelay $0x1  }
0x343: {  	v17 =	vld.idx.msk [tilespmem:v17+s12+$0x0], $0xffff;
	[tilespmem:v7+s23+$0x0] =	vst.idx.msk $0xffff, v14  }
0x344: {  	v28 =	vld [tilespmem:$0x1FED0]  }
0x345: {  	v16 =	vor.u32 v21, v16;
	v15 =	vor.u32 v2, v30;
	v29 =	vld [tilespmem:$0x1FB10]  }
0x346: {  	v21 =	vor.u32 v2, v51;
	_ =	sdelay $0x2  }
0x347: {  	v48 =	vor.u32 s13, v28  }
0x348: {  	v14 =	vld.idx.msk [tilespmem:v15+s12+$0x0], $0xffff;
	[tilespmem:v16+s23+$0x0] =	vst.idx.msk $0xffff, v17;
	v17 =	vor.u32 s14, v28;
	v15 =	vor.u32 v48, v29  }
0x349: {  	v16 =	vor.u32 v19, v30;
	v21 =	vld.idx.msk [tilespmem:v21+s12+$0x0], $0xffff;
	v28 =	vor.u32 v17, v29;
	_ =	sdelay $0x3  }
0x34a: {  	[tilespmem:v15+s23+$0x0] =	vst.idx.msk $0xffff, v14  }
0x34b: {  	v14 =	vld.idx.msk [tilespmem:v16+s12+$0x0], $0xffff;
	[tilespmem:v28+s23+$0x0] =	vst.idx.msk $0xffff, v21  }
0x34c: {  	[tilespmem:v27+s23+$0x0] =	vst.idx.msk $0xffff, v3  }
0x34d: {  	v29 =	vor.u32 v19, v51;
	v30 =	vld [tilespmem:$0x1FD90]  }
0x34e: {  	v28 =	vld [tilespmem:$0x1F990]  }
0x34f: {  	[tilespmem:v25+s23+$0x0] =	vst.idx.msk $0xffff, v1  }
0x350: {  	v27 =	vld [tilespmem:$0x1FCE0]  }
0x351: {  	v7 =	vor.u32 v48, v50  }
0x352: {  	v17 =	vor.u32 v17, v50;
	v16 =	vld.idx.msk [tilespmem:v29+s12+$0x0], $0xffff;
	v3 =	vor.u32 s8, v30  }
0x353: {  	v5 =	vld.idx.msk [tilespmem:v5+s12+$0x0], $0xffff;
	v21 =	vor.u32 v3, v28;
	_ =	sdelay $0x2  }
0x354: {  	v15 =	vor.u32 v2, v31;
	[tilespmem:v7+s23+$0x0] =	vst.idx.msk $0xffff, v14  }
0x355: {  	[tilespmem:v17+s23+$0x0] =	vst.idx.msk $0xffff, v16  }
0x356: {  	v1 =	vor.u32 s9, v30;
	v27 =	vld.idx.msk [tilespmem:v27+s12+$0x0], $0xffff;
	[tilespmem:v21+s23+$0x0] =	vst.idx.msk $0xffff, v5  }
0x357: {  	v25 =	vor.u32 v19, v61;
	v17 =	vor.u32 v19, v31;
	v28 =	vor.u32 v1, v28;
	v31 =	vld [tilespmem:$0x1F9A0]  }
0x358: {  	v51 =	vor.u32 s13, v30  }
0x359: {  	v14 =	vor.u32 v19, v59;
	v15 =	vld.idx.msk [tilespmem:v15+s12+$0x0], $0xffff;
	v16 =	vor.u32 s14, v30;
	v29 =	vor.u32 v51, v44  }
0x35a: {  	v59 =	vld.idx.msk [tilespmem:v57+s12+$0x0], $0xffff;
	v21 =	vor.u32 v16, v44;
	_ =	sdelay $0x1  }
0x35b: {  	v30 =	vor.u32 v19, v53;
	v25 =	vld.idx.msk [tilespmem:v25+s12+$0x0], $0xffff;
	[tilespmem:v28+s23+$0x0] =	vst.idx.msk $0xffff, v27;
	v3 =	vor.u32 v3, v31  }
0x35c: {  	v61 =	vld [tilespmem:$0x1F9F0]  }
0x35d: {  	[tilespmem:v29+s23+$0x0] =	vst.idx.msk $0xffff, v15;
	v14 =	vld.idx.msk [tilespmem:v14+s12+$0x0], $0xffff;
	v1 =	vor.u32 v1, v31  }
0x35e: {  	v29 =	vld [tilespmem:$0x1FA10];
	[tilespmem:v21+s23+$0x0] =	vst.idx.msk $0xffff, v59  }
0x35f: {  	v31 =	vld [tilespmem:$0x1FC10]  }
0x360: {  	v7 =	vor.u32 v51, v10;
	[tilespmem:v3+s23+$0x0] =	vst.idx.msk $0xffff, v25;
	v3 =	vor.u32 v16, v10;
	v10 =	vld.idx.msk [tilespmem:v30+s12+$0x0], $0xffff  }
0x361: {  	v30 =	vld [tilespmem:$0x1FDA0]  }
0x362: {  	v57 =	vld [tilespmem:$0x1FCB0];
	[tilespmem:v1+s23+$0x0] =	vst.idx.msk $0xffff, v14  }
0x363: {  	v27 =	vor.u32 v2, v61;
	v28 =	vld [tilespmem:$0x1F9B0]  }
0x364: {  	v15 =	vor.u32 v2, v29;
	_ =	sdelay $0x1  }
0x365: {  	v17 =	vld.idx.msk [tilespmem:v17+s12+$0x0], $0xffff  }
0x366: {  	v21 =	vor.u32 s8, v30  }
0x367: {  	v16 =	vld.idx.msk [tilespmem:v27+s12+$0x0], $0xffff;
	v14 =	vor.u32 s9, v30;
	v1 =	vor.u32 v21, v28  }
0x368: {  	v15 =	vld.idx.msk [tilespmem:v15+s12+$0x0], $0xffff;
	v28 =	vor.u32 v14, v28;
	_ =	sdelay $0x1  }
0x369: {  	v53 =	vor.u32 v2, v31;
	[tilespmem:v7+s23+$0x0] =	vst.idx.msk $0xffff, v17  }
0x36a: {  	[tilespmem:v3+s23+$0x0] =	vst.idx.msk $0xffff, v10  }
0x36b: {  	[tilespmem:v1+s23+$0x0] =	vst.idx.msk $0xffff, v16  }
0x36c: {  	v25 =	vor.u32 v2, v57;
	[tilespmem:v28+s23+$0x0] =	vst.idx.msk $0xffff, v15  }
0x36d: {  	v27 =	vor.u32 v19, v61;
	v59 =	vor.u32 s13, v30;
	v28 =	vld [tilespmem:$0x1F9C0]  }
0x36e: {  	v17 =	vor.u32 v19, v29;
	v5 =	vld.idx.msk [tilespmem:v53+s12+$0x0], $0xffff;
	v29 =	vor.u32 v59, v20;
	_ =	sdelay $0x1  }
0x36f: {  	v3 =	vor.u32 s14, v30  }
0x370: {  	v20 =	vor.u32 v3, v20;
	v25 =	vld.idx.msk [tilespmem:v25+s12+$0x0], $0xffff  }
0x371: {  	v16 =	vld.idx.msk [tilespmem:v27+s12+$0x0], $0xffff;
	v15 =	vor.u32 v21, v28  }
0x372: {  	[tilespmem:v29+s23+$0x0] =	vst.idx.msk $0xffff, v5;
	v17 =	vld.idx.msk [tilespmem:v17+s12+$0x0], $0xffff;
	v14 =	vor.u32 v14, v28  }
0x373: {  	v27 =	vld [tilespmem:$0x1FA20]  }
0x374: {  	v28 =	vld [tilespmem:$0x1FA40]  }
0x375: {  	[tilespmem:v20+s23+$0x0] =	vst.idx.msk $0xffff, v25  }
0x376: {  	v10 =	vor.u32 v19, v31;
	[tilespmem:v15+s23+$0x0] =	vst.idx.msk $0xffff, v16  }
0x377: {  	v1 =	vor.u32 v19, v57;
	v29 =	vld [tilespmem:$0x1FEA0];
	[tilespmem:v14+s23+$0x0] =	vst.idx.msk $0xffff, v17  }
0x378: {  	v61 =	vor.u32 v2, v27;
	v25 =	vor.u32 v19, v27;
	v27 =	vld [tilespmem:$0x1F9D0]  }
0x379: {  	v21 =	vor.u32 v2, v28;
	_ =	sdelay $0x1  }
0x37a: {  	v7 =	vor.u32 v59, v62;
	v10 =	vld.idx.msk [tilespmem:v10+s12+$0x0], $0xffff  }
0x37b: {  	v3 =	vor.u32 v3, v62;
	v1 =	vld.idx.msk [tilespmem:v1+s12+$0x0], $0xffff;
	v15 =	vor.u32 s8, v29  }
0x37c: {  	v5 =	vld.idx.msk [tilespmem:v61+s12+$0x0], $0xffff;
	v14 =	vor.u32 s9, v29;
	v17 =	vor.u32 v15, v27  }
0x37d: {  	v21 =	vld.idx.msk [tilespmem:v21+s12+$0x0], $0xffff;
	v27 =	vor.u32 v14, v27;
	_ =	sdelay $0x1  }
0x37e: {  	v20 =	vor.u32 v2, v55;
	[tilespmem:v7+s23+$0x0] =	vst.idx.msk $0xffff, v10  }
0x37f: {  	[tilespmem:v3+s23+$0x0] =	vst.idx.msk $0xffff, v1  }
0x380: {  	[tilespmem:v17+s23+$0x0] =	vst.idx.msk $0xffff, v5  }
0x381: {  	v16 =	vor.u32 v2, v47;
	[tilespmem:v27+s23+$0x0] =	vst.idx.msk $0xffff, v21  }
0x382: {  	v44 =	vor.u32 s13, v29;
	v21 =	vld [tilespmem:$0x1F9E0]  }
0x383: {  	v10 =	vor.u32 v19, v28;
	v20 =	vld.idx.msk [tilespmem:v20+s12+$0x0], $0xffff;
	v28 =	vor.u32 v44, v26;
	_ =	sdelay $0x1  }
0x384: {  	v3 =	vor.u32 s14, v29  }
0x385: {  	v16 =	vld.idx.msk [tilespmem:v16+s12+$0x0], $0xffff;
	v26 =	vor.u32 v3, v26  }
0x386: {  	v17 =	vld.idx.msk [tilespmem:v25+s12+$0x0], $0xffff;
	v15 =	vor.u32 v15, v21  }
0x387: {  	[tilespmem:v28+s23+$0x0] =	vst.idx.msk $0xffff, v20;
	v10 =	vld.idx.msk [tilespmem:v10+s12+$0x0], $0xffff;
	v14 =	vor.u32 v14, v21  }
0x388: {  	v25 =	vld [tilespmem:$0x1FA30]  }
0x389: {  	v28 =	vld [tilespmem:$0x1FA50]  }
0x38a: {  	v1 =	vor.u32 v19, v55;
	[tilespmem:v26+s23+$0x0] =	vst.idx.msk $0xffff, v16  }
0x38b: {  	[tilespmem:v15+s23+$0x0] =	vst.idx.msk $0xffff, v17  }
0x38c: {  	v48 =	vor.u32 v19, v47;
	v7 =	vor.u32 v44, v24;
	v27 =	vld [tilespmem:$0x1FDB0];
	[tilespmem:v14+s23+$0x0] =	vst.idx.msk $0xffff, v10  }
0x38d: {  	v3 =	vor.u32 v3, v24;
	v20 =	vor.u32 v2, v25;
	v24 =	vor.u32 v19, v25;
	v25 =	vld [tilespmem:$0x1FA00]  }
0x38e: {  	v21 =	vor.u32 v2, v28  }
0x38f: {  	v1 =	vld.idx.msk [tilespmem:v1+s12+$0x0], $0xffff  }
0x390: {  	v16 =	vor.u32 v2, v9  }
0x391: {  	v5 =	vld.idx.msk [tilespmem:v48+s12+$0x0], $0xffff;
	v15 =	vor.u32 s8, v27  }
0x392: {  	v20 =	vld.idx.msk [tilespmem:v20+s12+$0x0], $0xffff;
	v10 =	vor.u32 s9, v27;
	v14 =	vor.u32 v15, v25  }
0x393: {  	v21 =	vld.idx.msk [tilespmem:v21+s12+$0x0], $0xffff;
	v25 =	vor.u32 v10, v25  }
0x394: {  	[tilespmem:v7+s23+$0x0] =	vst.idx.msk $0xffff, v1;
	v1 =	vor.u32 s13, v27  }
0x395: {  	v17 =	vor.u32 v2, v8;
	v16 =	vld.idx.msk [tilespmem:v16+s12+$0x0], $0xffff;
	v26 =	vor.u32 v1, v23  }
0x396: {  	[tilespmem:v3+s23+$0x0] =	vst.idx.msk $0xffff, v5  }
0x397: {  	[tilespmem:v14+s23+$0x0] =	vst.idx.msk $0xffff, v20  }
0x398: {  	[tilespmem:v25+s23+$0x0] =	vst.idx.msk $0xffff, v21  }
0x399: {  	v20 =	vld [tilespmem:$0x1FA60]  }
0x39a: {  	v17 =	vld.idx.msk [tilespmem:v17+s12+$0x0], $0xffff;
	[tilespmem:v26+s23+$0x0] =	vst.idx.msk $0xffff, v16  }
0x39b: {  	v50 =	vor.u32 v19, v28;
	v51 =	vor.u32 s14, v27;
	v21 =	vld [tilespmem:$0x1FA70]  }
0x39c: {  	v3 =	vor.u32 v19, v9;
	v9 =	vor.u32 v51, v23;
	v23 =	vld [tilespmem:$0x1FAD0]  }
0x39d: {  	v8 =	vor.u32 v19, v8  }
0x39e: {  	v14 =	vor.u32 v15, v20;
	v15 =	vld.idx.msk [tilespmem:v24+s12+$0x0], $0xffff;
	_ =	sdelay $0x1  }
0x39f: {  	v7 =	vld.idx.msk [tilespmem:v50+s12+$0x0], $0xffff;
	v10 =	vor.u32 v10, v20;
	v16 =	vor.u32 v2, v21  }
0x3a0: {  	v3 =	vld.idx.msk [tilespmem:v3+s12+$0x0], $0xffff;
	[tilespmem:v9+s23+$0x0] =	vst.idx.msk $0xffff, v17;
	v20 =	vor.u32 v2, v23  }
0x3a1: {  	v8 =	vld.idx.msk [tilespmem:v8+s12+$0x0], $0xffff  }
0x3a2: {  	v1 =	vor.u32 v1, v22;
	v24 =	vld [tilespmem:$0x1FC70];
	[tilespmem:v14+s23+$0x0] =	vst.idx.msk $0xffff, v15  }
0x3a3: {  	v5 =	vor.u32 v51, v22;
	v14 =	vor.u32 s8, v49;
	v25 =	vld [tilespmem:$0x1FCC0]  }
0x3a4: {  	v53 =	vor.u32 s9, v49;
	[tilespmem:v10+s23+$0x0] =	vst.idx.msk $0xffff, v7;
	v10 =	vld.idx.msk [tilespmem:v16+s12+$0x0], $0xffff;
	v16 =	vor.u32 v14, v43  }
0x3a5: {  	v17 =	vor.u32 v19, v21;
	v21 =	vor.u32 v53, v43;
	v20 =	vld.idx.msk [tilespmem:v20+s12+$0x0], $0xffff;
	_ =	sdelay $0x1  }
0x3a6: {  	v9 =	vor.u32 v2, v24;
	[tilespmem:v1+s23+$0x0] =	vst.idx.msk $0xffff, v3  }
0x3a7: {  	[tilespmem:v5+s23+$0x0] =	vst.idx.msk $0xffff, v8  }
0x3a8: {  	v15 =	vor.u32 v2, v25;
	[tilespmem:v16+s23+$0x0] =	vst.idx.msk $0xffff, v10  }
0x3a9: {  	[tilespmem:v21+s23+$0x0] =	vst.idx.msk $0xffff, v20  }
0x3aa: {  	v1 =	vor.u32 s13, v49;
	v20 =	vld [tilespmem:$0x1FA90]  }
0x3ab: {  	v3 =	vor.u32 v19, v23;
	v22 =	vor.u32 v1, v13;
	v9 =	vld.idx.msk [tilespmem:v9+s12+$0x0], $0xffff  }
0x3ac: {  	v55 =	vor.u32 v19, v24;
	v8 =	vor.u32 s14, v49  }
0x3ad: {  	v13 =	vor.u32 v8, v13;
	v15 =	vld.idx.msk [tilespmem:v15+s12+$0x0], $0xffff;
	_ =	sdelay $0x1  }
0x3ae: {  	v16 =	vld.idx.msk [tilespmem:v17+s12+$0x0], $0xffff;
	v14 =	vor.u32 v14, v20  }
0x3af: {  	v3 =	vld.idx.msk [tilespmem:v3+s12+$0x0], $0xffff;
	[tilespmem:v22+s23+$0x0] =	vst.idx.msk $0xffff, v9;
	v7 =	vor.u32 v53, v20  }
0x3b0: {  	v1 =	vor.u32 v1, v11;
	v5 =	vld.idx.msk [tilespmem:v55+s12+$0x0], $0xffff  }
0x3b1: {  	v17 =	vld [tilespmem:$0x1FAC0];
	[tilespmem:v13+s23+$0x0] =	vst.idx.msk $0xffff, v15  }
0x3b2: {  	v15 =	vld [tilespmem:$0x1FAE0]  }
0x3b3: {  	[tilespmem:v14+s23+$0x0] =	vst.idx.msk $0xffff, v16  }
0x3b4: {  	v21 =	vld [tilespmem:$0x1FCD0];
	[tilespmem:v7+s23+$0x0] =	vst.idx.msk $0xffff, v3  }
0x3b5: {  	v10 =	vor.u32 v19, v25;
	v20 =	vld [tilespmem:$0x1FBE0];
	[tilespmem:v1+s23+$0x0] =	vst.idx.msk $0xffff, v5  }
0x3b6: {  	v9 =	vor.u32 v2, v17;
	v16 =	vld [tilespmem:$0x1FAF0]  }
0x3b7: {  	v13 =	vor.u32 v2, v15;
	_ =	sdelay $0x2  }
0x3b8: {  	v8 =	vor.u32 v8, v11;
	v11 =	vor.u32 v2, v4;
	v10 =	vld.idx.msk [tilespmem:v10+s12+$0x0], $0xffff;
	v3 =	vor.u32 s8, v20  }
0x3b9: {  	v9 =	vld.idx.msk [tilespmem:v9+s12+$0x0], $0xffff;
	v14 =	vor.u32 v2, v21;
	v57 =	vor.u32 s9, v20;
	v1 =	vor.u32 v3, v16  }
0x3ba: {  	v16 =	vor.u32 v57, v16;
	v13 =	vld.idx.msk [tilespmem:v13+s12+$0x0], $0xffff;
	_ =	sdelay $0x1  }
0x3bb: {  	v59 =	vor.u32 v19, v17;
	v17 =	vor.u32 s13, v20  }
0x3bc: {  	[tilespmem:v8+s23+$0x0] =	vst.idx.msk $0xffff, v10;
	v10 =	vld.idx.msk [tilespmem:v11+s12+$0x0], $0xffff;
	v8 =	vor.u32 s14, v20;
	v11 =	vor.u32 v17, v6  }
0x3bd: {  	v61 =	vor.u32 v19, v4;
	v6 =	vor.u32 v8, v6;
	v14 =	vld.idx.msk [tilespmem:v14+s12+$0x0], $0xffff;
	[tilespmem:v1+s23+$0x0] =	vst.idx.msk $0xffff, v9  }
0x3be: {  	v20 =	vor.u32 v19, v21;
	[tilespmem:v16+s23+$0x0] =	vst.idx.msk $0xffff, v13  }
0x3bf: {  	v62 =	vld [tilespmem:$0x1FB20]  }
0x3c0: {  	v15 =	vor.u32 v19, v15  }
0x3c1: {  	[tilespmem:v11+s23+$0x0] =	vst.idx.msk $0xffff, v10  }
0x3c2: {  	v44 =	vor.u32 v17, v0;
	[tilespmem:v6+s23+$0x0] =	vst.idx.msk $0xffff, v14;
	v4 =	vld.idx.msk [tilespmem:v61+s12+$0x0], $0xffff  }
0x3c3: {  	v0 =	vor.u32 v8, v0;
	v8 =	vld.idx.msk [tilespmem:v20+s12+$0x0], $0xffff  }
0x3c4: {  	v1 =	vld.idx.msk [tilespmem:v59+s12+$0x0], $0xffff;
	v3 =	vor.u32 v3, v62  }
0x3c5: {  	v43 =	vld.idx.msk [tilespmem:v15+s12+$0x0], $0xffff;
	[tilespmem:v18+s23+$0x0] =	vst.idx.msk $0xffff, v42;
	v5 =	vor.u32 v57, v62  }
0x3c6: {  	[tilespmem:v12+s23+$0x0] =	vst.idx.msk $0xffff, v56  }
0x3c7: {  	s3 =	sshll.u32 s0, $0x14;
	[tilespmem:v44+s23+$0x0] =	vst.idx.msk $0xffff, v4  }
0x3c8: {  	s3 =	sor.u32 s6, s3;
	[tilespmem:v0+s23+$0x0] =	vst.idx.msk $0xffff, v8  }
0x3c9: {  	s3 =	sshrl.u32 s3, $0x3;
	[tilespmem:v3+s23+$0x0] =	vst.idx.msk $0xffff, v1  }
0x3ca: {  	p0 =	seq.s32 s0, $0x18;
	s3 =	sadd.s32 s1, s3;
	[tilespmem:v5+s23+$0x0] =	vst.idx.msk $0xffff, v43  }
0x3cb: {  	[hbm4b:s3+s24] =	stream.strided.scatter [tilespmem:s23], [sflag:$0x3], $0x4000, s25, s24, $0x38;
	[tilespmem:$0x16400] =	vst v63  }
0x3cc: {  	s3 =	sshll.u32 @!p0 s0, $0xA;
	_ =	swait.ge [sflag:s26], $0x4000  }
0x3cd: {  	s7 =	simm.s32 @!p0 $0x80;
	s3 =	sand.u32 @!p0 $0x3FFFFC00, s3;
	[sflag:s26] =	ssyncset.done $0x0  }
0x3ce: {  	s8 =	simm.s32 @!p0 $0x6400;
	s5 =	sadd.s32 @!p0 $0x400, s3;
	[sflag:s26] =	ssyncadd.s32 $0xFFFFC000  }
0x3cf: {  	[tilespmem:s8], [sflag:$0x1] =	stream.indirect.gather @!p0 [hbm4b:s4+s7], $0x20, s5, s7, $0xb8;
	[tilespmem:$0x16400] =	vst v63  }
0x3d0: {  	s5 =	sadd.s32 @!p0 $0x480, s3;
	s8 =	simm.s32 @!p0 $0x7400  }
0x3d1: {  	[tilespmem:s8], [sflag:$0x1] =	stream.indirect.gather @!p0 [hbm4b:s4+s7], $0x20, s5, s7, $0xb8;
	[tilespmem:$0x16400] =	vst v63  }
0x3d2: {  	s5 =	sadd.s32 @!p0 $0x500, s3;
	s8 =	simm.s32 @!p0 $0x8400  }
0x3d3: {  	[tilespmem:s8], [sflag:$0x1] =	stream.indirect.gather @!p0 [hbm4b:s4+s7], $0x20, s5, s7, $0xb8;
	[tilespmem:$0x16400] =	vst v63  }
0x3d4: {  	s8 =	simm.s32 $0x0  }
0x3d5: {  	s9 =	simm.s32 $0x10;
	v0 =	vmov s8  }
0x3d6: {  	v1 =	vmov s9;
	v17 =	vshll.u32 v0, $0x5  }
0x3d7: {  	p1 =	seq.s32 @!p0 s0, $0x0;
	v14 =	vshll.u32 v1, $0x5;
	s3 =	sadd.s32 @!p0 $0x580, s3;
	s5 =	simm.s32 @!p0 $0x9400;
	v0 =	vor.u32 v39, v17  }
0x3d8: {  	v1 =	vor.u32 v39, v14;
	[tilespmem:s5], [sflag:$0x1] =	stream.indirect.gather @!p0 [hbm4b:s4+s7], $0x20, s3, s7, $0xb8;
	v3 =	vor.u32 v2, v0;
	[tilespmem:$0x16400] =	vst v63  }
0x3d9: {  	v27 =	vmov v45;
	v45 =	vor.u32 v2, v1;
	p0 =	por p0, !p1  }
0x3da: {  	s13 =	simm.s32 $0x0;
	_ =	swait.ge @p0 [sflag:s30], $0x4000  }
0x3db: {  	s14 =	sand.u32 $0xFFFFFC00, s13;
	s3 =	sand.u32 $0x60, s8;
	[sflag:s30] =	ssyncset.done @p0 $0x0  }
0x3dc: {  	s17 =	sand.u32 $0x70, s9;
	v25 =	vor.u32 s14, v63;
	v47 =	vor.u32 s3, v40;
	[sflag:s30] =	ssyncadd.s32 @p0 $0xFFFFC000  }
0x3dd: {  	v49 =	vor.u32 s17, v40;
	v50 =	vor.u32 v47, v25;
	v3 =	vld.idx.msk [tilespmem:v3+s19+$0x0], $0xffff  }
0x3de: {  	v8 =	vor.u32 v49, v25;
	v0 =	vor.u32 v19, v0;
	v4 =	vld.idx.msk [tilespmem:v45+s19+$0x0], $0xffff  }
0x3df: {  	v1 =	vor.u32 v19, v1;
	_ =	sdelay $0x2  }
0x3e0: {  	v24 =	vor.u32 s14, v33;
	[tilespmem:v50+s28+$0x0] =	vst.idx.msk $0xffff, v3  }
0x3e1: {  	v51 =	vor.u32 v37, v17;
	[tilespmem:v8+s28+$0x0] =	vst.idx.msk $0xffff, v4;
	v3 =	vor.u32 v47, v24;
	v0 =	vld.idx.msk [tilespmem:v0+s19+$0x0], $0xffff  }
0x3e2: {  	v6 =	vor.u32 v49, v24;
	v61 =	vor.u32 v2, v51;
	v1 =	vld.idx.msk [tilespmem:v1+s19+$0x0], $0xffff;
	_ =	sdelay $0x3  }
0x3e3: {  	v48 =	vmovc v58;
	v23 =	vor.u32 s14, v46;
	v58 =	vor.u32 v37, v14;
	v9 =	vor.u32 s3, v36;
	[tilespmem:v3+s28+$0x0] =	vst.idx.msk $0xffff, v0  }
0x3e4: {  	v8 =	vor.u32 v2, v58;
	[tilespmem:v6+s28+$0x0] =	vst.idx.msk $0xffff, v1;
	v1 =	vor.u32 v9, v23;
	v3 =	vld.idx.msk [tilespmem:v61+s19+$0x0], $0xffff  }
0x3e5: {  	v4 =	vor.u32 v19, v51;
	_ =	sdelay $0x2  }
0x3e6: {  	v0 =	vor.u32 s17, v36  }
0x3e7: {  	v22 =	vor.u32 s14, v34;
	v6 =	vld.idx.msk [tilespmem:v8+s19+$0x0], $0xffff;
	v62 =	vor.u32 v0, v23;
	[tilespmem:v1+s28+$0x0] =	vst.idx.msk $0xffff, v3  }
0x3e8: {  	v59 =	vmov v39;
	v39 =	vmov v33;
	v33 =	vor.u32 v9, v22;
	v3 =	vld.idx.msk [tilespmem:v4+s19+$0x0], $0xffff;
	_ =	sdelay $0x1  }
0x3e9: {  	v5 =	vor.u32 v19, v58;
	_ =	sdelay $0x1  }
0x3ea: {  	[tilespmem:v62+s28+$0x0] =	vst.idx.msk $0xffff, v6  }
0x3eb: {  	[tilespmem:v33+s28+$0x0] =	vst.idx.msk $0xffff, v3  }
0x3ec: {  	v53 =	vmov v34;
	v42 =	vmov v35;
	v1 =	vor.u32 v35, v17;
	v45 =	vld [tilespmem:$0x1FF30]  }
0x3ed: {  	v34 =	vor.u32 v35, v14;
	v0 =	vor.u32 v0, v22;
	v5 =	vld.idx.msk [tilespmem:v5+s19+$0x0], $0xffff;
	v35 =	vor.u32 v2, v1;
	_ =	sdelay $0x3  }
0x3ee: {  	v9 =	vor.u32 s3, v32;
	v21 =	vor.u32 s14, v45  }
0x3ef: {  	v4 =	vld.idx.msk [tilespmem:v35+s19+$0x0], $0xffff;
	[tilespmem:v0+s28+$0x0] =	vst.idx.msk $0xffff, v5;
	v0 =	vor.u32 v9, v21;
	_ =	sdelay $0x4  }
0x3f0: {  	[tilespmem:v0+s28+$0x0] =	vst.idx.msk $0xffff, v4  }
0x3f1: {  	v8 =	vor.u32 v2, v34;
	v44 =	vld [tilespmem:$0x1FF10]  }
0x3f2: {  	v1 =	vor.u32 v19, v1;
	_ =	sdelay $0x2  }
0x3f3: {  	v3 =	vor.u32 s17, v32  }
0x3f4: {  	v55 =	vmov v36;
	v5 =	vld.idx.msk [tilespmem:v8+s19+$0x0], $0xffff;
	v36 =	vor.u32 v3, v21;
	v20 =	vor.u32 s14, v44  }
0x3f5: {  	v57 =	vmov v37;
	v1 =	vld.idx.msk [tilespmem:v1+s19+$0x0], $0xffff;
	v37 =	vor.u32 v9, v20  }
0x3f6: {  	v47 =	vld [tilespmem:$0x1FEF0];
	_ =	sdelay $0x2  }
0x3f7: {  	[tilespmem:v36+s28+$0x0] =	vst.idx.msk $0xffff, v5  }
0x3f8: {  	v43 =	vld [tilespmem:$0x1FE70];
	[tilespmem:v37+s28+$0x0] =	vst.idx.msk $0xffff, v1  }
0x3f9: {  	v6 =	vor.u32 v19, v34;
	v0 =	vor.u32 v47, v17;
	v18 =	vld [tilespmem:$0x1FE60]  }
0x3fa: {  	v50 =	vor.u32 v2, v0;
	_ =	sdelay $0x2  }
0x3fb: {  	v49 =	vor.u32 v47, v14  }
0x3fc: {  	v26 =	vmovc v52;
	v6 =	vld.idx.msk [tilespmem:v6+s19+$0x0], $0xffff;
	v3 =	vor.u32 v3, v20;
	v9 =	vor.u32 s3, v43;
	v52 =	vor.u32 s14, v18  }
0x3fd: {  	v8 =	vor.u32 v2, v49;
	v1 =	vld.idx.msk [tilespmem:v50+s19+$0x0], $0xffff;
	v51 =	vor.u32 v9, v52;
	_ =	sdelay $0x3  }
0x3fe: {  	[tilespmem:v3+s28+$0x0] =	vst.idx.msk $0xffff, v6  }
0x3ff: {  	v3 =	vor.u32 s17, v43;
	v6 =	vld.idx.msk [tilespmem:v8+s19+$0x0], $0xffff;
	[tilespmem:v51+s28+$0x0] =	vst.idx.msk $0xffff, v1  }
0x400: {  	v56 =	vmov v54;
	v0 =	vor.u32 v19, v0;
	v54 =	vor.u32 v3, v52;
	v50 =	vld [tilespmem:$0x1FE50]  }
0x401: {  	v62 =	vld [tilespmem:$0x1FDC0]  }
0x402: {  	v5 =	vor.u32 v19, v49;
	_ =	sdelay $0x2  }
0x403: {  	v0 =	vld.idx.msk [tilespmem:v0+s19+$0x0], $0xffff;
	[tilespmem:v54+s28+$0x0] =	vst.idx.msk $0xffff, v6;
	v15 =	vor.u32 s14, v50  }
0x404: {  	v49 =	vld [tilespmem:$0x1FE80];
	v1 =	vor.u32 v62, v17;
	v58 =	vor.u32 v9, v15  }
0x405: {  	v5 =	vld.idx.msk [tilespmem:v5+s19+$0x0], $0xffff;
	v61 =	vor.u32 v2, v1;
	v3 =	vor.u32 v3, v15;
	_ =	sdelay $0x2  }
0x406: {  	v16 =	vor.u32 s14, v48;
	v12 =	vmov v40  }
0x407: {  	v40 =	vmovc v46;
	v46 =	vmov v32;
	v32 =	vor.u32 v62, v14;
	v9 =	vor.u32 s3, v49;
	[tilespmem:v58+s28+$0x0] =	vst.idx.msk $0xffff, v0  }
0x408: {  	v8 =	vor.u32 v2, v32;
	[tilespmem:v3+s28+$0x0] =	vst.idx.msk $0xffff, v5;
	v3 =	vor.u32 v9, v16;
	v4 =	vld.idx.msk [tilespmem:v61+s19+$0x0], $0xffff;
	_ =	sdelay $0x3  }
0x409: {  	v0 =	vor.u32 s17, v49  }
0x40a: {  	v1 =	vor.u32 v19, v1;
	v5 =	vld.idx.msk [tilespmem:v8+s19+$0x0], $0xffff;
	v33 =	vor.u32 v0, v16;
	[tilespmem:v3+s28+$0x0] =	vst.idx.msk $0xffff, v4  }
0x40b: {  	v51 =	vld [tilespmem:$0x1FE40];
	_ =	sdelay $0x1  }
0x40c: {  	v7 =	vor.u32 v19, v32;
	_ =	sdelay $0x1  }
0x40d: {  	v13 =	vor.u32 s14, v60;
	v1 =	vld.idx.msk [tilespmem:v1+s19+$0x0], $0xffff;
	[tilespmem:v33+s28+$0x0] =	vst.idx.msk $0xffff, v5  }
0x40e: {  	v34 =	vor.u32 v9, v13;
	v11 =	vld [tilespmem:$0x1FFC0];
	v3 =	vor.u32 v51, v17  }
0x40f: {  	v36 =	vor.u32 v2, v3  }
0x410: {  	v0 =	vor.u32 v0, v13;
	v6 =	vld.idx.msk [tilespmem:v7+s19+$0x0], $0xffff;
	v35 =	vor.u32 v51, v14  }
0x411: {  	v8 =	vor.u32 v2, v35;
	_ =	sdelay $0x1  }
0x412: {  	v9 =	vor.u32 s14, v26;
	[tilespmem:v34+s28+$0x0] =	vst.idx.msk $0xffff, v1;
	v10 =	vor.u32 s3, v11  }
0x413: {  	v37 =	vor.u32 v10, v9;
	v1 =	vld.idx.msk [tilespmem:v36+s19+$0x0], $0xffff  }
0x414: {  	[tilespmem:v0+s28+$0x0] =	vst.idx.msk $0xffff, v6;
	v0 =	vor.u32 s17, v11;
	v3 =	vor.u32 v19, v3  }
0x415: {  	v54 =	vor.u32 v0, v9;
	v6 =	vld.idx.msk [tilespmem:v8+s19+$0x0], $0xffff  }
0x416: {  	v11 =	vld [tilespmem:$0x1FE30];
	_ =	sdelay $0x1  }
0x417: {  	v27 =	vor.u32 s14, v27;
	[tilespmem:v37+s28+$0x0] =	vst.idx.msk $0xffff, v1  }
0x418: {  	v5 =	vor.u32 v19, v35;
	v3 =	vld.idx.msk [tilespmem:v3+s19+$0x0], $0xffff;
	[tilespmem:$0x1F6C0] =	vst v27  }
0x419: {  	s15 =	simm.s32 $0x20;
	[tilespmem:v54+s28+$0x0] =	vst.idx.msk $0xffff, v6  }
0x41a: {  	v60 =	vmov s15;
	v58 =	vor.u32 v10, v27;
	v8 =	vor.u32 v11, v17;
	v37 =	vld [tilespmem:$0x1FEB0]  }
0x41b: {  	s16 =	simm.s32 $0x30;
	v0 =	vor.u32 v0, v27;
	v10 =	vshll.u32 v60, $0x5;
	v26 =	vor.u32 v2, v8  }
0x41c: {  	v36 =	vmov s16;
	v1 =	vor.u32 v11, v14;
	v27 =	vor.u32 v59, v10  }
0x41d: {  	v11 =	vshll.u32 v36, $0x5;
	v28 =	vor.u32 v2, v27;
	v54 =	vor.u32 s14, v38;
	v5 =	vld.idx.msk [tilespmem:v5+s19+$0x0], $0xffff  }
0x41e: {  	s8 =	simm.s32 $0x100;
	v61 =	vor.u32 v2, v1;
	v30 =	vor.u32 v59, v11;
	[tilespmem:$0x1F6F0] =	vst v54  }
0x41f: {  	s5 =	sand.u32 $0xFFFFFC00, s8;
	s8 =	sand.u32 $0x60, s15;
	v32 =	vor.u32 v2, v30;
	[tilespmem:v58+s28+$0x0] =	vst.idx.msk $0xffff, v3;
	v31 =	vor.u32 s3, v37  }
0x420: {  	v33 =	vor.u32 s8, v12;
	v26 =	vld.idx.msk [tilespmem:v26+s19+$0x0], $0xffff;
	v58 =	vor.u32 v31, v54  }
0x421: {  	v27 =	vor.u32 v19, v27;
	v3 =	vor.u32 v19, v8;
	v8 =	vor.u32 s5, v63  }
0x422: {  	s9 =	sand.u32 $0x70, s16;
	v28 =	vld.idx.msk [tilespmem:v28+s19+$0x0], $0xffff;
	v60 =	vor.u32 v33, v8;
	v29 =	vor.u32 s17, v37;
	[tilespmem:v0+s28+$0x0] =	vst.idx.msk $0xffff, v5  }
0x423: {  	v0 =	vor.u32 s14, v56;
	v5 =	vor.u32 v29, v54;
	v6 =	vld.idx.msk [tilespmem:v61+s19+$0x0], $0xffff;
	v61 =	vor.u32 s9, v12  }
0x424: {  	v1 =	vor.u32 v19, v1;
	v32 =	vld.idx.msk [tilespmem:v32+s19+$0x0], $0xffff;
	[tilespmem:$0x1F700] =	vst v0;
	v63 =	vor.u32 v61, v8  }
0x425: {  	v30 =	vor.u32 v19, v30;
	v54 =	vld [tilespmem:$0x1FE20];
	[tilespmem:v58+s28+$0x0] =	vst.idx.msk $0xffff, v26  }
0x426: {  	v26 =	vor.u32 v31, v0;
	v3 =	vld.idx.msk [tilespmem:v3+s19+$0x0], $0xffff  }
0x427: {  	[tilespmem:v60+s28+$0x0] =	vst.idx.msk $0xffff, v28  }
0x428: {  	v27 =	vld.idx.msk [tilespmem:v27+s19+$0x0], $0xffff;
	[tilespmem:v5+s28+$0x0] =	vst.idx.msk $0xffff, v6  }
0x429: {  	v5 =	vor.u32 s5, v39;
	v1 =	vld.idx.msk [tilespmem:v1+s19+$0x0], $0xffff;
	[tilespmem:v63+s28+$0x0] =	vst.idx.msk $0xffff, v32  }
0x42a: {  	v30 =	vld.idx.msk [tilespmem:v30+s19+$0x0], $0xffff;
	[tilespmem:$0x1F720] =	vst v5  }
0x42b: {  	v28 =	vor.u32 v29, v0;
	v0 =	vld [tilespmem:$0x1FEC0];
	[tilespmem:v26+s28+$0x0] =	vst.idx.msk $0xffff, v3  }
0x42c: {  	v36 =	vor.u32 v54, v17;
	v7 =	vld [tilespmem:$0x1FEE0]  }
0x42d: {  	v58 =	vor.u32 v2, v36;
	_ =	sdelay $0x1  }
0x42e: {  	v38 =	vor.u32 v54, v14;
	v31 =	vor.u32 v33, v5  }
0x42f: {  	v29 =	vor.u32 v2, v38  }
0x430: {  	v35 =	vor.u32 v61, v5;
	v34 =	vor.u32 s3, v0;
	v63 =	vor.u32 s14, v7  }
0x431: {  	v3 =	vld.idx.msk [tilespmem:v58+s19+$0x0], $0xffff;
	[tilespmem:v28+s28+$0x0] =	vst.idx.msk $0xffff, v1;
	v26 =	vor.u32 v34, v63  }
0x432: {  	[tilespmem:$0x1F750] =	vst v63  }
0x433: {  	v4 =	vor.u32 s17, v0;
	v0 =	vor.u32 s5, v40;
	[tilespmem:v31+s28+$0x0] =	vst.idx.msk $0xffff, v27  }
0x434: {  	v33 =	vor.u32 v57, v10;
	v27 =	vld.idx.msk [tilespmem:v29+s19+$0x0], $0xffff;
	[tilespmem:$0x1F780] =	vst v0  }
0x435: {  	v60 =	vor.u32 v2, v33;
	[tilespmem:v35+s28+$0x0] =	vst.idx.msk $0xffff, v30  }
0x436: {  	v37 =	vor.u32 v57, v11;
	v28 =	vor.u32 s8, v55;
	v40 =	vor.u32 s9, v55;
	[tilespmem:v26+s28+$0x0] =	vst.idx.msk $0xffff, v3  }
0x437: {  	v61 =	vor.u32 v2, v37;
	v58 =	vor.u32 v28, v0;
	v6 =	vor.u32 v40, v0;
	v0 =	vld [tilespmem:$0x1FE90];
	_ =	sdelay $0x1  }
0x438: {  	v29 =	vor.u32 v4, v63;
	v63 =	vld [tilespmem:$0x1FD20]  }
0x439: {  	v32 =	vor.u32 v19, v36;
	v31 =	vld.idx.msk [tilespmem:v60+s19+$0x0], $0xffff  }
0x43a: {  	v38 =	vor.u32 v19, v38  }
0x43b: {  	v30 =	vor.u32 v19, v33;
	v33 =	vld.idx.msk [tilespmem:v61+s19+$0x0], $0xffff;
	v0 =	vor.u32 s14, v0  }
0x43c: {  	v37 =	vor.u32 v19, v37;
	v60 =	vor.u32 v42, v10;
	[tilespmem:$0x1F7F0] =	vst v0  }
0x43d: {  	v26 =	vor.u32 v63, v17;
	v55 =	vor.u32 v4, v0;
	[tilespmem:v29+s28+$0x0] =	vst.idx.msk $0xffff, v27  }
0x43e: {  	v29 =	vld.idx.msk [tilespmem:v32+s19+$0x0], $0xffff;
	[tilespmem:v58+s28+$0x0] =	vst.idx.msk $0xffff, v31;
	v31 =	vor.u32 v34, v0;
	v0 =	vor.u32 s5, v53  }
0x43f: {  	v27 =	vor.u32 v63, v14;
	v58 =	vor.u32 v2, v26;
	v32 =	vld.idx.msk [tilespmem:v38+s19+$0x0], $0xffff;
	[tilespmem:$0x1F800] =	vst v0  }
0x440: {  	v61 =	vor.u32 v2, v27;
	v28 =	vor.u32 v28, v0;
	v30 =	vld.idx.msk [tilespmem:v30+s19+$0x0], $0xffff;
	[tilespmem:v6+s28+$0x0] =	vst.idx.msk $0xffff, v33  }
0x441: {  	v35 =	vor.u32 v42, v11;
	v53 =	vor.u32 v2, v60;
	v40 =	vor.u32 v40, v0;
	v37 =	vld.idx.msk [tilespmem:v37+s19+$0x0], $0xffff  }
0x442: {  	v42 =	vor.u32 v2, v35;
	v4 =	vmov v41  }
0x443: {  	v1 =	vor.u32 s5, v45;
	v41 =	vor.u32 s17, v41;
	[tilespmem:v31+s28+$0x0] =	vst.idx.msk $0xffff, v29;
	v29 =	vor.u32 s3, v4  }
0x444: {  	v31 =	vor.u32 v41, v25;
	v36 =	vld.idx.msk [tilespmem:v58+s19+$0x0], $0xffff;
	[tilespmem:v55+s28+$0x0] =	vst.idx.msk $0xffff, v32;
	v25 =	vor.u32 v29, v25  }
0x445: {  	v26 =	vor.u32 v19, v26;
	v34 =	vor.u32 s9, v46;
	v32 =	vor.u32 s8, v46;
	[tilespmem:v28+s28+$0x0] =	vst.idx.msk $0xffff, v30;
	v28 =	vld.idx.msk [tilespmem:v61+s19+$0x0], $0xffff  }
0x446: {  	v27 =	vor.u32 v19, v27;
	v55 =	vor.u32 v32, v1;
	v30 =	vld.idx.msk [tilespmem:v53+s19+$0x0], $0xffff;
	[tilespmem:v40+s28+$0x0] =	vst.idx.msk $0xffff, v37  }
0x447: {  	v58 =	vor.u32 v19, v60;
	v46 =	vor.u32 v34, v1;
	v45 =	vld.idx.msk [tilespmem:v42+s19+$0x0], $0xffff  }
0x448: {  	[tilespmem:$0x1F5A0] =	vst v1  }
0x449: {  	v35 =	vor.u32 v19, v35;
	v61 =	vld [tilespmem:$0x1FE10];
	[tilespmem:v25+s28+$0x0] =	vst.idx.msk $0xffff, v36  }
0x44a: {  	v6 =	vor.u32 v41, v24;
	v24 =	vor.u32 v29, v24;
	v26 =	vld.idx.msk [tilespmem:v26+s19+$0x0], $0xffff;
	[tilespmem:v31+s28+$0x0] =	vst.idx.msk $0xffff, v28  }
0x44b: {  	[tilespmem:v55+s28+$0x0] =	vst.idx.msk $0xffff, v30;
	v27 =	vld.idx.msk [tilespmem:v27+s19+$0x0], $0xffff  }
0x44c: {  	v31 =	vld.idx.msk [tilespmem:v58+s19+$0x0], $0xffff;
	[tilespmem:v46+s28+$0x0] =	vst.idx.msk $0xffff, v45  }
0x44d: {  	v0 =	vor.u32 s5, v44;
	v58 =	vld [tilespmem:$0x1FD30]  }
0x44e: {  	v35 =	vld.idx.msk [tilespmem:v35+s19+$0x0], $0xffff;
	[tilespmem:$0x1F5B0] =	vst v0  }
0x44f: {  	v60 =	vld [tilespmem:$0x1FE00];
	[tilespmem:v24+s28+$0x0] =	vst.idx.msk $0xffff, v26  }
0x450: {  	v34 =	vor.u32 v34, v0;
	v32 =	vor.u32 v32, v0;
	v53 =	vor.u32 v61, v17;
	v0 =	vld [tilespmem:$0x1FED0]  }
0x451: {  	v25 =	vor.u32 v61, v14;
	v28 =	vor.u32 v2, v53  }
0x452: {  	v30 =	vor.u32 v47, v10;
	v29 =	vor.u32 v2, v25  }
0x453: {  	v55 =	vor.u32 v2, v30;
	_ =	sdelay $0x1  }
0x454: {  	v24 =	vor.u32 s3, v0  }
0x455: {  	v39 =	vor.u32 v47, v11;
	[tilespmem:v6+s28+$0x0] =	vst.idx.msk $0xffff, v27;
	v26 =	vld.idx.msk [tilespmem:v28+s19+$0x0], $0xffff;
	v28 =	vor.u32 v24, v23  }
0x456: {  	v40 =	vor.u32 v2, v39;
	[tilespmem:v32+s28+$0x0] =	vst.idx.msk $0xffff, v31;
	v32 =	vld.idx.msk [tilespmem:v29+s19+$0x0], $0xffff;
	v27 =	vor.u32 s17, v0  }
0x457: {  	v3 =	vmov v43;
	v38 =	vor.u32 s8, v43;
	v43 =	vld.idx.msk [tilespmem:v55+s19+$0x0], $0xffff;
	v23 =	vor.u32 v27, v23  }
0x458: {  	v1 =	vmov v56;
	v41 =	vor.u32 v19, v53;
	v56 =	vld [tilespmem:$0x1FDF0];
	v0 =	vor.u32 s5, v18  }
0x459: {  	v6 =	vor.u32 v19, v25;
	v55 =	vld [tilespmem:$0x1FDE0];
	[tilespmem:v34+s28+$0x0] =	vst.idx.msk $0xffff, v35;
	v44 =	vor.u32 v38, v0  }
0x45a: {  	v34 =	vor.u32 v19, v30;
	v35 =	vor.u32 s9, v3;
	v18 =	vld [tilespmem:$0x1FDD0];
	[tilespmem:v28+s28+$0x0] =	vst.idx.msk $0xffff, v26  }
0x45b: {  	v28 =	vld.idx.msk [tilespmem:v40+s19+$0x0], $0xffff;
	v40 =	vor.u32 v35, v0;
	[tilespmem:$0x1F5C0] =	vst v0  }
0x45c: {  	[tilespmem:v23+s28+$0x0] =	vst.idx.msk $0xffff, v32;
	v23 =	vor.u32 v19, v39  }
0x45d: {  	v24 =	vor.u32 v24, v22;
	v32 =	vld.idx.msk [tilespmem:v41+s19+$0x0], $0xffff  }
0x45e: {  	[tilespmem:v44+s28+$0x0] =	vst.idx.msk $0xffff, v43;
	v39 =	vld.idx.msk [tilespmem:v6+s19+$0x0], $0xffff  }
0x45f: {  	v34 =	vld.idx.msk [tilespmem:v34+s19+$0x0], $0xffff  }
0x460: {  	v47 =	vor.u32 v62, v11;
	v0 =	vor.u32 s5, v50;
	v43 =	vor.u32 v62, v10;
	v62 =	vld [tilespmem:$0x1FFF0];
	[tilespmem:v40+s28+$0x0] =	vst.idx.msk $0xffff, v28  }
0x461: {  	v23 =	vld.idx.msk [tilespmem:v23+s19+$0x0], $0xffff;
	[tilespmem:$0x1F5D0] =	vst v0  }
0x462: {  	[tilespmem:v24+s28+$0x0] =	vst.idx.msk $0xffff, v32  }
0x463: {  	v36 =	vor.u32 v58, v17;
	v3 =	vld [tilespmem:$0x1FD90]  }
0x464: {  	v53 =	vor.u32 v2, v36;
	v27 =	vor.u32 v27, v22  }
0x465: {  	v37 =	vor.u32 v60, v17;
	v42 =	vor.u32 v58, v14;
	v45 =	vor.u32 v60, v14  }
0x466: {  	v31 =	vor.u32 v56, v17;
	v38 =	vor.u32 v38, v0;
	v6 =	vor.u32 v2, v42  }
0x467: {  	v29 =	vor.u32 v55, v17;
	v33 =	vor.u32 v56, v14;
	v50 =	vor.u32 v2, v43  }
0x468: {  	v30 =	vor.u32 v55, v14;
	v28 =	vor.u32 v35, v0;
	v24 =	vor.u32 s3, v3  }
0x469: {  	v25 =	vor.u32 v18, v17;
	v32 =	vld.idx.msk [tilespmem:v53+s19+$0x0], $0xffff;
	[tilespmem:v27+s28+$0x0] =	vst.idx.msk $0xffff, v39;
	v39 =	vor.u32 v24, v21  }
0x46a: {  	v22 =	vor.u32 v62, v17;
	v17 =	vor.u32 v2, v47;
	v35 =	vor.u32 s17, v3  }
0x46b: {  	v40 =	vor.u32 s8, v49;
	[tilespmem:v38+s28+$0x0] =	vst.idx.msk $0xffff, v34;
	v53 =	vor.u32 s5, v48;
	v34 =	vld.idx.msk [tilespmem:v6+s19+$0x0], $0xffff;
	v38 =	vor.u32 v35, v21  }
0x46c: {  	v26 =	vor.u32 v18, v14;
	v41 =	vor.u32 v40, v53;
	v21 =	vor.u32 v62, v14;
	v14 =	vld.idx.msk [tilespmem:v50+s19+$0x0], $0xffff  }
0x46d: {  	v0 =	vld [tilespmem:$0x1FE30];
	[tilespmem:v28+s28+$0x0] =	vst.idx.msk $0xffff, v23  }
0x46e: {  	[tilespmem:v39+s28+$0x0] =	vst.idx.msk $0xffff, v32  }
0x46f: {  	v36 =	vor.u32 v19, v36;
	v39 =	vld.idx.msk [tilespmem:v17+s19+$0x0], $0xffff;
	[tilespmem:$0x1F5E0] =	vst v53  }
0x470: {  	v42 =	vor.u32 v19, v42;
	[tilespmem:v38+s28+$0x0] =	vst.idx.msk $0xffff, v34  }
0x471: {  	v28 =	vor.u32 v19, v43;
	[tilespmem:v41+s28+$0x0] =	vst.idx.msk $0xffff, v14  }
0x472: {  	v48 =	vor.u32 s9, v49;
	v49 =	vor.u32 v0, v10;
	v43 =	vor.u32 v0, v11;
	v0 =	vld [tilespmem:$0x1FD50]  }
0x473: {  	v46 =	vor.u32 v51, v11;
	v44 =	vor.u32 v51, v10;
	v6 =	vmovc v51;
	v51 =	vor.u32 v48, v53  }
0x474: {  	v36 =	vld.idx.msk [tilespmem:v36+s19+$0x0], $0xffff  }
0x475: {  	v50 =	vor.u32 s9, v4;
	v14 =	vor.u32 v24, v20;
	v38 =	vld.idx.msk [tilespmem:v42+s19+$0x0], $0xffff  }
0x476: {  	v17 =	vmov v1;
	v1 =	vor.u32 v50, v5;
	v20 =	vor.u32 v35, v20;
	v42 =	vld.idx.msk [tilespmem:v28+s19+$0x0], $0xffff  }
0x477: {  	[tilespmem:$0x1F770] =	vst v1;
	v3 =	vld [tilespmem:$0x1FDA0];
	v0 =	vor.u32 s5, v0  }
0x478: {  	v41 =	vor.u32 v2, v45;
	v53 =	vld [tilespmem:$0x1FD70];
	[tilespmem:v51+s28+$0x0] =	vst.idx.msk $0xffff, v39;
	v40 =	vor.u32 v40, v0  }
0x479: {  	[tilespmem:$0x1F5F0] =	vst v0  }
0x47a: {  	v34 =	vor.u32 v19, v47;
	[tilespmem:v14+s28+$0x0] =	vst.idx.msk $0xffff, v36  }
0x47b: {  	v35 =	vor.u32 v2, v37;
	v47 =	vor.u32 v2, v44;
	v1 =	vld [tilespmem:$0x1FFC0];
	[tilespmem:v20+s28+$0x0] =	vst.idx.msk $0xffff, v38  }
0x47c: {  	v24 =	vor.u32 v50, v8;
	v50 =	vor.u32 s3, v3;
	v51 =	vor.u32 s17, v3;
	v3 =	vld [tilespmem:$0x1FEB0]  }
0x47d: {  	[tilespmem:v40+s28+$0x0] =	vst.idx.msk $0xffff, v42;
	v40 =	vld.idx.msk [tilespmem:v41+s19+$0x0], $0xffff  }
0x47e: {  	v20 =	vor.u32 v50, v52;
	v41 =	vor.u32 v51, v52;
	v52 =	vld [tilespmem:$0x1FD60]  }
0x47f: {  	v34 =	vld.idx.msk [tilespmem:v34+s19+$0x0], $0xffff  }
0x480: {  	v39 =	vor.u32 v48, v0;
	v48 =	vor.u32 v2, v46;
	v0 =	vor.u32 v61, v11;
	v35 =	vld.idx.msk [tilespmem:v35+s19+$0x0], $0xffff  }
0x481: {  	v42 =	vor.u32 v19, v45;
	v45 =	vld.idx.msk [tilespmem:v47+s19+$0x0], $0xffff;
	[tilespmem:$0x1F7A0] =	vst v0;
	v0 =	vor.u32 v58, v10  }
0x482: {  	[tilespmem:$0x1F870] =	vst v0;
	v0 =	vor.u32 v60, v10  }
0x483: {  	v36 =	vor.u32 s8, v1;
	[tilespmem:$0x1F600] =	vst v0;
	v0 =	vor.u32 v58, v11;
	v52 =	vor.u32 s5, v52  }
0x484: {  	v37 =	vor.u32 v19, v37;
	[tilespmem:$0x1F890] =	vst v0;
	v5 =	vor.u32 v36, v52  }
0x485: {  	[tilespmem:v39+s28+$0x0] =	vst.idx.msk $0xffff, v34  }
0x486: {  	v34 =	vor.u32 s9, v1;
	v48 =	vld.idx.msk [tilespmem:v48+s19+$0x0], $0xffff;
	[tilespmem:$0x1F610] =	vst v52  }
0x487: {  	v44 =	vor.u32 v19, v44;
	v52 =	vor.u32 v34, v52;
	[tilespmem:v20+s28+$0x0] =	vst.idx.msk $0xffff, v35  }
0x488: {  	v35 =	vor.u32 v19, v46;
	[tilespmem:v41+s28+$0x0] =	vst.idx.msk $0xffff, v40  }
0x489: {  	v20 =	vor.u32 v50, v15;
	v37 =	vld.idx.msk [tilespmem:v37+s19+$0x0], $0xffff;
	[tilespmem:v5+s28+$0x0] =	vst.idx.msk $0xffff, v45  }
0x48a: {  	v0 =	vor.u32 s5, v53;
	v53 =	vld [tilespmem:$0x1FEA0]  }
0x48b: {  	v15 =	vor.u32 v51, v15;
	v41 =	vld.idx.msk [tilespmem:v42+s19+$0x0], $0xffff  }
0x48c: {  	v39 =	vor.u32 v2, v31;
	v36 =	vor.u32 v36, v0;
	v44 =	vld.idx.msk [tilespmem:v44+s19+$0x0], $0xffff;
	[tilespmem:v52+s28+$0x0] =	vst.idx.msk $0xffff, v48  }
0x48d: {  	s16 =	simm.s32 $0x50;
	v34 =	vor.u32 v34, v0;
	v42 =	vor.u32 v2, v33;
	v35 =	vld.idx.msk [tilespmem:v35+s19+$0x0], $0xffff;
	[tilespmem:$0x1F620] =	vst v0  }
0x48e: {  	v50 =	vor.u32 v2, v49;
	v5 =	vmov s16;
	v52 =	vor.u32 v60, v11;
	[tilespmem:v20+s28+$0x0] =	vst.idx.msk $0xffff, v37  }
0x48f: {  	s14 =	simm.s32 $0x40;
	v20 =	vshll.u32 v5, $0x5;
	v0 =	vld [tilespmem:$0x1FFD0];
	v45 =	vor.u32 s17, v53;
	v46 =	vor.u32 s3, v53  }
0x490: {  	[tilespmem:v15+s28+$0x0] =	vst.idx.msk $0xffff, v41;
	v47 =	vor.u32 v45, v16;
	v51 =	vor.u32 v46, v16;
	v16 =	vmov s14  }
0x491: {  	v39 =	vld.idx.msk [tilespmem:v39+s19+$0x0], $0xffff;
	v15 =	vor.u32 v59, v20;
	[tilespmem:v36+s28+$0x0] =	vst.idx.msk $0xffff, v44;
	v16 =	vshll.u32 v16, $0x5  }
0x492: {  	v36 =	vld.idx.msk [tilespmem:v42+s19+$0x0], $0xffff;
	[tilespmem:$0x1F630] =	vst v52;
	v37 =	vor.u32 v59, v16;
	v59 =	vor.u32 v56, v10  }
0x493: {  	v48 =	vld.idx.msk [tilespmem:v50+s19+$0x0], $0xffff;
	[tilespmem:$0x1F640] =	vst v59  }
0x494: {  	v0 =	vor.u32 s5, v0;
	[tilespmem:v34+s28+$0x0] =	vst.idx.msk $0xffff, v35  }
0x495: {  	[tilespmem:$0x1F650] =	vst v0  }
0x496: {  	v38 =	vor.u32 s9, v3;
	v40 =	vor.u32 s8, v3;
	v53 =	vor.u32 v2, v43;
	[tilespmem:v51+s28+$0x0] =	vst.idx.msk $0xffff, v39  }
0x497: {  	v44 =	vor.u32 v2, v15;
	v42 =	vor.u32 v40, v0;
	v5 =	vor.u32 v38, v0;
	v0 =	vld [tilespmem:$0x1FF40]  }
0x498: {  	v41 =	vor.u32 v2, v37  }
0x499: {  	v31 =	vor.u32 v19, v31  }
0x49a: {  	s15 =	simm.s32 $0x200;
	v33 =	vor.u32 v19, v33  }
0x49b: {  	s15 =	sand.u32 $0xFFFFFC00, s15;
	s13 =	sand.u32 $0x60, s14;
	v49 =	vor.u32 v19, v49;
	v35 =	vor.u32 v19, v43;
	v50 =	vld.idx.msk [tilespmem:v53+s19+$0x0], $0xffff;
	[tilespmem:v47+s28+$0x0] =	vst.idx.msk $0xffff, v36  }
0x49c: {  	v43 =	vor.u32 s13, v12;
	v44 =	vld.idx.msk [tilespmem:v44+s19+$0x0], $0xffff;
	[tilespmem:v42+s28+$0x0] =	vst.idx.msk $0xffff, v48;
	v53 =	vor.u32 s15, v0;
	v0 =	vor.u32 v55, v10  }
0x49d: {  	v39 =	vld.idx.msk [tilespmem:v41+s19+$0x0], $0xffff;
	v59 =	vor.u32 v43, v53;
	[tilespmem:$0x1F660] =	vst v0  }
0x49e: {  	v31 =	vld.idx.msk [tilespmem:v31+s19+$0x0], $0xffff  }
0x49f: {  	v33 =	vld.idx.msk [tilespmem:v33+s19+$0x0], $0xffff  }
0x4a0: {  	[tilespmem:v5+s28+$0x0] =	vst.idx.msk $0xffff, v50;
	v5 =	vld.idx.msk [tilespmem:v49+s19+$0x0], $0xffff  }
0x4a1: {  	s14 =	sand.u32 $0x70, s16;
	v51 =	vld [tilespmem:$0x1FDB0]  }
0x4a2: {  	v41 =	vor.u32 s14, v12;
	v0 =	vor.u32 s5, v17;
	v35 =	vld.idx.msk [tilespmem:v35+s19+$0x0], $0xffff;
	[tilespmem:v59+s28+$0x0] =	vst.idx.msk $0xffff, v39  }
0x4a3: {  	v47 =	vor.u32 v41, v53;
	v40 =	vor.u32 v40, v0;
	v49 =	vor.u32 v38, v0;
	[tilespmem:$0x1F670] =	vst v0;
	v0 =	vld [tilespmem:$0x1FF50]  }
0x4a4: {  	v37 =	vor.u32 v19, v37  }
0x4a5: {  	v46 =	vor.u32 v46, v13  }
0x4a6: {  	v15 =	vor.u32 v19, v15;
	v13 =	vor.u32 v45, v13  }
0x4a7: {  	v34 =	vor.u32 v2, v29  }
0x4a8: {  	v27 =	vor.u32 v54, v10;
	[tilespmem:v47+s28+$0x0] =	vst.idx.msk $0xffff, v44;
	v59 =	vor.u32 s15, v0;
	v0 =	vor.u32 v56, v11  }
0x4a9: {  	v42 =	vor.u32 v2, v30;
	v37 =	vld.idx.msk [tilespmem:v37+s19+$0x0], $0xffff;
	v52 =	vor.u32 v43, v59;
	[tilespmem:$0x1F680] =	vst v0  }
0x4aa: {  	v50 =	vor.u32 v2, v27;
	[tilespmem:v46+s28+$0x0] =	vst.idx.msk $0xffff, v31  }
0x4ab: {  	v15 =	vld.idx.msk [tilespmem:v15+s19+$0x0], $0xffff;
	[tilespmem:v13+s28+$0x0] =	vst.idx.msk $0xffff, v33  }
0x4ac: {  	v43 =	vor.u32 s3, v51;
	v41 =	vor.u32 v41, v59;
	[tilespmem:v40+s28+$0x0] =	vst.idx.msk $0xffff, v5;
	v34 =	vld.idx.msk [tilespmem:v34+s19+$0x0], $0xffff  }
0x4ad: {  	v12 =	vor.u32 v43, v9;
	v1 =	vld [tilespmem:$0x1FEC0];
	[tilespmem:v49+s28+$0x0] =	vst.idx.msk $0xffff, v35  }
0x4ae: {  	v0 =	vor.u32 v18, v10;
	v42 =	vld.idx.msk [tilespmem:v42+s19+$0x0], $0xffff;
	[tilespmem:v52+s28+$0x0] =	vst.idx.msk $0xffff, v37  }
0x4af: {  	v50 =	vld.idx.msk [tilespmem:v50+s19+$0x0], $0xffff;
	[tilespmem:$0x1F690] =	vst v0;
	v0 =	vor.u32 v55, v11  }
0x4b0: {  	v32 =	vor.u32 v54, v11;
	[tilespmem:$0x1F6A0] =	vst v0  }
0x4b1: {  	v48 =	vor.u32 s17, v51;
	v13 =	vor.u32 v2, v32;
	[tilespmem:v41+s28+$0x0] =	vst.idx.msk $0xffff, v15  }
0x4b2: {  	v44 =	vor.u32 v48, v9;
	[tilespmem:v12+s28+$0x0] =	vst.idx.msk $0xffff, v34  }
0x4b3: {  	v0 =	vld [tilespmem:$0x1FF70];
	_ =	sdelay $0x1  }
0x4b4: {  	v47 =	vor.u32 s5, v7  }
0x4b5: {  	v40 =	vor.u32 s8, v1;
	v13 =	vld.idx.msk [tilespmem:v13+s19+$0x0], $0xffff;
	[tilespmem:$0x1F6B0] =	vst v47  }
0x4b6: {  	v52 =	vor.u32 v40, v47;
	[tilespmem:v44+s28+$0x0] =	vst.idx.msk $0xffff, v42  }
0x4b7: {  	v12 =	vor.u32 s13, v0;
	v41 =	vor.u32 s14, v0;
	v0 =	vld [tilespmem:$0x1FF80];
	_ =	sdelay $0x3  }
0x4b8: {  	v45 =	vor.u32 v57, v16;
	[tilespmem:v52+s28+$0x0] =	vst.idx.msk $0xffff, v50  }
0x4b9: {  	v33 =	vor.u32 v57, v20;
	v49 =	vor.u32 v2, v45;
	v17 =	vor.u32 s15, v0;
	v0 =	vld [tilespmem:$0x1F6C0]  }
0x4ba: {  	v57 =	vor.u32 v2, v33;
	v39 =	vor.u32 s9, v1  }
0x4bb: {  	v5 =	vor.u32 v39, v47;
	_ =	sdelay $0x2  }
0x4bc: {  	v35 =	vld.idx.msk [tilespmem:v49+s19+$0x0], $0xffff;
	v43 =	vor.u32 v43, v0;
	v9 =	vor.u32 v48, v0;
	v0 =	vor.u32 v18, v11  }
0x4bd: {  	v29 =	vor.u32 v19, v29;
	v49 =	vld.idx.msk [tilespmem:v57+s19+$0x0], $0xffff;
	[tilespmem:$0x1F6D0] =	vst v0  }
0x4be: {  	v30 =	vor.u32 v19, v30;
	v37 =	vor.u32 v19, v32;
	v32 =	vld [tilespmem:$0x1FDC0];
	[tilespmem:v5+s28+$0x0] =	vst.idx.msk $0xffff, v13  }
0x4bf: {  	v27 =	vor.u32 v19, v27;
	v7 =	vor.u32 v12, v17;
	v0 =	vld [tilespmem:$0x1FE90];
	_ =	sdelay $0x1  }
0x4c0: {  	v50 =	vor.u32 v41, v17  }
0x4c1: {  	v52 =	vld.idx.msk [tilespmem:v29+s19+$0x0], $0xffff  }
0x4c2: {  	v57 =	vld.idx.msk [tilespmem:v30+s19+$0x0], $0xffff  }
0x4c3: {  	v27 =	vld.idx.msk [tilespmem:v27+s19+$0x0], $0xffff;
	[tilespmem:v7+s28+$0x0] =	vst.idx.msk $0xffff, v35;
	v0 =	vor.u32 s5, v0  }
0x4c4: {  	v47 =	vld.idx.msk [tilespmem:v37+s19+$0x0], $0xffff;
	[tilespmem:$0x1F6E0] =	vst v0  }
0x4c5: {  	[tilespmem:v50+s28+$0x0] =	vst.idx.msk $0xffff, v49  }
0x4c6: {  	v5 =	vor.u32 v40, v0;
	v48 =	vor.u32 v39, v0;
	v0 =	vld [tilespmem:$0x1FF90];
	_ =	sdelay $0x2  }
0x4c7: {  	v23 =	vor.u32 v63, v10;
	v14 =	vor.u32 v61, v10;
	[tilespmem:v43+s28+$0x0] =	vst.idx.msk $0xffff, v52  }
0x4c8: {  	v38 =	vor.u32 v62, v10;
	v10 =	vor.u32 v19, v45;
	v1 =	vld [tilespmem:$0x1FFA0];
	[tilespmem:v9+s28+$0x0] =	vst.idx.msk $0xffff, v57  }
0x4c9: {  	v37 =	vor.u32 s15, v0;
	v0 =	vld [tilespmem:$0x1FD10]  }
0x4ca: {  	v13 =	vor.u32 v19, v33;
	_ =	sdelay $0x2  }
0x4cb: {  	v7 =	vor.u32 v2, v25;
	v10 =	vld.idx.msk [tilespmem:v10+s19+$0x0], $0xffff;
	[tilespmem:v5+s28+$0x0] =	vst.idx.msk $0xffff, v27  }
0x4cc: {  	v12 =	vor.u32 v12, v37;
	v43 =	vor.u32 s3, v0;
	v27 =	vor.u32 s17, v0;
	v0 =	vld [tilespmem:$0x1F6F0]  }
0x4cd: {  	v49 =	vor.u32 v2, v26;
	v13 =	vld.idx.msk [tilespmem:v13+s19+$0x0], $0xffff;
	v41 =	vor.u32 v41, v37;
	_ =	sdelay $0x2  }
0x4ce: {  	v50 =	vor.u32 v2, v23;
	[tilespmem:v48+s28+$0x0] =	vst.idx.msk $0xffff, v47  }
0x4cf: {  	v33 =	vld.idx.msk [tilespmem:v7+s19+$0x0], $0xffff;
	[tilespmem:v12+s28+$0x0] =	vst.idx.msk $0xffff, v10;
	v34 =	vor.u32 v43, v0  }
0x4d0: {  	v52 =	vld.idx.msk [tilespmem:v49+s19+$0x0], $0xffff;
	[tilespmem:v41+s28+$0x0] =	vst.idx.msk $0xffff, v13;
	v57 =	vor.u32 v27, v0  }
0x4d1: {  	v28 =	vor.u32 v63, v11;
	v44 =	vor.u32 v2, v21;
	v0 =	vld [tilespmem:$0x1FFB0]  }
0x4d2: {  	v30 =	vor.u32 v19, v21;
	v9 =	vor.u32 v2, v28;
	v42 =	vor.u32 v1, v16  }
0x4d3: {  	v5 =	vor.u32 s8, v4;
	v35 =	vor.u32 v1, v20;
	v10 =	vor.u32 v2, v42;
	v12 =	vld.idx.msk [tilespmem:v50+s19+$0x0], $0xffff  }
0x4d4: {  	v8 =	vor.u32 v5, v8;
	v21 =	vor.u32 v2, v35;
	v1 =	vld [tilespmem:$0x1FEF0];
	[tilespmem:v34+s28+$0x0] =	vst.idx.msk $0xffff, v33  }
0x4d5: {  	v25 =	vor.u32 v19, v25;
	[tilespmem:v57+s28+$0x0] =	vst.idx.msk $0xffff, v52  }
0x4d6: {  	v41 =	vor.u32 s13, v0;
	v33 =	vor.u32 s14, v0;
	v0 =	vld [tilespmem:$0x1FF30]  }
0x4d7: {  	v26 =	vor.u32 v19, v26;
	v9 =	vld.idx.msk [tilespmem:v9+s19+$0x0], $0xffff  }
0x4d8: {  	v10 =	vld.idx.msk [tilespmem:v10+s19+$0x0], $0xffff  }
0x4d9: {  	[tilespmem:v8+s28+$0x0] =	vst.idx.msk $0xffff, v12;
	v8 =	vld.idx.msk [tilespmem:v21+s19+$0x0], $0xffff  }
0x4da: {  	v25 =	vld.idx.msk [tilespmem:v25+s19+$0x0], $0xffff  }
0x4db: {  	v49 =	vor.u32 v1, v16;
	v47 =	vor.u32 s15, v0;
	v0 =	vld [tilespmem:$0x1F700]  }
0x4dc: {  	v50 =	vor.u32 v1, v20;
	v1 =	vor.u32 v6, v20;
	[tilespmem:v24+s28+$0x0] =	vst.idx.msk $0xffff, v9;
	v24 =	vld.idx.msk [tilespmem:v26+s19+$0x0], $0xffff  }
0x4dd: {  	[tilespmem:$0x1F710] =	vst v1;
	v1 =	vld [tilespmem:$0x1F720]  }
0x4de: {  	v3 =	vld [tilespmem:$0x1FE30];
	_ =	sdelay $0x1  }
0x4df: {  	v36 =	vor.u32 v41, v47;
	_ =	sdelay $0x2  }
0x4e0: {  	v57 =	vor.u32 v5, v1;
	v1 =	vor.u32 v3, v16  }
0x4e1: {  	[tilespmem:$0x1F730] =	vst v1  }
0x4e2: {  	[tilespmem:v36+s28+$0x0] =	vst.idx.msk $0xffff, v10  }
0x4e3: {  	v23 =	vor.u32 v19, v23;
	v52 =	vor.u32 v33, v47;
	v1 =	vld [tilespmem:$0x1FF10]  }
0x4e4: {  	v28 =	vor.u32 v19, v28  }
0x4e5: {  	v42 =	vor.u32 v19, v42  }
0x4e6: {  	v43 =	vor.u32 v43, v0  }
0x4e7: {  	v0 =	vor.u32 v27, v0  }
0x4e8: {  	v23 =	vld.idx.msk [tilespmem:v23+s19+$0x0], $0xffff;
	[tilespmem:v52+s28+$0x0] =	vst.idx.msk $0xffff, v8;
	v21 =	vor.u32 s15, v1;
	v1 =	vor.u32 v3, v20  }
0x4e9: {  	v10 =	vld.idx.msk [tilespmem:v28+s19+$0x0], $0xffff;
	[tilespmem:$0x1F740] =	vst v1  }
0x4ea: {  	v27 =	vld.idx.msk [tilespmem:v42+s19+$0x0], $0xffff  }
0x4eb: {  	v35 =	vor.u32 v19, v35;
	v42 =	vld [tilespmem:$0x1FBE0];
	[tilespmem:v43+s28+$0x0] =	vst.idx.msk $0xffff, v25  }
0x4ec: {  	v29 =	vor.u32 v19, v22;
	v22 =	vor.u32 v2, v22;
	[tilespmem:v0+s28+$0x0] =	vst.idx.msk $0xffff, v24  }
0x4ed: {  	v0 =	vld [tilespmem:$0x1F750];
	_ =	sdelay $0x2  }
0x4ee: {  	v35 =	vld.idx.msk [tilespmem:v35+s19+$0x0], $0xffff  }
0x4ef: {  	v28 =	vor.u32 v41, v21;
	v22 =	vld.idx.msk [tilespmem:v22+s19+$0x0], $0xffff;
	[tilespmem:v57+s28+$0x0] =	vst.idx.msk $0xffff, v23;
	v36 =	vor.u32 s3, v42;
	v41 =	vor.u32 s17, v42  }
0x4f0: {  	v46 =	vld.idx.msk [tilespmem:v44+s19+$0x0], $0xffff;
	v24 =	vor.u32 v36, v0;
	v5 =	vor.u32 v41, v0;
	v0 =	vor.u32 v54, v16  }
0x4f1: {  	[tilespmem:$0x1F760] =	vst v0;
	v0 =	vld [tilespmem:$0x1F770];
	_ =	sdelay $0x5  }
0x4f2: {  	v26 =	vor.u32 v2, v14;
	_ =	sdelay $0x1  }
0x4f3: {  	v7 =	vld [tilespmem:$0x1FED0];
	[tilespmem:v0+s28+$0x0] =	vst.idx.msk $0xffff, v10  }
0x4f4: {  	v45 =	vor.u32 v33, v21;
	v3 =	vld [tilespmem:$0x1F780]  }
0x4f5: {  	v1 =	vor.u32 v63, v16  }
0x4f6: {  	v26 =	vld.idx.msk [tilespmem:v26+s19+$0x0], $0xffff;
	[tilespmem:$0x1F790] =	vst v1  }
0x4f7: {  	v8 =	vld [tilespmem:$0x1F7A0];
	[tilespmem:v28+s28+$0x0] =	vst.idx.msk $0xffff, v27  }
0x4f8: {  	v23 =	vor.u32 s8, v7;
	[tilespmem:$0x1F7B0] =	vst v59  }
0x4f9: {  	v0 =	vor.u32 s14, v4;
	[tilespmem:v45+s28+$0x0] =	vst.idx.msk $0xffff, v35;
	v10 =	vor.u32 v23, v3  }
0x4fa: {  	v52 =	vor.u32 v54, v20;
	v54 =	vor.u32 v0, v59;
	[tilespmem:$0x1F7C0] =	vst v53  }
0x4fb: {  	v57 =	vor.u32 v0, v53;
	v0 =	vor.u32 v60, v16;
	[tilespmem:v24+s28+$0x0] =	vst.idx.msk $0xffff, v22  }
0x4fc: {  	[tilespmem:$0x1F7D0] =	vst v0  }
0x4fd: {  	v1 =	vld [tilespmem:$0x1FE70];
	[tilespmem:v5+s28+$0x0] =	vst.idx.msk $0xffff, v46  }
0x4fe: {  	v42 =	vor.u32 v2, v8;
	v0 =	vor.u32 v18, v16;
	[tilespmem:v10+s28+$0x0] =	vst.idx.msk $0xffff, v26  }
0x4ff: {  	[tilespmem:$0x1F7E0] =	vst v0;
	v0 =	vld [tilespmem:$0x1F7F0];
	_ =	sdelay $0x2  }
0x500: {  	v48 =	vor.u32 s9, v7  }
0x501: {  	v26 =	vor.u32 v48, v3;
	v10 =	vld.idx.msk [tilespmem:v42+s19+$0x0], $0xffff  }
0x502: {  	v40 =	vor.u32 v36, v0;
	v42 =	vor.u32 v41, v0;
	v0 =	vld [tilespmem:$0x1F800];
	_ =	sdelay $0x3  }
0x503: {  	[tilespmem:v26+s28+$0x0] =	vst.idx.msk $0xffff, v10  }
0x504: {  	v24 =	vor.u32 v23, v0;
	v22 =	vor.u32 v48, v0;
	v0 =	vor.u32 v55, v20  }
0x505: {  	[tilespmem:$0x1F810] =	vst v0;
	v0 =	vld [tilespmem:$0x1FE60]  }
0x506: {  	v3 =	vor.u32 v2, v49  }
0x507: {  	v53 =	vor.u32 v2, v50;
	_ =	sdelay $0x2  }
0x508: {  	v39 =	vor.u32 s15, v0;
	v0 =	vor.u32 v62, v20  }
0x509: {  	v11 =	vor.u32 v62, v11;
	v41 =	vld.idx.msk [tilespmem:v3+s19+$0x0], $0xffff;
	[tilespmem:$0x1F820] =	vst v0  }
0x50a: {  	v27 =	vor.u32 s13, v1;
	v3 =	vor.u32 v18, v20;
	v18 =	vor.u32 s14, v1;
	v1 =	vld.idx.msk [tilespmem:v53+s19+$0x0], $0xffff  }
0x50b: {  	v0 =	vor.u32 v19, v11;
	v26 =	vld.idx.msk [tilespmem:v29+s19+$0x0], $0xffff  }
0x50c: {  	[tilespmem:$0x1F830] =	vst v0;
	v0 =	vld [tilespmem:$0x1FE50];
	_ =	sdelay $0x1  }
0x50d: {  	v31 =	vor.u32 v62, v16;
	v15 =	vor.u32 v32, v16;
	v14 =	vor.u32 v19, v14  }
0x50e: {  	v13 =	vor.u32 v32, v20;
	v9 =	vor.u32 v6, v16;
	v44 =	vor.u32 v56, v20  }
0x50f: {  	v7 =	vor.u32 v19, v50;
	v59 =	vor.u32 v61, v16;
	v43 =	vor.u32 v27, v39  }
0x510: {  	v35 =	vor.u32 v58, v16;
	v50 =	vor.u32 s15, v0;
	v0 =	vor.u32 v2, v11  }
0x511: {  	v46 =	vor.u32 v55, v16;
	v55 =	vld.idx.msk [tilespmem:v30+s19+$0x0], $0xffff;
	[tilespmem:$0x1F840] =	vst v0;
	v0 =	vor.u32 v19, v38  }
0x512: {  	v48 =	vor.u32 v60, v20;
	v60 =	vld.idx.msk [tilespmem:v14+s19+$0x0], $0xffff;
	[tilespmem:$0x1F850] =	vst v0;
	v0 =	vor.u32 v2, v38  }
0x513: {  	v45 =	vor.u32 v56, v16;
	v58 =	vor.u32 v58, v20;
	v16 =	vor.u32 v63, v20;
	[tilespmem:$0x1F860] =	vst v0  }
0x514: {  	v36 =	vor.u32 v61, v20;
	v20 =	vor.u32 v18, v39;
	[tilespmem:v43+s28+$0x0] =	vst.idx.msk $0xffff, v41  }
0x515: {  	v0 =	vld [tilespmem:$0x1FE80];
	_ =	sdelay $0x3  }
0x516: {  	[tilespmem:v20+s28+$0x0] =	vst.idx.msk $0xffff, v1  }
0x517: {  	v53 =	vor.u32 s13, v0;
	v56 =	vor.u32 s14, v0;
	v0 =	vld [tilespmem:$0x1FFC0];
	_ =	sdelay $0x4  }
0x518: {  	v38 =	vor.u32 s13, v0;
	v0 =	vld [tilespmem:$0x1FEB0];
	_ =	sdelay $0x2  }
0x519: {  	v23 =	vor.u32 v19, v8;
	v20 =	vld [tilespmem:$0x1F870]  }
0x51a: {  	v4 =	vor.u32 v19, v49;
	v33 =	vld [tilespmem:$0x1F890]  }
0x51b: {  	v1 =	vor.u32 s14, v0;
	v43 =	vor.u32 s13, v0;
	v0 =	vld [tilespmem:$0x1FEC0];
	_ =	sdelay $0x2  }
0x51c: {  	v34 =	vor.u32 v2, v15;
	v61 =	vor.u32 v2, v13;
	v62 =	vld.idx.msk [tilespmem:v23+s19+$0x0], $0xffff  }
0x51d: {  	v27 =	vor.u32 v27, v50;
	v18 =	vor.u32 v18, v50;
	v63 =	vld.idx.msk [tilespmem:v4+s19+$0x0], $0xffff;
	[tilespmem:$0x1F880] =	vst v1  }
0x51e: {  	s3 =	simm.s32 $0x4;
	v11 =	vmovc v3;
	v29 =	vor.u32 v2, v33;
	v23 =	vor.u32 v2, v20;
	v41 =	vld.idx.msk [tilespmem:v7+s19+$0x0], $0xffff;
	v25 =	vor.u32 s13, v0  }
.LBB2_5:
0x51f: {  	v0 =	vld [tilespmem:$0x1F690];
	_ =	sdelay $0x4  }
0x520: {  	v1 =	vor.u32 v19, v0  }
0x521: {  	[tilespmem:$0x1F4F0] =	vst v1;
	v1 =	vld [tilespmem:$0x1F6D0];
	_ =	sdelay $0x3  }
0x522: {  	v0 =	vor.u32 v2, v0  }
0x523: {  	[tilespmem:$0x1F4D0] =	vst v0;
	v0 =	vor.u32 v19, v1  }
0x524: {  	[tilespmem:$0x1F500] =	vst v0;
	v0 =	vld [tilespmem:$0x1F6E0];
	_ =	sdelay $0x4  }
0x525: {  	v8 =	vor.u32 v2, v1;
	v1 =	vmov v0;
	v0 =	vmov v37  }
0x526: {  	[tilespmem:$0x1F590] =	vst v0;
	v0 =	vld [tilespmem:$0x1FD90]  }
0x527: {  	v3 =	vmov v57  }
0x528: {  	[tilespmem:$0x1F510] =	vst v3  }
0x529: {  	v3 =	vld [tilespmem:$0x1F6B0];
	[tilespmem:v42+s28+$0x0] =	vst.idx.msk $0xffff, v55  }
0x52a: {  	[tilespmem:$0x1F570] =	vst v1;
	v1 =	vld [tilespmem:$0x1F660]  }
0x52b: {  	[tilespmem:v22+s28+$0x0] =	vst.idx.msk $0xffff, v62;
	v30 =	vor.u32 s8, v0;
	v22 =	vor.u32 s9, v0;
	v0 =	vld [tilespmem:$0x1F5A0];
	_ =	sdelay $0x2  }
0x52c: {  	v42 =	vmov v35  }
0x52d: {  	[tilespmem:$0x1F870] =	vst v42;
	v6 =	vmovc v3;
	v3 =	vmov v36;
	v36 =	vor.u32 v19, v1;
	v42 =	vor.u32 v2, v1;
	v1 =	vld [tilespmem:$0x1F640]  }
0x52e: {  	v37 =	vor.u32 v30, v0;
	v55 =	vor.u32 v22, v0;
	v0 =	vld [tilespmem:$0x1FD40];
	_ =	sdelay $0x2  }
0x52f: {  	v7 =	vmov v54;
	v29 =	vld.idx.msk [tilespmem:v29+s19+$0x0], $0xffff;
	[tilespmem:v18+s28+$0x0] =	vst.idx.msk $0xffff, v41  }
0x530: {  	v4 =	vmovc v59;
	v59 =	vld.idx.msk [tilespmem:v61+s19+$0x0], $0xffff;
	v54 =	vor.u32 v19, v1;
	v61 =	vor.u32 v2, v1;
	v1 =	vmov v45  }
0x531: {  	[tilespmem:$0x1F640] =	vst v1;
	v1 =	vld [tilespmem:$0x1F630];
	v57 =	vor.u32 s15, v0;
	v0 =	vmov v58  }
0x532: {  	[tilespmem:$0x1F890] =	vst v0;
	v0 =	vld [tilespmem:$0x1F680]  }
0x533: {  	[tilespmem:v40+s28+$0x0] =	vst.idx.msk $0xffff, v26  }
0x534: {  	[tilespmem:v24+s28+$0x0] =	vst.idx.msk $0xffff, v60  }
0x535: {  	v24 =	vld.idx.msk [tilespmem:v23+s19+$0x0], $0xffff;
	v18 =	vor.u32 v19, v20;
	[tilespmem:v27+s28+$0x0] =	vst.idx.msk $0xffff, v63  }
0x536: {  	v28 =	vld.idx.msk [tilespmem:v34+s19+$0x0], $0xffff;
	[tilespmem:v55+s28+$0x0] =	vst.idx.msk $0xffff, v29;
	v41 =	vor.u32 v53, v57;
	v29 =	vor.u32 v2, v1  }
0x537: {  	v23 =	vor.u32 v2, v0;
	v27 =	vor.u32 v19, v0;
	v0 =	vmovc v47;
	v47 =	vor.u32 v19, v1;
	v1 =	vld [tilespmem:$0x1F5B0];
	_ =	sdelay $0x2  }
0x538: {  	[tilespmem:v37+s28+$0x0] =	vst.idx.msk $0xffff, v24  }
0x539: {  	v18 =	vld.idx.msk [tilespmem:v18+s19+$0x0], $0xffff  }
0x53a: {  	[tilespmem:v41+s28+$0x0] =	vst.idx.msk $0xffff, v28;
	v28 =	vor.u32 v30, v1;
	v22 =	vor.u32 v22, v1;
	v1 =	vld [tilespmem:$0x1FD50];
	_ =	sdelay $0x2  }
0x53b: {  	[tilespmem:$0x1F540] =	vst v6  }
0x53c: {  	v6 =	vor.u32 v19, v15;
	[tilespmem:$0x1F5A0] =	vst v0;
	v0 =	vld [tilespmem:$0x1FDA0]  }
0x53d: {  	v41 =	vor.u32 s15, v1;
	v1 =	vld [tilespmem:$0x1FEA0]  }
0x53e: {  	[tilespmem:$0x1F520] =	vst v3;
	v3 =	vld [tilespmem:$0x1F6A0];
	_ =	sdelay $0x1  }
0x53f: {  	v35 =	vld [tilespmem:$0x1F7D0];
	v26 =	vor.u32 s8, v51;
	[tilespmem:$0x1F4A0] =	vst v36;
	v36 =	vor.u32 v19, v33  }
0x540: {  	[tilespmem:$0x1F550] =	vst v7;
	v37 =	vor.u32 s9, v51;
	v49 =	vor.u32 v56, v57;
	v34 =	vld.idx.msk [tilespmem:v6+s19+$0x0], $0xffff;
	v24 =	vor.u32 s8, v0  }
0x541: {  	[tilespmem:v28+s28+$0x0] =	vst.idx.msk $0xffff, v18;
	v18 =	vor.u32 s9, v0;
	v0 =	vld [tilespmem:$0x1F5E0];
	v55 =	vor.u32 s8, v1;
	v51 =	vor.u32 s9, v1;
	v1 =	vmovc v44  }
0x542: {  	v40 =	vor.u32 v19, v3;
	v3 =	vor.u32 v2, v3;
	[tilespmem:$0x1F680] =	vst v1;
	v1 =	vld [tilespmem:$0x1F5F0]  }
0x543: {  	v63 =	vmov v46;
	[tilespmem:$0x1F480] =	vst v3;
	v45 =	vmov v48  }
0x544: {  	v3 =	vld [tilespmem:$0x1F600];
	[tilespmem:$0x1F660] =	vst v63  }
0x545: {  	v7 =	vor.u32 v19, v13;
	[tilespmem:$0x1F630] =	vst v45;
	v30 =	vld.idx.msk [tilespmem:v36+s19+$0x0], $0xffff  }
0x546: {  	v45 =	vmov v35;
	[tilespmem:v49+s28+$0x0] =	vst.idx.msk $0xffff, v59;
	v59 =	vor.u32 v51, v0;
	v63 =	vor.u32 v55, v0;
	v0 =	vld [tilespmem:$0x1F5C0]  }
0x547: {  	[tilespmem:$0x1F600] =	vst v45;
	v44 =	vor.u32 v51, v1;
	v45 =	vor.u32 v55, v1;
	v1 =	vld [tilespmem:$0x1F5D0];
	_ =	sdelay $0x2  }
0x548: {  	[tilespmem:$0x1F4C0] =	vst v40  }
0x549: {  	v40 =	vld.idx.msk [tilespmem:v7+s19+$0x0], $0xffff;
	[tilespmem:v22+s28+$0x0] =	vst.idx.msk $0xffff, v30  }
0x54a: {  	v30 =	vor.u32 v24, v0;
	v22 =	vor.u32 v18, v1;
	v18 =	vor.u32 v18, v0;
	v0 =	vld [tilespmem:$0x1FD60];
	_ =	sdelay $0x3  }
0x54b: {  	v60 =	vor.u32 v19, v3;
	v36 =	vor.u32 v2, v3;
	v3 =	vld [tilespmem:$0x1F610]  }
0x54c: {  	v46 =	vor.u32 s15, v0;
	v0 =	vld [tilespmem:$0x1FD70];
	_ =	sdelay $0x3  }
0x54d: {  	v33 =	vor.u32 v37, v3;
	v28 =	vld.idx.msk [tilespmem:v36+s19+$0x0], $0xffff;
	v36 =	vor.u32 v26, v3;
	v3 =	vmov v57  }
0x54e: {  	[tilespmem:$0x1F5E0] =	vst v3;
	v3 =	vld [tilespmem:$0x1F7E0];
	v35 =	vor.u32 s15, v0;
	v0 =	vmov v41  }
0x54f: {  	[tilespmem:$0x1F5F0] =	vst v0;
	v0 =	vld [tilespmem:$0x1FD80];
	_ =	sdelay $0x2  }
0x550: {  	v5 =	vmov v17  }
0x551: {  	[tilespmem:$0x1F560] =	vst v5;
	v5 =	vld [tilespmem:$0x1F710]  }
0x552: {  	v55 =	vor.u32 s15, v0;
	v0 =	vmov v3  }
0x553: {  	[tilespmem:$0x1F690] =	vst v0;
	v0 =	vld [tilespmem:$0x1FFD0]  }
0x554: {  	v53 =	vor.u32 v53, v41  }
0x555: {  	v48 =	vor.u32 v2, v9;
	v56 =	vor.u32 v56, v41  }
0x556: {  	v14 =	vld [tilespmem:$0x1FFC0];
	v49 =	vor.u32 v2, v5;
	_ =	sdelay $0x1  }
0x557: {  	v13 =	vor.u32 v19, v5;
	v5 =	vor.u32 s15, v0;
	v0 =	vld [tilespmem:$0x1F730]  }
0x558: {  	v29 =	vld.idx.msk [tilespmem:v29+s19+$0x0], $0xffff;
	[tilespmem:v53+s28+$0x0] =	vst.idx.msk $0xffff, v34  }
0x559: {  	[tilespmem:v56+s28+$0x0] =	vst.idx.msk $0xffff, v40;
	v34 =	vld.idx.msk [tilespmem:v48+s19+$0x0], $0xffff  }
0x55a: {  	[tilespmem:$0x1F4E0] =	vst v8;
	v40 =	vor.u32 s14, v14;
	v62 =	vld.idx.msk [tilespmem:v49+s19+$0x0], $0xffff  }
0x55b: {  	v17 =	vld [tilespmem:$0x1FF70];
	v56 =	vor.u32 v24, v1;
	v24 =	vor.u32 v38, v46;
	v1 =	vor.u32 v40, v46;
	v41 =	vmovc v46  }
0x55c: {  	[tilespmem:$0x1F610] =	vst v41;
	v3 =	vld [tilespmem:$0x1F740];
	v41 =	vor.u32 v19, v0;
	v7 =	vor.u32 v2, v0;
	v0 =	vmov v11  }
0x55d: {  	[tilespmem:$0x1F6D0] =	vst v0;
	v0 =	vld [tilespmem:$0x1FF00]  }
0x55e: {  	v12 =	vor.u32 v19, v9;
	s16 =	sadd.s32 $0x20, s16;
	v8 =	vld [tilespmem:$0x1FF20];
	[tilespmem:v30+s28+$0x0] =	vst.idx.msk $0xffff, v28  }
0x55f: {  	s7 =	sadd.s32 $0xFFFFFFF0, s16;
	v28 =	vld.idx.msk [tilespmem:v60+s19+$0x0], $0xffff;
	[tilespmem:v18+s28+$0x0] =	vst.idx.msk $0xffff, v29;
	v18 =	vmov s16  }
0x560: {  	v9 =	vld.idx.msk [tilespmem:v47+s19+$0x0], $0xffff;
	v29 =	vshll.u32 v18, $0x5;
	[tilespmem:v1+s28+$0x0] =	vst.idx.msk $0xffff, v62;
	v1 =	vmov s7  }
0x561: {  	[tilespmem:v24+s28+$0x0] =	vst.idx.msk $0xffff, v34;
	v24 =	vshll.u32 v1, $0x5;
	v60 =	vor.u32 v2, v3;
	v20 =	vor.u32 v19, v3;
	v3 =	vld [tilespmem:$0x1F810]  }
0x562: {  	v49 =	vor.u32 v0, v24;
	v51 =	vor.u32 v0, v29;
	v0 =	vld [tilespmem:$0x1F820]  }
0x563: {  	v34 =	vor.u32 v38, v35;
	v12 =	vld.idx.msk [tilespmem:v12+s19+$0x0], $0xffff  }
0x564: {  	v46 =	vld [tilespmem:$0x1F880]  }
0x565: {  	v13 =	vld.idx.msk [tilespmem:v13+s19+$0x0], $0xffff;
	[tilespmem:v56+s28+$0x0] =	vst.idx.msk $0xffff, v28  }
0x566: {  	v61 =	vld.idx.msk [tilespmem:v61+s19+$0x0], $0xffff;
	v10 =	vmov v3;
	v3 =	vmov v21;
	v21 =	vor.u32 v2, v49  }
0x567: {  	[tilespmem:v22+s28+$0x0] =	vst.idx.msk $0xffff, v9;
	v62 =	vmov v0;
	v0 =	vld [tilespmem:$0x1FFA0]  }
0x568: {  	v9 =	vld.idx.msk [tilespmem:v23+s19+$0x0], $0xffff;
	[tilespmem:v34+s28+$0x0] =	vst.idx.msk $0xffff, v12;
	v12 =	vmov v39  }
0x569: {  	[tilespmem:$0x1F5C0] =	vst v12;
	v12 =	vld [tilespmem:$0x1FF40]  }
0x56a: {  	v38 =	vor.u32 v40, v35;
	v7 =	vld.idx.msk [tilespmem:v7+s19+$0x0], $0xffff  }
0x56b: {  	s3 =	sadd.s32 $0x2, s3;
	[tilespmem:$0x1F5B0] =	vst v3;
	v3 =	vor.u32 v2, v51;
	v39 =	vld.idx.msk [tilespmem:v21+s19+$0x0], $0xffff  }
0x56c: {  	s5 =	sshll.u32 s3, $0x7;
	[tilespmem:$0x1F6A0] =	vst v10;
	v28 =	vor.u32 v0, v24;
	v10 =	vor.u32 v0, v29;
	v0 =	vld [tilespmem:$0x1FEF0]  }
0x56d: {  	s5 =	sand.u32 $0xFFFFFC00, s5;
	[tilespmem:v63+s28+$0x0] =	vst.idx.msk $0xffff, v61;
	v63 =	vld [tilespmem:$0x1FE40]  }
0x56e: {  	[tilespmem:$0x1F530] =	vst v4;
	v21 =	vor.u32 s5, v12;
	v12 =	vld [tilespmem:$0x1F830]  }
0x56f: {  	[tilespmem:v38+s28+$0x0] =	vst.idx.msk $0xffff, v13;
	v11 =	vld [tilespmem:$0x1FF60]  }
0x570: {  	[tilespmem:$0x1F4B0] =	vst v33;
	v15 =	vor.u32 v32, v24;
	v13 =	vor.u32 v32, v29;
	v32 =	vld.idx.msk [tilespmem:v3+s19+$0x0], $0xffff  }
0x571: {  	s17 =	sand.u32 $0x60, s7;
	v4 =	vor.u32 v46, v5;
	v22 =	vor.u32 v0, v24;
	v23 =	vor.u32 v0, v29;
	v0 =	vld.idx.msk [tilespmem:v60+s19+$0x0], $0xffff  }
0x572: {  	v33 =	vor.u32 s17, v8;
	s7 =	sand.u32 $0x70, s16;
	v60 =	vor.u32 v63, v24;
	[tilespmem:v59+s28+$0x0] =	vst.idx.msk $0xffff, v9;
	v9 =	vor.u32 v63, v29;
	v63 =	vld [tilespmem:$0x1FF50]  }
0x573: {  	v30 =	vmovc v31;
	v47 =	vor.u32 s17, v17;
	v8 =	vor.u32 s7, v8;
	v31 =	vor.u32 s7, v17;
	v17 =	vmovc v12;
	[tilespmem:$0x1F710] =	vst v9;
	v9 =	vld [tilespmem:$0x1FEB0]  }
0x574: {  	[tilespmem:$0x1F580] =	vst v17;
	v17 =	vor.u32 v8, v21;
	_ =	sdelay $0x1  }
0x575: {  	v6 =	vmovc v52;
	v48 =	vor.u32 v2, v52;
	v57 =	vor.u32 v43, v55;
	v43 =	vor.u32 v43, v5  }
0x576: {  	v52 =	vor.u32 v11, v29;
	v51 =	vor.u32 v19, v51;
	v27 =	vld.idx.msk [tilespmem:v27+s19+$0x0], $0xffff;
	[tilespmem:v4+s28+$0x0] =	vst.idx.msk $0xffff, v0  }
0x577: {  	v12 =	vmovc v50;
	v50 =	vor.u32 v33, v21;
	v4 =	vor.u32 s5, v63;
	v59 =	vor.u32 s7, v9;
	v0 =	vld.idx.msk [tilespmem:v20+s19+$0x0], $0xffff  }
0x578: {  	[tilespmem:v17+s28+$0x0] =	vst.idx.msk $0xffff, v32;
	v32 =	vor.u32 v33, v4;
	v33 =	vor.u32 v11, v24;
	v11 =	vmov v59  }
0x579: {  	[tilespmem:$0x1F880] =	vst v11;
	v11 =	vld [tilespmem:$0x1FD20]  }
0x57a: {  	v54 =	vld.idx.msk [tilespmem:v54+s19+$0x0], $0xffff  }
0x57b: {  	[tilespmem:v43+s28+$0x0] =	vst.idx.msk $0xffff, v7;
	v43 =	vld [tilespmem:$0x1FE30]  }
0x57c: {  	v41 =	vld.idx.msk [tilespmem:v41+s19+$0x0], $0xffff  }
0x57d: {  	[tilespmem:v50+s28+$0x0] =	vst.idx.msk $0xffff, v39;
	v51 =	vld.idx.msk [tilespmem:v51+s19+$0x0], $0xffff  }
0x57e: {  	[tilespmem:v44+s28+$0x0] =	vst.idx.msk $0xffff, v27;
	v50 =	vor.u32 v11, v24;
	v27 =	vor.u32 v11, v29;
	v11 =	vld [tilespmem:$0x1F480]  }
0x57f: {  	v49 =	vor.u32 v19, v49;
	_ =	sdelay $0x1  }
0x580: {  	v56 =	vld [tilespmem:$0x1FFB0]  }
0x581: {  	v38 =	vld [tilespmem:$0x1FE80];
	[tilespmem:$0x1F5D0] =	vst v12;
	v12 =	vor.u32 v43, v24  }
0x582: {  	[tilespmem:$0x1F730] =	vst v12;
	v12 =	vld [tilespmem:$0x1FEC0];
	v20 =	vor.u32 v46, v55  }
0x583: {  	v49 =	vld.idx.msk [tilespmem:v49+s19+$0x0], $0xffff;
	[tilespmem:v45+s28+$0x0] =	vst.idx.msk $0xffff, v54  }
0x584: {  	v59 =	vld.idx.msk [tilespmem:v42+s19+$0x0], $0xffff  }
0x585: {  	[tilespmem:v57+s28+$0x0] =	vst.idx.msk $0xffff, v41;
	v41 =	vld.idx.msk [tilespmem:v11+s19+$0x0], $0xffff  }
0x586: {  	[tilespmem:$0x1F490] =	vst v25;
	v11 =	vld [tilespmem:$0x1FEE0]  }
0x587: {  	v39 =	vor.u32 s17, v12;
	[tilespmem:v20+s28+$0x0] =	vst.idx.msk $0xffff, v0;
	v0 =	vor.u32 s14, v12;
	v12 =	vld [tilespmem:$0x1F490];
	_ =	sdelay $0x1  }
0x588: {  	v25 =	vmov v16;
	v16 =	vld [tilespmem:$0x1F760];
	v1 =	vor.u32 s17, v56;
	v53 =	vor.u32 s17, v38  }
0x589: {  	v3 =	vor.u32 s7, v56;
	v56 =	vor.u32 s7, v38;
	v38 =	vor.u32 s17, v14;
	v14 =	vld [tilespmem:$0x1FE20]  }
0x58a: {  	v46 =	vld [tilespmem:$0x1FFE0];
	v11 =	vor.u32 s15, v11  }
0x58b: {  	v20 =	vor.u32 v12, v11;
	[tilespmem:$0x1F6B0] =	vst v11;
	v44 =	vor.u32 v0, v11;
	v11 =	vld [tilespmem:$0x1FF80];
	_ =	sdelay $0x2  }
0x58c: {  	v58 =	vor.u32 v2, v16  }
0x58d: {  	v63 =	vor.u32 v14, v24;
	v8 =	vor.u32 v8, v4;
	v17 =	vor.u32 s7, v46  }
0x58e: {  	v54 =	vor.u32 v17, v4;
	v57 =	vor.u32 v17, v21;
	v17 =	vor.u32 s5, v11;
	v11 =	vmovc v63;
	v63 =	vld [tilespmem:$0x1F4B0]  }
0x58f: {  	v40 =	vlaneseq.u32  }
0x590: {  	v7 =	vor.u32 v43, v29;
	v43 =	vor.u32 s17, v9;
	v9 =	vor.u32 v40, v52  }
0x591: {  	[tilespmem:$0x1F740] =	vst v7;
	v45 =	vor.u32 v14, v29;
	v42 =	vld.idx.msk [tilespmem:v58+s19+$0x0], $0xffff  }
0x592: {  	v58 =	vor.u32 v19, v52;
	v52 =	vmov v45;
	v45 =	vld [tilespmem:$0x1F4A0];
	[tilespmem:v32+s28+$0x0] =	vst.idx.msk $0xffff, v49  }
0x593: {  	v7 =	vor.u32 v40, v33;
	v32 =	vld.idx.msk [tilespmem:v48+s19+$0x0], $0xffff;
	[tilespmem:v8+s28+$0x0] =	vst.idx.msk $0xffff, v51  }
0x594: {  	[tilespmem:$0x1F760] =	vst v11;
	v11 =	vld [tilespmem:$0x1FE10]  }
0x595: {  	v9 =	vld.idx.msk [tilespmem:v9+s19+$0x0], $0xffff  }
0x596: {  	[tilespmem:v63+s28+$0x0] =	vst.idx.msk $0xffff, v41;
	v41 =	vld [tilespmem:$0x1F4C0];
	_ =	sdelay $0x1  }
0x597: {  	v7 =	vld.idx.msk [tilespmem:v7+s19+$0x0], $0xffff  }
0x598: {  	[tilespmem:v36+s28+$0x0] =	vst.idx.msk $0xffff, v59;
	v59 =	vor.u32 v11, v24;
	v36 =	vor.u32 v11, v29;
	v11 =	vld [tilespmem:$0x1F620];
	_ =	sdelay $0x3  }
0x599: {  	v45 =	vld.idx.msk [tilespmem:v45+s19+$0x0], $0xffff  }
0x59a: {  	[tilespmem:v20+s28+$0x0] =	vst.idx.msk $0xffff, v42;
	v20 =	vor.u32 v26, v11;
	v26 =	vld.idx.msk [tilespmem:v41+s19+$0x0], $0xffff  }
0x59b: {  	v41 =	vor.u32 v37, v11;
	v11 =	vld [tilespmem:$0x1FE90];
	_ =	sdelay $0x4  }
0x59c: {  	v42 =	vor.u32 s15, v11;
	v11 =	vmov v35  }
0x59d: {  	[tilespmem:$0x1F620] =	vst v11;
	v11 =	vld [tilespmem:$0x1FF90];
	_ =	sdelay $0x2  }
0x59e: {  	v51 =	vor.u32 v19, v6;
	v49 =	vor.u32 v31, v17  }
0x59f: {  	s15 =	smov.u32 s5  }
0x5a0: {  	v37 =	vor.u32 s15, v11;
	v11 =	vld [tilespmem:$0x1FD30];
	_ =	sdelay $0x1  }
0x5a1: {  	[tilespmem:v44+s28+$0x0] =	vst.idx.msk $0xffff, v32  }
0x5a2: {  	v14 =	vld.idx.msk [tilespmem:v51+s19+$0x0], $0xffff;
	[tilespmem:v49+s28+$0x0] =	vst.idx.msk $0xffff, v9  }
0x5a3: {  	v49 =	vld.idx.msk [tilespmem:v58+s19+$0x0], $0xffff  }
0x5a4: {  	v35 =	vor.u32 v11, v24;
	v58 =	vor.u32 v11, v29;
	v11 =	vld [tilespmem:$0x1F4D0]  }
0x5a5: {  	v8 =	vor.u32 v19, v16;
	v48 =	vor.u32 v47, v17  }
0x5a6: {  	v33 =	vor.u32 v19, v33;
	_ =	sdelay $0x3  }
0x5a7: {  	v8 =	vld.idx.msk [tilespmem:v8+s19+$0x0], $0xffff;
	[tilespmem:v48+s28+$0x0] =	vst.idx.msk $0xffff, v7  }
0x5a8: {  	v33 =	vld.idx.msk [tilespmem:v33+s19+$0x0], $0xffff;
	[tilespmem:v20+s28+$0x0] =	vst.idx.msk $0xffff, v45  }
0x5a9: {  	v63 =	vld.idx.msk [tilespmem:v11+s19+$0x0], $0xffff  }
0x5aa: {  	v11 =	vld [tilespmem:$0x1F4E0];
	_ =	sdelay $0x1  }
0x5ab: {  	v6 =	vld [tilespmem:$0x1F790];
	_ =	sdelay $0x3  }
0x5ac: {  	v7 =	vor.u32 v12, v42  }
0x5ad: {  	v9 =	vor.u32 v40, v6;
	[tilespmem:v41+s28+$0x0] =	vst.idx.msk $0xffff, v26;
	v44 =	vor.u32 v47, v37  }
0x5ae: {  	v0 =	vor.u32 v0, v42;
	v47 =	vor.u32 v40, v28;
	v26 =	vld.idx.msk [tilespmem:v11+s19+$0x0], $0xffff  }
0x5af: {  	v11 =	vld [tilespmem:$0x1FF30];
	_ =	sdelay $0x1  }
0x5b0: {  	[tilespmem:v7+s28+$0x0] =	vst.idx.msk $0xffff, v8;
	v8 =	vld [tilespmem:$0x1F650]  }
0x5b1: {  	v9 =	vld.idx.msk [tilespmem:v9+s19+$0x0], $0xffff;
	[tilespmem:v44+s28+$0x0] =	vst.idx.msk $0xffff, v33  }
0x5b2: {  	[tilespmem:v0+s28+$0x0] =	vst.idx.msk $0xffff, v14;
	v0 =	vmov v5;
	v5 =	vld.idx.msk [tilespmem:v47+s19+$0x0], $0xffff  }
0x5b3: {  	[tilespmem:$0x1F650] =	vst v0;
	v0 =	vld [tilespmem:$0x1F7C0];
	v47 =	vor.u32 s15, v11;
	v11 =	vmov v21  }
0x5b4: {  	[tilespmem:$0x1F7C0] =	vst v11;
	v11 =	vld [tilespmem:$0x1FDF0]  }
0x5b5: {  	v12 =	vld [tilespmem:$0x1FD10];
	_ =	sdelay $0x3  }
0x5b6: {  	v45 =	vor.u32 v11, v24;
	v44 =	vor.u32 v11, v29;
	v11 =	vld [tilespmem:$0x1F4F0]  }
0x5b7: {  	[tilespmem:$0x1F6E0] =	vst v42;
	v42 =	vor.u32 s8, v12  }
0x5b8: {  	v20 =	vor.u32 s9, v12;
	v12 =	vld [tilespmem:$0x1FE00];
	v7 =	vor.u32 v42, v8;
	_ =	sdelay $0x4  }
0x5b9: {  	v16 =	vor.u32 v12, v24;
	[tilespmem:v7+s28+$0x0] =	vst.idx.msk $0xffff, v63  }
0x5ba: {  	v32 =	vor.u32 v40, v25;
	[tilespmem:$0x1F7D0] =	vst v16;
	v16 =	vor.u32 v19, v25;
	v25 =	vmov v39;
	v39 =	vld.idx.msk [tilespmem:v11+s19+$0x0], $0xffff  }
0x5bb: {  	v31 =	vor.u32 v31, v37;
	v11 =	vld [tilespmem:$0x1F500]  }
0x5bc: {  	v51 =	vor.u32 v40, v10;
	v41 =	vor.u32 v20, v8;
	v8 =	vor.u32 s13, v46  }
0x5bd: {  	v0 =	vor.u32 v8, v0;
	_ =	sdelay $0x2  }
0x5be: {  	v32 =	vld.idx.msk [tilespmem:v32+s19+$0x0], $0xffff;
	[tilespmem:v31+s28+$0x0] =	vst.idx.msk $0xffff, v49  }
0x5bf: {  	v49 =	vld.idx.msk [tilespmem:v51+s19+$0x0], $0xffff;
	[tilespmem:v41+s28+$0x0] =	vst.idx.msk $0xffff, v26  }
0x5c0: {  	[tilespmem:v0+s28+$0x0] =	vst.idx.msk $0xffff, v9;
	v0 =	vld [tilespmem:$0x1F670]  }
0x5c1: {  	v26 =	vld.idx.msk [tilespmem:v11+s19+$0x0], $0xffff  }
0x5c2: {  	v11 =	vld [tilespmem:$0x1FDD0]  }
0x5c3: {  	v63 =	vld [tilespmem:$0x1FDE0];
	_ =	sdelay $0x3  }
0x5c4: {  	v9 =	vor.u32 v42, v0;
	v20 =	vor.u32 v20, v0;
	v0 =	vor.u32 v11, v24  }
0x5c5: {  	[tilespmem:$0x1F7E0] =	vst v0;
	v0 =	vor.u32 v63, v29  }
0x5c6: {  	[tilespmem:$0x1F810] =	vst v0;
	v0 =	vld [tilespmem:$0x1F510];
	_ =	sdelay $0x6  }
0x5c7: {  	v33 =	vor.u32 v19, v6  }
0x5c8: {  	v21 =	vor.u32 v1, v47;
	[tilespmem:v0+s28+$0x0] =	vst.idx.msk $0xffff, v32;
	v0 =	vld [tilespmem:$0x1F7B0];
	_ =	sdelay $0x3  }
0x5c9: {  	v33 =	vld.idx.msk [tilespmem:v33+s19+$0x0], $0xffff  }
0x5ca: {  	[tilespmem:v21+s28+$0x0] =	vst.idx.msk $0xffff, v5;
	v5 =	vor.u32 v8, v0;
	v0 =	vld [tilespmem:$0x1FF10];
	_ =	sdelay $0x3  }
0x5cb: {  	v6 =	vor.u32 v19, v28  }
0x5cc: {  	v21 =	vor.u32 s15, v0;
	v0 =	vld [tilespmem:$0x1FBE0];
	_ =	sdelay $0x3  }
0x5cd: {  	v32 =	vld.idx.msk [tilespmem:v6+s19+$0x0], $0xffff  }
0x5ce: {  	[tilespmem:v9+s28+$0x0] =	vst.idx.msk $0xffff, v39;
	v42 =	vor.u32 s8, v0;
	v9 =	vor.u32 s9, v0;
	v0 =	vld [tilespmem:$0x1FFF0];
	_ =	sdelay $0x4  }
0x5cf: {  	v31 =	vor.u32 v0, v24;
	v0 =	vor.u32 v0, v29  }
0x5d0: {  	[tilespmem:$0x1F820] =	vst v0;
	v0 =	vld [tilespmem:$0x1F860];
	_ =	sdelay $0x7  }
0x5d1: {  	v46 =	vor.u32 v63, v24;
	v24 =	vld.idx.msk [tilespmem:v0+s19+$0x0], $0xffff  }
0x5d2: {  	v0 =	vld [tilespmem:$0x1F840]  }
0x5d3: {  	v51 =	vor.u32 v3, v47  }
0x5d4: {  	v10 =	vor.u32 v19, v10  }
0x5d5: {  	v7 =	vld [tilespmem:$0x1F520]  }
0x5d6: {  	v6 =	vld [tilespmem:$0x1F530]  }
0x5d7: {  	v39 =	vld [tilespmem:$0x1F550]  }
0x5d8: {  	v8 =	vld.idx.msk [tilespmem:v16+s19+$0x0], $0xffff;
	[tilespmem:v51+s28+$0x0] =	vst.idx.msk $0xffff, v49  }
0x5d9: {  	v10 =	vld.idx.msk [tilespmem:v10+s19+$0x0], $0xffff;
	[tilespmem:v20+s28+$0x0] =	vst.idx.msk $0xffff, v26  }
0x5da: {  	v20 =	vld.idx.msk [tilespmem:v0+s19+$0x0], $0xffff  }
0x5db: {  	v0 =	vld [tilespmem:$0x1FED0];
	_ =	sdelay $0x1  }
0x5dc: {  	v34 =	vor.u32 v40, v15  }
0x5dd: {  	v61 =	vor.u32 v40, v13;
	v48 =	vor.u32 v12, v29;
	v12 =	vld [tilespmem:$0x1F540];
	v16 =	vor.u32 v40, v7  }
0x5de: {  	v63 =	vor.u32 v40, v6;
	v49 =	vor.u32 v40, v22;
	v51 =	vor.u32 v40, v23;
	s8 =	smov.u32 s13;
	s9 =	smov.u32 s14  }
0x5df: {  	v40 =	vmovc v50;
	v1 =	vor.u32 v1, v21;
	[tilespmem:v39+s28+$0x0] =	vst.idx.msk $0xffff, v8;
	v41 =	vor.u32 s8, v0;
	v8 =	vor.u32 s9, v0;
	v0 =	vld [tilespmem:$0x1F560]  }
0x5e0: {  	[tilespmem:$0x1F790] =	vst v40;
	v40 =	vld [tilespmem:$0x1F850];
	_ =	sdelay $0x1  }
0x5e1: {  	v2 =	vld [tilespmem:$0x1FE70];
	[tilespmem:v5+s28+$0x0] =	vst.idx.msk $0xffff, v33;
	v5 =	vor.u32 v42, v12  }
0x5e2: {  	v11 =	vor.u32 v11, v29;
	v33 =	vld.idx.msk [tilespmem:v63+s19+$0x0], $0xffff  }
0x5e3: {  	[tilespmem:v1+s28+$0x0] =	vst.idx.msk $0xffff, v32;
	v1 =	vor.u32 v41, v0;
	v32 =	vor.u32 v8, v0;
	v0 =	vld [tilespmem:$0x1FE60]  }
0x5e4: {  	v3 =	vor.u32 v3, v21;
	v29 =	vor.u32 v9, v12;
	v12 =	vmovc v55;
	v55 =	vor.u32 v19, v62  }
0x5e5: {  	[tilespmem:$0x1F830] =	vst v55;
	v55 =	vld [tilespmem:$0x1F580]  }
0x5e6: {  	v49 =	vld.idx.msk [tilespmem:v49+s19+$0x0], $0xffff;
	[tilespmem:v5+s28+$0x0] =	vst.idx.msk $0xffff, v24  }
0x5e7: {  	v26 =	vld.idx.msk [tilespmem:v40+s19+$0x0], $0xffff  }
0x5e8: {  	v18 =	vor.u32 s17, v2;
	v63 =	vor.u32 v19, v6;
	v39 =	vor.u32 s15, v0;
	[tilespmem:v1+s28+$0x0] =	vst.idx.msk $0xffff, v33;
	v1 =	vld [tilespmem:$0x1F570]  }
0x5e9: {  	v16 =	vld.idx.msk [tilespmem:v16+s19+$0x0], $0xffff;
	[tilespmem:v3+s28+$0x0] =	vst.idx.msk $0xffff, v10;
	v10 =	vor.u32 v19, v7;
	v7 =	vor.u32 v18, v39  }
0x5ea: {  	v51 =	vld.idx.msk [tilespmem:v51+s19+$0x0], $0xffff  }
0x5eb: {  	s14 =	smov.u32 s7;
	[tilespmem:v29+s28+$0x0] =	vst.idx.msk $0xffff, v20;
	v20 =	vld [tilespmem:$0x1F870]  }
0x5ec: {  	v3 =	vor.u32 s14, v2;
	v0 =	vmov v4;
	v4 =	vor.u32 v19, v22;
	v33 =	vld [tilespmem:$0x1F890]  }
0x5ed: {  	v2 =	vlaneseq.u32;
	[tilespmem:$0x1F7B0] =	vst v0;
	v40 =	vor.u32 v42, v1;
	v42 =	vor.u32 v9, v1;
	v9 =	vmovc v60;
	v60 =	vld.idx.msk [tilespmem:v63+s19+$0x0], $0xffff  }
0x5ee: {  	v6 =	vor.u32 v3, v39;
	v1 =	vor.u32 v2, v62;
	[tilespmem:v7+s28+$0x0] =	vst.idx.msk $0xffff, v49;
	v49 =	vld [tilespmem:$0x1FE50]  }
0x5ef: {  	v50 =	vor.u32 v19, v30;
	v0 =	vor.u32 v19, v23;
	[tilespmem:$0x1F840] =	vst v1;
	v1 =	vld [tilespmem:$0x1F590]  }
0x5f0: {  	p0 =	slt.u32 s3, $0x1E;
	[tilespmem:$0x1F850] =	vst v50;
	v55 =	vld.idx.msk [tilespmem:v55+s19+$0x0], $0xffff  }
.Ltmp1:
0x5f1: {  	[tilespmem:v32+s28+$0x0] =	vst.idx.msk $0xffff, v16;
	v32 =	vld [tilespmem:$0x1FDC0];
	(pc) =	sbr.rel @p0 .LBB2_5-.Ltmp1, $4  }
0x5f2: {  	[tilespmem:$0x1F670] =	vst v12;
	v62 =	vld.idx.msk [tilespmem:v10+s19+$0x0], $0xffff  }
0x5f3: {  	v23 =	vor.u32 v2, v20;
	v29 =	vor.u32 v2, v33;
	[tilespmem:v6+s28+$0x0] =	vst.idx.msk $0xffff, v51;
	v63 =	vld.idx.msk [tilespmem:v4+s19+$0x0], $0xffff  }
0x5f4: {  	v16 =	vmovc v27;
	v24 =	vor.u32 v41, v1;
	v50 =	vor.u32 s15, v49;
	v41 =	vld.idx.msk [tilespmem:v0+s19+$0x0], $0xffff;
	v0 =	vor.u32 v2, v30  }
0x5f5: {  	s13 =	smov.u32 s17;
	v51 =	vld [tilespmem:$0x1FDB0];
	v22 =	vor.u32 v8, v1;
	v27 =	vor.u32 v18, v50;
	v18 =	vor.u32 v3, v50;
	[tilespmem:$0x1F860] =	vst v0  }
0x5f6: {  	_ =	sdelay $0x3  }
0x5f7: {  	[tilespmem:v27+s28+$0x0] =	vst.idx.msk $0xffff, v63  }
0x5f8: {  	v0 =	vld [tilespmem:$0x1FD40];
	_ =	sdelay $0x4  }
0x5f9: {  	v27 =	vor.u32 s15, v0  }
0x5fa: {  	v0 =	vld.idx.msk [tilespmem:v34+s19+$0x0], $0xffff;
	v1 =	vor.u32 v53, v27;
	_ =	sdelay $0x3  }
0x5fb: {  	[tilespmem:v18+s28+$0x0] =	vst.idx.msk $0xffff, v41  }
0x5fc: {  	[tilespmem:v1+s28+$0x0] =	vst.idx.msk $0xffff, v0  }
0x5fd: {  	v0 =	vld [tilespmem:$0x1FD50]  }
0x5fe: {  	v3 =	vor.u32 v19, v15;
	_ =	sdelay $0x3  }
0x5ff: {  	v4 =	vld.idx.msk [tilespmem:v61+s19+$0x0], $0xffff;
	v5 =	vor.u32 v56, v27;
	v1 =	vor.u32 s15, v0  }
0x600: {  	v0 =	vld.idx.msk [tilespmem:v3+s19+$0x0], $0xffff;
	v3 =	vor.u32 v53, v1;
	_ =	sdelay $0x3  }
0x601: {  	[tilespmem:v5+s28+$0x0] =	vst.idx.msk $0xffff, v4  }
0x602: {  	v6 =	vor.u32 v19, v13;
	v8 =	vld [tilespmem:$0x1F710];
	[tilespmem:v3+s28+$0x0] =	vst.idx.msk $0xffff, v0  }
0x603: {  	v0 =	vld [tilespmem:$0x1FD60]  }
0x604: {  	v7 =	vor.u32 v2, v9;
	_ =	sdelay $0x2  }
0x605: {  	v4 =	vld.idx.msk [tilespmem:v6+s19+$0x0], $0xffff;
	v15 =	vor.u32 v56, v1  }
0x606: {  	v18 =	vor.u32 s15, v0  }
0x607: {  	v0 =	vld.idx.msk [tilespmem:v7+s19+$0x0], $0xffff;
	v3 =	vor.u32 v38, v18;
	_ =	sdelay $0x2  }
0x608: {  	[tilespmem:v15+s28+$0x0] =	vst.idx.msk $0xffff, v4  }
0x609: {  	v61 =	vld [tilespmem:$0x1FFC0]  }
0x60a: {  	v34 =	vor.u32 v2, v8;
	[tilespmem:v3+s28+$0x0] =	vst.idx.msk $0xffff, v0  }
0x60b: {  	v0 =	vld [tilespmem:$0x1FD70]  }
0x60c: {  	v41 =	vor.u32 v19, v9;
	_ =	sdelay $0x1  }
0x60d: {  	v53 =	vor.u32 s14, v61  }
0x60e: {  	v5 =	vld.idx.msk [tilespmem:v34+s19+$0x0], $0xffff;
	v56 =	vor.u32 v53, v18  }
0x60f: {  	v8 =	vor.u32 v19, v8;
	v13 =	vor.u32 s15, v0  }
0x610: {  	v0 =	vld.idx.msk [tilespmem:v41+s19+$0x0], $0xffff;
	v3 =	vor.u32 v38, v13;
	_ =	sdelay $0x1  }
0x611: {  	v9 =	vld [tilespmem:$0x1F730]  }
0x612: {  	[tilespmem:v56+s28+$0x0] =	vst.idx.msk $0xffff, v5  }
0x613: {  	v5 =	vld.idx.msk [tilespmem:v8+s19+$0x0], $0xffff  }
0x614: {  	v8 =	vld [tilespmem:$0x1F740];
	[tilespmem:v3+s28+$0x0] =	vst.idx.msk $0xffff, v0  }
0x615: {  	v38 =	vld [tilespmem:$0x1FFD0]  }
0x616: {  	v63 =	vor.u32 v2, v9;
	_ =	sdelay $0x3  }
0x617: {  	v4 =	vor.u32 v53, v13;
	v12 =	vor.u32 s15, v38  }
0x618: {  	v0 =	vld.idx.msk [tilespmem:v63+s19+$0x0], $0xffff;
	v3 =	vor.u32 v43, v12;
	_ =	sdelay $0x3  }
0x619: {  	[tilespmem:v4+s28+$0x0] =	vst.idx.msk $0xffff, v5  }
0x61a: {  	v14 =	vld [tilespmem:$0x1F880];
	[tilespmem:v3+s28+$0x0] =	vst.idx.msk $0xffff, v0  }
0x61b: {  	v34 =	vor.u32 v2, v8;
	v0 =	vld [tilespmem:$0x1FD80]  }
0x61c: {  	v41 =	vor.u32 v19, v9;
	_ =	sdelay $0x3  }
0x61d: {  	v4 =	vld.idx.msk [tilespmem:v34+s19+$0x0], $0xffff;
	v53 =	vor.u32 v14, v12;
	v9 =	vor.u32 s15, v0  }
0x61e: {  	v3 =	vld.idx.msk [tilespmem:v41+s19+$0x0], $0xffff;
	v0 =	vor.u32 v43, v9;
	_ =	sdelay $0x1  }
0x61f: {  	v10 =	vld [tilespmem:$0x1F760];
	_ =	sdelay $0x1  }
0x620: {  	[tilespmem:v53+s28+$0x0] =	vst.idx.msk $0xffff, v4  }
0x621: {  	[tilespmem:v0+s28+$0x0] =	vst.idx.msk $0xffff, v3  }
0x622: {  	v56 =	vor.u32 v19, v8;
	v53 =	vld [tilespmem:$0x1FEE0]  }
0x623: {  	v63 =	vor.u32 v2, v10;
	_ =	sdelay $0x3  }
0x624: {  	v5 =	vld.idx.msk [tilespmem:v56+s19+$0x0], $0xffff;
	v14 =	vor.u32 v14, v9;
	v4 =	vor.u32 s15, v53  }
0x625: {  	v0 =	vld.idx.msk [tilespmem:v63+s19+$0x0], $0xffff;
	v3 =	vor.u32 v25, v4;
	_ =	sdelay $0x3  }
0x626: {  	[tilespmem:v14+s28+$0x0] =	vst.idx.msk $0xffff, v5  }
0x627: {  	v43 =	vld [tilespmem:$0x1FEC0];
	[tilespmem:v3+s28+$0x0] =	vst.idx.msk $0xffff, v0  }
0x628: {  	v8 =	vor.u32 v2, v52;
	v30 =	vld [tilespmem:$0x1FE90]  }
0x629: {  	v15 =	vor.u32 v19, v10;
	_ =	sdelay $0x2  }
0x62a: {  	v34 =	vor.u32 s14, v43  }
0x62b: {  	v6 =	vld.idx.msk [tilespmem:v8+s19+$0x0], $0xffff;
	v8 =	vor.u32 v34, v4;
	v3 =	vor.u32 s15, v30  }
0x62c: {  	v10 =	vor.u32 v19, v52;
	v0 =	vld.idx.msk [tilespmem:v15+s19+$0x0], $0xffff;
	v41 =	vor.u32 v25, v3;
	_ =	sdelay $0x1  }
0x62d: {  	v56 =	vld [tilespmem:$0x1F790];
	_ =	sdelay $0x1  }
0x62e: {  	[tilespmem:v8+s28+$0x0] =	vst.idx.msk $0xffff, v6  }
0x62f: {  	v6 =	vld.idx.msk [tilespmem:v10+s19+$0x0], $0xffff;
	[tilespmem:v41+s28+$0x0] =	vst.idx.msk $0xffff, v0  }
0x630: {  	v63 =	vld [tilespmem:$0x1FFE0]  }
0x631: {  	v52 =	vmov v11;
	v11 =	vor.u32 v2, v56;
	v10 =	vld [tilespmem:$0x1F7C0];
	_ =	sdelay $0x3  }
0x632: {  	v5 =	vor.u32 v34, v3;
	v0 =	vor.u32 s13, v63  }
0x633: {  	v7 =	vld.idx.msk [tilespmem:v11+s19+$0x0], $0xffff;
	v10 =	vor.u32 v0, v10;
	_ =	sdelay $0x3  }
0x634: {  	[tilespmem:v5+s28+$0x0] =	vst.idx.msk $0xffff, v6  }
0x635: {  	v8 =	vor.u32 v2, v16;
	[tilespmem:v10+s28+$0x0] =	vst.idx.msk $0xffff, v7  }
0x636: {  	v11 =	vor.u32 v19, v56;
	v7 =	vld [tilespmem:$0x1F7B0];
	_ =	sdelay $0x3  }
0x637: {  	v5 =	vld.idx.msk [tilespmem:v8+s19+$0x0], $0xffff  }
0x638: {  	v15 =	vld.idx.msk [tilespmem:v11+s19+$0x0], $0xffff;
	v0 =	vor.u32 v0, v7;
	_ =	sdelay $0x3  }
0x639: {  	[tilespmem:v57+s28+$0x0] =	vst.idx.msk $0xffff, v5  }
0x63a: {  	[tilespmem:v0+s28+$0x0] =	vst.idx.msk $0xffff, v15  }
0x63b: {  	v14 =	vor.u32 v19, v16;
	v41 =	vld [tilespmem:$0x1FED0]  }
0x63c: {  	v8 =	vor.u32 v2, v59;
	_ =	sdelay $0x3  }
0x63d: {  	v5 =	vld.idx.msk [tilespmem:v14+s19+$0x0], $0xffff;
	v0 =	vor.u32 s13, v41  }
0x63e: {  	v34 =	vor.u32 v2, v36;
	v7 =	vld.idx.msk [tilespmem:v8+s19+$0x0], $0xffff;
	v8 =	vor.u32 v0, v17  }
0x63f: {  	v10 =	vor.u32 v19, v59;
	_ =	sdelay $0x2  }
0x640: {  	[tilespmem:v54+s28+$0x0] =	vst.idx.msk $0xffff, v5;
	v41 =	vor.u32 s14, v41  }
0x641: {  	v6 =	vld.idx.msk [tilespmem:v34+s19+$0x0], $0xffff;
	v11 =	vor.u32 v41, v17;
	[tilespmem:v8+s28+$0x0] =	vst.idx.msk $0xffff, v7  }
0x642: {  	v0 =	vor.u32 v0, v37;
	v7 =	vld.idx.msk [tilespmem:v10+s19+$0x0], $0xffff;
	_ =	sdelay $0x1  }
0x643: {  	[tilespmem:v24+s28+$0x0] =	vst.idx.msk $0xffff, v60  }
0x644: {  	[tilespmem:v22+s28+$0x0] =	vst.idx.msk $0xffff, v62  }
0x645: {  	[tilespmem:v11+s28+$0x0] =	vst.idx.msk $0xffff, v6  }
0x646: {  	v54 =	vor.u32 v19, v36;
	v28 =	vld [tilespmem:$0x1FD90];
	[tilespmem:v0+s28+$0x0] =	vst.idx.msk $0xffff, v7  }
0x647: {  	v16 =	vld [tilespmem:$0x1F5A0];
	_ =	sdelay $0x3  }
0x648: {  	v5 =	vor.u32 v41, v37;
	v8 =	vld.idx.msk [tilespmem:v54+s19+$0x0], $0xffff;
	v10 =	vor.u32 s8, v28  }
0x649: {  	v0 =	vld.idx.msk [tilespmem:v23+s19+$0x0], $0xffff;
	v57 =	vor.u32 s9, v28;
	v59 =	vor.u32 v10, v16  }
0x64a: {  	v60 =	vld.idx.msk [tilespmem:v29+s19+$0x0], $0xffff;
	v16 =	vor.u32 v57, v16;
	_ =	sdelay $0x1  }
0x64b: {  	v56 =	vor.u32 v2, v35  }
0x64c: {  	[tilespmem:v5+s28+$0x0] =	vst.idx.msk $0xffff, v8  }
0x64d: {  	[tilespmem:v59+s28+$0x0] =	vst.idx.msk $0xffff, v0  }
0x64e: {  	v11 =	vor.u32 v2, v58;
	[tilespmem:v16+s28+$0x0] =	vst.idx.msk $0xffff, v60  }
0x64f: {  	v20 =	vor.u32 v19, v20;
	v22 =	vor.u32 s13, v28;
	v15 =	vld [tilespmem:$0x1F5B0]  }
0x650: {  	v23 =	vor.u32 v19, v33;
	v6 =	vld.idx.msk [tilespmem:v56+s19+$0x0], $0xffff;
	v24 =	vor.u32 v22, v47;
	_ =	sdelay $0x1  }
0x651: {  	v8 =	vor.u32 s14, v28  }
0x652: {  	v11 =	vld.idx.msk [tilespmem:v11+s19+$0x0], $0xffff;
	v25 =	vor.u32 v8, v47  }
0x653: {  	v14 =	vld.idx.msk [tilespmem:v20+s19+$0x0], $0xffff;
	v10 =	vor.u32 v10, v15  }
0x654: {  	v33 =	vld.idx.msk [tilespmem:v23+s19+$0x0], $0xffff;
	[tilespmem:v24+s28+$0x0] =	vst.idx.msk $0xffff, v6;
	v7 =	vor.u32 v57, v15  }
0x655: {  	v23 =	vld [tilespmem:$0x1F600]  }
0x656: {  	v28 =	vld [tilespmem:$0x1F630]  }
0x657: {  	[tilespmem:v25+s28+$0x0] =	vst.idx.msk $0xffff, v11  }
0x658: {  	v62 =	vor.u32 v19, v35;
	v17 =	vld [tilespmem:$0x1F7D0];
	[tilespmem:v10+s28+$0x0] =	vst.idx.msk $0xffff, v14  }
0x659: {  	v0 =	vor.u32 v19, v58;
	v24 =	vld [tilespmem:$0x1FDA0];
	[tilespmem:v7+s28+$0x0] =	vst.idx.msk $0xffff, v33  }
0x65a: {  	v20 =	vor.u32 v22, v21;
	v34 =	vor.u32 v2, v23;
	v22 =	vld [tilespmem:$0x1F5C0]  }
0x65b: {  	v16 =	vor.u32 v2, v28;
	_ =	sdelay $0x1  }
0x65c: {  	v5 =	vld.idx.msk [tilespmem:v62+s19+$0x0], $0xffff  }
0x65d: {  	v8 =	vor.u32 v8, v21;
	v0 =	vld.idx.msk [tilespmem:v0+s19+$0x0], $0xffff;
	v10 =	vor.u32 s8, v24  }
0x65e: {  	v6 =	vld.idx.msk [tilespmem:v34+s19+$0x0], $0xffff;
	v36 =	vor.u32 s9, v24;
	v37 =	vor.u32 v10, v22  }
0x65f: {  	v16 =	vld.idx.msk [tilespmem:v16+s19+$0x0], $0xffff;
	v22 =	vor.u32 v36, v22;
	_ =	sdelay $0x1  }
0x660: {  	v11 =	vor.u32 v2, v17;
	[tilespmem:v20+s28+$0x0] =	vst.idx.msk $0xffff, v5  }
0x661: {  	[tilespmem:v8+s28+$0x0] =	vst.idx.msk $0xffff, v0  }
0x662: {  	[tilespmem:v37+s28+$0x0] =	vst.idx.msk $0xffff, v6  }
0x663: {  	v21 =	vor.u32 v2, v48;
	[tilespmem:v22+s28+$0x0] =	vst.idx.msk $0xffff, v16  }
0x664: {  	v35 =	vor.u32 v19, v23;
	v41 =	vor.u32 s13, v24;
	v15 =	vld [tilespmem:$0x1F5D0]  }
0x665: {  	v20 =	vor.u32 v19, v28;
	v11 =	vld.idx.msk [tilespmem:v11+s19+$0x0], $0xffff;
	v23 =	vor.u32 v41, v39;
	_ =	sdelay $0x1  }
0x666: {  	v8 =	vor.u32 s14, v24  }
0x667: {  	v21 =	vld.idx.msk [tilespmem:v21+s19+$0x0], $0xffff;
	v24 =	vor.u32 v8, v39  }
0x668: {  	v14 =	vld.idx.msk [tilespmem:v35+s19+$0x0], $0xffff;
	v10 =	vor.u32 v10, v15  }
0x669: {  	v47 =	vor.u32 v19, v48;
	[tilespmem:v23+s28+$0x0] =	vst.idx.msk $0xffff, v11;
	v48 =	vld.idx.msk [tilespmem:v20+s19+$0x0], $0xffff;
	v7 =	vor.u32 v36, v15  }
0x66a: {  	v22 =	vld [tilespmem:$0x1F640]  }
0x66b: {  	v23 =	vld [tilespmem:$0x1F680]  }
0x66c: {  	[tilespmem:v24+s28+$0x0] =	vst.idx.msk $0xffff, v21  }
0x66d: {  	v0 =	vor.u32 v19, v17;
	[tilespmem:v10+s28+$0x0] =	vst.idx.msk $0xffff, v14  }
0x66e: {  	v25 =	vld [tilespmem:$0x1FEA0];
	[tilespmem:v7+s28+$0x0] =	vst.idx.msk $0xffff, v48  }
0x66f: {  	v11 =	vor.u32 v2, v22;
	v21 =	vor.u32 v19, v22;
	v22 =	vld [tilespmem:$0x1F5E0]  }
0x670: {  	v16 =	vor.u32 v2, v23;
	_ =	sdelay $0x1  }
0x671: {  	v5 =	vor.u32 v41, v50;
	v0 =	vld.idx.msk [tilespmem:v0+s19+$0x0], $0xffff  }
0x672: {  	v8 =	vor.u32 v8, v50;
	v6 =	vld.idx.msk [tilespmem:v47+s19+$0x0], $0xffff;
	v10 =	vor.u32 s8, v25  }
0x673: {  	v11 =	vld.idx.msk [tilespmem:v11+s19+$0x0], $0xffff;
	v56 =	vor.u32 s9, v25;
	v57 =	vor.u32 v10, v22  }
0x674: {  	v16 =	vld.idx.msk [tilespmem:v16+s19+$0x0], $0xffff;
	v22 =	vor.u32 v56, v22;
	_ =	sdelay $0x1  }
0x675: {  	v20 =	vor.u32 v2, v45;
	[tilespmem:v5+s28+$0x0] =	vst.idx.msk $0xffff, v0  }
0x676: {  	[tilespmem:v8+s28+$0x0] =	vst.idx.msk $0xffff, v6  }
0x677: {  	v54 =	vor.u32 v2, v44;
	[tilespmem:v57+s28+$0x0] =	vst.idx.msk $0xffff, v11  }
0x678: {  	[tilespmem:v22+s28+$0x0] =	vst.idx.msk $0xffff, v16  }
0x679: {  	v0 =	vor.u32 s13, v25;
	v16 =	vld [tilespmem:$0x1F5F0]  }
0x67a: {  	v58 =	vor.u32 v19, v23;
	v20 =	vld.idx.msk [tilespmem:v20+s19+$0x0], $0xffff;
	v23 =	vor.u32 v0, v27  }
0x67b: {  	v59 =	vor.u32 v19, v45;
	v8 =	vor.u32 s14, v25  }
0x67c: {  	v14 =	vld.idx.msk [tilespmem:v54+s19+$0x0], $0xffff;
	v24 =	vor.u32 v8, v27;
	_ =	sdelay $0x1  }
0x67d: {  	v15 =	vld.idx.msk [tilespmem:v21+s19+$0x0], $0xffff;
	v10 =	vor.u32 v10, v16  }
0x67e: {  	[tilespmem:v23+s28+$0x0] =	vst.idx.msk $0xffff, v20;
	v5 =	vld.idx.msk [tilespmem:v58+s19+$0x0], $0xffff;
	v7 =	vor.u32 v56, v16  }
0x67f: {  	v0 =	vor.u32 v0, v1;
	v6 =	vld.idx.msk [tilespmem:v59+s19+$0x0], $0xffff  }
0x680: {  	v20 =	vld [tilespmem:$0x1F660];
	[tilespmem:v24+s28+$0x0] =	vst.idx.msk $0xffff, v14  }
0x681: {  	v21 =	vld [tilespmem:$0x1F6A0]  }
0x682: {  	[tilespmem:v10+s28+$0x0] =	vst.idx.msk $0xffff, v15  }
0x683: {  	v23 =	vld [tilespmem:$0x1F810];
	[tilespmem:v7+s28+$0x0] =	vst.idx.msk $0xffff, v5  }
0x684: {  	v11 =	vor.u32 v19, v44;
	[tilespmem:v0+s28+$0x0] =	vst.idx.msk $0xffff, v6  }
0x685: {  	v16 =	vor.u32 v2, v20;
	v62 =	vor.u32 v19, v20;
	v20 =	vld [tilespmem:$0x1F610]  }
0x686: {  	v60 =	vor.u32 v2, v21;
	_ =	sdelay $0x2  }
0x687: {  	v33 =	vor.u32 s8, v51;
	v1 =	vor.u32 v8, v1;
	v11 =	vld.idx.msk [tilespmem:v11+s19+$0x0], $0xffff  }
0x688: {  	v34 =	vor.u32 s9, v51;
	v35 =	vld.idx.msk [tilespmem:v16+s19+$0x0], $0xffff;
	v0 =	vor.u32 v33, v20  }
0x689: {  	v14 =	vld.idx.msk [tilespmem:v60+s19+$0x0], $0xffff;
	v20 =	vor.u32 v34, v20;
	_ =	sdelay $0x1  }
0x68a: {  	v8 =	vor.u32 v2, v46  }
0x68b: {  	[tilespmem:v1+s28+$0x0] =	vst.idx.msk $0xffff, v11;
	v10 =	vor.u32 v2, v23  }
0x68c: {  	[tilespmem:v0+s28+$0x0] =	vst.idx.msk $0xffff, v35  }
0x68d: {  	[tilespmem:v20+s28+$0x0] =	vst.idx.msk $0xffff, v14  }
0x68e: {  	v16 =	vor.u32 v19, v21;
	v21 =	vor.u32 s13, v51;
	v6 =	vld [tilespmem:$0x1F620]  }
0x68f: {  	v1 =	vor.u32 s14, v51;
	v11 =	vor.u32 v21, v18;
	v8 =	vld.idx.msk [tilespmem:v8+s19+$0x0], $0xffff  }
0x690: {  	v22 =	vor.u32 v19, v46;
	v18 =	vor.u32 v1, v18;
	v10 =	vld.idx.msk [tilespmem:v10+s19+$0x0], $0xffff;
	_ =	sdelay $0x2  }
0x691: {  	v0 =	vld.idx.msk [tilespmem:v62+s19+$0x0], $0xffff;
	v5 =	vor.u32 v33, v6  }
0x692: {  	[tilespmem:v11+s28+$0x0] =	vst.idx.msk $0xffff, v8;
	v36 =	vld.idx.msk [tilespmem:v16+s19+$0x0], $0xffff;
	v6 =	vor.u32 v34, v6  }
0x693: {  	v11 =	vor.u32 v21, v13;
	[tilespmem:v18+s28+$0x0] =	vst.idx.msk $0xffff, v10;
	v10 =	vld.idx.msk [tilespmem:v22+s19+$0x0], $0xffff  }
0x694: {  	v16 =	vld [tilespmem:$0x1F690]  }
0x695: {  	v20 =	vld [tilespmem:$0x1F6D0]  }
0x696: {  	v21 =	vld [tilespmem:$0x1F7E0];
	[tilespmem:v5+s28+$0x0] =	vst.idx.msk $0xffff, v0  }
0x697: {  	[tilespmem:v6+s28+$0x0] =	vst.idx.msk $0xffff, v36  }
0x698: {  	v23 =	vor.u32 v19, v23;
	v18 =	vld [tilespmem:$0x1FD10];
	[tilespmem:v11+s28+$0x0] =	vst.idx.msk $0xffff, v10  }
0x699: {  	v8 =	vor.u32 v2, v16;
	v44 =	vor.u32 v19, v16;
	v16 =	vld [tilespmem:$0x1F650]  }
0x69a: {  	v37 =	vor.u32 v2, v20;
	_ =	sdelay $0x2  }
0x69b: {  	v1 =	vor.u32 v1, v13;
	v39 =	vld.idx.msk [tilespmem:v23+s19+$0x0], $0xffff;
	v45 =	vor.u32 s8, v18  }
0x69c: {  	v8 =	vld.idx.msk [tilespmem:v8+s19+$0x0], $0xffff;
	v46 =	vor.u32 s9, v18;
	v10 =	vor.u32 v45, v16  }
0x69d: {  	v11 =	vld.idx.msk [tilespmem:v37+s19+$0x0], $0xffff;
	v47 =	vor.u32 v46, v16;
	_ =	sdelay $0x2  }
0x69e: {  	v41 =	vor.u32 v2, v21;
	[tilespmem:v1+s28+$0x0] =	vst.idx.msk $0xffff, v39  }
0x69f: {  	v0 =	vor.u32 v2, v52;
	[tilespmem:v10+s28+$0x0] =	vst.idx.msk $0xffff, v8  }
0x6a0: {  	[tilespmem:v47+s28+$0x0] =	vst.idx.msk $0xffff, v11  }
0x6a1: {  	v8 =	vld [tilespmem:$0x1F670]  }
0x6a2: {  	v48 =	vor.u32 v19, v20;
	v1 =	vor.u32 s13, v18  }
0x6a3: {  	v13 =	vld.idx.msk [tilespmem:v41+s19+$0x0], $0xffff;
	v16 =	vor.u32 s14, v18;
	v18 =	vor.u32 v1, v12  }
0x6a4: {  	v20 =	vor.u32 v19, v21;
	v0 =	vld.idx.msk [tilespmem:v0+s19+$0x0], $0xffff;
	v12 =	vor.u32 v16, v12;
	_ =	sdelay $0x1  }
0x6a5: {  	v5 =	vld.idx.msk [tilespmem:v44+s19+$0x0], $0xffff;
	v6 =	vor.u32 v45, v8  }
0x6a6: {  	v7 =	vor.u32 v46, v8;
	v8 =	vld.idx.msk [tilespmem:v48+s19+$0x0], $0xffff  }
0x6a7: {  	[tilespmem:v18+s28+$0x0] =	vst.idx.msk $0xffff, v13  }
0x6a8: {  	v1 =	vor.u32 v1, v9;
	[tilespmem:v12+s28+$0x0] =	vst.idx.msk $0xffff, v0;
	v0 =	vld.idx.msk [tilespmem:v20+s19+$0x0], $0xffff;
	_ =	sdelay $0x1  }
0x6a9: {  	v50 =	vld [tilespmem:$0x1F820];
	[tilespmem:v6+s28+$0x0] =	vst.idx.msk $0xffff, v5  }
0x6aa: {  	v14 =	vld [tilespmem:$0x1FBE0];
	[tilespmem:v7+s28+$0x0] =	vst.idx.msk $0xffff, v8  }
0x6ab: {  	v7 =	vld [tilespmem:$0x1F860]  }
0x6ac: {  	v13 =	vld [tilespmem:$0x1F6B0];
	[tilespmem:v1+s28+$0x0] =	vst.idx.msk $0xffff, v0  }
0x6ad: {  	v21 =	vor.u32 v19, v52;
	v0 =	vld [tilespmem:$0x1F840];
	_ =	sdelay $0x4  }
0x6ae: {  	v9 =	vor.u32 v16, v9;
	v10 =	vor.u32 v2, v31;
	v11 =	vld.idx.msk [tilespmem:v21+s19+$0x0], $0xffff  }
0x6af: {  	v52 =	vor.u32 s8, v14  }
0x6b0: {  	v54 =	vor.u32 s9, v14;
	v8 =	vor.u32 v52, v13;
	v7 =	vld.idx.msk [tilespmem:v7+s19+$0x0], $0xffff  }
0x6b1: {  	v51 =	vor.u32 v2, v50;
	v1 =	vor.u32 v54, v13;
	v0 =	vld.idx.msk [tilespmem:v0+s19+$0x0], $0xffff  }
0x6b2: {  	v56 =	vor.u32 s13, v14  }
0x6b3: {  	[tilespmem:v9+s28+$0x0] =	vst.idx.msk $0xffff, v11;
	v10 =	vld.idx.msk [tilespmem:v10+s19+$0x0], $0xffff;
	v11 =	vor.u32 v56, v4;
	_ =	sdelay $0x1  }
0x6b4: {  	[tilespmem:v8+s28+$0x0] =	vst.idx.msk $0xffff, v7  }
0x6b5: {  	v12 =	vld.idx.msk [tilespmem:v51+s19+$0x0], $0xffff;
	[tilespmem:v1+s28+$0x0] =	vst.idx.msk $0xffff, v0  }
0x6b6: {  	v0 =	vld [tilespmem:$0x1F850]  }
0x6b7: {  	v9 =	vor.u32 s14, v14;
	v7 =	vld [tilespmem:$0x1F6E0];
	[tilespmem:v11+s28+$0x0] =	vst.idx.msk $0xffff, v10  }
0x6b8: {  	v57 =	vor.u32 v19, v31;
	v4 =	vor.u32 v9, v4;
	v59 =	vld [tilespmem:$0x1F830]  }
0x6b9: {  	v15 =	vor.u32 v19, v50;
	_ =	sdelay $0x3  }
0x6ba: {  	v62 =	vor.u32 v56, v3;
	[tilespmem:v4+s28+$0x0] =	vst.idx.msk $0xffff, v12;
	v60 =	vld.idx.msk [tilespmem:v57+s19+$0x0], $0xffff  }
0x6bb: {  	v3 =	vor.u32 v9, v3;
	v8 =	vld.idx.msk [tilespmem:v15+s19+$0x0], $0xffff  }
0x6bc: {  	v1 =	vor.u32 v52, v7;
	v0 =	vld.idx.msk [tilespmem:v0+s19+$0x0], $0xffff  }
0x6bd: {  	[tilespmem:v40+s28+$0x0] =	vst.idx.msk $0xffff, v26;
	v58 =	vor.u32 v54, v7;
	v6 =	vld.idx.msk [tilespmem:v59+s19+$0x0], $0xffff  }
0x6be: {  	[tilespmem:v42+s28+$0x0] =	vst.idx.msk $0xffff, v55  }
0x6bf: {  	[tilespmem:v62+s28+$0x0] =	vst.idx.msk $0xffff, v60  }
0x6c0: {  	[tilespmem:v3+s28+$0x0] =	vst.idx.msk $0xffff, v8  }
0x6c1: {  	[tilespmem:v1+s28+$0x0] =	vst.idx.msk $0xffff, v0  }
0x6c2: {  	[tilespmem:v58+s28+$0x0] =	vst.idx.msk $0xffff, v6  }
0x6c3: {  	v52 =	vld [tilespmem:$0x1FE10]  }
0x6c4: {  	v57 =	vld [tilespmem:$0x1FE40]  }
0x6c5: {  	v29 =	vld [tilespmem:$0x1FEF0]  }
0x6c6: {  	v54 =	vld [tilespmem:$0x1FDF0]  }
0x6c7: {  	v60 =	vld [tilespmem:$0x1FE20]  }
0x6c8: {  	v48 =	vld [tilespmem:$0x1FE30]  }
0x6c9: {  	v55 =	vld [tilespmem:$0x1FFA0]  }
0x6ca: {  	v34 =	vld [tilespmem:$0x1FF60]  }
0x6cb: {  	v33 =	vld [tilespmem:$0x1FF00]  }
0x6cc: {  	v35 =	vld [tilespmem:$0x1FF20]  }
0x6cd: {  	v36 =	vld [tilespmem:$0x1FF40]  }
0x6ce: {  	v37 =	vld [tilespmem:$0x1FF50]  }
0x6cf: {  	v18 =	vld [tilespmem:$0x1FF70]  }
0x6d0: {  	v20 =	vld [tilespmem:$0x1FF80]  }
0x6d1: {  	v56 =	vld [tilespmem:$0x1FF90]  }
0x6d2: {  	s0 =	sadd.s32 $0x1, s0;
	v62 =	vld [tilespmem:$0x1FF30]  }
0x6d3: {  	p0 =	sne.s32 s0, $0x19;
	v40 =	vld [tilespmem:$0x1FF10]  }
.Ltmp2:
0x6d4: {  	s2 =	sshll.u32 s2, $0x13;
	v26 =	vld [tilespmem:$0x1FE60];
	(pc) =	sbr.rel @p0 .LBB2_2-.Ltmp2, $4  }
0x6d5: {  	s2 =	sor.u32 s6, s2;
	v42 =	vld [tilespmem:$0x1FFB0]  }
0x6d6: {  	s2 =	sshrl.u32 s2, $0x3;
	v45 =	vld [tilespmem:$0x1FE70]  }
0x6d7: {  	s2 =	sadd.s32 s1, s2;
	v10 =	vld [tilespmem:$0x1FE80]  }
0x6d8: {  	v28 =	vmov v53;
	v44 =	vmov v63;
	[hbm4b:s2+s24] =	stream.strided.scatter [tilespmem:s28], [sflag:$0x4], $0x4000, s25, s24, $0x38;
	v31 =	vld [tilespmem:$0x1FEB0]  }
0x6d9: {  	_ =	swait.ge [sflag:s29], $0x4000  }
0x6da: {  	[sflag:s29] =	ssyncset.done $0x0  }
0x6db: {  	[sflag:s29] =	ssyncadd.s32 $0xFFFFC000  }
0x6dc: {  	_ =	swait.ge [sflag:s30], $0x4000  }
0x6dd: {  	s31 =	sadd.s32 $0x1, s31;
	s0 =	rddreg [dreg:$0x4]  }
0x6de: {  	p0 =	sne.s32 s31, s0  }
.Ltmp3:
0x6df: {  	_ = 	snop;
	(pc) =	sbr.rel @p0 .LBB2_1-.Ltmp3, $3  }
0x6e0: {  	_ =	sdelay $0x1  }
0x6e1: {  	[sflag:s30] =	ssyncset.done $0x0  }
0x6e2: {  	[sflag:s30] =	ssyncadd.s32 $0xFFFFC000  }
0x6e3: {  	_ =	sfence.sel $0x180000  }
0x6e4: {  	[bflag:$0x0] =	sbarrier.arrive $0xFFFF  }
0x6e5: {  	_ =	strace $0x90000047  }
0x6e6: {  	s0 =	stileid.u32;
	[bflag:$0x2] =	sbarrier.arrive $0xFFFF  }
0x6e7: {  	p0 =	sne.s32 s0, $0x0;
	s0 =	rddreg [dreg:$0x2]  }
0x6e8: {  	s0 =	sadd.s32 @!p0 $0x100000, s0  }
0x6e9: {  	[sflag:s0] =	ssyncadd.tile.s32 @!p0 $0x1;
	_ =	shalt  }
.Lfunc_end2:
_tile_overlayer_lowered:
.L_overlay_start_2:
0x6ea: {  	(tag) =	ssettag $0x2  }
0x6eb: {  	s0 =	rddreg [dreg:$0x0];
	s2 =	stileid.u32  }
0x6ec: {  	s1 =	rddreg [dreg:$0x1];
	p0 =	sne.s32 s2, $0x0  }
0x6ed: {  	s3 =	rddreg [dreg:$0x2];
	[bflag:$0x3] =	sbarrier.arrive $0xFFFF;
	s2 =	simm.s32 @!p0 $0x1C05  }
0x6ee: {  	[timem:s3], [sflag:s2] =	dma.local @!p0 [hbm:s0], s1  }
0x6ef: {  	s0 =	simm.s32 @!p0 $0x5  }
0x6f0: {  	_ =	swait.ge @!p0 [sflag:s0], s1  }
0x6f1: {  	s1 =	ssub.s32 @!p0 $0x0, s1;
	[sflag:s0] =	ssyncset.done @!p0 $0x0  }
0x6f2: {  	[sflag:s0] =	ssyncadd.s32 @!p0 s1  }
0x6f3: {  	[bflag:$0x3] =	sbarrier.arrive $0xFFFF  }
0x6f4: {  	_ =	shalt  }

</sc_bundles>
